<compile_context>
chip_gen: v7x
topology: tpu7x:2x2x1
jax: 0.10.2.dev20260603
libtpu: 0.0.44.dev20260713+nightly
codegen_flags: <defaults>
</compile_context>

<pallas_src>
import functools

import jax
import jax.numpy as jnp
from jax import lax
from jax.experimental import pallas as pl
from jax.experimental.pallas import tpu as pltpu
from jax.experimental.pallas import tpu_sc as plsc

N_NODES = 10000
N_EDGES = 320000
D = 128
ALPHA = 0.2

NP = 10112
EP = 327680
NCORES = 2
NSUB = 16
NTILES = NCORES * NSUB
CHUNK = 128
NCHUNK = EP // (NTILES * CHUNK)
C0 = 116
C1 = 2 * NCHUNK - C0
CMAX = max(C0, C1)
TOTC = NTILES * NCHUNK
TOTC_PAD = TOTC + CMAX
ROWS_PER_TILE = NP // NSUB
RL = 2 * NP
RLS_PER_TILE = 1280
RLS = NSUB * RLS_PER_TILE


@functools.cache
def _get_mesh():
    return plsc.VectorSubcoreMesh(
        core_axis_name="c", subcore_axis_name="s",
        num_cores=NCORES, num_subcores=NSUB)


def _j0_body(at_ref, xt_ref, o_ref):
    o_ref[...] = jnp.dot(at_ref[...], xt_ref[...],
                         preferred_element_type=jnp.float32)


def _scores(A_T, x_T):
    return pl.pallas_call(
        _j0_body,
        out_shape=jax.ShapeDtypeStruct((4, NP), jnp.float32),
    )(A_T, x_T)


def _j2_body(r_ref, o_ref):
    o_ref[...] = 0.5 / (r_ref[0, pl.ds(0, RL)] + r_ref[1, pl.ds(0, RL)])


def _inv(r_part):
    return pl.pallas_call(
        _j2_body,
        out_shape=jax.ShapeDtypeStruct((RL,), jnp.float32),
    )(r_part)


def _edge_e(s_tab, src_v, dst_v):
    v0 = (plsc.load_gather(s_tab, [src_v])
          + plsc.load_gather(s_tab, [dst_v + 2 * NP]))
    v1 = (plsc.load_gather(s_tab, [src_v + NP])
          + plsc.load_gather(s_tab, [dst_v + 3 * NP]))
    e0 = jnp.exp(jnp.where(v0 >= 0, v0, v0 * ALPHA))
    e1 = jnp.exp(jnp.where(v1 >= 0, v1, v1 * ALPHA))
    return e0, e1


@functools.cache
def _make_j1():
    @functools.partial(
        pl.kernel,
        out_type=(
            jax.ShapeDtypeStruct((NCORES, NSUB, 1, RLS_PER_TILE), jnp.float32),
            jax.ShapeDtypeStruct((TOTC_PAD, 1, CHUNK), jnp.float32),
            jax.ShapeDtypeStruct((TOTC_PAD, 1, CHUNK), jnp.float32),
        ),
        mesh=_get_mesh(),
        compiler_params=pltpu.CompilerParams(needs_layout_passes=False),
        scratch_types=[
            pltpu.VMEM((4 * NP,), jnp.float32),
            pltpu.VMEM((CMAX, 1, CHUNK), jnp.int32),
            pltpu.VMEM((CMAX, 1, CHUNK), jnp.int32),
            pltpu.VMEM((CHUNK,), jnp.float32),
            pltpu.VMEM((CHUNK,), jnp.float32),
            pltpu.VMEM((CHUNK,), jnp.int32),
            pltpu.VMEM((CHUNK,), jnp.int32),
            pltpu.VMEM_SHARED((RLS,), jnp.float32),
        ],
    )
    def j1(s_hbm, src_hbm, dst_hbm, r_hbm, e0_hbm, e1_hbm,
           s_tab, src_v, dst_v, e0s, e1s, i0s, i1s, r_acc):
        c = lax.axis_index("c")
        s = lax.axis_index("s")
        nch = jnp.where(c == 0, C0, C1)
        q0 = jnp.where(c == 0, s * C0, NSUB * C0 + s * C1)
        z16 = jnp.zeros((16,), jnp.float32)

        for b in range(CHUNK // 16):
            e0s[pl.ds(b * 16, 16)] = z16
        base = s * RLS_PER_TILE
        for k in range(RLS_PER_TILE // CHUNK):
            pltpu.sync_copy(e0s, r_acc.at[pl.ds(base + k * CHUNK, CHUNK)])

        pltpu.sync_copy(s_hbm, s_tab)
        pltpu.sync_copy(src_hbm.at[pl.ds(q0, CMAX)], src_v)
        pltpu.sync_copy(dst_hbm.at[pl.ds(q0, CMAX)], dst_v)
        plsc.subcore_barrier()

        def chunk(g, carry):
            for b in range(CHUNK // 16):
                sl = pl.ds(b * 16, 16)
                sv = src_v[g, 0, sl]
                dv = dst_v[g, 0, sl]
                e0, e1 = _edge_e(s_tab, sv, dv)
                e0s[sl] = e0
                e1s[sl] = e1
                i0s[sl] = sv
                i1s[sl] = sv + NP
            pltpu.sync_copy(e0s, r_acc.at[i0s], add=True)
            pltpu.sync_copy(e1s, r_acc.at[i1s], add=True)
            pltpu.sync_copy(e0s, e0_hbm.at[q0 + g, 0])
            pltpu.sync_copy(e1s, e1_hbm.at[q0 + g, 0])
            return carry

        lax.fori_loop(0, nch, chunk, 0)
        plsc.subcore_barrier()
        pltpu.sync_copy(r_acc.at[pl.ds(s * RLS_PER_TILE, RLS_PER_TILE)],
                        r_hbm.at[c, s, 0])

    return j1


@functools.cache
def _make_j25():
    @functools.partial(
        pl.kernel,
        out_type=jax.ShapeDtypeStruct((TOTC_PAD, 1, CHUNK), jnp.float32),
        mesh=_get_mesh(),
        compiler_params=pltpu.CompilerParams(needs_layout_passes=False),
        scratch_types=[
            pltpu.VMEM((RL,), jnp.float32),
            pltpu.VMEM((CMAX, 1, CHUNK), jnp.int32),
            pltpu.VMEM((CMAX, 1, CHUNK), jnp.float32),
            pltpu.VMEM((CMAX, 1, CHUNK), jnp.float32),
            pltpu.VMEM((CHUNK,), jnp.float32),
        ],
    )
    def j25(inv_hbm, e0_hbm, e1_hbm, src_hbm, c_hbm,
            inv_tab, src_v, e0v, e1v, cst):
        c = lax.axis_index("c")
        s = lax.axis_index("s")
        nch = jnp.where(c == 0, C0, C1)
        q0 = jnp.where(c == 0, s * C0, NSUB * C0 + s * C1)
        pltpu.sync_copy(inv_hbm, inv_tab)
        pltpu.sync_copy(src_hbm.at[pl.ds(q0, CMAX)], src_v)
        pltpu.sync_copy(e0_hbm.at[pl.ds(q0, CMAX)], e0v)
        pltpu.sync_copy(e1_hbm.at[pl.ds(q0, CMAX)], e1v)

        def chunk(g, carry):
            for b in range(CHUNK // 16):
                sl = pl.ds(b * 16, 16)
                sv = src_v[g, 0, sl]
                cst[sl] = (
                    e0v[g, 0, sl] * plsc.load_gather(inv_tab, [sv])
                    + e1v[g, 0, sl] * plsc.load_gather(inv_tab, [sv + NP]))
            pltpu.sync_copy(cst, c_hbm.at[q0 + g, 0])
            return carry

        lax.fori_loop(0, nch, chunk, 0)

    return j25


@functools.cache
def _make_j3():
    @functools.partial(
        pl.kernel,
        out_type=jax.ShapeDtypeStruct((NCORES, NP, D), jnp.float32),
        mesh=_get_mesh(),
        compiler_params=pltpu.CompilerParams(needs_layout_passes=False),
        scratch_types=[
            pltpu.VMEM((CMAX, 1, CHUNK), jnp.int32),
            pltpu.VMEM((2, CHUNK), jnp.int32),
            pltpu.VMEM((2, CHUNK), jnp.float32),
            pltpu.VMEM((2, CHUNK, D), jnp.float32),
            pltpu.VMEM_SHARED((NP, D), jnp.float32),
            pltpu.SemaphoreType.DMA,
            pltpu.SemaphoreType.DMA,
            pltpu.SemaphoreType.DMA,
        ],
    )
    def j3(c_hbm, src_hbm, dst_hbm, x_hbm, out_hbm,
           src_v, dst_c, c_c, rows, out_acc, sem_g, sem_s, sem_sc):
        c = lax.axis_index("c")
        s = lax.axis_index("s")
        nch = jnp.where(c == 0, C0, C1)
        q0 = jnp.where(c == 0, s * C0, NSUB * C0 + s * C1)
        z16 = jnp.zeros((16,), jnp.float32)

        def zrow(j, carry):
            for q in range(D // 16):
                rows[0, j, pl.ds(q * 16, 16)] = z16
            return carry
        lax.fori_loop(0, CHUNK, zrow, 0)
        base = s * ROWS_PER_TILE
        for k in range(ROWS_PER_TILE // CHUNK):
            pltpu.sync_copy(rows.at[0],
                            out_acc.at[pl.ds(base + k * CHUNK, CHUNK)])
        rem = ROWS_PER_TILE - (ROWS_PER_TILE // CHUNK) * CHUNK
        if rem:
            pltpu.sync_copy(rows.at[0, pl.ds(0, rem)],
                            out_acc.at[pl.ds(base + ROWS_PER_TILE - rem, rem)])
        plsc.subcore_barrier()

        pltpu.sync_copy(src_hbm.at[pl.ds(q0, CMAX)], src_v)
        pltpu.sync_copy(dst_hbm.at[q0, 0], dst_c.at[0])
        pltpu.sync_copy(c_hbm.at[q0, 0], c_c.at[0])
        pltpu.async_copy(x_hbm.at[dst_c.at[0]], rows.at[0], sem_g)
        pltpu.async_copy(dst_hbm.at[q0 + 1, 0], dst_c.at[1], sem_s)
        pltpu.async_copy(c_hbm.at[q0 + 1, 0], c_c.at[1], sem_s)

        def chunk(g, carry):
            p = lax.bitwise_and(g, 1)
            pltpu.make_async_copy(x_hbm.at[dst_c.at[p]], rows.at[p],
                                  sem_g).wait()

            @pl.when(g + 1 < nch)
            def _():
                pltpu.make_async_copy(dst_hbm.at[q0 + g + 1, 0],
                                      dst_c.at[1 - p], sem_s).wait()
                pltpu.make_async_copy(c_hbm.at[q0 + g + 1, 0],
                                      c_c.at[1 - p], sem_s).wait()
                pltpu.async_copy(x_hbm.at[dst_c.at[1 - p]], rows.at[1 - p],
                                 sem_g)

            def scale(j, carry2):
                j16 = jnp.full((16,), j, jnp.int32)
                p16 = jnp.full((16,), p, jnp.int32)
                cv = plsc.load_gather(c_c, [p16, j16])
                for q in range(D // 16):
                    sl2 = pl.ds(q * 16, 16)
                    rows[p, j, sl2] = rows[p, j, sl2] * cv
                return carry2
            lax.fori_loop(0, CHUNK, scale, 0)

            @pl.when(g + 2 < nch)
            def _():
                pltpu.async_copy(dst_hbm.at[q0 + g + 2, 0], dst_c.at[p],
                                 sem_s)
                pltpu.async_copy(c_hbm.at[q0 + g + 2, 0], c_c.at[p],
                                 sem_s)

            pltpu.async_copy(rows.at[p], out_acc.at[src_v.at[g, 0]],
                             sem_sc, add=True).wait()
            return carry

        lax.fori_loop(0, nch, chunk, 0)
        plsc.subcore_barrier()
        pltpu.sync_copy(out_acc.at[pl.ds(s * ROWS_PER_TILE, ROWS_PER_TILE)],
                        out_hbm.at[c, pl.ds(s * ROWS_PER_TILE, ROWS_PER_TILE)])

    return j3


def _j4_body(p0_ref, p1_ref, o_ref):
    o_ref[...] = (p0_ref[pl.ds(0, N_NODES), :] + p1_ref[pl.ds(0, N_NODES), :])


def _combine(out_part):
    return pl.pallas_call(
        _j4_body,
        out_shape=jax.ShapeDtypeStruct((N_NODES, D), jnp.float32),
    )(out_part[0], out_part[1])


def kernel(inputs, adj, W, a):
    x = inputs.astype(jnp.float32)
    src = adj[0].astype(jnp.int32)
    dst = adj[1].astype(jnp.int32)
    pad = TOTC_PAD * CHUNK - N_EDGES
    src_p = jnp.concatenate([src, jnp.full((pad,), N_NODES, jnp.int32)])
    dst_p = jnp.concatenate([dst, jnp.zeros((pad,), jnp.int32)])
    src4 = src_p.reshape(TOTC_PAD, 1, CHUNK)
    dst4 = dst_p.reshape(TOTC_PAD, 1, CHUNK)
    A_T = jnp.stack([W[0] * a[0, :D], W[1] * a[1, :D],
                     W[0] * a[0, D:], W[1] * a[1, D:]], axis=0)
    x_pad = jnp.pad(x, ((0, NP - N_NODES), (0, 0)))

    S4 = _scores(A_T, x_pad.T)
    S_flat = S4.reshape(4 * NP)
    r4, e0h, e1h = _make_j1()(S_flat, src4, dst4)
    inv_flat = _inv(r4.reshape(NCORES, RLS))
    c_h = _make_j25()(inv_flat, e0h, e1h, src4)
    out_part = _make_j3()(c_h, src4, dst4, x)
    return _combine(out_part)

# --- scband reference (transcript-rebuilt; emitter-appended) ---
"""Pipeline reference for scband-graph-multi-head-att-layer-48550310314071 (READ-ONLY COPY).

The authoritative reference and input builder live on the scoring server;
editing this copy changes nothing except your own understanding.
"""

import jax, jax.numpy as jnp
import numpy as np

N_NODES = 10000
N_EDGES = 320000
D = 128
N_HEAD = 2
ALPHA = 0.2

def setup_inputs(seed: int = 0) -> dict:
    key = jax.random.key(seed)
    k1, k2, k3 = jax.random.split(key, 3)
    x = jax.random.normal(k1, (N_NODES, D), dtype=jnp.float32)
    edge_index = jax.random.randint(k2, (2, N_EDGES), 0, N_NODES, dtype=jnp.int64 if jax.config.jax_enable_x64 else jnp.int32)
    # per-head params: W init ones (shape [out_features]), a uniform(-stdv, stdv), stdv=1/sqrt(2*in_features)
    W = jnp.ones((N_HEAD, D), dtype=jnp.float32)
    stdv = 1.0 / np.sqrt(D * 2)
    a = jax.random.uniform(k3, (N_HEAD, 2 * D), dtype=jnp.float32, minval=-stdv, maxval=stdv)
    return {"inputs": x, "adj": edge_index, "W": W, "a": a}

def reference(inputs, adj, W, a):
    src = adj[0]
    dst = adj[1]
    N = inputs.shape[0]
    outs = []
    for i in range(N_HEAD):
        h = inputs * W[i]  # elementwise scale
        edge_h = jnp.concatenate([h[src], h[dst]], axis=1)  # [E, 2D]
        e = edge_h @ a[i]  # [E]
        e = jnp.exp(jax.nn.leaky_relu(e, negative_slope=ALPHA))
        e_rowsum = jax.ops.segment_sum(e, src, num_segments=N)  # [N]
        h_prime = jax.ops.segment_sum(e[:, None] * inputs[dst], src, num_segments=N)  # [N, D]
        h_prime = h_prime / e_rowsum[:, None]
        outs.append(h_prime)
    out = jnp.mean(jnp.stack(outs, axis=-1), axis=-1)
    return out

if __name__ == "__main__":
    import jax
    _d = setup_inputs()
    print(jax.jit(kernel)(*tuple(_d.values())))

</pallas_src>

<mosaic_0001>
#map = affine_map<(d0, d1) -> (0)>
#map1 = affine_map<(d0, d1) -> (0, 0, 0)>
#map2 = affine_map<(d0, d1) -> (0, 0, 0, 0)>
module attributes {stable_mosaic.version = 14 : i64} {
  func.func @j1(%arg0: i32, %arg1: i32, %arg2: memref<40448xf32, #tpu.memory_space<hbm>>, %arg3: memref<2676x1x128xi32, #tpu.memory_space<hbm>>, %arg4: memref<2676x1x128xi32, #tpu.memory_space<hbm>>, %arg5: memref<2x16x1x1280xf32, #tpu.memory_space<hbm>>, %arg6: memref<2676x1x128xf32, #tpu.memory_space<hbm>>, %arg7: memref<2676x1x128xf32, #tpu.memory_space<hbm>>, %arg8: memref<40448xf32, #tpu.memory_space<vmem>>, %arg9: memref<116x1x128xi32, #tpu.memory_space<vmem>>, %arg10: memref<116x1x128xi32, #tpu.memory_space<vmem>>, %arg11: memref<128xf32, #tpu.memory_space<vmem>>, %arg12: memref<128xf32, #tpu.memory_space<vmem>>, %arg13: memref<128xi32, #tpu.memory_space<vmem>>, %arg14: memref<128xi32, #tpu.memory_space<vmem>>, %arg15: memref<20480xf32, #tpu.memory_space<vmem_shared>>) attributes {dimension_semantics = [#tpu.dimension_semantics<core_parallel>, #tpu.dimension_semantics<subcore_parallel>], iteration_bounds = array<i64: 2, 16>, scalar_prefetch = 0 : i64, scratch_operands = 8 : i64, tpu.core_type = #tpu.core_type<sc_vector_subcore>, window_params = [{transform_indices = #map}, {transform_indices = #map1}, {transform_indices = #map1}, {transform_indices = #map2}, {transform_indices = #map1}, {transform_indices = #map1}]} {
    %eq3A = arith.constant 0 : i32
    %eq3A_0 = arith.cmpi eq, %arg0, %eq3A : i32
    %jit3A = arith.constant 116 : i32
    %jit3A_1 = arith.constant 44 : i32
    %select_n3A = arith.select %eq3A_0, %jit3A, %jit3A_1 : i32
    %eq3A_2 = arith.constant 0 : i32
    %eq3A_3 = arith.cmpi eq, %arg0, %eq3A_2 : i32
    %mul3A = arith.constant 116 : i32
    %mul3A_4 = arith.muli %arg1, %mul3A : i32
    %mul3A_5 = arith.constant 44 : i32
    %mul3A_6 = arith.muli %arg1, %mul3A_5 : i32
    %add3A = arith.constant 1856 : i32
    %add3A_7 = arith.addi %add3A, %mul3A_6 : i32
    %select_n3A_8 = arith.select %eq3A_3, %mul3A_4, %add3A_7 : i32
    %broadcast_in_dim3A = arith.constant 0.000000e+00 : f32
    %broadcast_in_dim3A_9 = vector.broadcast %broadcast_in_dim3A : f32 to vector<16xf32>
    %swap3A = arith.constant 0 : index
    %swap3A_10 = tpu.vector_load %arg11[%swap3A] {strides = array<i32>} : memref<128xf32, #tpu.memory_space<vmem>>, vector<16xf32>,
    tpu.vector_store %arg11[%swap3A], %broadcast_in_dim3A_9 {strides = array<i32>} : memref<128xf32, #tpu.memory_space<vmem>>, vector<16xf32>,
    %swap3A_11 = arith.constant 16 : index
    %swap3A_12 = tpu.vector_load %arg11[%swap3A_11] {strides = array<i32>} : memref<128xf32, #tpu.memory_space<vmem>>, vector<16xf32>,
    tpu.vector_store %arg11[%swap3A_11], %broadcast_in_dim3A_9 {strides = array<i32>} : memref<128xf32, #tpu.memory_space<vmem>>, vector<16xf32>,
    %swap3A_13 = arith.constant 32 : index
    %swap3A_14 = tpu.vector_load %arg11[%swap3A_13] {strides = array<i32>} : memref<128xf32, #tpu.memory_space<vmem>>, vector<16xf32>,
    tpu.vector_store %arg11[%swap3A_13], %broadcast_in_dim3A_9 {strides = array<i32>} : memref<128xf32, #tpu.memory_space<vmem>>, vector<16xf32>,
    %swap3A_15 = arith.constant 48 : index
    %swap3A_16 = tpu.vector_load %arg11[%swap3A_15] {strides = array<i32>} : memref<128xf32, #tpu.memory_space<vmem>>, vector<16xf32>,
    tpu.vector_store %arg11[%swap3A_15], %broadcast_in_dim3A_9 {strides = array<i32>} : memref<128xf32, #tpu.memory_space<vmem>>, vector<16xf32>,
    %swap3A_17 = arith.constant 64 : index
    %swap3A_18 = tpu.vector_load %arg11[%swap3A_17] {strides = array<i32>} : memref<128xf32, #tpu.memory_space<vmem>>, vector<16xf32>,
    tpu.vector_store %arg11[%swap3A_17], %broadcast_in_dim3A_9 {strides = array<i32>} : memref<128xf32, #tpu.memory_space<vmem>>, vector<16xf32>,
    %swap3A_19 = arith.constant 80 : index
    %swap3A_20 = tpu.vector_load %arg11[%swap3A_19] {strides = array<i32>} : memref<128xf32, #tpu.memory_space<vmem>>, vector<16xf32>,
    tpu.vector_store %arg11[%swap3A_19], %broadcast_in_dim3A_9 {strides = array<i32>} : memref<128xf32, #tpu.memory_space<vmem>>, vector<16xf32>,
    %swap3A_21 = arith.constant 96 : index
    %swap3A_22 = tpu.vector_load %arg11[%swap3A_21] {strides = array<i32>} : memref<128xf32, #tpu.memory_space<vmem>>, vector<16xf32>,
    tpu.vector_store %arg11[%swap3A_21], %broadcast_in_dim3A_9 {strides = array<i32>} : memref<128xf32, #tpu.memory_space<vmem>>, vector<16xf32>,
    %swap3A_23 = arith.constant 112 : index
    %swap3A_24 = tpu.vector_load %arg11[%swap3A_23] {strides = array<i32>} : memref<128xf32, #tpu.memory_space<vmem>>, vector<16xf32>,
    tpu.vector_store %arg11[%swap3A_23], %broadcast_in_dim3A_9 {strides = array<i32>} : memref<128xf32, #tpu.memory_space<vmem>>, vector<16xf32>,
    %mul3A_25 = arith.constant 1280 : i32
    %mul3A_26 = arith.muli %arg1, %mul3A_25 : i32
    %add3A_27 = arith.constant 0 : i32
    %add3A_28 = arith.addi %mul3A_26, %add3A_27 : i32
    "tpu.region"() ({
      %run_scoped3A_59 = tpu.sem_alloc : memref<!tpu.dma_semaphore, #tpu.memory_space<semaphore_mem>>
      %dma_start3A = tpu.memref_slice %arg15[%add3A_28] : memref<20480xf32, #tpu.memory_space<vmem_shared>> -> memref<128xf32, #tpu.memory_space<vmem_shared>>
      %dma_start3A_60 = tpu.memref_slice %arg15[%add3A_28] : memref<20480xf32, #tpu.memory_space<vmem_shared>> -> memref<128xf32, #tpu.memory_space<vmem_shared>>
      tpu.enqueue_dma source(%arg11 : memref<128xf32, #tpu.memory_space<vmem>>) target(%dma_start3A_60 : memref<128xf32, #tpu.memory_space<vmem_shared>>) target_semaphore(%run_scoped3A_59 : memref<!tpu.dma_semaphore, #tpu.memory_space<semaphore_mem>>)
      %dma_wait3A = tpu.memref_slice %arg15[%add3A_28] : memref<20480xf32, #tpu.memory_space<vmem_shared>> -> memref<128xf32, #tpu.memory_space<vmem_shared>>
      %dma_wait3A_61 = tpu.memref_slice %arg15[%add3A_28] : memref<20480xf32, #tpu.memory_space<vmem_shared>> -> memref<128xf32, #tpu.memory_space<vmem_shared>>
      tpu.wait_dma2 semaphore(%run_scoped3A_59 : memref<!tpu.dma_semaphore, #tpu.memory_space<semaphore_mem>>) src(%arg11 : memref<128xf32, #tpu.memory_space<vmem>>) dst(%dma_wait3A_61 : memref<128xf32, #tpu.memory_space<vmem_shared>>)
      tpu.yield
    }) : () -> ()
    %add3A_29 = arith.constant 128 : i32
    %add3A_30 = arith.addi %mul3A_26, %add3A_29 : i32
    "tpu.region"() ({
      %run_scoped3A_59 = tpu.sem_alloc : memref<!tpu.dma_semaphore, #tpu.memory_space<semaphore_mem>>
      %dma_start3A = tpu.memref_slice %arg15[%add3A_30] : memref<20480xf32, #tpu.memory_space<vmem_shared>> -> memref<128xf32, #tpu.memory_space<vmem_shared>>
      %dma_start3A_60 = tpu.memref_slice %arg15[%add3A_30] : memref<20480xf32, #tpu.memory_space<vmem_shared>> -> memref<128xf32, #tpu.memory_space<vmem_shared>>
      tpu.enqueue_dma source(%arg11 : memref<128xf32, #tpu.memory_space<vmem>>) target(%dma_start3A_60 : memref<128xf32, #tpu.memory_space<vmem_shared>>) target_semaphore(%run_scoped3A_59 : memref<!tpu.dma_semaphore, #tpu.memory_space<semaphore_mem>>)
      %dma_wait3A = tpu.memref_slice %arg15[%add3A_30] : memref<20480xf32, #tpu.memory_space<vmem_shared>> -> memref<128xf32, #tpu.memory_space<vmem_shared>>
      %dma_wait3A_61 = tpu.memref_slice %arg15[%add3A_30] : memref<20480xf32, #tpu.memory_space<vmem_shared>> -> memref<128xf32, #tpu.memory_space<vmem_shared>>
      tpu.wait_dma2 semaphore(%run_scoped3A_59 : memref<!tpu.dma_semaphore, #tpu.memory_space<semaphore_mem>>) src(%arg11 : memref<128xf32, #tpu.memory_space<vmem>>) dst(%dma_wait3A_61 : memref<128xf32, #tpu.memory_space<vmem_shared>>)
      tpu.yield
    }) : () -> ()
    %add3A_31 = arith.constant 256 : i32
    %add3A_32 = arith.addi %mul3A_26, %add3A_31 : i32
    "tpu.region"() ({
      %run_scoped3A_59 = tpu.sem_alloc : memref<!tpu.dma_semaphore, #tpu.memory_space<semaphore_mem>>
      %dma_start3A = tpu.memref_slice %arg15[%add3A_32] : memref<20480xf32, #tpu.memory_space<vmem_shared>> -> memref<128xf32, #tpu.memory_space<vmem_shared>>
      %dma_start3A_60 = tpu.memref_slice %arg15[%add3A_32] : memref<20480xf32, #tpu.memory_space<vmem_shared>> -> memref<128xf32, #tpu.memory_space<vmem_shared>>
      tpu.enqueue_dma source(%arg11 : memref<128xf32, #tpu.memory_space<vmem>>) target(%dma_start3A_60 : memref<128xf32, #tpu.memory_space<vmem_shared>>) target_semaphore(%run_scoped3A_59 : memref<!tpu.dma_semaphore, #tpu.memory_space<semaphore_mem>>)
      %dma_wait3A = tpu.memref_slice %arg15[%add3A_32] : memref<20480xf32, #tpu.memory_space<vmem_shared>> -> memref<128xf32, #tpu.memory_space<vmem_shared>>
      %dma_wait3A_61 = tpu.memref_slice %arg15[%add3A_32] : memref<20480xf32, #tpu.memory_space<vmem_shared>> -> memref<128xf32, #tpu.memory_space<vmem_shared>>
      tpu.wait_dma2 semaphore(%run_scoped3A_59 : memref<!tpu.dma_semaphore, #tpu.memory_space<semaphore_mem>>) src(%arg11 : memref<128xf32, #tpu.memory_space<vmem>>) dst(%dma_wait3A_61 : memref<128xf32, #tpu.memory_space<vmem_shared>>)
      tpu.yield
    }) : () -> ()
    %add3A_33 = arith.constant 384 : i32
    %add3A_34 = arith.addi %mul3A_26, %add3A_33 : i32
    "tpu.region"() ({
      %run_scoped3A_59 = tpu.sem_alloc : memref<!tpu.dma_semaphore, #tpu.memory_space<semaphore_mem>>
      %dma_start3A = tpu.memref_slice %arg15[%add3A_34] : memref<20480xf32, #tpu.memory_space<vmem_shared>> -> memref<128xf32, #tpu.memory_space<vmem_shared>>
      %dma_start3A_60 = tpu.memref_slice %arg15[%add3A_34] : memref<20480xf32, #tpu.memory_space<vmem_shared>> -> memref<128xf32, #tpu.memory_space<vmem_shared>>
      tpu.enqueue_dma source(%arg11 : memref<128xf32, #tpu.memory_space<vmem>>) target(%dma_start3A_60 : memref<128xf32, #tpu.memory_space<vmem_shared>>) target_semaphore(%run_scoped3A_59 : memref<!tpu.dma_semaphore, #tpu.memory_space<semaphore_mem>>)
      %dma_wait3A = tpu.memref_slice %arg15[%add3A_34] : memref<20480xf32, #tpu.memory_space<vmem_shared>> -> memref<128xf32, #tpu.memory_space<vmem_shared>>
      %dma_wait3A_61 = tpu.memref_slice %arg15[%add3A_34] : memref<20480xf32, #tpu.memory_space<vmem_shared>> -> memref<128xf32, #tpu.memory_space<vmem_shared>>
      tpu.wait_dma2 semaphore(%run_scoped3A_59 : memref<!tpu.dma_semaphore, #tpu.memory_space<semaphore_mem>>) src(%arg11 : memref<128xf32, #tpu.memory_space<vmem>>) dst(%dma_wait3A_61 : memref<128xf32, #tpu.memory_space<vmem_shared>>)
      tpu.yield
    }) : () -> ()
    %add3A_35 = arith.constant 512 : i32
    %add3A_36 = arith.addi %mul3A_26, %add3A_35 : i32
    "tpu.region"() ({
      %run_scoped3A_59 = tpu.sem_alloc : memref<!tpu.dma_semaphore, #tpu.memory_space<semaphore_mem>>
      %dma_start3A = tpu.memref_slice %arg15[%add3A_36] : memref<20480xf32, #tpu.memory_space<vmem_shared>> -> memref<128xf32, #tpu.memory_space<vmem_shared>>
      %dma_start3A_60 = tpu.memref_slice %arg15[%add3A_36] : memref<20480xf32, #tpu.memory_space<vmem_shared>> -> memref<128xf32, #tpu.memory_space<vmem_shared>>
      tpu.enqueue_dma source(%arg11 : memref<128xf32, #tpu.memory_space<vmem>>) target(%dma_start3A_60 : memref<128xf32, #tpu.memory_space<vmem_shared>>) target_semaphore(%run_scoped3A_59 : memref<!tpu.dma_semaphore, #tpu.memory_space<semaphore_mem>>)
      %dma_wait3A = tpu.memref_slice %arg15[%add3A_36] : memref<20480xf32, #tpu.memory_space<vmem_shared>> -> memref<128xf32, #tpu.memory_space<vmem_shared>>
      %dma_wait3A_61 = tpu.memref_slice %arg15[%add3A_36] : memref<20480xf32, #tpu.memory_space<vmem_shared>> -> memref<128xf32, #tpu.memory_space<vmem_shared>>
      tpu.wait_dma2 semaphore(%run_scoped3A_59 : memref<!tpu.dma_semaphore, #tpu.memory_space<semaphore_mem>>) src(%arg11 : memref<128xf32, #tpu.memory_space<vmem>>) dst(%dma_wait3A_61 : memref<128xf32, #tpu.memory_space<vmem_shared>>)
      tpu.yield
    }) : () -> ()
    %add3A_37 = arith.constant 640 : i32
    %add3A_38 = arith.addi %mul3A_26, %add3A_37 : i32
    "tpu.region"() ({
      %run_scoped3A_59 = tpu.sem_alloc : memref<!tpu.dma_semaphore, #tpu.memory_space<semaphore_mem>>
      %dma_start3A = tpu.memref_slice %arg15[%add3A_38] : memref<20480xf32, #tpu.memory_space<vmem_shared>> -> memref<128xf32, #tpu.memory_space<vmem_shared>>
      %dma_start3A_60 = tpu.memref_slice %arg15[%add3A_38] : memref<20480xf32, #tpu.memory_space<vmem_shared>> -> memref<128xf32, #tpu.memory_space<vmem_shared>>
      tpu.enqueue_dma source(%arg11 : memref<128xf32, #tpu.memory_space<vmem>>) target(%dma_start3A_60 : memref<128xf32, #tpu.memory_space<vmem_shared>>) target_semaphore(%run_scoped3A_59 : memref<!tpu.dma_semaphore, #tpu.memory_space<semaphore_mem>>)
      %dma_wait3A = tpu.memref_slice %arg15[%add3A_38] : memref<20480xf32, #tpu.memory_space<vmem_shared>> -> memref<128xf32, #tpu.memory_space<vmem_shared>>
      %dma_wait3A_61 = tpu.memref_slice %arg15[%add3A_38] : memref<20480xf32, #tpu.memory_space<vmem_shared>> -> memref<128xf32, #tpu.memory_space<vmem_shared>>
      tpu.wait_dma2 semaphore(%run_scoped3A_59 : memref<!tpu.dma_semaphore, #tpu.memory_space<semaphore_mem>>) src(%arg11 : memref<128xf32, #tpu.memory_space<vmem>>) dst(%dma_wait3A_61 : memref<128xf32, #tpu.memory_space<vmem_shared>>)
      tpu.yield
    }) : () -> ()
    %add3A_39 = arith.constant 768 : i32
    %add3A_40 = arith.addi %mul3A_26, %add3A_39 : i32
    "tpu.region"() ({
      %run_scoped3A_59 = tpu.sem_alloc : memref<!tpu.dma_semaphore, #tpu.memory_space<semaphore_mem>>
      %dma_start3A = tpu.memref_slice %arg15[%add3A_40] : memref<20480xf32, #tpu.memory_space<vmem_shared>> -> memref<128xf32, #tpu.memory_space<vmem_shared>>
      %dma_start3A_60 = tpu.memref_slice %arg15[%add3A_40] : memref<20480xf32, #tpu.memory_space<vmem_shared>> -> memref<128xf32, #tpu.memory_space<vmem_shared>>
      tpu.enqueue_dma source(%arg11 : memref<128xf32, #tpu.memory_space<vmem>>) target(%dma_start3A_60 : memref<128xf32, #tpu.memory_space<vmem_shared>>) target_semaphore(%run_scoped3A_59 : memref<!tpu.dma_semaphore, #tpu.memory_space<semaphore_mem>>)
      %dma_wait3A = tpu.memref_slice %arg15[%add3A_40] : memref<20480xf32, #tpu.memory_space<vmem_shared>> -> memref<128xf32, #tpu.memory_space<vmem_shared>>
      %dma_wait3A_61 = tpu.memref_slice %arg15[%add3A_40] : memref<20480xf32, #tpu.memory_space<vmem_shared>> -> memref<128xf32, #tpu.memory_space<vmem_shared>>
      tpu.wait_dma2 semaphore(%run_scoped3A_59 : memref<!tpu.dma_semaphore, #tpu.memory_space<semaphore_mem>>) src(%arg11 : memref<128xf32, #tpu.memory_space<vmem>>) dst(%dma_wait3A_61 : memref<128xf32, #tpu.memory_space<vmem_shared>>)
      tpu.yield
    }) : () -> ()
    %add3A_41 = arith.constant 896 : i32
    %add3A_42 = arith.addi %mul3A_26, %add3A_41 : i32
    "tpu.region"() ({
      %run_scoped3A_59 = tpu.sem_alloc : memref<!tpu.dma_semaphore, #tpu.memory_space<semaphore_mem>>
      %dma_start3A = tpu.memref_slice %arg15[%add3A_42] : memref<20480xf32, #tpu.memory_space<vmem_shared>> -> memref<128xf32, #tpu.memory_space<vmem_shared>>
      %dma_start3A_60 = tpu.memref_slice %arg15[%add3A_42] : memref<20480xf32, #tpu.memory_space<vmem_shared>> -> memref<128xf32, #tpu.memory_space<vmem_shared>>
      tpu.enqueue_dma source(%arg11 : memref<128xf32, #tpu.memory_space<vmem>>) target(%dma_start3A_60 : memref<128xf32, #tpu.memory_space<vmem_shared>>) target_semaphore(%run_scoped3A_59 : memref<!tpu.dma_semaphore, #tpu.memory_space<semaphore_mem>>)
      %dma_wait3A = tpu.memref_slice %arg15[%add3A_42] : memref<20480xf32, #tpu.memory_space<vmem_shared>> -> memref<128xf32, #tpu.memory_space<vmem_shared>>
      %dma_wait3A_61 = tpu.memref_slice %arg15[%add3A_42] : memref<20480xf32, #tpu.memory_space<vmem_shared>> -> memref<128xf32, #tpu.memory_space<vmem_shared>>
      tpu.wait_dma2 semaphore(%run_scoped3A_59 : memref<!tpu.dma_semaphore, #tpu.memory_space<semaphore_mem>>) src(%arg11 : memref<128xf32, #tpu.memory_space<vmem>>) dst(%dma_wait3A_61 : memref<128xf32, #tpu.memory_space<vmem_shared>>)
      tpu.yield
    }) : () -> ()
    %add3A_43 = arith.constant 1024 : i32
    %add3A_44 = arith.addi %mul3A_26, %add3A_43 : i32
    "tpu.region"() ({
      %run_scoped3A_59 = tpu.sem_alloc : memref<!tpu.dma_semaphore, #tpu.memory_space<semaphore_mem>>
      %dma_start3A = tpu.memref_slice %arg15[%add3A_44] : memref<20480xf32, #tpu.memory_space<vmem_shared>> -> memref<128xf32, #tpu.memory_space<vmem_shared>>
      %dma_start3A_60 = tpu.memref_slice %arg15[%add3A_44] : memref<20480xf32, #tpu.memory_space<vmem_shared>> -> memref<128xf32, #tpu.memory_space<vmem_shared>>
      tpu.enqueue_dma source(%arg11 : memref<128xf32, #tpu.memory_space<vmem>>) target(%dma_start3A_60 : memref<128xf32, #tpu.memory_space<vmem_shared>>) target_semaphore(%run_scoped3A_59 : memref<!tpu.dma_semaphore, #tpu.memory_space<semaphore_mem>>)
      %dma_wait3A = tpu.memref_slice %arg15[%add3A_44] : memref<20480xf32, #tpu.memory_space<vmem_shared>> -> memref<128xf32, #tpu.memory_space<vmem_shared>>
      %dma_wait3A_61 = tpu.memref_slice %arg15[%add3A_44] : memref<20480xf32, #tpu.memory_space<vmem_shared>> -> memref<128xf32, #tpu.memory_space<vmem_shared>>
      tpu.wait_dma2 semaphore(%run_scoped3A_59 : memref<!tpu.dma_semaphore, #tpu.memory_space<semaphore_mem>>) src(%arg11 : memref<128xf32, #tpu.memory_space<vmem>>) dst(%dma_wait3A_61 : memref<128xf32, #tpu.memory_space<vmem_shared>>)
      tpu.yield
    }) : () -> ()
    %add3A_45 = arith.constant 1152 : i32
    %add3A_46 = arith.addi %mul3A_26, %add3A_45 : i32
    "tpu.region"() ({
      %run_scoped3A_59 = tpu.sem_alloc : memref<!tpu.dma_semaphore, #tpu.memory_space<semaphore_mem>>
      %dma_start3A = tpu.memref_slice %arg15[%add3A_46] : memref<20480xf32, #tpu.memory_space<vmem_shared>> -> memref<128xf32, #tpu.memory_space<vmem_shared>>
      %dma_start3A_60 = tpu.memref_slice %arg15[%add3A_46] : memref<20480xf32, #tpu.memory_space<vmem_shared>> -> memref<128xf32, #tpu.memory_space<vmem_shared>>
      tpu.enqueue_dma source(%arg11 : memref<128xf32, #tpu.memory_space<vmem>>) target(%dma_start3A_60 : memref<128xf32, #tpu.memory_space<vmem_shared>>) target_semaphore(%run_scoped3A_59 : memref<!tpu.dma_semaphore, #tpu.memory_space<semaphore_mem>>)
      %dma_wait3A = tpu.memref_slice %arg15[%add3A_46] : memref<20480xf32, #tpu.memory_space<vmem_shared>> -> memref<128xf32, #tpu.memory_space<vmem_shared>>
      %dma_wait3A_61 = tpu.memref_slice %arg15[%add3A_46] : memref<20480xf32, #tpu.memory_space<vmem_shared>> -> memref<128xf32, #tpu.memory_space<vmem_shared>>
      tpu.wait_dma2 semaphore(%run_scoped3A_59 : memref<!tpu.dma_semaphore, #tpu.memory_space<semaphore_mem>>) src(%arg11 : memref<128xf32, #tpu.memory_space<vmem>>) dst(%dma_wait3A_61 : memref<128xf32, #tpu.memory_space<vmem_shared>>)
      tpu.yield
    }) : () -> ()
    "tpu.region"() ({
      %run_scoped3A_59 = tpu.sem_alloc : memref<!tpu.dma_semaphore, #tpu.memory_space<semaphore_mem>>
      tpu.enqueue_dma source(%arg2 : memref<40448xf32, #tpu.memory_space<hbm>>) target(%arg8 : memref<40448xf32, #tpu.memory_space<vmem>>) target_semaphore(%run_scoped3A_59 : memref<!tpu.dma_semaphore, #tpu.memory_space<semaphore_mem>>)
      tpu.wait_dma2 semaphore(%run_scoped3A_59 : memref<!tpu.dma_semaphore, #tpu.memory_space<semaphore_mem>>) src(%arg2 : memref<40448xf32, #tpu.memory_space<hbm>>) dst(%arg8 : memref<40448xf32, #tpu.memory_space<vmem>>)
      tpu.yield
    }) : () -> ()
    "tpu.region"() ({
      %run_scoped3A_59 = tpu.sem_alloc : memref<!tpu.dma_semaphore, #tpu.memory_space<semaphore_mem>>
      %dma_start3A = arith.constant 0 : i32
      %dma_start3A_60 = arith.constant 0 : i32
      %dma_start3A_61 = tpu.memref_slice %arg3[%select_n3A_8, %dma_start3A, %dma_start3A_60] : memref<2676x1x128xi32, #tpu.memory_space<hbm>> -> memref<116x1x128xi32, #tpu.memory_space<hbm>>
      %dma_start3A_62 = arith.constant 0 : i32
      %dma_start3A_63 = arith.constant 0 : i32
      %dma_start3A_64 = tpu.memref_slice %arg3[%select_n3A_8, %dma_start3A_62, %dma_start3A_63] : memref<2676x1x128xi32, #tpu.memory_space<hbm>> -> memref<116x1x128xi32, #tpu.memory_space<hbm>>
      tpu.enqueue_dma source(%dma_start3A_64 : memref<116x1x128xi32, #tpu.memory_space<hbm>>) target(%arg9 : memref<116x1x128xi32, #tpu.memory_space<vmem>>) target_semaphore(%run_scoped3A_59 : memref<!tpu.dma_semaphore, #tpu.memory_space<semaphore_mem>>)
      %dma_wait3A = arith.constant 0 : i32
      %dma_wait3A_65 = arith.constant 0 : i32
      %dma_wait3A_66 = tpu.memref_slice %arg3[%select_n3A_8, %dma_wait3A, %dma_wait3A_65] : memref<2676x1x128xi32, #tpu.memory_space<hbm>> -> memref<116x1x128xi32, #tpu.memory_space<hbm>>
      %dma_wait3A_67 = arith.constant 0 : i32
      %dma_wait3A_68 = arith.constant 0 : i32
      %dma_wait3A_69 = tpu.memref_slice %arg3[%select_n3A_8, %dma_wait3A_67, %dma_wait3A_68] : memref<2676x1x128xi32, #tpu.memory_space<hbm>> -> memref<116x1x128xi32, #tpu.memory_space<hbm>>
      tpu.wait_dma2 semaphore(%run_scoped3A_59 : memref<!tpu.dma_semaphore, #tpu.memory_space<semaphore_mem>>) src(%dma_wait3A_69 : memref<116x1x128xi32, #tpu.memory_space<hbm>>) dst(%arg9 : memref<116x1x128xi32, #tpu.memory_space<vmem>>)
      tpu.yield
    }) : () -> ()
    "tpu.region"() ({
      %run_scoped3A_59 = tpu.sem_alloc : memref<!tpu.dma_semaphore, #tpu.memory_space<semaphore_mem>>
      %dma_start3A = arith.constant 0 : i32
      %dma_start3A_60 = arith.constant 0 : i32
      %dma_start3A_61 = tpu.memref_slice %arg4[%select_n3A_8, %dma_start3A, %dma_start3A_60] : memref<2676x1x128xi32, #tpu.memory_space<hbm>> -> memref<116x1x128xi32, #tpu.memory_space<hbm>>
      %dma_start3A_62 = arith.constant 0 : i32
      %dma_start3A_63 = arith.constant 0 : i32
      %dma_start3A_64 = tpu.memref_slice %arg4[%select_n3A_8, %dma_start3A_62, %dma_start3A_63] : memref<2676x1x128xi32, #tpu.memory_space<hbm>> -> memref<116x1x128xi32, #tpu.memory_space<hbm>>
      tpu.enqueue_dma source(%dma_start3A_64 : memref<116x1x128xi32, #tpu.memory_space<hbm>>) target(%arg10 : memref<116x1x128xi32, #tpu.memory_space<vmem>>) target_semaphore(%run_scoped3A_59 : memref<!tpu.dma_semaphore, #tpu.memory_space<semaphore_mem>>)
      %dma_wait3A = arith.constant 0 : i32
      %dma_wait3A_65 = arith.constant 0 : i32
      %dma_wait3A_66 = tpu.memref_slice %arg4[%select_n3A_8, %dma_wait3A, %dma_wait3A_65] : memref<2676x1x128xi32, #tpu.memory_space<hbm>> -> memref<116x1x128xi32, #tpu.memory_space<hbm>>
      %dma_wait3A_67 = arith.constant 0 : i32
      %dma_wait3A_68 = arith.constant 0 : i32
      %dma_wait3A_69 = tpu.memref_slice %arg4[%select_n3A_8, %dma_wait3A_67, %dma_wait3A_68] : memref<2676x1x128xi32, #tpu.memory_space<hbm>> -> memref<116x1x128xi32, #tpu.memory_space<hbm>>
      tpu.wait_dma2 semaphore(%run_scoped3A_59 : memref<!tpu.dma_semaphore, #tpu.memory_space<semaphore_mem>>) src(%dma_wait3A_69 : memref<116x1x128xi32, #tpu.memory_space<hbm>>) dst(%arg10 : memref<116x1x128xi32, #tpu.memory_space<vmem>>)
      tpu.yield
    }) : () -> ()
    %barrier3A = arith.constant 0 : index
    tpu.barrier barrier_id(%barrier3A)
    %while3A = arith.constant 0 : i32
    %while3A_47 = arith.constant 0 : i32
    %while3A_48 = arith.subi %select_n3A, %while3A_47 : i32
    %while3A_49 = arith.addi %while3A_47, %while3A_48 : i32
    %while3A_50 = arith.constant 1 : i32
    %while3A_51 = arith.divsi %while3A_48, %while3A_50 : i32
    %while3A_52 = arith.muli %while3A_51, %while3A_50 : i32
    %while3A_53 = arith.addi %while3A_47, %while3A_52 : i32
    %while3A_54 = arith.constant 1 : i32
    scf.for %while3A_59 = %while3A_47 to %while3A_53 step %while3A_54  : i32 {
      %get3A = arith.constant 0 : i32
      %get3A_60 = arith.index_cast %while3A_59 : i32 to index
      %get3A_61 = arith.index_cast %get3A : i32 to index
      %get3A_62 = arith.constant 0 : index
      %get3A_63 = tpu.vector_load %arg9[%get3A_60, %get3A_61, %get3A_62] {strides = array<i32>} : memref<116x1x128xi32, #tpu.memory_space<vmem>>, vector<16xi32>,
      %get3A_64 = arith.constant 0 : i32
      %get3A_65 = arith.index_cast %while3A_59 : i32 to index
      %get3A_66 = arith.index_cast %get3A_64 : i32 to index
      %get3A_67 = arith.constant 0 : index
      %get3A_68 = tpu.vector_load %arg10[%get3A_65, %get3A_66, %get3A_67] {strides = array<i32>} : memref<116x1x128xi32, #tpu.memory_space<vmem>>, vector<16xi32>,
      %gather3A = tpu.vector_load_idx %arg8[%get3A_63] : memref<40448xf32, #tpu.memory_space<vmem>>[vector<16xi32>], vector<16xf32>,
      %add3A_69 = arith.constant 20224 : i32
      %add3A_70 = vector.broadcast %add3A_69 : i32 to vector<16xi32>
      %add3A_71 = arith.addi %get3A_68, %add3A_70 : vector<16xi32>
      %gather3A_72 = tpu.vector_load_idx %arg8[%add3A_71] : memref<40448xf32, #tpu.memory_space<vmem>>[vector<16xi32>], vector<16xf32>,
      %add3A_73 = arith.addf %gather3A, %gather3A_72 : vector<16xf32>
      %add3A_74 = arith.constant 10112 : i32
      %add3A_75 = vector.broadcast %add3A_74 : i32 to vector<16xi32>
      %add3A_76 = arith.addi %get3A_63, %add3A_75 : vector<16xi32>
      %gather3A_77 = tpu.vector_load_idx %arg8[%add3A_76] : memref<40448xf32, #tpu.memory_space<vmem>>[vector<16xi32>], vector<16xf32>,
      %add3A_78 = arith.constant 30336 : i32
      %add3A_79 = vector.broadcast %add3A_78 : i32 to vector<16xi32>
      %add3A_80 = arith.addi %get3A_68, %add3A_79 : vector<16xi32>
      %gather3A_81 = tpu.vector_load_idx %arg8[%add3A_80] : memref<40448xf32, #tpu.memory_space<vmem>>[vector<16xi32>], vector<16xf32>,
      %add3A_82 = arith.addf %gather3A_77, %gather3A_81 : vector<16xf32>
      %ge3A = arith.constant 0.000000e+00 : f32
      %ge3A_83 = vector.broadcast %ge3A : f32 to vector<16xf32>
      %ge3A_84 = arith.cmpf oge, %add3A_73, %ge3A_83 : vector<16xf32>
      %mul3A_85 = arith.constant 2.000000e-01 : f32
      %mul3A_86 = vector.broadcast %mul3A_85 : f32 to vector<16xf32>
      %mul3A_87 = arith.mulf %add3A_73, %mul3A_86 : vector<16xf32>
      %select_n3A_88 = arith.select %ge3A_84, %add3A_73, %mul3A_87 : vector<16xi1>, vector<16xf32>
      %exp3A = math.exp %select_n3A_88 : vector<16xf32>
      %ge3A_89 = arith.constant 0.000000e+00 : f32
      %ge3A_90 = vector.broadcast %ge3A_89 : f32 to vector<16xf32>
      %ge3A_91 = arith.cmpf oge, %add3A_82, %ge3A_90 : vector<16xf32>
      %mul3A_92 = arith.constant 2.000000e-01 : f32
      %mul3A_93 = vector.broadcast %mul3A_92 : f32 to vector<16xf32>
      %mul3A_94 = arith.mulf %add3A_82, %mul3A_93 : vector<16xf32>
      %select_n3A_95 = arith.select %ge3A_91, %add3A_82, %mul3A_94 : vector<16xi1>, vector<16xf32>
      %exp3A_96 = math.exp %select_n3A_95 : vector<16xf32>
      %swap3A_97 = arith.constant 0 : index
      %swap3A_98 = tpu.vector_load %arg11[%swap3A_97] {strides = array<i32>} : memref<128xf32, #tpu.memory_space<vmem>>, vector<16xf32>,
      tpu.vector_store %arg11[%swap3A_97], %exp3A {strides = array<i32>} : memref<128xf32, #tpu.memory_space<vmem>>, vector<16xf32>,
      %swap3A_99 = arith.constant 0 : index
      %swap3A_100 = tpu.vector_load %arg12[%swap3A_99] {strides = array<i32>} : memref<128xf32, #tpu.memory_space<vmem>>, vector<16xf32>,
      tpu.vector_store %arg12[%swap3A_99], %exp3A_96 {strides = array<i32>} : memref<128xf32, #tpu.memory_space<vmem>>, vector<16xf32>,
      %swap3A_101 = arith.constant 0 : index
      %swap3A_102 = tpu.vector_load %arg13[%swap3A_101] {strides = array<i32>} : memref<128xi32, #tpu.memory_space<vmem>>, vector<16xi32>,
      tpu.vector_store %arg13[%swap3A_101], %get3A_63 {strides = array<i32>} : memref<128xi32, #tpu.memory_space<vmem>>, vector<16xi32>,
      %add3A_103 = arith.constant 10112 : i32
      %add3A_104 = vector.broadcast %add3A_103 : i32 to vector<16xi32>
      %add3A_105 = arith.addi %get3A_63, %add3A_104 : vector<16xi32>
      %swap3A_106 = arith.constant 0 : index
      %swap3A_107 = tpu.vector_load %arg14[%swap3A_106] {strides = array<i32>} : memref<128xi32, #tpu.memory_space<vmem>>, vector<16xi32>,
      tpu.vector_store %arg14[%swap3A_106], %add3A_105 {strides = array<i32>} : memref<128xi32, #tpu.memory_space<vmem>>, vector<16xi32>,
      %get3A_108 = arith.constant 0 : i32
      %get3A_109 = arith.index_cast %while3A_59 : i32 to index
      %get3A_110 = arith.index_cast %get3A_108 : i32 to index
      %get3A_111 = arith.constant 16 : index
      %get3A_112 = tpu.vector_load %arg9[%get3A_109, %get3A_110, %get3A_111] {strides = array<i32>} : memref<116x1x128xi32, #tpu.memory_space<vmem>>, vector<16xi32>,
      %get3A_113 = arith.constant 0 : i32
      %get3A_114 = arith.index_cast %while3A_59 : i32 to index
      %get3A_115 = arith.index_cast %get3A_113 : i32 to index
      %get3A_116 = arith.constant 16 : index
      %get3A_117 = tpu.vector_load %arg10[%get3A_114, %get3A_115, %get3A_116] {strides = array<i32>} : memref<116x1x128xi32, #tpu.memory_space<vmem>>, vector<16xi32>,
      %gather3A_118 = tpu.vector_load_idx %arg8[%get3A_112] : memref<40448xf32, #tpu.memory_space<vmem>>[vector<16xi32>], vector<16xf32>,
      %add3A_119 = arith.constant 20224 : i32
      %add3A_120 = vector.broadcast %add3A_119 : i32 to vector<16xi32>
      %add3A_121 = arith.addi %get3A_117, %add3A_120 : vector<16xi32>
      %gather3A_122 = tpu.vector_load_idx %arg8[%add3A_121] : memref<40448xf32, #tpu.memory_space<vmem>>[vector<16xi32>], vector<16xf32>,
      %add3A_123 = arith.addf %gather3A_118, %gather3A_122 : vector<16xf32>
      %add3A_124 = arith.constant 10112 : i32
      %add3A_125 = vector.broadcast %add3A_124 : i32 to vector<16xi32>
      %add3A_126 = arith.addi %get3A_112, %add3A_125 : vector<16xi32>
      %gather3A_127 = tpu.vector_load_idx %arg8[%add3A_126] : memref<40448xf32, #tpu.memory_space<vmem>>[vector<16xi32>], vector<16xf32>,
      %add3A_128 = arith.constant 30336 : i32
      %add3A_129 = vector.broadcast %add3A_128 : i32 to vector<16xi32>
      %add3A_130 = arith.addi %get3A_117, %add3A_129 : vector<16xi32>
      %gather3A_131 = tpu.vector_load_idx %arg8[%add3A_130] : memref<40448xf32, #tpu.memory_space<vmem>>[vector<16xi32>], vector<16xf32>,
      %add3A_132 = arith.addf %gather3A_127, %gather3A_131 : vector<16xf32>
      %ge3A_133 = arith.constant 0.000000e+00 : f32
      %ge3A_134 = vector.broadcast %ge3A_133 : f32 to vector<16xf32>
      %ge3A_135 = arith.cmpf oge, %add3A_123, %ge3A_134 : vector<16xf32>
      %mul3A_136 = arith.constant 2.000000e-01 : f32
      %mul3A_137 = vector.broadcast %mul3A_136 : f32 to vector<16xf32>
      %mul3A_138 = arith.mulf %add3A_123, %mul3A_137 : vector<16xf32>
      %select_n3A_139 = arith.select %ge3A_135, %add3A_123, %mul3A_138 : vector<16xi1>, vector<16xf32>
      %exp3A_140 = math.exp %select_n3A_139 : vector<16xf32>
      %ge3A_141 = arith.constant 0.000000e+00 : f32
      %ge3A_142 = vector.broadcast %ge3A_141 : f32 to vector<16xf32>
      %ge3A_143 = arith.cmpf oge, %add3A_132, %ge3A_142 : vector<16xf32>
      %mul3A_144 = arith.constant 2.000000e-01 : f32
      %mul3A_145 = vector.broadcast %mul3A_144 : f32 to vector<16xf32>
      %mul3A_146 = arith.mulf %add3A_132, %mul3A_145 : vector<16xf32>
      %select_n3A_147 = arith.select %ge3A_143, %add3A_132, %mul3A_146 : vector<16xi1>, vector<16xf32>
      %exp3A_148 = math.exp %select_n3A_147 : vector<16xf32>
      %swap3A_149 = arith.constant 16 : index
      %swap3A_150 = tpu.vector_load %arg11[%swap3A_149] {strides = array<i32>} : memref<128xf32, #tpu.memory_space<vmem>>, vector<16xf32>,
      tpu.vector_store %arg11[%swap3A_149], %exp3A_140 {strides = array<i32>} : memref<128xf32, #tpu.memory_space<vmem>>, vector<16xf32>,
      %swap3A_151 = arith.constant 16 : index
      %swap3A_152 = tpu.vector_load %arg12[%swap3A_151] {strides = array<i32>} : memref<128xf32, #tpu.memory_space<vmem>>, vector<16xf32>,
      tpu.vector_store %arg12[%swap3A_151], %exp3A_148 {strides = array<i32>} : memref<128xf32, #tpu.memory_space<vmem>>, vector<16xf32>,
      %swap3A_153 = arith.constant 16 : index
      %swap3A_154 = tpu.vector_load %arg13[%swap3A_153] {strides = array<i32>} : memref<128xi32, #tpu.memory_space<vmem>>, vector<16xi32>,
      tpu.vector_store %arg13[%swap3A_153], %get3A_112 {strides = array<i32>} : memref<128xi32, #tpu.memory_space<vmem>>, vector<16xi32>,
      %add3A_155 = arith.constant 10112 : i32
      %add3A_156 = vector.broadcast %add3A_155 : i32 to vector<16xi32>
      %add3A_157 = arith.addi %get3A_112, %add3A_156 : vector<16xi32>
      %swap3A_158 = arith.constant 16 : index
      %swap3A_159 = tpu.vector_load %arg14[%swap3A_158] {strides = array<i32>} : memref<128xi32, #tpu.memory_space<vmem>>, vector<16xi32>,
      tpu.vector_store %arg14[%swap3A_158], %add3A_157 {strides = array<i32>} : memref<128xi32, #tpu.memory_space<vmem>>, vector<16xi32>,
      %get3A_160 = arith.constant 0 : i32
      %get3A_161 = arith.index_cast %while3A_59 : i32 to index
      %get3A_162 = arith.index_cast %get3A_160 : i32 to index
      %get3A_163 = arith.constant 32 : index
      %get3A_164 = tpu.vector_load %arg9[%get3A_161, %get3A_162, %get3A_163] {strides = array<i32>} : memref<116x1x128xi32, #tpu.memory_space<vmem>>, vector<16xi32>,
      %get3A_165 = arith.constant 0 : i32
      %get3A_166 = arith.index_cast %while3A_59 : i32 to index
      %get3A_167 = arith.index_cast %get3A_165 : i32 to index
      %get3A_168 = arith.constant 32 : index
      %get3A_169 = tpu.vector_load %arg10[%get3A_166, %get3A_167, %get3A_168] {strides = array<i32>} : memref<116x1x128xi32, #tpu.memory_space<vmem>>, vector<16xi32>,
      %gather3A_170 = tpu.vector_load_idx %arg8[%get3A_164] : memref<40448xf32, #tpu.memory_space<vmem>>[vector<16xi32>], vector<16xf32>,
      %add3A_171 = arith.constant 20224 : i32
      %add3A_172 = vector.broadcast %add3A_171 : i32 to vector<16xi32>
      %add3A_173 = arith.addi %get3A_169, %add3A_172 : vector<16xi32>
      %gather3A_174 = tpu.vector_load_idx %arg8[%add3A_173] : memref<40448xf32, #tpu.memory_space<vmem>>[vector<16xi32>], vector<16xf32>,
      %add3A_175 = arith.addf %gather3A_170, %gather3A_174 : vector<16xf32>
      %add3A_176 = arith.constant 10112 : i32
      %add3A_177 = vector.broadcast %add3A_176 : i32 to vector<16xi32>
      %add3A_178 = arith.addi %get3A_164, %add3A_177 : vector<16xi32>
      %gather3A_179 = tpu.vector_load_idx %arg8[%add3A_178] : memref<40448xf32, #tpu.memory_space<vmem>>[vector<16xi32>], vector<16xf32>,
      %add3A_180 = arith.constant 30336 : i32
      %add3A_181 = vector.broadcast %add3A_180 : i32 to vector<16xi32>
      %add3A_182 = arith.addi %get3A_169, %add3A_181 : vector<16xi32>
      %gather3A_183 = tpu.vector_load_idx %arg8[%add3A_182] : memref<40448xf32, #tpu.memory_space<vmem>>[vector<16xi32>], vector<16xf32>,
      %add3A_184 = arith.addf %gather3A_179, %gather3A_183 : vector<16xf32>
      %ge3A_185 = arith.constant 0.000000e+00 : f32
      %ge3A_186 = vector.broadcast %ge3A_185 : f32 to vector<16xf32>
      %ge3A_187 = arith.cmpf oge, %add3A_175, %ge3A_186 : vector<16xf32>
      %mul3A_188 = arith.constant 2.000000e-01 : f32
      %mul3A_189 = vector.broadcast %mul3A_188 : f32 to vector<16xf32>
      %mul3A_190 = arith.mulf %add3A_175, %mul3A_189 : vector<16xf32>
      %select_n3A_191 = arith.select %ge3A_187, %add3A_175, %mul3A_190 : vector<16xi1>, vector<16xf32>
      %exp3A_192 = math.exp %select_n3A_191 : vector<16xf32>
      %ge3A_193 = arith.constant 0.000000e+00 : f32
      %ge3A_194 = vector.broadcast %ge3A_193 : f32 to vector<16xf32>
      %ge3A_195 = arith.cmpf oge, %add3A_184, %ge3A_194 : vector<16xf32>
      %mul3A_196 = arith.constant 2.000000e-01 : f32
      %mul3A_197 = vector.broadcast %mul3A_196 : f32 to vector<16xf32>
      %mul3A_198 = arith.mulf %add3A_184, %mul3A_197 : vector<16xf32>
      %select_n3A_199 = arith.select %ge3A_195, %add3A_184, %mul3A_198 : vector<16xi1>, vector<16xf32>
      %exp3A_200 = math.exp %select_n3A_199 : vector<16xf32>
      %swap3A_201 = arith.constant 32 : index
      %swap3A_202 = tpu.vector_load %arg11[%swap3A_201] {strides = array<i32>} : memref<128xf32, #tpu.memory_space<vmem>>, vector<16xf32>,
      tpu.vector_store %arg11[%swap3A_201], %exp3A_192 {strides = array<i32>} : memref<128xf32, #tpu.memory_space<vmem>>, vector<16xf32>,
      %swap3A_203 = arith.constant 32 : index
      %swap3A_204 = tpu.vector_load %arg12[%swap3A_203] {strides = array<i32>} : memref<128xf32, #tpu.memory_space<vmem>>, vector<16xf32>,
      tpu.vector_store %arg12[%swap3A_203], %exp3A_200 {strides = array<i32>} : memref<128xf32, #tpu.memory_space<vmem>>, vector<16xf32>,
      %swap3A_205 = arith.constant 32 : index
      %swap3A_206 = tpu.vector_load %arg13[%swap3A_205] {strides = array<i32>} : memref<128xi32, #tpu.memory_space<vmem>>, vector<16xi32>,
      tpu.vector_store %arg13[%swap3A_205], %get3A_164 {strides = array<i32>} : memref<128xi32, #tpu.memory_space<vmem>>, vector<16xi32>,
      %add3A_207 = arith.constant 10112 : i32
      %add3A_208 = vector.broadcast %add3A_207 : i32 to vector<16xi32>
      %add3A_209 = arith.addi %get3A_164, %add3A_208 : vector<16xi32>
      %swap3A_210 = arith.constant 32 : index
      %swap3A_211 = tpu.vector_load %arg14[%swap3A_210] {strides = array<i32>} : memref<128xi32, #tpu.memory_space<vmem>>, vector<16xi32>,
      tpu.vector_store %arg14[%swap3A_210], %add3A_209 {strides = array<i32>} : memref<128xi32, #tpu.memory_space<vmem>>, vector<16xi32>,
      %get3A_212 = arith.constant 0 : i32
      %get3A_213 = arith.index_cast %while3A_59 : i32 to index
      %get3A_214 = arith.index_cast %get3A_212 : i32 to index
      %get3A_215 = arith.constant 48 : index
      %get3A_216 = tpu.vector_load %arg9[%get3A_213, %get3A_214, %get3A_215] {strides = array<i32>} : memref<116x1x128xi32, #tpu.memory_space<vmem>>, vector<16xi32>,
      %get3A_217 = arith.constant 0 : i32
      %get3A_218 = arith.index_cast %while3A_59 : i32 to index
      %get3A_219 = arith.index_cast %get3A_217 : i32 to index
      %get3A_220 = arith.constant 48 : index
      %get3A_221 = tpu.vector_load %arg10[%get3A_218, %get3A_219, %get3A_220] {strides = array<i32>} : memref<116x1x128xi32, #tpu.memory_space<vmem>>, vector<16xi32>,
      %gather3A_222 = tpu.vector_load_idx %arg8[%get3A_216] : memref<40448xf32, #tpu.memory_space<vmem>>[vector<16xi32>], vector<16xf32>,
      %add3A_223 = arith.constant 20224 : i32
      %add3A_224 = vector.broadcast %add3A_223 : i32 to vector<16xi32>
      %add3A_225 = arith.addi %get3A_221, %add3A_224 : vector<16xi32>
      %gather3A_226 = tpu.vector_load_idx %arg8[%add3A_225] : memref<40448xf32, #tpu.memory_space<vmem>>[vector<16xi32>], vector<16xf32>,
      %add3A_227 = arith.addf %gather3A_222, %gather3A_226 : vector<16xf32>
      %add3A_228 = arith.constant 10112 : i32
      %add3A_229 = vector.broadcast %add3A_228 : i32 to vector<16xi32>
      %add3A_230 = arith.addi %get3A_216, %add3A_229 : vector<16xi32>
      %gather3A_231 = tpu.vector_load_idx %arg8[%add3A_230] : memref<40448xf32, #tpu.memory_space<vmem>>[vector<16xi32>], vector<16xf32>,
      %add3A_232 = arith.constant 30336 : i32
      %add3A_233 = vector.broadcast %add3A_232 : i32 to vector<16xi32>
      %add3A_234 = arith.addi %get3A_221, %add3A_233 : vector<16xi32>
      %gather3A_235 = tpu.vector_load_idx %arg8[%add3A_234] : memref<40448xf32, #tpu.memory_space<vmem>>[vector<16xi32>], vector<16xf32>,
      %add3A_236 = arith.addf %gather3A_231, %gather3A_235 : vector<16xf32>
      %ge3A_237 = arith.constant 0.000000e+00 : f32
      %ge3A_238 = vector.broadcast %ge3A_237 : f32 to vector<16xf32>
      %ge3A_239 = arith.cmpf oge, %add3A_227, %ge3A_238 : vector<16xf32>
      %mul3A_240 = arith.constant 2.000000e-01 : f32
      %mul3A_241 = vector.broadcast %mul3A_240 : f32 to vector<16xf32>
      %mul3A_242 = arith.mulf %add3A_227, %mul3A_241 : vector<16xf32>
      %select_n3A_243 = arith.select %ge3A_239, %add3A_227, %mul3A_242 : vector<16xi1>, vector<16xf32>
      %exp3A_244 = math.exp %select_n3A_243 : vector<16xf32>
      %ge3A_245 = arith.constant 0.000000e+00 : f32
      %ge3A_246 = vector.broadcast %ge3A_245 : f32 to vector<16xf32>
      %ge3A_247 = arith.cmpf oge, %add3A_236, %ge3A_246 : vector<16xf32>
      %mul3A_248 = arith.constant 2.000000e-01 : f32
      %mul3A_249 = vector.broadcast %mul3A_248 : f32 to vector<16xf32>
      %mul3A_250 = arith.mulf %add3A_236, %mul3A_249 : vector<16xf32>
      %select_n3A_251 = arith.select %ge3A_247, %add3A_236, %mul3A_250 : vector<16xi1>, vector<16xf32>
      %exp3A_252 = math.exp %select_n3A_251 : vector<16xf32>
      %swap3A_253 = arith.constant 48 : index
      %swap3A_254 = tpu.vector_load %arg11[%swap3A_253] {strides = array<i32>} : memref<128xf32, #tpu.memory_space<vmem>>, vector<16xf32>,
      tpu.vector_store %arg11[%swap3A_253], %exp3A_244 {strides = array<i32>} : memref<128xf32, #tpu.memory_space<vmem>>, vector<16xf32>,
      %swap3A_255 = arith.constant 48 : index
      %swap3A_256 = tpu.vector_load %arg12[%swap3A_255] {strides = array<i32>} : memref<128xf32, #tpu.memory_space<vmem>>, vector<16xf32>,
      tpu.vector_store %arg12[%swap3A_255], %exp3A_252 {strides = array<i32>} : memref<128xf32, #tpu.memory_space<vmem>>, vector<16xf32>,
      %swap3A_257 = arith.constant 48 : index
      %swap3A_258 = tpu.vector_load %arg13[%swap3A_257] {strides = array<i32>} : memref<128xi32, #tpu.memory_space<vmem>>, vector<16xi32>,
      tpu.vector_store %arg13[%swap3A_257], %get3A_216 {strides = array<i32>} : memref<128xi32, #tpu.memory_space<vmem>>, vector<16xi32>,
      %add3A_259 = arith.constant 10112 : i32
      %add3A_260 = vector.broadcast %add3A_259 : i32 to vector<16xi32>
      %add3A_261 = arith.addi %get3A_216, %add3A_260 : vector<16xi32>
      %swap3A_262 = arith.constant 48 : index
      %swap3A_263 = tpu.vector_load %arg14[%swap3A_262] {strides = array<i32>} : memref<128xi32, #tpu.memory_space<vmem>>, vector<16xi32>,
      tpu.vector_store %arg14[%swap3A_262], %add3A_261 {strides = array<i32>} : memref<128xi32, #tpu.memory_space<vmem>>, vector<16xi32>,
      %get3A_264 = arith.constant 0 : i32
      %get3A_265 = arith.index_cast %while3A_59 : i32 to index
      %get3A_266 = arith.index_cast %get3A_264 : i32 to index
      %get3A_267 = arith.constant 64 : index
      %get3A_268 = tpu.vector_load %arg9[%get3A_265, %get3A_266, %get3A_267] {strides = array<i32>} : memref<116x1x128xi32, #tpu.memory_space<vmem>>, vector<16xi32>,
      %get3A_269 = arith.constant 0 : i32
      %get3A_270 = arith.index_cast %while3A_59 : i32 to index
      %get3A_271 = arith.index_cast %get3A_269 : i32 to index
      %get3A_272 = arith.constant 64 : index
      %get3A_273 = tpu.vector_load %arg10[%get3A_270, %get3A_271, %get3A_272] {strides = array<i32>} : memref<116x1x128xi32, #tpu.memory_space<vmem>>, vector<16xi32>,
      %gather3A_274 = tpu.vector_load_idx %arg8[%get3A_268] : memref<40448xf32, #tpu.memory_space<vmem>>[vector<16xi32>], vector<16xf32>,
      %add3A_275 = arith.constant 20224 : i32
      %add3A_276 = vector.broadcast %add3A_275 : i32 to vector<16xi32>
      %add3A_277 = arith.addi %get3A_273, %add3A_276 : vector<16xi32>
      %gather3A_278 = tpu.vector_load_idx %arg8[%add3A_277] : memref<40448xf32, #tpu.memory_space<vmem>>[vector<16xi32>], vector<16xf32>,
      %add3A_279 = arith.addf %gather3A_274, %gather3A_278 : vector<16xf32>
      %add3A_280 = arith.constant 10112 : i32
      %add3A_281 = vector.broadcast %add3A_280 : i32 to vector<16xi32>
      %add3A_282 = arith.addi %get3A_268, %add3A_281 : vector<16xi32>
      %gather3A_283 = tpu.vector_load_idx %arg8[%add3A_282] : memref<40448xf32, #tpu.memory_space<vmem>>[vector<16xi32>], vector<16xf32>,
      %add3A_284 = arith.constant 30336 : i32
      %add3A_285 = vector.broadcast %add3A_284 : i32 to vector<16xi32>
      %add3A_286 = arith.addi %get3A_273, %add3A_285 : vector<16xi32>
      %gather3A_287 = tpu.vector_load_idx %arg8[%add3A_286] : memref<40448xf32, #tpu.memory_space<vmem>>[vector<16xi32>], vector<16xf32>,
      %add3A_288 = arith.addf %gather3A_283, %gather3A_287 : vector<16xf32>
      %ge3A_289 = arith.constant 0.000000e+00 : f32
      %ge3A_290 = vector.broadcast %ge3A_289 : f32 to vector<16xf32>
      %ge3A_291 = arith.cmpf oge, %add3A_279, %ge3A_290 : vector<16xf32>
      %mul3A_292 = arith.constant 2.000000e-01 : f32
      %mul3A_293 = vector.broadcast %mul3A_292 : f32 to vector<16xf32>
      %mul3A_294 = arith.mulf %add3A_279, %mul3A_293 : vector<16xf32>
      %select_n3A_295 = arith.select %ge3A_291, %add3A_279, %mul3A_294 : vector<16xi1>, vector<16xf32>
      %exp3A_296 = math.exp %select_n3A_295 : vector<16xf32>
      %ge3A_297 = arith.constant 0.000000e+00 : f32
      %ge3A_298 = vector.broadcast %ge3A_297 : f32 to vector<16xf32>
      %ge3A_299 = arith.cmpf oge, %add3A_288, %ge3A_298 : vector<16xf32>
      %mul3A_300 = arith.constant 2.000000e-01 : f32
      %mul3A_301 = vector.broadcast %mul3A_300 : f32 to vector<16xf32>
      %mul3A_302 = arith.mulf %add3A_288, %mul3A_301 : vector<16xf32>
      %select_n3A_303 = arith.select %ge3A_299, %add3A_288, %mul3A_302 : vector<16xi1>, vector<16xf32>
      %exp3A_304 = math.exp %select_n3A_303 : vector<16xf32>
      %swap3A_305 = arith.constant 64 : index
      %swap3A_306 = tpu.vector_load %arg11[%swap3A_305] {strides = array<i32>} : memref<128xf32, #tpu.memory_space<vmem>>, vector<16xf32>,
      tpu.vector_store %arg11[%swap3A_305], %exp3A_296 {strides = array<i32>} : memref<128xf32, #tpu.memory_space<vmem>>, vector<16xf32>,
      %swap3A_307 = arith.constant 64 : index
      %swap3A_308 = tpu.vector_load %arg12[%swap3A_307] {strides = array<i32>} : memref<128xf32, #tpu.memory_space<vmem>>, vector<16xf32>,
      tpu.vector_store %arg12[%swap3A_307], %exp3A_304 {strides = array<i32>} : memref<128xf32, #tpu.memory_space<vmem>>, vector<16xf32>,
      %swap3A_309 = arith.constant 64 : index
      %swap3A_310 = tpu.vector_load %arg13[%swap3A_309] {strides = array<i32>} : memref<128xi32, #tpu.memory_space<vmem>>, vector<16xi32>,
      tpu.vector_store %arg13[%swap3A_309], %get3A_268 {strides = array<i32>} : memref<128xi32, #tpu.memory_space<vmem>>, vector<16xi32>,
      %add3A_311 = arith.constant 10112 : i32
      %add3A_312 = vector.broadcast %add3A_311 : i32 to vector<16xi32>
      %add3A_313 = arith.addi %get3A_268, %add3A_312 : vector<16xi32>
      %swap3A_314 = arith.constant 64 : index
      %swap3A_315 = tpu.vector_load %arg14[%swap3A_314] {strides = array<i32>} : memref<128xi32, #tpu.memory_space<vmem>>, vector<16xi32>,
      tpu.vector_store %arg14[%swap3A_314], %add3A_313 {strides = array<i32>} : memref<128xi32, #tpu.memory_space<vmem>>, vector<16xi32>,
      %get3A_316 = arith.constant 0 : i32
      %get3A_317 = arith.index_cast %while3A_59 : i32 to index
      %get3A_318 = arith.index_cast %get3A_316 : i32 to index
      %get3A_319 = arith.constant 80 : index
      %get3A_320 = tpu.vector_load %arg9[%get3A_317, %get3A_318, %get3A_319] {strides = array<i32>} : memref<116x1x128xi32, #tpu.memory_space<vmem>>, vector<16xi32>,
      %get3A_321 = arith.constant 0 : i32
      %get3A_322 = arith.index_cast %while3A_59 : i32 to index
      %get3A_323 = arith.index_cast %get3A_321 : i32 to index
      %get3A_324 = arith.constant 80 : index
      %get3A_325 = tpu.vector_load %arg10[%get3A_322, %get3A_323, %get3A_324] {strides = array<i32>} : memref<116x1x128xi32, #tpu.memory_space<vmem>>, vector<16xi32>,
      %gather3A_326 = tpu.vector_load_idx %arg8[%get3A_320] : memref<40448xf32, #tpu.memory_space<vmem>>[vector<16xi32>], vector<16xf32>,
      %add3A_327 = arith.constant 20224 : i32
      %add3A_328 = vector.broadcast %add3A_327 : i32 to vector<16xi32>
      %add3A_329 = arith.addi %get3A_325, %add3A_328 : vector<16xi32>
      %gather3A_330 = tpu.vector_load_idx %arg8[%add3A_329] : memref<40448xf32, #tpu.memory_space<vmem>>[vector<16xi32>], vector<16xf32>,
      %add3A_331 = arith.addf %gather3A_326, %gather3A_330 : vector<16xf32>
      %add3A_332 = arith.constant 10112 : i32
      %add3A_333 = vector.broadcast %add3A_332 : i32 to vector<16xi32>
      %add3A_334 = arith.addi %get3A_320, %add3A_333 : vector<16xi32>
      %gather3A_335 = tpu.vector_load_idx %arg8[%add3A_334] : memref<40448xf32, #tpu.memory_space<vmem>>[vector<16xi32>], vector<16xf32>,
      %add3A_336 = arith.constant 30336 : i32
      %add3A_337 = vector.broadcast %add3A_336 : i32 to vector<16xi32>
      %add3A_338 = arith.addi %get3A_325, %add3A_337 : vector<16xi32>
      %gather3A_339 = tpu.vector_load_idx %arg8[%add3A_338] : memref<40448xf32, #tpu.memory_space<vmem>>[vector<16xi32>], vector<16xf32>,
      %add3A_340 = arith.addf %gather3A_335, %gather3A_339 : vector<16xf32>
      %ge3A_341 = arith.constant 0.000000e+00 : f32
      %ge3A_342 = vector.broadcast %ge3A_341 : f32 to vector<16xf32>
      %ge3A_343 = arith.cmpf oge, %add3A_331, %ge3A_342 : vector<16xf32>
      %mul3A_344 = arith.constant 2.000000e-01 : f32
      %mul3A_345 = vector.broadcast %mul3A_344 : f32 to vector<16xf32>
      %mul3A_346 = arith.mulf %add3A_331, %mul3A_345 : vector<16xf32>
      %select_n3A_347 = arith.select %ge3A_343, %add3A_331, %mul3A_346 : vector<16xi1>, vector<16xf32>
      %exp3A_348 = math.exp %select_n3A_347 : vector<16xf32>
      %ge3A_349 = arith.constant 0.000000e+00 : f32
      %ge3A_350 = vector.broadcast %ge3A_349 : f32 to vector<16xf32>
      %ge3A_351 = arith.cmpf oge, %add3A_340, %ge3A_350 : vector<16xf32>
      %mul3A_352 = arith.constant 2.000000e-01 : f32
      %mul3A_353 = vector.broadcast %mul3A_352 : f32 to vector<16xf32>
      %mul3A_354 = arith.mulf %add3A_340, %mul3A_353 : vector<16xf32>
      %select_n3A_355 = arith.select %ge3A_351, %add3A_340, %mul3A_354 : vector<16xi1>, vector<16xf32>
      %exp3A_356 = math.exp %select_n3A_355 : vector<16xf32>
      %swap3A_357 = arith.constant 80 : index
      %swap3A_358 = tpu.vector_load %arg11[%swap3A_357] {strides = array<i32>} : memref<128xf32, #tpu.memory_space<vmem>>, vector<16xf32>,
      tpu.vector_store %arg11[%swap3A_357], %exp3A_348 {strides = array<i32>} : memref<128xf32, #tpu.memory_space<vmem>>, vector<16xf32>,
      %swap3A_359 = arith.constant 80 : index
      %swap3A_360 = tpu.vector_load %arg12[%swap3A_359] {strides = array<i32>} : memref<128xf32, #tpu.memory_space<vmem>>, vector<16xf32>,
      tpu.vector_store %arg12[%swap3A_359], %exp3A_356 {strides = array<i32>} : memref<128xf32, #tpu.memory_space<vmem>>, vector<16xf32>,
      %swap3A_361 = arith.constant 80 : index
      %swap3A_362 = tpu.vector_load %arg13[%swap3A_361] {strides = array<i32>} : memref<128xi32, #tpu.memory_space<vmem>>, vector<16xi32>,
      tpu.vector_store %arg13[%swap3A_361], %get3A_320 {strides = array<i32>} : memref<128xi32, #tpu.memory_space<vmem>>, vector<16xi32>,
      %add3A_363 = arith.constant 10112 : i32
      %add3A_364 = vector.broadcast %add3A_363 : i32 to vector<16xi32>
      %add3A_365 = arith.addi %get3A_320, %add3A_364 : vector<16xi32>
      %swap3A_366 = arith.constant 80 : index
      %swap3A_367 = tpu.vector_load %arg14[%swap3A_366] {strides = array<i32>} : memref<128xi32, #tpu.memory_space<vmem>>, vector<16xi32>,
      tpu.vector_store %arg14[%swap3A_366], %add3A_365 {strides = array<i32>} : memref<128xi32, #tpu.memory_space<vmem>>, vector<16xi32>,
      %get3A_368 = arith.constant 0 : i32
      %get3A_369 = arith.index_cast %while3A_59 : i32 to index
      %get3A_370 = arith.index_cast %get3A_368 : i32 to index
      %get3A_371 = arith.constant 96 : index
      %get3A_372 = tpu.vector_load %arg9[%get3A_369, %get3A_370, %get3A_371] {strides = array<i32>} : memref<116x1x128xi32, #tpu.memory_space<vmem>>, vector<16xi32>,
      %get3A_373 = arith.constant 0 : i32
      %get3A_374 = arith.index_cast %while3A_59 : i32 to index
      %get3A_375 = arith.index_cast %get3A_373 : i32 to index
      %get3A_376 = arith.constant 96 : index
      %get3A_377 = tpu.vector_load %arg10[%get3A_374, %get3A_375, %get3A_376] {strides = array<i32>} : memref<116x1x128xi32, #tpu.memory_space<vmem>>, vector<16xi32>,
      %gather3A_378 = tpu.vector_load_idx %arg8[%get3A_372] : memref<40448xf32, #tpu.memory_space<vmem>>[vector<16xi32>], vector<16xf32>,
      %add3A_379 = arith.constant 20224 : i32
      %add3A_380 = vector.broadcast %add3A_379 : i32 to vector<16xi32>
      %add3A_381 = arith.addi %get3A_377, %add3A_380 : vector<16xi32>
      %gather3A_382 = tpu.vector_load_idx %arg8[%add3A_381] : memref<40448xf32, #tpu.memory_space<vmem>>[vector<16xi32>], vector<16xf32>,
      %add3A_383 = arith.addf %gather3A_378, %gather3A_382 : vector<16xf32>
      %add3A_384 = arith.constant 10112 : i32
      %add3A_385 = vector.broadcast %add3A_384 : i32 to vector<16xi32>
      %add3A_386 = arith.addi %get3A_372, %add3A_385 : vector<16xi32>
      %gather3A_387 = tpu.vector_load_idx %arg8[%add3A_386] : memref<40448xf32, #tpu.memory_space<vmem>>[vector<16xi32>], vector<16xf32>,
      %add3A_388 = arith.constant 30336 : i32
      %add3A_389 = vector.broadcast %add3A_388 : i32 to vector<16xi32>
      %add3A_390 = arith.addi %get3A_377, %add3A_389 : vector<16xi32>
      %gather3A_391 = tpu.vector_load_idx %arg8[%add3A_390] : memref<40448xf32, #tpu.memory_space<vmem>>[vector<16xi32>], vector<16xf32>,
      %add3A_392 = arith.addf %gather3A_387, %gather3A_391 : vector<16xf32>
      %ge3A_393 = arith.constant 0.000000e+00 : f32
      %ge3A_394 = vector.broadcast %ge3A_393 : f32 to vector<16xf32>
      %ge3A_395 = arith.cmpf oge, %add3A_383, %ge3A_394 : vector<16xf32>
      %mul3A_396 = arith.constant 2.000000e-01 : f32
      %mul3A_397 = vector.broadcast %mul3A_396 : f32 to vector<16xf32>
      %mul3A_398 = arith.mulf %add3A_383, %mul3A_397 : vector<16xf32>
      %select_n3A_399 = arith.select %ge3A_395, %add3A_383, %mul3A_398 : vector<16xi1>, vector<16xf32>
      %exp3A_400 = math.exp %select_n3A_399 : vector<16xf32>
      %ge3A_401 = arith.constant 0.000000e+00 : f32
      %ge3A_402 = vector.broadcast %ge3A_401 : f32 to vector<16xf32>
      %ge3A_403 = arith.cmpf oge, %add3A_392, %ge3A_402 : vector<16xf32>
      %mul3A_404 = arith.constant 2.000000e-01 : f32
      %mul3A_405 = vector.broadcast %mul3A_404 : f32 to vector<16xf32>
      %mul3A_406 = arith.mulf %add3A_392, %mul3A_405 : vector<16xf32>
      %select_n3A_407 = arith.select %ge3A_403, %add3A_392, %mul3A_406 : vector<16xi1>, vector<16xf32>
      %exp3A_408 = math.exp %select_n3A_407 : vector<16xf32>
      %swap3A_409 = arith.constant 96 : index
      %swap3A_410 = tpu.vector_load %arg11[%swap3A_409] {strides = array<i32>} : memref<128xf32, #tpu.memory_space<vmem>>, vector<16xf32>,
      tpu.vector_store %arg11[%swap3A_409], %exp3A_400 {strides = array<i32>} : memref<128xf32, #tpu.memory_space<vmem>>, vector<16xf32>,
      %swap3A_411 = arith.constant 96 : index
      %swap3A_412 = tpu.vector_load %arg12[%swap3A_411] {strides = array<i32>} : memref<128xf32, #tpu.memory_space<vmem>>, vector<16xf32>,
      tpu.vector_store %arg12[%swap3A_411], %exp3A_408 {strides = array<i32>} : memref<128xf32, #tpu.memory_space<vmem>>, vector<16xf32>,
      %swap3A_413 = arith.constant 96 : index
      %swap3A_414 = tpu.vector_load %arg13[%swap3A_413] {strides = array<i32>} : memref<128xi32, #tpu.memory_space<vmem>>, vector<16xi32>,
      tpu.vector_store %arg13[%swap3A_413], %get3A_372 {strides = array<i32>} : memref<128xi32, #tpu.memory_space<vmem>>, vector<16xi32>,
      %add3A_415 = arith.constant 10112 : i32
      %add3A_416 = vector.broadcast %add3A_415 : i32 to vector<16xi32>
      %add3A_417 = arith.addi %get3A_372, %add3A_416 : vector<16xi32>
      %swap3A_418 = arith.constant 96 : index
      %swap3A_419 = tpu.vector_load %arg14[%swap3A_418] {strides = array<i32>} : memref<128xi32, #tpu.memory_space<vmem>>, vector<16xi32>,
      tpu.vector_store %arg14[%swap3A_418], %add3A_417 {strides = array<i32>} : memref<128xi32, #tpu.memory_space<vmem>>, vector<16xi32>,
      %get3A_420 = arith.constant 0 : i32
      %get3A_421 = arith.index_cast %while3A_59 : i32 to index
      %get3A_422 = arith.index_cast %get3A_420 : i32 to index
      %get3A_423 = arith.constant 112 : index
      %get3A_424 = tpu.vector_load %arg9[%get3A_421, %get3A_422, %get3A_423] {strides = array<i32>} : memref<116x1x128xi32, #tpu.memory_space<vmem>>, vector<16xi32>,
      %get3A_425 = arith.constant 0 : i32
      %get3A_426 = arith.index_cast %while3A_59 : i32 to index
      %get3A_427 = arith.index_cast %get3A_425 : i32 to index
      %get3A_428 = arith.constant 112 : index
      %get3A_429 = tpu.vector_load %arg10[%get3A_426, %get3A_427, %get3A_428] {strides = array<i32>} : memref<116x1x128xi32, #tpu.memory_space<vmem>>, vector<16xi32>,
      %gather3A_430 = tpu.vector_load_idx %arg8[%get3A_424] : memref<40448xf32, #tpu.memory_space<vmem>>[vector<16xi32>], vector<16xf32>,
      %add3A_431 = arith.constant 20224 : i32
      %add3A_432 = vector.broadcast %add3A_431 : i32 to vector<16xi32>
      %add3A_433 = arith.addi %get3A_429, %add3A_432 : vector<16xi32>
      %gather3A_434 = tpu.vector_load_idx %arg8[%add3A_433] : memref<40448xf32, #tpu.memory_space<vmem>>[vector<16xi32>], vector<16xf32>,
      %add3A_435 = arith.addf %gather3A_430, %gather3A_434 : vector<16xf32>
      %add3A_436 = arith.constant 10112 : i32
      %add3A_437 = vector.broadcast %add3A_436 : i32 to vector<16xi32>
      %add3A_438 = arith.addi %get3A_424, %add3A_437 : vector<16xi32>
      %gather3A_439 = tpu.vector_load_idx %arg8[%add3A_438] : memref<40448xf32, #tpu.memory_space<vmem>>[vector<16xi32>], vector<16xf32>,
      %add3A_440 = arith.constant 30336 : i32
      %add3A_441 = vector.broadcast %add3A_440 : i32 to vector<16xi32>
      %add3A_442 = arith.addi %get3A_429, %add3A_441 : vector<16xi32>
      %gather3A_443 = tpu.vector_load_idx %arg8[%add3A_442] : memref<40448xf32, #tpu.memory_space<vmem>>[vector<16xi32>], vector<16xf32>,
      %add3A_444 = arith.addf %gather3A_439, %gather3A_443 : vector<16xf32>
      %ge3A_445 = arith.constant 0.000000e+00 : f32
      %ge3A_446 = vector.broadcast %ge3A_445 : f32 to vector<16xf32>
      %ge3A_447 = arith.cmpf oge, %add3A_435, %ge3A_446 : vector<16xf32>
      %mul3A_448 = arith.constant 2.000000e-01 : f32
      %mul3A_449 = vector.broadcast %mul3A_448 : f32 to vector<16xf32>
      %mul3A_450 = arith.mulf %add3A_435, %mul3A_449 : vector<16xf32>
      %select_n3A_451 = arith.select %ge3A_447, %add3A_435, %mul3A_450 : vector<16xi1>, vector<16xf32>
      %exp3A_452 = math.exp %select_n3A_451 : vector<16xf32>
      %ge3A_453 = arith.constant 0.000000e+00 : f32
      %ge3A_454 = vector.broadcast %ge3A_453 : f32 to vector<16xf32>
      %ge3A_455 = arith.cmpf oge, %add3A_444, %ge3A_454 : vector<16xf32>
      %mul3A_456 = arith.constant 2.000000e-01 : f32
      %mul3A_457 = vector.broadcast %mul3A_456 : f32 to vector<16xf32>
      %mul3A_458 = arith.mulf %add3A_444, %mul3A_457 : vector<16xf32>
      %select_n3A_459 = arith.select %ge3A_455, %add3A_444, %mul3A_458 : vector<16xi1>, vector<16xf32>
      %exp3A_460 = math.exp %select_n3A_459 : vector<16xf32>
      %swap3A_461 = arith.constant 112 : index
      %swap3A_462 = tpu.vector_load %arg11[%swap3A_461] {strides = array<i32>} : memref<128xf32, #tpu.memory_space<vmem>>, vector<16xf32>,
      tpu.vector_store %arg11[%swap3A_461], %exp3A_452 {strides = array<i32>} : memref<128xf32, #tpu.memory_space<vmem>>, vector<16xf32>,
      %swap3A_463 = arith.constant 112 : index
      %swap3A_464 = tpu.vector_load %arg12[%swap3A_463] {strides = array<i32>} : memref<128xf32, #tpu.memory_space<vmem>>, vector<16xf32>,
      tpu.vector_store %arg12[%swap3A_463], %exp3A_460 {strides = array<i32>} : memref<128xf32, #tpu.memory_space<vmem>>, vector<16xf32>,
      %swap3A_465 = arith.constant 112 : index
      %swap3A_466 = tpu.vector_load %arg13[%swap3A_465] {strides = array<i32>} : memref<128xi32, #tpu.memory_space<vmem>>, vector<16xi32>,
      tpu.vector_store %arg13[%swap3A_465], %get3A_424 {strides = array<i32>} : memref<128xi32, #tpu.memory_space<vmem>>, vector<16xi32>,
      %add3A_467 = arith.constant 10112 : i32
      %add3A_468 = vector.broadcast %add3A_467 : i32 to vector<16xi32>
      %add3A_469 = arith.addi %get3A_424, %add3A_468 : vector<16xi32>
      %swap3A_470 = arith.constant 112 : index
      %swap3A_471 = tpu.vector_load %arg14[%swap3A_470] {strides = array<i32>} : memref<128xi32, #tpu.memory_space<vmem>>, vector<16xi32>,
      tpu.vector_store %arg14[%swap3A_470], %add3A_469 {strides = array<i32>} : memref<128xi32, #tpu.memory_space<vmem>>, vector<16xi32>,
      "tpu.region"() ({
        %run_scoped3A_476 = tpu.sem_alloc : memref<!tpu.dma_semaphore, #tpu.memory_space<semaphore_mem>>
        %dma_start3A = arith.constant 0 : i32
        %dma_start3A_477 = tpu.memref_slice %arg15[%dma_start3A] : memref<20480xf32, #tpu.memory_space<vmem_shared>> -> memref<20480xf32, #tpu.memory_space<vmem_shared>>
        tpu.enqueue_indirect_dma source(%arg11 : memref<128xf32, #tpu.memory_space<vmem>>) target(%dma_start3A_477 : memref<20480xf32, #tpu.memory_space<vmem_shared>>) offsets(%arg13 : memref<128xi32, #tpu.memory_space<vmem>>) semaphore(%run_scoped3A_476 : memref<!tpu.dma_semaphore, #tpu.memory_space<semaphore_mem>>) {add = true}
        %dma_wait3A = arith.constant 0 : i32
        %dma_wait3A_478 = tpu.memref_slice %arg15[%dma_wait3A] : memref<20480xf32, #tpu.memory_space<vmem_shared>> -> memref<20480xf32, #tpu.memory_space<vmem_shared>>
        tpu.wait_indirect_dma semaphore(%run_scoped3A_476 : memref<!tpu.dma_semaphore, #tpu.memory_space<semaphore_mem>>) src(%arg11 : memref<128xf32, #tpu.memory_space<vmem>>) dst(%dma_wait3A_478 : memref<20480xf32, #tpu.memory_space<vmem_shared>>)
        tpu.yield
      }) : () -> ()
      "tpu.region"() ({
        %run_scoped3A_476 = tpu.sem_alloc : memref<!tpu.dma_semaphore, #tpu.memory_space<semaphore_mem>>
        %dma_start3A = arith.constant 0 : i32
        %dma_start3A_477 = tpu.memref_slice %arg15[%dma_start3A] : memref<20480xf32, #tpu.memory_space<vmem_shared>> -> memref<20480xf32, #tpu.memory_space<vmem_shared>>
        tpu.enqueue_indirect_dma source(%arg12 : memref<128xf32, #tpu.memory_space<vmem>>) target(%dma_start3A_477 : memref<20480xf32, #tpu.memory_space<vmem_shared>>) offsets(%arg14 : memref<128xi32, #tpu.memory_space<vmem>>) semaphore(%run_scoped3A_476 : memref<!tpu.dma_semaphore, #tpu.memory_space<semaphore_mem>>) {add = true}
        %dma_wait3A = arith.constant 0 : i32
        %dma_wait3A_478 = tpu.memref_slice %arg15[%dma_wait3A] : memref<20480xf32, #tpu.memory_space<vmem_shared>> -> memref<20480xf32, #tpu.memory_space<vmem_shared>>
        tpu.wait_indirect_dma semaphore(%run_scoped3A_476 : memref<!tpu.dma_semaphore, #tpu.memory_space<semaphore_mem>>) src(%arg12 : memref<128xf32, #tpu.memory_space<vmem>>) dst(%dma_wait3A_478 : memref<20480xf32, #tpu.memory_space<vmem_shared>>)
        tpu.yield
      }) : () -> ()
      %add3A_472 = arith.addi %select_n3A_8, %while3A_59 : i32
      %run_scoped3A_473 = arith.constant 0 : i32
      "tpu.region"() ({
        %run_scoped3A_476 = tpu.sem_alloc : memref<!tpu.dma_semaphore, #tpu.memory_space<semaphore_mem>>
        %dma_start3A = arith.constant 0 : i32
        %dma_start3A_477 = tpu.memref_slice %arg6[%add3A_472, %run_scoped3A_473, %dma_start3A] : memref<2676x1x128xf32, #tpu.memory_space<hbm>> -> memref<1x1x128xf32, #tpu.memory_space<hbm>>
        %dma_start3A_478 = tpu.memref_squeeze %dma_start3A_477 : memref<1x1x128xf32, #tpu.memory_space<hbm>> -> memref<128xf32, #tpu.memory_space<hbm>>
        %dma_start3A_479 = arith.constant 0 : i32
        %dma_start3A_480 = tpu.memref_slice %arg6[%add3A_472, %run_scoped3A_473, %dma_start3A_479] : memref<2676x1x128xf32, #tpu.memory_space<hbm>> -> memref<1x1x128xf32, #tpu.memory_space<hbm>>
        %dma_start3A_481 = tpu.memref_squeeze %dma_start3A_480 : memref<1x1x128xf32, #tpu.memory_space<hbm>> -> memref<128xf32, #tpu.memory_space<hbm>>
        tpu.enqueue_dma source(%arg11 : memref<128xf32, #tpu.memory_space<vmem>>) target(%dma_start3A_481 : memref<128xf32, #tpu.memory_space<hbm>>) target_semaphore(%run_scoped3A_476 : memref<!tpu.dma_semaphore, #tpu.memory_space<semaphore_mem>>)
        %dma_wait3A = arith.constant 0 : i32
        %dma_wait3A_482 = tpu.memref_slice %arg6[%add3A_472, %run_scoped3A_473, %dma_wait3A] : memref<2676x1x128xf32, #tpu.memory_space<hbm>> -> memref<1x1x128xf32, #tpu.memory_space<hbm>>
        %dma_wait3A_483 = tpu.memref_squeeze %dma_wait3A_482 : memref<1x1x128xf32, #tpu.memory_space<hbm>> -> memref<128xf32, #tpu.memory_space<hbm>>
        %dma_wait3A_484 = arith.constant 0 : i32
        %dma_wait3A_485 = tpu.memref_slice %arg6[%add3A_472, %run_scoped3A_473, %dma_wait3A_484] : memref<2676x1x128xf32, #tpu.memory_space<hbm>> -> memref<1x1x128xf32, #tpu.memory_space<hbm>>
        %dma_wait3A_486 = tpu.memref_squeeze %dma_wait3A_485 : memref<1x1x128xf32, #tpu.memory_space<hbm>> -> memref<128xf32, #tpu.memory_space<hbm>>
        tpu.wait_dma2 semaphore(%run_scoped3A_476 : memref<!tpu.dma_semaphore, #tpu.memory_space<semaphore_mem>>) src(%arg11 : memref<128xf32, #tpu.memory_space<vmem>>) dst(%dma_wait3A_486 : memref<128xf32, #tpu.memory_space<hbm>>)
        tpu.yield
      }) : () -> ()
      %add3A_474 = arith.addi %select_n3A_8, %while3A_59 : i32
      %run_scoped3A_475 = arith.constant 0 : i32
      "tpu.region"() ({
        %run_scoped3A_476 = tpu.sem_alloc : memref<!tpu.dma_semaphore, #tpu.memory_space<semaphore_mem>>
        %dma_start3A = arith.constant 0 : i32
        %dma_start3A_477 = tpu.memref_slice %arg7[%add3A_474, %run_scoped3A_475, %dma_start3A] : memref<2676x1x128xf32, #tpu.memory_space<hbm>> -> memref<1x1x128xf32, #tpu.memory_space<hbm>>
        %dma_start3A_478 = tpu.memref_squeeze %dma_start3A_477 : memref<1x1x128xf32, #tpu.memory_space<hbm>> -> memref<128xf32, #tpu.memory_space<hbm>>
        %dma_start3A_479 = arith.constant 0 : i32
        %dma_start3A_480 = tpu.memref_slice %arg7[%add3A_474, %run_scoped3A_475, %dma_start3A_479] : memref<2676x1x128xf32, #tpu.memory_space<hbm>> -> memref<1x1x128xf32, #tpu.memory_space<hbm>>
        %dma_start3A_481 = tpu.memref_squeeze %dma_start3A_480 : memref<1x1x128xf32, #tpu.memory_space<hbm>> -> memref<128xf32, #tpu.memory_space<hbm>>
        tpu.enqueue_dma source(%arg12 : memref<128xf32, #tpu.memory_space<vmem>>) target(%dma_start3A_481 : memref<128xf32, #tpu.memory_space<hbm>>) target_semaphore(%run_scoped3A_476 : memref<!tpu.dma_semaphore, #tpu.memory_space<semaphore_mem>>)
        %dma_wait3A = arith.constant 0 : i32
        %dma_wait3A_482 = tpu.memref_slice %arg7[%add3A_474, %run_scoped3A_475, %dma_wait3A] : memref<2676x1x128xf32, #tpu.memory_space<hbm>> -> memref<1x1x128xf32, #tpu.memory_space<hbm>>
        %dma_wait3A_483 = tpu.memref_squeeze %dma_wait3A_482 : memref<1x1x128xf32, #tpu.memory_space<hbm>> -> memref<128xf32, #tpu.memory_space<hbm>>
        %dma_wait3A_484 = arith.constant 0 : i32
        %dma_wait3A_485 = tpu.memref_slice %arg7[%add3A_474, %run_scoped3A_475, %dma_wait3A_484] : memref<2676x1x128xf32, #tpu.memory_space<hbm>> -> memref<1x1x128xf32, #tpu.memory_space<hbm>>
        %dma_wait3A_486 = tpu.memref_squeeze %dma_wait3A_485 : memref<1x1x128xf32, #tpu.memory_space<hbm>> -> memref<128xf32, #tpu.memory_space<hbm>>
        tpu.wait_dma2 semaphore(%run_scoped3A_476 : memref<!tpu.dma_semaphore, #tpu.memory_space<semaphore_mem>>) src(%arg12 : memref<128xf32, #tpu.memory_space<vmem>>) dst(%dma_wait3A_486 : memref<128xf32, #tpu.memory_space<hbm>>)
        tpu.yield
      }) : () -> ()
    }
    %while3A_55 = arith.constant 1 : i32
    scf.for %while3A_59 = %while3A_53 to %while3A_49 step %while3A_55  : i32 {
      %get3A = arith.constant 0 : i32
      %get3A_60 = arith.index_cast %while3A_59 : i32 to index
      %get3A_61 = arith.index_cast %get3A : i32 to index
      %get3A_62 = arith.constant 0 : index
      %get3A_63 = tpu.vector_load %arg9[%get3A_60, %get3A_61, %get3A_62] {strides = array<i32>} : memref<116x1x128xi32, #tpu.memory_space<vmem>>, vector<16xi32>,
      %get3A_64 = arith.constant 0 : i32
      %get3A_65 = arith.index_cast %while3A_59 : i32 to index
      %get3A_66 = arith.index_cast %get3A_64 : i32 to index
      %get3A_67 = arith.constant 0 : index
      %get3A_68 = tpu.vector_load %arg10[%get3A_65, %get3A_66, %get3A_67] {strides = array<i32>} : memref<116x1x128xi32, #tpu.memory_space<vmem>>, vector<16xi32>,
      %gather3A = tpu.vector_load_idx %arg8[%get3A_63] : memref<40448xf32, #tpu.memory_space<vmem>>[vector<16xi32>], vector<16xf32>,
      %add3A_69 = arith.constant 20224 : i32
      %add3A_70 = vector.broadcast %add3A_69 : i32 to vector<16xi32>
      %add3A_71 = arith.addi %get3A_68, %add3A_70 : vector<16xi32>
      %gather3A_72 = tpu.vector_load_idx %arg8[%add3A_71] : memref<40448xf32, #tpu.memory_space<vmem>>[vector<16xi32>], vector<16xf32>,
      %add3A_73 = arith.addf %gather3A, %gather3A_72 : vector<16xf32>
      %add3A_74 = arith.constant 10112 : i32
      %add3A_75 = vector.broadcast %add3A_74 : i32 to vector<16xi32>
      %add3A_76 = arith.addi %get3A_63, %add3A_75 : vector<16xi32>
      %gather3A_77 = tpu.vector_load_idx %arg8[%add3A_76] : memref<40448xf32, #tpu.memory_space<vmem>>[vector<16xi32>], vector<16xf32>,
      %add3A_78 = arith.constant 30336 : i32
      %add3A_79 = vector.broadcast %add3A_78 : i32 to vector<16xi32>
      %add3A_80 = arith.addi %get3A_68, %add3A_79 : vector<16xi32>
      %gather3A_81 = tpu.vector_load_idx %arg8[%add3A_80] : memref<40448xf32, #tpu.memory_space<vmem>>[vector<16xi32>], vector<16xf32>,
      %add3A_82 = arith.addf %gather3A_77, %gather3A_81 : vector<16xf32>
      %ge3A = arith.constant 0.000000e+00 : f32
      %ge3A_83 = vector.broadcast %ge3A : f32 to vector<16xf32>
      %ge3A_84 = arith.cmpf oge, %add3A_73, %ge3A_83 : vector<16xf32>
      %mul3A_85 = arith.constant 2.000000e-01 : f32
      %mul3A_86 = vector.broadcast %mul3A_85 : f32 to vector<16xf32>
      %mul3A_87 = arith.mulf %add3A_73, %mul3A_86 : vector<16xf32>
      %select_n3A_88 = arith.select %ge3A_84, %add3A_73, %mul3A_87 : vector<16xi1>, vector<16xf32>
      %exp3A = math.exp %select_n3A_88 : vector<16xf32>
      %ge3A_89 = arith.constant 0.000000e+00 : f32
      %ge3A_90 = vector.broadcast %ge3A_89 : f32 to vector<16xf32>
      %ge3A_91 = arith.cmpf oge, %add3A_82, %ge3A_90 : vector<16xf32>
      %mul3A_92 = arith.constant 2.000000e-01 : f32
      %mul3A_93 = vector.broadcast %mul3A_92 : f32 to vector<16xf32>
      %mul3A_94 = arith.mulf %add3A_82, %mul3A_93 : vector<16xf32>
      %select_n3A_95 = arith.select %ge3A_91, %add3A_82, %mul3A_94 : vector<16xi1>, vector<16xf32>
      %exp3A_96 = math.exp %select_n3A_95 : vector<16xf32>
      %swap3A_97 = arith.constant 0 : index
      %swap3A_98 = tpu.vector_load %arg11[%swap3A_97] {strides = array<i32>} : memref<128xf32, #tpu.memory_space<vmem>>, vector<16xf32>,
      tpu.vector_store %arg11[%swap3A_97], %exp3A {strides = array<i32>} : memref<128xf32, #tpu.memory_space<vmem>>, vector<16xf32>,
      %swap3A_99 = arith.constant 0 : index
      %swap3A_100 = tpu.vector_load %arg12[%swap3A_99] {strides = array<i32>} : memref<128xf32, #tpu.memory_space<vmem>>, vector<16xf32>,
      tpu.vector_store %arg12[%swap3A_99], %exp3A_96 {strides = array<i32>} : memref<128xf32, #tpu.memory_space<vmem>>, vector<16xf32>,
      %swap3A_101 = arith.constant 0 : index
      %swap3A_102 = tpu.vector_load %arg13[%swap3A_101] {strides = array<i32>} : memref<128xi32, #tpu.memory_space<vmem>>, vector<16xi32>,
      tpu.vector_store %arg13[%swap3A_101], %get3A_63 {strides = array<i32>} : memref<128xi32, #tpu.memory_space<vmem>>, vector<16xi32>,
      %add3A_103 = arith.constant 10112 : i32
      %add3A_104 = vector.broadcast %add3A_103 : i32 to vector<16xi32>
      %add3A_105 = arith.addi %get3A_63, %add3A_104 : vector<16xi32>
      %swap3A_106 = arith.constant 0 : index
      %swap3A_107 = tpu.vector_load %arg14[%swap3A_106] {strides = array<i32>} : memref<128xi32, #tpu.memory_space<vmem>>, vector<16xi32>,
      tpu.vector_store %arg14[%swap3A_106], %add3A_105 {strides = array<i32>} : memref<128xi32, #tpu.memory_space<vmem>>, vector<16xi32>,
      %get3A_108 = arith.constant 0 : i32
      %get3A_109 = arith.index_cast %while3A_59 : i32 to index
      %get3A_110 = arith.index_cast %get3A_108 : i32 to index
      %get3A_111 = arith.constant 16 : index
      %get3A_112 = tpu.vector_load %arg9[%get3A_109, %get3A_110, %get3A_111] {strides = array<i32>} : memref<116x1x128xi32, #tpu.memory_space<vmem>>, vector<16xi32>,
      %get3A_113 = arith.constant 0 : i32
      %get3A_114 = arith.index_cast %while3A_59 : i32 to index
      %get3A_115 = arith.index_cast %get3A_113 : i32 to index
      %get3A_116 = arith.constant 16 : index
      %get3A_117 = tpu.vector_load %arg10[%get3A_114, %get3A_115, %get3A_116] {strides = array<i32>} : memref<116x1x128xi32, #tpu.memory_space<vmem>>, vector<16xi32>,
      %gather3A_118 = tpu.vector_load_idx %arg8[%get3A_112] : memref<40448xf32, #tpu.memory_space<vmem>>[vector<16xi32>], vector<16xf32>,
      %add3A_119 = arith.constant 20224 : i32
      %add3A_120 = vector.broadcast %add3A_119 : i32 to vector<16xi32>
      %add3A_121 = arith.addi %get3A_117, %add3A_120 : vector<16xi32>
      %gather3A_122 = tpu.vector_load_idx %arg8[%add3A_121] : memref<40448xf32, #tpu.memory_space<vmem>>[vector<16xi32>], vector<16xf32>,
      %add3A_123 = arith.addf %gather3A_118, %gather3A_122 : vector<16xf32>
      %add3A_124 = arith.constant 10112 : i32
      %add3A_125 = vector.broadcast %add3A_124 : i32 to vector<16xi32>
      %add3A_126 = arith.addi %get3A_112, %add3A_125 : vector<16xi32>
      %gather3A_127 = tpu.vector_load_idx %arg8[%add3A_126] : memref<40448xf32, #tpu.memory_space<vmem>>[vector<16xi32>], vector<16xf32>,
      %add3A_128 = arith.constant 30336 : i32
      %add3A_129 = vector.broadcast %add3A_128 : i32 to vector<16xi32>
      %add3A_130 = arith.addi %get3A_117, %add3A_129 : vector<16xi32>
      %gather3A_131 = tpu.vector_load_idx %arg8[%add3A_130] : memref<40448xf32, #tpu.memory_space<vmem>>[vector<16xi32>], vector<16xf32>,
      %add3A_132 = arith.addf %gather3A_127, %gather3A_131 : vector<16xf32>
      %ge3A_133 = arith.constant 0.000000e+00 : f32
      %ge3A_134 = vector.broadcast %ge3A_133 : f32 to vector<16xf32>
      %ge3A_135 = arith.cmpf oge, %add3A_123, %ge3A_134 : vector<16xf32>
      %mul3A_136 = arith.constant 2.000000e-01 : f32
      %mul3A_137 = vector.broadcast %mul3A_136 : f32 to vector<16xf32>
      %mul3A_138 = arith.mulf %add3A_123, %mul3A_137 : vector<16xf32>
      %select_n3A_139 = arith.select %ge3A_135, %add3A_123, %mul3A_138 : vector<16xi1>, vector<16xf32>
      %exp3A_140 = math.exp %select_n3A_139 : vector<16xf32>
      %ge3A_141 = arith.constant 0.000000e+00 : f32
      %ge3A_142 = vector.broadcast %ge3A_141 : f32 to vector<16xf32>
      %ge3A_143 = arith.cmpf oge, %add3A_132, %ge3A_142 : vector<16xf32>
      %mul3A_144 = arith.constant 2.000000e-01 : f32
      %mul3A_145 = vector.broadcast %mul3A_144 : f32 to vector<16xf32>
      %mul3A_146 = arith.mulf %add3A_132, %mul3A_145 : vector<16xf32>
      %select_n3A_147 = arith.select %ge3A_143, %add3A_132, %mul3A_146 : vector<16xi1>, vector<16xf32>
      %exp3A_148 = math.exp %select_n3A_147 : vector<16xf32>
      %swap3A_149 = arith.constant 16 : index
      %swap3A_150 = tpu.vector_load %arg11[%swap3A_149] {strides = array<i32>} : memref<128xf32, #tpu.memory_space<vmem>>, vector<16xf32>,
      tpu.vector_store %arg11[%swap3A_149], %exp3A_140 {strides = array<i32>} : memref<128xf32, #tpu.memory_space<vmem>>, vector<16xf32>,
      %swap3A_151 = arith.constant 16 : index
      %swap3A_152 = tpu.vector_load %arg12[%swap3A_151] {strides = array<i32>} : memref<128xf32, #tpu.memory_space<vmem>>, vector<16xf32>,
      tpu.vector_store %arg12[%swap3A_151], %exp3A_148 {strides = array<i32>} : memref<128xf32, #tpu.memory_space<vmem>>, vector<16xf32>,
      %swap3A_153 = arith.constant 16 : index
      %swap3A_154 = tpu.vector_load %arg13[%swap3A_153] {strides = array<i32>} : memref<128xi32, #tpu.memory_space<vmem>>, vector<16xi32>,
      tpu.vector_store %arg13[%swap3A_153], %get3A_112 {strides = array<i32>} : memref<128xi32, #tpu.memory_space<vmem>>, vector<16xi32>,
      %add3A_155 = arith.constant 10112 : i32
      %add3A_156 = vector.broadcast %add3A_155 : i32 to vector<16xi32>
      %add3A_157 = arith.addi %get3A_112, %add3A_156 : vector<16xi32>
      %swap3A_158 = arith.constant 16 : index
      %swap3A_159 = tpu.vector_load %arg14[%swap3A_158] {strides = array<i32>} : memref<128xi32, #tpu.memory_space<vmem>>, vector<16xi32>,
      tpu.vector_store %arg14[%swap3A_158], %add3A_157 {strides = array<i32>} : memref<128xi32, #tpu.memory_space<vmem>>, vector<16xi32>,
      %get3A_160 = arith.constant 0 : i32
      %get3A_161 = arith.index_cast %while3A_59 : i32 to index
      %get3A_162 = arith.index_cast %get3A_160 : i32 to index
      %get3A_163 = arith.constant 32 : index
      %get3A_164 = tpu.vector_load %arg9[%get3A_161, %get3A_162, %get3A_163] {strides = array<i32>} : memref<116x1x128xi32, #tpu.memory_space<vmem>>, vector<16xi32>,
      %get3A_165 = arith.constant 0 : i32
      %get3A_166 = arith.index_cast %while3A_59 : i32 to index
      %get3A_167 = arith.index_cast %get3A_165 : i32 to index
      %get3A_168 = arith.constant 32 : index
      %get3A_169 = tpu.vector_load %arg10[%get3A_166, %get3A_167, %get3A_168] {strides = array<i32>} : memref<116x1x128xi32, #tpu.memory_space<vmem>>, vector<16xi32>,
      %gather3A_170 = tpu.vector_load_idx %arg8[%get3A_164] : memref<40448xf32, #tpu.memory_space<vmem>>[vector<16xi32>], vector<16xf32>,
      %add3A_171 = arith.constant 20224 : i32
      %add3A_172 = vector.broadcast %add3A_171 : i32 to vector<16xi32>
      %add3A_173 = arith.addi %get3A_169, %add3A_172 : vector<16xi32>
      %gather3A_174 = tpu.vector_load_idx %arg8[%add3A_173] : memref<40448xf32, #tpu.memory_space<vmem>>[vector<16xi32>], vector<16xf32>,
      %add3A_175 = arith.addf %gather3A_170, %gather3A_174 : vector<16xf32>
      %add3A_176 = arith.constant 10112 : i32
      %add3A_177 = vector.broadcast %add3A_176 : i32 to vector<16xi32>
      %add3A_178 = arith.addi %get3A_164, %add3A_177 : vector<16xi32>
      %gather3A_179 = tpu.vector_load_idx %arg8[%add3A_178] : memref<40448xf32, #tpu.memory_space<vmem>>[vector<16xi32>], vector<16xf32>,
      %add3A_180 = arith.constant 30336 : i32
      %add3A_181 = vector.broadcast %add3A_180 : i32 to vector<16xi32>
      %add3A_182 = arith.addi %get3A_169, %add3A_181 : vector<16xi32>
      %gather3A_183 = tpu.vector_load_idx %arg8[%add3A_182] : memref<40448xf32, #tpu.memory_space<vmem>>[vector<16xi32>], vector<16xf32>,
      %add3A_184 = arith.addf %gather3A_179, %gather3A_183 : vector<16xf32>
      %ge3A_185 = arith.constant 0.000000e+00 : f32
      %ge3A_186 = vector.broadcast %ge3A_185 : f32 to vector<16xf32>
      %ge3A_187 = arith.cmpf oge, %add3A_175, %ge3A_186 : vector<16xf32>
      %mul3A_188 = arith.constant 2.000000e-01 : f32
      %mul3A_189 = vector.broadcast %mul3A_188 : f32 to vector<16xf32>
      %mul3A_190 = arith.mulf %add3A_175, %mul3A_189 : vector<16xf32>
      %select_n3A_191 = arith.select %ge3A_187, %add3A_175, %mul3A_190 : vector<16xi1>, vector<16xf32>
      %exp3A_192 = math.exp %select_n3A_191 : vector<16xf32>
      %ge3A_193 = arith.constant 0.000000e+00 : f32
      %ge3A_194 = vector.broadcast %ge3A_193 : f32 to vector<16xf32>
      %ge3A_195 = arith.cmpf oge, %add3A_184, %ge3A_194 : vector<16xf32>
      %mul3A_196 = arith.constant 2.000000e-01 : f32
      %mul3A_197 = vector.broadcast %mul3A_196 : f32 to vector<16xf32>
      %mul3A_198 = arith.mulf %add3A_184, %mul3A_197 : vector<16xf32>
      %select_n3A_199 = arith.select %ge3A_195, %add3A_184, %mul3A_198 : vector<16xi1>, vector<16xf32>
      %exp3A_200 = math.exp %select_n3A_199 : vector<16xf32>
      %swap3A_201 = arith.constant 32 : index
      %swap3A_202 = tpu.vector_load %arg11[%swap3A_201] {strides = array<i32>} : memref<128xf32, #tpu.memory_space<vmem>>, vector<16xf32>,
      tpu.vector_store %arg11[%swap3A_201], %exp3A_192 {strides = array<i32>} : memref<128xf32, #tpu.memory_space<vmem>>, vector<16xf32>,
      %swap3A_203 = arith.constant 32 : index
      %swap3A_204 = tpu.vector_load %arg12[%swap3A_203] {strides = array<i32>} : memref<128xf32, #tpu.memory_space<vmem>>, vector<16xf32>,
      tpu.vector_store %arg12[%swap3A_203], %exp3A_200 {strides = array<i32>} : memref<128xf32, #tpu.memory_space<vmem>>, vector<16xf32>,
      %swap3A_205 = arith.constant 32 : index
      %swap3A_206 = tpu.vector_load %arg13[%swap3A_205] {strides = array<i32>} : memref<128xi32, #tpu.memory_space<vmem>>, vector<16xi32>,
      tpu.vector_store %arg13[%swap3A_205], %get3A_164 {strides = array<i32>} : memref<128xi32, #tpu.memory_space<vmem>>, vector<16xi32>,
      %add3A_207 = arith.constant 10112 : i32
      %add3A_208 = vector.broadcast %add3A_207 : i32 to vector<16xi32>
      %add3A_209 = arith.addi %get3A_164, %add3A_208 : vector<16xi32>
      %swap3A_210 = arith.constant 32 : index
      %swap3A_211 = tpu.vector_load %arg14[%swap3A_210] {strides = array<i32>} : memref<128xi32, #tpu.memory_space<vmem>>, vector<16xi32>,
      tpu.vector_store %arg14[%swap3A_210], %add3A_209 {strides = array<i32>} : memref<128xi32, #tpu.memory_space<vmem>>, vector<16xi32>,
      %get3A_212 = arith.constant 0 : i32
      %get3A_213 = arith.index_cast %while3A_59 : i32 to index
      %get3A_214 = arith.index_cast %get3A_212 : i32 to index
      %get3A_215 = arith.constant 48 : index
      %get3A_216 = tpu.vector_load %arg9[%get3A_213, %get3A_214, %get3A_215] {strides = array<i32>} : memref<116x1x128xi32, #tpu.memory_space<vmem>>, vector<16xi32>,
      %get3A_217 = arith.constant 0 : i32
      %get3A_218 = arith.index_cast %while3A_59 : i32 to index
      %get3A_219 = arith.index_cast %get3A_217 : i32 to index
      %get3A_220 = arith.constant 48 : index
      %get3A_221 = tpu.vector_load %arg10[%get3A_218, %get3A_219, %get3A_220] {strides = array<i32>} : memref<116x1x128xi32, #tpu.memory_space<vmem>>, vector<16xi32>,
      %gather3A_222 = tpu.vector_load_idx %arg8[%get3A_216] : memref<40448xf32, #tpu.memory_space<vmem>>[vector<16xi32>], vector<16xf32>,
      %add3A_223 = arith.constant 20224 : i32
      %add3A_224 = vector.broadcast %add3A_223 : i32 to vector<16xi32>
      %add3A_225 = arith.addi %get3A_221, %add3A_224 : vector<16xi32>
      %gather3A_226 = tpu.vector_load_idx %arg8[%add3A_225] : memref<40448xf32, #tpu.memory_space<vmem>>[vector<16xi32>], vector<16xf32>,
      %add3A_227 = arith.addf %gather3A_222, %gather3A_226 : vector<16xf32>
      %add3A_228 = arith.constant 10112 : i32
      %add3A_229 = vector.broadcast %add3A_228 : i32 to vector<16xi32>
      %add3A_230 = arith.addi %get3A_216, %add3A_229 : vector<16xi32>
      %gather3A_231 = tpu.vector_load_idx %arg8[%add3A_230] : memref<40448xf32, #tpu.memory_space<vmem>>[vector<16xi32>], vector<16xf32>,
      %add3A_232 = arith.constant 30336 : i32
      %add3A_233 = vector.broadcast %add3A_232 : i32 to vector<16xi32>
      %add3A_234 = arith.addi %get3A_221, %add3A_233 : vector<16xi32>
      %gather3A_235 = tpu.vector_load_idx %arg8[%add3A_234] : memref<40448xf32, #tpu.memory_space<vmem>>[vector<16xi32>], vector<16xf32>,
      %add3A_236 = arith.addf %gather3A_231, %gather3A_235 : vector<16xf32>
      %ge3A_237 = arith.constant 0.000000e+00 : f32
      %ge3A_238 = vector.broadcast %ge3A_237 : f32 to vector<16xf32>
      %ge3A_239 = arith.cmpf oge, %add3A_227, %ge3A_238 : vector<16xf32>
      %mul3A_240 = arith.constant 2.000000e-01 : f32
      %mul3A_241 = vector.broadcast %mul3A_240 : f32 to vector<16xf32>
      %mul3A_242 = arith.mulf %add3A_227, %mul3A_241 : vector<16xf32>
      %select_n3A_243 = arith.select %ge3A_239, %add3A_227, %mul3A_242 : vector<16xi1>, vector<16xf32>
      %exp3A_244 = math.exp %select_n3A_243 : vector<16xf32>
      %ge3A_245 = arith.constant 0.000000e+00 : f32
      %ge3A_246 = vector.broadcast %ge3A_245 : f32 to vector<16xf32>
      %ge3A_247 = arith.cmpf oge, %add3A_236, %ge3A_246 : vector<16xf32>
      %mul3A_248 = arith.constant 2.000000e-01 : f32
      %mul3A_249 = vector.broadcast %mul3A_248 : f32 to vector<16xf32>
      %mul3A_250 = arith.mulf %add3A_236, %mul3A_249 : vector<16xf32>
      %select_n3A_251 = arith.select %ge3A_247, %add3A_236, %mul3A_250 : vector<16xi1>, vector<16xf32>
      %exp3A_252 = math.exp %select_n3A_251 : vector<16xf32>
      %swap3A_253 = arith.constant 48 : index
      %swap3A_254 = tpu.vector_load %arg11[%swap3A_253] {strides = array<i32>} : memref<128xf32, #tpu.memory_space<vmem>>, vector<16xf32>,
      tpu.vector_store %arg11[%swap3A_253], %exp3A_244 {strides = array<i32>} : memref<128xf32, #tpu.memory_space<vmem>>, vector<16xf32>,
      %swap3A_255 = arith.constant 48 : index
      %swap3A_256 = tpu.vector_load %arg12[%swap3A_255] {strides = array<i32>} : memref<128xf32, #tpu.memory_space<vmem>>, vector<16xf32>,
      tpu.vector_store %arg12[%swap3A_255], %exp3A_252 {strides = array<i32>} : memref<128xf32, #tpu.memory_space<vmem>>, vector<16xf32>,
      %swap3A_257 = arith.constant 48 : index
      %swap3A_258 = tpu.vector_load %arg13[%swap3A_257] {strides = array<i32>} : memref<128xi32, #tpu.memory_space<vmem>>, vector<16xi32>,
      tpu.vector_store %arg13[%swap3A_257], %get3A_216 {strides = array<i32>} : memref<128xi32, #tpu.memory_space<vmem>>, vector<16xi32>,
      %add3A_259 = arith.constant 10112 : i32
      %add3A_260 = vector.broadcast %add3A_259 : i32 to vector<16xi32>
      %add3A_261 = arith.addi %get3A_216, %add3A_260 : vector<16xi32>
      %swap3A_262 = arith.constant 48 : index
      %swap3A_263 = tpu.vector_load %arg14[%swap3A_262] {strides = array<i32>} : memref<128xi32, #tpu.memory_space<vmem>>, vector<16xi32>,
      tpu.vector_store %arg14[%swap3A_262], %add3A_261 {strides = array<i32>} : memref<128xi32, #tpu.memory_space<vmem>>, vector<16xi32>,
      %get3A_264 = arith.constant 0 : i32
      %get3A_265 = arith.index_cast %while3A_59 : i32 to index
      %get3A_266 = arith.index_cast %get3A_264 : i32 to index
      %get3A_267 = arith.constant 64 : index
      %get3A_268 = tpu.vector_load %arg9[%get3A_265, %get3A_266, %get3A_267] {strides = array<i32>} : memref<116x1x128xi32, #tpu.memory_space<vmem>>, vector<16xi32>,
      %get3A_269 = arith.constant 0 : i32
      %get3A_270 = arith.index_cast %while3A_59 : i32 to index
      %get3A_271 = arith.index_cast %get3A_269 : i32 to index
      %get3A_272 = arith.constant 64 : index
      %get3A_273 = tpu.vector_load %arg10[%get3A_270, %get3A_271, %get3A_272] {strides = array<i32>} : memref<116x1x128xi32, #tpu.memory_space<vmem>>, vector<16xi32>,
      %gather3A_274 = tpu.vector_load_idx %arg8[%get3A_268] : memref<40448xf32, #tpu.memory_space<vmem>>[vector<16xi32>], vector<16xf32>,
      %add3A_275 = arith.constant 20224 : i32
      %add3A_276 = vector.broadcast %add3A_275 : i32 to vector<16xi32>
      %add3A_277 = arith.addi %get3A_273, %add3A_276 : vector<16xi32>
      %gather3A_278 = tpu.vector_load_idx %arg8[%add3A_277] : memref<40448xf32, #tpu.memory_space<vmem>>[vector<16xi32>], vector<16xf32>,
      %add3A_279 = arith.addf %gather3A_274, %gather3A_278 : vector<16xf32>
      %add3A_280 = arith.constant 10112 : i32
      %add3A_281 = vector.broadcast %add3A_280 : i32 to vector<16xi32>
      %add3A_282 = arith.addi %get3A_268, %add3A_281 : vector<16xi32>
      %gather3A_283 = tpu.vector_load_idx %arg8[%add3A_282] : memref<40448xf32, #tpu.memory_space<vmem>>[vector<16xi32>], vector<16xf32>,
      %add3A_284 = arith.constant 30336 : i32
      %add3A_285 = vector.broadcast %add3A_284 : i32 to vector<16xi32>
      %add3A_286 = arith.addi %get3A_273, %add3A_285 : vector<16xi32>
      %gather3A_287 = tpu.vector_load_idx %arg8[%add3A_286] : memref<40448xf32, #tpu.memory_space<vmem>>[vector<16xi32>], vector<16xf32>,
      %add3A_288 = arith.addf %gather3A_283, %gather3A_287 : vector<16xf32>
      %ge3A_289 = arith.constant 0.000000e+00 : f32
      %ge3A_290 = vector.broadcast %ge3A_289 : f32 to vector<16xf32>
      %ge3A_291 = arith.cmpf oge, %add3A_279, %ge3A_290 : vector<16xf32>
      %mul3A_292 = arith.constant 2.000000e-01 : f32
      %mul3A_293 = vector.broadcast %mul3A_292 : f32 to vector<16xf32>
      %mul3A_294 = arith.mulf %add3A_279, %mul3A_293 : vector<16xf32>
      %select_n3A_295 = arith.select %ge3A_291, %add3A_279, %mul3A_294 : vector<16xi1>, vector<16xf32>
      %exp3A_296 = math.exp %select_n3A_295 : vector<16xf32>
      %ge3A_297 = arith.constant 0.000000e+00 : f32
      %ge3A_298 = vector.broadcast %ge3A_297 : f32 to vector<16xf32>
      %ge3A_299 = arith.cmpf oge, %add3A_288, %ge3A_298 : vector<16xf32>
      %mul3A_300 = arith.constant 2.000000e-01 : f32
      %mul3A_301 = vector.broadcast %mul3A_300 : f32 to vector<16xf32>
      %mul3A_302 = arith.mulf %add3A_288, %mul3A_301 : vector<16xf32>
      %select_n3A_303 = arith.select %ge3A_299, %add3A_288, %mul3A_302 : vector<16xi1>, vector<16xf32>
      %exp3A_304 = math.exp %select_n3A_303 : vector<16xf32>
      %swap3A_305 = arith.constant 64 : index
      %swap3A_306 = tpu.vector_load %arg11[%swap3A_305] {strides = array<i32>} : memref<128xf32, #tpu.memory_space<vmem>>, vector<16xf32>,
      tpu.vector_store %arg11[%swap3A_305], %exp3A_296 {strides = array<i32>} : memref<128xf32, #tpu.memory_space<vmem>>, vector<16xf32>,
      %swap3A_307 = arith.constant 64 : index
      %swap3A_308 = tpu.vector_load %arg12[%swap3A_307] {strides = array<i32>} : memref<128xf32, #tpu.memory_space<vmem>>, vector<16xf32>,
      tpu.vector_store %arg12[%swap3A_307], %exp3A_304 {strides = array<i32>} : memref<128xf32, #tpu.memory_space<vmem>>, vector<16xf32>,
      %swap3A_309 = arith.constant 64 : index
      %swap3A_310 = tpu.vector_load %arg13[%swap3A_309] {strides = array<i32>} : memref<128xi32, #tpu.memory_space<vmem>>, vector<16xi32>,
      tpu.vector_store %arg13[%swap3A_309], %get3A_268 {strides = array<i32>} : memref<128xi32, #tpu.memory_space<vmem>>, vector<16xi32>,
      %add3A_311 = arith.constant 10112 : i32
      %add3A_312 = vector.broadcast %add3A_311 : i32 to vector<16xi32>
      %add3A_313 = arith.addi %get3A_268, %add3A_312 : vector<16xi32>
      %swap3A_314 = arith.constant 64 : index
      %swap3A_315 = tpu.vector_load %arg14[%swap3A_314] {strides = array<i32>} : memref<128xi32, #tpu.memory_space<vmem>>, vector<16xi32>,
      tpu.vector_store %arg14[%swap3A_314], %add3A_313 {strides = array<i32>} : memref<128xi32, #tpu.memory_space<vmem>>, vector<16xi32>,
      %get3A_316 = arith.constant 0 : i32
      %get3A_317 = arith.index_cast %while3A_59 : i32 to index
      %get3A_318 = arith.index_cast %get3A_316 : i32 to index
      %get3A_319 = arith.constant 80 : index
      %get3A_320 = tpu.vector_load %arg9[%get3A_317, %get3A_318, %get3A_319] {strides = array<i32>} : memref<116x1x128xi32, #tpu.memory_space<vmem>>, vector<16xi32>,
      %get3A_321 = arith.constant 0 : i32
      %get3A_322 = arith.index_cast %while3A_59 : i32 to index
      %get3A_323 = arith.index_cast %get3A_321 : i32 to index
      %get3A_324 = arith.constant 80 : index
      %get3A_325 = tpu.vector_load %arg10[%get3A_322, %get3A_323, %get3A_324] {strides = array<i32>} : memref<116x1x128xi32, #tpu.memory_space<vmem>>, vector<16xi32>,
      %gather3A_326 = tpu.vector_load_idx %arg8[%get3A_320] : memref<40448xf32, #tpu.memory_space<vmem>>[vector<16xi32>], vector<16xf32>,
      %add3A_327 = arith.constant 20224 : i32
      %add3A_328 = vector.broadcast %add3A_327 : i32 to vector<16xi32>
      %add3A_329 = arith.addi %get3A_325, %add3A_328 : vector<16xi32>
      %gather3A_330 = tpu.vector_load_idx %arg8[%add3A_329] : memref<40448xf32, #tpu.memory_space<vmem>>[vector<16xi32>], vector<16xf32>,
      %add3A_331 = arith.addf %gather3A_326, %gather3A_330 : vector<16xf32>
      %add3A_332 = arith.constant 10112 : i32
      %add3A_333 = vector.broadcast %add3A_332 : i32 to vector<16xi32>
      %add3A_334 = arith.addi %get3A_320, %add3A_333 : vector<16xi32>
      %gather3A_335 = tpu.vector_load_idx %arg8[%add3A_334] : memref<40448xf32, #tpu.memory_space<vmem>>[vector<16xi32>], vector<16xf32>,
      %add3A_336 = arith.constant 30336 : i32
      %add3A_337 = vector.broadcast %add3A_336 : i32 to vector<16xi32>
      %add3A_338 = arith.addi %get3A_325, %add3A_337 : vector<16xi32>
      %gather3A_339 = tpu.vector_load_idx %arg8[%add3A_338] : memref<40448xf32, #tpu.memory_space<vmem>>[vector<16xi32>], vector<16xf32>,
      %add3A_340 = arith.addf %gather3A_335, %gather3A_339 : vector<16xf32>
      %ge3A_341 = arith.constant 0.000000e+00 : f32
      %ge3A_342 = vector.broadcast %ge3A_341 : f32 to vector<16xf32>
      %ge3A_343 = arith.cmpf oge, %add3A_331, %ge3A_342 : vector<16xf32>
      %mul3A_344 = arith.constant 2.000000e-01 : f32
      %mul3A_345 = vector.broadcast %mul3A_344 : f32 to vector<16xf32>
      %mul3A_346 = arith.mulf %add3A_331, %mul3A_345 : vector<16xf32>
      %select_n3A_347 = arith.select %ge3A_343, %add3A_331, %mul3A_346 : vector<16xi1>, vector<16xf32>
      %exp3A_348 = math.exp %select_n3A_347 : vector<16xf32>
      %ge3A_349 = arith.constant 0.000000e+00 : f32
      %ge3A_350 = vector.broadcast %ge3A_349 : f32 to vector<16xf32>
      %ge3A_351 = arith.cmpf oge, %add3A_340, %ge3A_350 : vector<16xf32>
      %mul3A_352 = arith.constant 2.000000e-01 : f32
      %mul3A_353 = vector.broadcast %mul3A_352 : f32 to vector<16xf32>
      %mul3A_354 = arith.mulf %add3A_340, %mul3A_353 : vector<16xf32>
      %select_n3A_355 = arith.select %ge3A_351, %add3A_340, %mul3A_354 : vector<16xi1>, vector<16xf32>
      %exp3A_356 = math.exp %select_n3A_355 : vector<16xf32>
      %swap3A_357 = arith.constant 80 : index
      %swap3A_358 = tpu.vector_load %arg11[%swap3A_357] {strides = array<i32>} : memref<128xf32, #tpu.memory_space<vmem>>, vector<16xf32>,
      tpu.vector_store %arg11[%swap3A_357], %exp3A_348 {strides = array<i32>} : memref<128xf32, #tpu.memory_space<vmem>>, vector<16xf32>,
      %swap3A_359 = arith.constant 80 : index
      %swap3A_360 = tpu.vector_load %arg12[%swap3A_359] {strides = array<i32>} : memref<128xf32, #tpu.memory_space<vmem>>, vector<16xf32>,
      tpu.vector_store %arg12[%swap3A_359], %exp3A_356 {strides = array<i32>} : memref<128xf32, #tpu.memory_space<vmem>>, vector<16xf32>,
      %swap3A_361 = arith.constant 80 : index
      %swap3A_362 = tpu.vector_load %arg13[%swap3A_361] {strides = array<i32>} : memref<128xi32, #tpu.memory_space<vmem>>, vector<16xi32>,
      tpu.vector_store %arg13[%swap3A_361], %get3A_320 {strides = array<i32>} : memref<128xi32, #tpu.memory_space<vmem>>, vector<16xi32>,
      %add3A_363 = arith.constant 10112 : i32
      %add3A_364 = vector.broadcast %add3A_363 : i32 to vector<16xi32>
      %add3A_365 = arith.addi %get3A_320, %add3A_364 : vector<16xi32>
      %swap3A_366 = arith.constant 80 : index
      %swap3A_367 = tpu.vector_load %arg14[%swap3A_366] {strides = array<i32>} : memref<128xi32, #tpu.memory_space<vmem>>, vector<16xi32>,
      tpu.vector_store %arg14[%swap3A_366], %add3A_365 {strides = array<i32>} : memref<128xi32, #tpu.memory_space<vmem>>, vector<16xi32>,
      %get3A_368 = arith.constant 0 : i32
      %get3A_369 = arith.index_cast %while3A_59 : i32 to index
      %get3A_370 = arith.index_cast %get3A_368 : i32 to index
      %get3A_371 = arith.constant 96 : index
      %get3A_372 = tpu.vector_load %arg9[%get3A_369, %get3A_370, %get3A_371] {strides = array<i32>} : memref<116x1x128xi32, #tpu.memory_space<vmem>>, vector<16xi32>,
      %get3A_373 = arith.constant 0 : i32
      %get3A_374 = arith.index_cast %while3A_59 : i32 to index
      %get3A_375 = arith.index_cast %get3A_373 : i32 to index
      %get3A_376 = arith.constant 96 : index
      %get3A_377 = tpu.vector_load %arg10[%get3A_374, %get3A_375, %get3A_376] {strides = array<i32>} : memref<116x1x128xi32, #tpu.memory_space<vmem>>, vector<16xi32>,
      %gather3A_378 = tpu.vector_load_idx %arg8[%get3A_372] : memref<40448xf32, #tpu.memory_space<vmem>>[vector<16xi32>], vector<16xf32>,
      %add3A_379 = arith.constant 20224 : i32
      %add3A_380 = vector.broadcast %add3A_379 : i32 to vector<16xi32>
      %add3A_381 = arith.addi %get3A_377, %add3A_380 : vector<16xi32>
      %gather3A_382 = tpu.vector_load_idx %arg8[%add3A_381] : memref<40448xf32, #tpu.memory_space<vmem>>[vector<16xi32>], vector<16xf32>,
      %add3A_383 = arith.addf %gather3A_378, %gather3A_382 : vector<16xf32>
      %add3A_384 = arith.constant 10112 : i32
      %add3A_385 = vector.broadcast %add3A_384 : i32 to vector<16xi32>
      %add3A_386 = arith.addi %get3A_372, %add3A_385 : vector<16xi32>
      %gather3A_387 = tpu.vector_load_idx %arg8[%add3A_386] : memref<40448xf32, #tpu.memory_space<vmem>>[vector<16xi32>], vector<16xf32>,
      %add3A_388 = arith.constant 30336 : i32
      %add3A_389 = vector.broadcast %add3A_388 : i32 to vector<16xi32>
      %add3A_390 = arith.addi %get3A_377, %add3A_389 : vector<16xi32>
      %gather3A_391 = tpu.vector_load_idx %arg8[%add3A_390] : memref<40448xf32, #tpu.memory_space<vmem>>[vector<16xi32>], vector<16xf32>,
      %add3A_392 = arith.addf %gather3A_387, %gather3A_391 : vector<16xf32>
      %ge3A_393 = arith.constant 0.000000e+00 : f32
      %ge3A_394 = vector.broadcast %ge3A_393 : f32 to vector<16xf32>
      %ge3A_395 = arith.cmpf oge, %add3A_383, %ge3A_394 : vector<16xf32>
      %mul3A_396 = arith.constant 2.000000e-01 : f32
      %mul3A_397 = vector.broadcast %mul3A_396 : f32 to vector<16xf32>
      %mul3A_398 = arith.mulf %add3A_383, %mul3A_397 : vector<16xf32>
      %select_n3A_399 = arith.select %ge3A_395, %add3A_383, %mul3A_398 : vector<16xi1>, vector<16xf32>
      %exp3A_400 = math.exp %select_n3A_399 : vector<16xf32>
      %ge3A_401 = arith.constant 0.000000e+00 : f32
      %ge3A_402 = vector.broadcast %ge3A_401 : f32 to vector<16xf32>
      %ge3A_403 = arith.cmpf oge, %add3A_392, %ge3A_402 : vector<16xf32>
      %mul3A_404 = arith.constant 2.000000e-01 : f32
      %mul3A_405 = vector.broadcast %mul3A_404 : f32 to vector<16xf32>
      %mul3A_406 = arith.mulf %add3A_392, %mul3A_405 : vector<16xf32>
      %select_n3A_407 = arith.select %ge3A_403, %add3A_392, %mul3A_406 : vector<16xi1>, vector<16xf32>
      %exp3A_408 = math.exp %select_n3A_407 : vector<16xf32>
      %swap3A_409 = arith.constant 96 : index
      %swap3A_410 = tpu.vector_load %arg11[%swap3A_409] {strides = array<i32>} : memref<128xf32, #tpu.memory_space<vmem>>, vector<16xf32>,
      tpu.vector_store %arg11[%swap3A_409], %exp3A_400 {strides = array<i32>} : memref<128xf32, #tpu.memory_space<vmem>>, vector<16xf32>,
      %swap3A_411 = arith.constant 96 : index
      %swap3A_412 = tpu.vector_load %arg12[%swap3A_411] {strides = array<i32>} : memref<128xf32, #tpu.memory_space<vmem>>, vector<16xf32>,
      tpu.vector_store %arg12[%swap3A_411], %exp3A_408 {strides = array<i32>} : memref<128xf32, #tpu.memory_space<vmem>>, vector<16xf32>,
      %swap3A_413 = arith.constant 96 : index
      %swap3A_414 = tpu.vector_load %arg13[%swap3A_413] {strides = array<i32>} : memref<128xi32, #tpu.memory_space<vmem>>, vector<16xi32>,
      tpu.vector_store %arg13[%swap3A_413], %get3A_372 {strides = array<i32>} : memref<128xi32, #tpu.memory_space<vmem>>, vector<16xi32>,
      %add3A_415 = arith.constant 10112 : i32
      %add3A_416 = vector.broadcast %add3A_415 : i32 to vector<16xi32>
      %add3A_417 = arith.addi %get3A_372, %add3A_416 : vector<16xi32>
      %swap3A_418 = arith.constant 96 : index
      %swap3A_419 = tpu.vector_load %arg14[%swap3A_418] {strides = array<i32>} : memref<128xi32, #tpu.memory_space<vmem>>, vector<16xi32>,
      tpu.vector_store %arg14[%swap3A_418], %add3A_417 {strides = array<i32>} : memref<128xi32, #tpu.memory_space<vmem>>, vector<16xi32>,
      %get3A_420 = arith.constant 0 : i32
      %get3A_421 = arith.index_cast %while3A_59 : i32 to index
      %get3A_422 = arith.index_cast %get3A_420 : i32 to index
      %get3A_423 = arith.constant 112 : index
      %get3A_424 = tpu.vector_load %arg9[%get3A_421, %get3A_422, %get3A_423] {strides = array<i32>} : memref<116x1x128xi32, #tpu.memory_space<vmem>>, vector<16xi32>,
      %get3A_425 = arith.constant 0 : i32
      %get3A_426 = arith.index_cast %while3A_59 : i32 to index
      %get3A_427 = arith.index_cast %get3A_425 : i32 to index
      %get3A_428 = arith.constant 112 : index
      %get3A_429 = tpu.vector_load %arg10[%get3A_426, %get3A_427, %get3A_428] {strides = array<i32>} : memref<116x1x128xi32, #tpu.memory_space<vmem>>, vector<16xi32>,
      %gather3A_430 = tpu.vector_load_idx %arg8[%get3A_424] : memref<40448xf32, #tpu.memory_space<vmem>>[vector<16xi32>], vector<16xf32>,
      %add3A_431 = arith.constant 20224 : i32
      %add3A_432 = vector.broadcast %add3A_431 : i32 to vector<16xi32>
      %add3A_433 = arith.addi %get3A_429, %add3A_432 : vector<16xi32>
      %gather3A_434 = tpu.vector_load_idx %arg8[%add3A_433] : memref<40448xf32, #tpu.memory_space<vmem>>[vector<16xi32>], vector<16xf32>,
      %add3A_435 = arith.addf %gather3A_430, %gather3A_434 : vector<16xf32>
      %add3A_436 = arith.constant 10112 : i32
      %add3A_437 = vector.broadcast %add3A_436 : i32 to vector<16xi32>
      %add3A_438 = arith.addi %get3A_424, %add3A_437 : vector<16xi32>
      %gather3A_439 = tpu.vector_load_idx %arg8[%add3A_438] : memref<40448xf32, #tpu.memory_space<vmem>>[vector<16xi32>], vector<16xf32>,
      %add3A_440 = arith.constant 30336 : i32
      %add3A_441 = vector.broadcast %add3A_440 : i32 to vector<16xi32>
      %add3A_442 = arith.addi %get3A_429, %add3A_441 : vector<16xi32>
      %gather3A_443 = tpu.vector_load_idx %arg8[%add3A_442] : memref<40448xf32, #tpu.memory_space<vmem>>[vector<16xi32>], vector<16xf32>,
      %add3A_444 = arith.addf %gather3A_439, %gather3A_443 : vector<16xf32>
      %ge3A_445 = arith.constant 0.000000e+00 : f32
      %ge3A_446 = vector.broadcast %ge3A_445 : f32 to vector<16xf32>
      %ge3A_447 = arith.cmpf oge, %add3A_435, %ge3A_446 : vector<16xf32>
      %mul3A_448 = arith.constant 2.000000e-01 : f32
      %mul3A_449 = vector.broadcast %mul3A_448 : f32 to vector<16xf32>
      %mul3A_450 = arith.mulf %add3A_435, %mul3A_449 : vector<16xf32>
      %select_n3A_451 = arith.select %ge3A_447, %add3A_435, %mul3A_450 : vector<16xi1>, vector<16xf32>
      %exp3A_452 = math.exp %select_n3A_451 : vector<16xf32>
      %ge3A_453 = arith.constant 0.000000e+00 : f32
      %ge3A_454 = vector.broadcast %ge3A_453 : f32 to vector<16xf32>
      %ge3A_455 = arith.cmpf oge, %add3A_444, %ge3A_454 : vector<16xf32>
      %mul3A_456 = arith.constant 2.000000e-01 : f32
      %mul3A_457 = vector.broadcast %mul3A_456 : f32 to vector<16xf32>
      %mul3A_458 = arith.mulf %add3A_444, %mul3A_457 : vector<16xf32>
      %select_n3A_459 = arith.select %ge3A_455, %add3A_444, %mul3A_458 : vector<16xi1>, vector<16xf32>
      %exp3A_460 = math.exp %select_n3A_459 : vector<16xf32>
      %swap3A_461 = arith.constant 112 : index
      %swap3A_462 = tpu.vector_load %arg11[%swap3A_461] {strides = array<i32>} : memref<128xf32, #tpu.memory_space<vmem>>, vector<16xf32>,
      tpu.vector_store %arg11[%swap3A_461], %exp3A_452 {strides = array<i32>} : memref<128xf32, #tpu.memory_space<vmem>>, vector<16xf32>,
      %swap3A_463 = arith.constant 112 : index
      %swap3A_464 = tpu.vector_load %arg12[%swap3A_463] {strides = array<i32>} : memref<128xf32, #tpu.memory_space<vmem>>, vector<16xf32>,
      tpu.vector_store %arg12[%swap3A_463], %exp3A_460 {strides = array<i32>} : memref<128xf32, #tpu.memory_space<vmem>>, vector<16xf32>,
      %swap3A_465 = arith.constant 112 : index
      %swap3A_466 = tpu.vector_load %arg13[%swap3A_465] {strides = array<i32>} : memref<128xi32, #tpu.memory_space<vmem>>, vector<16xi32>,
      tpu.vector_store %arg13[%swap3A_465], %get3A_424 {strides = array<i32>} : memref<128xi32, #tpu.memory_space<vmem>>, vector<16xi32>,
      %add3A_467 = arith.constant 10112 : i32
      %add3A_468 = vector.broadcast %add3A_467 : i32 to vector<16xi32>
      %add3A_469 = arith.addi %get3A_424, %add3A_468 : vector<16xi32>
      %swap3A_470 = arith.constant 112 : index
      %swap3A_471 = tpu.vector_load %arg14[%swap3A_470] {strides = array<i32>} : memref<128xi32, #tpu.memory_space<vmem>>, vector<16xi32>,
      tpu.vector_store %arg14[%swap3A_470], %add3A_469 {strides = array<i32>} : memref<128xi32, #tpu.memory_space<vmem>>, vector<16xi32>,
      "tpu.region"() ({
        %run_scoped3A_476 = tpu.sem_alloc : memref<!tpu.dma_semaphore, #tpu.memory_space<semaphore_mem>>
        %dma_start3A = arith.constant 0 : i32
        %dma_start3A_477 = tpu.memref_slice %arg15[%dma_start3A] : memref<20480xf32, #tpu.memory_space<vmem_shared>> -> memref<20480xf32, #tpu.memory_space<vmem_shared>>
        tpu.enqueue_indirect_dma source(%arg11 : memref<128xf32, #tpu.memory_space<vmem>>) target(%dma_start3A_477 : memref<20480xf32, #tpu.memory_space<vmem_shared>>) offsets(%arg13 : memref<128xi32, #tpu.memory_space<vmem>>) semaphore(%run_scoped3A_476 : memref<!tpu.dma_semaphore, #tpu.memory_space<semaphore_mem>>) {add = true}
        %dma_wait3A = arith.constant 0 : i32
        %dma_wait3A_478 = tpu.memref_slice %arg15[%dma_wait3A] : memref<20480xf32, #tpu.memory_space<vmem_shared>> -> memref<20480xf32, #tpu.memory_space<vmem_shared>>
        tpu.wait_indirect_dma semaphore(%run_scoped3A_476 : memref<!tpu.dma_semaphore, #tpu.memory_space<semaphore_mem>>) src(%arg11 : memref<128xf32, #tpu.memory_space<vmem>>) dst(%dma_wait3A_478 : memref<20480xf32, #tpu.memory_space<vmem_shared>>)
        tpu.yield
      }) : () -> ()
      "tpu.region"() ({
        %run_scoped3A_476 = tpu.sem_alloc : memref<!tpu.dma_semaphore, #tpu.memory_space<semaphore_mem>>
        %dma_start3A = arith.constant 0 : i32
        %dma_start3A_477 = tpu.memref_slice %arg15[%dma_start3A] : memref<20480xf32, #tpu.memory_space<vmem_shared>> -> memref<20480xf32, #tpu.memory_space<vmem_shared>>
        tpu.enqueue_indirect_dma source(%arg12 : memref<128xf32, #tpu.memory_space<vmem>>) target(%dma_start3A_477 : memref<20480xf32, #tpu.memory_space<vmem_shared>>) offsets(%arg14 : memref<128xi32, #tpu.memory_space<vmem>>) semaphore(%run_scoped3A_476 : memref<!tpu.dma_semaphore, #tpu.memory_space<semaphore_mem>>) {add = true}
        %dma_wait3A = arith.constant 0 : i32
        %dma_wait3A_478 = tpu.memref_slice %arg15[%dma_wait3A] : memref<20480xf32, #tpu.memory_space<vmem_shared>> -> memref<20480xf32, #tpu.memory_space<vmem_shared>>
        tpu.wait_indirect_dma semaphore(%run_scoped3A_476 : memref<!tpu.dma_semaphore, #tpu.memory_space<semaphore_mem>>) src(%arg12 : memref<128xf32, #tpu.memory_space<vmem>>) dst(%dma_wait3A_478 : memref<20480xf32, #tpu.memory_space<vmem_shared>>)
        tpu.yield
      }) : () -> ()
      %add3A_472 = arith.addi %select_n3A_8, %while3A_59 : i32
      %run_scoped3A_473 = arith.constant 0 : i32
      "tpu.region"() ({
        %run_scoped3A_476 = tpu.sem_alloc : memref<!tpu.dma_semaphore, #tpu.memory_space<semaphore_mem>>
        %dma_start3A = arith.constant 0 : i32
        %dma_start3A_477 = tpu.memref_slice %arg6[%add3A_472, %run_scoped3A_473, %dma_start3A] : memref<2676x1x128xf32, #tpu.memory_space<hbm>> -> memref<1x1x128xf32, #tpu.memory_space<hbm>>
        %dma_start3A_478 = tpu.memref_squeeze %dma_start3A_477 : memref<1x1x128xf32, #tpu.memory_space<hbm>> -> memref<128xf32, #tpu.memory_space<hbm>>
        %dma_start3A_479 = arith.constant 0 : i32
        %dma_start3A_480 = tpu.memref_slice %arg6[%add3A_472, %run_scoped3A_473, %dma_start3A_479] : memref<2676x1x128xf32, #tpu.memory_space<hbm>> -> memref<1x1x128xf32, #tpu.memory_space<hbm>>
        %dma_start3A_481 = tpu.memref_squeeze %dma_start3A_480 : memref<1x1x128xf32, #tpu.memory_space<hbm>> -> memref<128xf32, #tpu.memory_space<hbm>>
        tpu.enqueue_dma source(%arg11 : memref<128xf32, #tpu.memory_space<vmem>>) target(%dma_start3A_481 : memref<128xf32, #tpu.memory_space<hbm>>) target_semaphore(%run_scoped3A_476 : memref<!tpu.dma_semaphore, #tpu.memory_space<semaphore_mem>>)
        %dma_wait3A = arith.constant 0 : i32
        %dma_wait3A_482 = tpu.memref_slice %arg6[%add3A_472, %run_scoped3A_473, %dma_wait3A] : memref<2676x1x128xf32, #tpu.memory_space<hbm>> -> memref<1x1x128xf32, #tpu.memory_space<hbm>>
        %dma_wait3A_483 = tpu.memref_squeeze %dma_wait3A_482 : memref<1x1x128xf32, #tpu.memory_space<hbm>> -> memref<128xf32, #tpu.memory_space<hbm>>
        %dma_wait3A_484 = arith.constant 0 : i32
        %dma_wait3A_485 = tpu.memref_slice %arg6[%add3A_472, %run_scoped3A_473, %dma_wait3A_484] : memref<2676x1x128xf32, #tpu.memory_space<hbm>> -> memref<1x1x128xf32, #tpu.memory_space<hbm>>
        %dma_wait3A_486 = tpu.memref_squeeze %dma_wait3A_485 : memref<1x1x128xf32, #tpu.memory_space<hbm>> -> memref<128xf32, #tpu.memory_space<hbm>>
        tpu.wait_dma2 semaphore(%run_scoped3A_476 : memref<!tpu.dma_semaphore, #tpu.memory_space<semaphore_mem>>) src(%arg11 : memref<128xf32, #tpu.memory_space<vmem>>) dst(%dma_wait3A_486 : memref<128xf32, #tpu.memory_space<hbm>>)
        tpu.yield
      }) : () -> ()
      %add3A_474 = arith.addi %select_n3A_8, %while3A_59 : i32
      %run_scoped3A_475 = arith.constant 0 : i32
      "tpu.region"() ({
        %run_scoped3A_476 = tpu.sem_alloc : memref<!tpu.dma_semaphore, #tpu.memory_space<semaphore_mem>>
        %dma_start3A = arith.constant 0 : i32
        %dma_start3A_477 = tpu.memref_slice %arg7[%add3A_474, %run_scoped3A_475, %dma_start3A] : memref<2676x1x128xf32, #tpu.memory_space<hbm>> -> memref<1x1x128xf32, #tpu.memory_space<hbm>>
        %dma_start3A_478 = tpu.memref_squeeze %dma_start3A_477 : memref<1x1x128xf32, #tpu.memory_space<hbm>> -> memref<128xf32, #tpu.memory_space<hbm>>
        %dma_start3A_479 = arith.constant 0 : i32
        %dma_start3A_480 = tpu.memref_slice %arg7[%add3A_474, %run_scoped3A_475, %dma_start3A_479] : memref<2676x1x128xf32, #tpu.memory_space<hbm>> -> memref<1x1x128xf32, #tpu.memory_space<hbm>>
        %dma_start3A_481 = tpu.memref_squeeze %dma_start3A_480 : memref<1x1x128xf32, #tpu.memory_space<hbm>> -> memref<128xf32, #tpu.memory_space<hbm>>
        tpu.enqueue_dma source(%arg12 : memref<128xf32, #tpu.memory_space<vmem>>) target(%dma_start3A_481 : memref<128xf32, #tpu.memory_space<hbm>>) target_semaphore(%run_scoped3A_476 : memref<!tpu.dma_semaphore, #tpu.memory_space<semaphore_mem>>)
        %dma_wait3A = arith.constant 0 : i32
        %dma_wait3A_482 = tpu.memref_slice %arg7[%add3A_474, %run_scoped3A_475, %dma_wait3A] : memref<2676x1x128xf32, #tpu.memory_space<hbm>> -> memref<1x1x128xf32, #tpu.memory_space<hbm>>
        %dma_wait3A_483 = tpu.memref_squeeze %dma_wait3A_482 : memref<1x1x128xf32, #tpu.memory_space<hbm>> -> memref<128xf32, #tpu.memory_space<hbm>>
        %dma_wait3A_484 = arith.constant 0 : i32
        %dma_wait3A_485 = tpu.memref_slice %arg7[%add3A_474, %run_scoped3A_475, %dma_wait3A_484] : memref<2676x1x128xf32, #tpu.memory_space<hbm>> -> memref<1x1x128xf32, #tpu.memory_space<hbm>>
        %dma_wait3A_486 = tpu.memref_squeeze %dma_wait3A_485 : memref<1x1x128xf32, #tpu.memory_space<hbm>> -> memref<128xf32, #tpu.memory_space<hbm>>
        tpu.wait_dma2 semaphore(%run_scoped3A_476 : memref<!tpu.dma_semaphore, #tpu.memory_space<semaphore_mem>>) src(%arg12 : memref<128xf32, #tpu.memory_space<vmem>>) dst(%dma_wait3A_486 : memref<128xf32, #tpu.memory_space<hbm>>)
        tpu.yield
      }) : () -> ()
    }
    %barrier3A_56 = arith.constant 0 : index
    tpu.barrier barrier_id(%barrier3A_56)
    %mul3A_57 = arith.constant 1280 : i32
    %mul3A_58 = arith.muli %arg1, %mul3A_57 : i32
    %run_scoped3A = arith.constant 0 : i32
    "tpu.region"() ({
      %run_scoped3A_59 = tpu.sem_alloc : memref<!tpu.dma_semaphore, #tpu.memory_space<semaphore_mem>>
      %dma_start3A = arith.constant 0 : i32
      %dma_start3A_60 = tpu.memref_slice %arg5[%arg0, %arg1, %run_scoped3A, %dma_start3A] : memref<2x16x1x1280xf32, #tpu.memory_space<hbm>> -> memref<1x1x1x1280xf32, #tpu.memory_space<hbm>>
      %dma_start3A_61 = tpu.memref_squeeze %dma_start3A_60 : memref<1x1x1x1280xf32, #tpu.memory_space<hbm>> -> memref<1280xf32, #tpu.memory_space<hbm>>
      %dma_start3A_62 = tpu.memref_slice %arg15[%mul3A_58] : memref<20480xf32, #tpu.memory_space<vmem_shared>> -> memref<1280xf32, #tpu.memory_space<vmem_shared>>
      tpu.enqueue_dma source(%dma_start3A_62 : memref<1280xf32, #tpu.memory_space<vmem_shared>>) target(%dma_start3A_61 : memref<1280xf32, #tpu.memory_space<hbm>>) target_semaphore(%run_scoped3A_59 : memref<!tpu.dma_semaphore, #tpu.memory_space<semaphore_mem>>)
      %dma_wait3A = arith.constant 0 : i32
      %dma_wait3A_63 = tpu.memref_slice %arg5[%arg0, %arg1, %run_scoped3A, %dma_wait3A] : memref<2x16x1x1280xf32, #tpu.memory_space<hbm>> -> memref<1x1x1x1280xf32, #tpu.memory_space<hbm>>
      %dma_wait3A_64 = tpu.memref_squeeze %dma_wait3A_63 : memref<1x1x1x1280xf32, #tpu.memory_space<hbm>> -> memref<1280xf32, #tpu.memory_space<hbm>>
      %dma_wait3A_65 = tpu.memref_slice %arg15[%mul3A_58] : memref<20480xf32, #tpu.memory_space<vmem_shared>> -> memref<1280xf32, #tpu.memory_space<vmem_shared>>
      tpu.wait_dma2 semaphore(%run_scoped3A_59 : memref<!tpu.dma_semaphore, #tpu.memory_space<semaphore_mem>>) src(%dma_wait3A_65 : memref<1280xf32, #tpu.memory_space<vmem_shared>>) dst(%dma_wait3A_64 : memref<1280xf32, #tpu.memory_space<hbm>>)
      tpu.yield
    }) : () -> ()
    return
  }
}

#map = affine_map<(d0, d1) -> (0, 0, 0)>
#map1 = affine_map<(d0, d1) -> (0, 0)>
module attributes {stable_mosaic.version = 14 : i64} {
  func.func @j3(%arg0: i32, %arg1: i32, %arg2: memref<2676x1x128xf32, #tpu.memory_space<hbm>>, %arg3: memref<2676x1x128xi32, #tpu.memory_space<hbm>>, %arg4: memref<2676x1x128xi32, #tpu.memory_space<hbm>>, %arg5: memref<10000x128xf32, #tpu.memory_space<hbm>>, %arg6: memref<2x10112x128xf32, #tpu.memory_space<hbm>>, %arg7: memref<116x1x128xi32, #tpu.memory_space<vmem>>, %arg8: memref<2x128xi32, #tpu.memory_space<vmem>>, %arg9: memref<2x128xf32, #tpu.memory_space<vmem>>, %arg10: memref<2x128x128xf32, #tpu.memory_space<vmem>>, %arg11: memref<10112x128xf32, #tpu.memory_space<vmem_shared>>, %arg12: memref<!tpu.dma_semaphore, #tpu.memory_space<semaphore_mem>>, %arg13: memref<!tpu.dma_semaphore, #tpu.memory_space<semaphore_mem>>, %arg14: memref<!tpu.dma_semaphore, #tpu.memory_space<semaphore_mem>>) attributes {dimension_semantics = [#tpu.dimension_semantics<core_parallel>, #tpu.dimension_semantics<subcore_parallel>], iteration_bounds = array<i64: 2, 16>, scalar_prefetch = 0 : i64, scratch_operands = 8 : i64, tpu.core_type = #tpu.core_type<sc_vector_subcore>, window_params = [{transform_indices = #map}, {transform_indices = #map}, {transform_indices = #map}, {transform_indices = #map1}, {transform_indices = #map}]} {
    %eq3A = arith.constant 0 : i32
    %eq3A_0 = arith.cmpi eq, %arg0, %eq3A : i32
    %jit3A = arith.constant 116 : i32
    %jit3A_1 = arith.constant 44 : i32
    %select_n3A = arith.select %eq3A_0, %jit3A, %jit3A_1 : i32
    %eq3A_2 = arith.constant 0 : i32
    %eq3A_3 = arith.cmpi eq, %arg0, %eq3A_2 : i32
    %mul3A = arith.constant 116 : i32
    %mul3A_4 = arith.muli %arg1, %mul3A : i32
    %mul3A_5 = arith.constant 44 : i32
    %mul3A_6 = arith.muli %arg1, %mul3A_5 : i32
    %add3A = arith.constant 1856 : i32
    %add3A_7 = arith.addi %add3A, %mul3A_6 : i32
    %select_n3A_8 = arith.select %eq3A_3, %mul3A_4, %add3A_7 : i32
    %broadcast_in_dim3A = arith.constant 0.000000e+00 : f32
    %broadcast_in_dim3A_9 = vector.broadcast %broadcast_in_dim3A : f32 to vector<16xf32>
    %scan3A = arith.constant 0 : i32
    %scan3A_10 = arith.constant 0 : i32
    %scan3A_11 = arith.constant 128 : i32
    %scan3A_12 = arith.addi %scan3A_10, %scan3A_11 : i32
    %scan3A_13 = arith.constant 1 : i32
    scf.for %scan3A_93 = %scan3A_10 to %scan3A_12 step %scan3A_13  : i32 {
      %swap3A = arith.constant 0 : i32
      %swap3A_94 = arith.index_cast %swap3A : i32 to index
      %swap3A_95 = arith.index_cast %scan3A_93 : i32 to index
      %swap3A_96 = arith.constant 0 : index
      %swap3A_97 = tpu.vector_load %arg10[%swap3A_94, %swap3A_95, %swap3A_96] {strides = array<i32>} : memref<2x128x128xf32, #tpu.memory_space<vmem>>, vector<16xf32>,
      tpu.vector_store %arg10[%swap3A_94, %swap3A_95, %swap3A_96], %broadcast_in_dim3A_9 {strides = array<i32>} : memref<2x128x128xf32, #tpu.memory_space<vmem>>, vector<16xf32>,
      %swap3A_98 = arith.constant 0 : i32
      %swap3A_99 = arith.index_cast %swap3A_98 : i32 to index
      %swap3A_100 = arith.index_cast %scan3A_93 : i32 to index
      %swap3A_101 = arith.constant 16 : index
      %swap3A_102 = tpu.vector_load %arg10[%swap3A_99, %swap3A_100, %swap3A_101] {strides = array<i32>} : memref<2x128x128xf32, #tpu.memory_space<vmem>>, vector<16xf32>,
      tpu.vector_store %arg10[%swap3A_99, %swap3A_100, %swap3A_101], %broadcast_in_dim3A_9 {strides = array<i32>} : memref<2x128x128xf32, #tpu.memory_space<vmem>>, vector<16xf32>,
      %swap3A_103 = arith.constant 0 : i32
      %swap3A_104 = arith.index_cast %swap3A_103 : i32 to index
      %swap3A_105 = arith.index_cast %scan3A_93 : i32 to index
      %swap3A_106 = arith.constant 32 : index
      %swap3A_107 = tpu.vector_load %arg10[%swap3A_104, %swap3A_105, %swap3A_106] {strides = array<i32>} : memref<2x128x128xf32, #tpu.memory_space<vmem>>, vector<16xf32>,
      tpu.vector_store %arg10[%swap3A_104, %swap3A_105, %swap3A_106], %broadcast_in_dim3A_9 {strides = array<i32>} : memref<2x128x128xf32, #tpu.memory_space<vmem>>, vector<16xf32>,
      %swap3A_108 = arith.constant 0 : i32
      %swap3A_109 = arith.index_cast %swap3A_108 : i32 to index
      %swap3A_110 = arith.index_cast %scan3A_93 : i32 to index
      %swap3A_111 = arith.constant 48 : index
      %swap3A_112 = tpu.vector_load %arg10[%swap3A_109, %swap3A_110, %swap3A_111] {strides = array<i32>} : memref<2x128x128xf32, #tpu.memory_space<vmem>>, vector<16xf32>,
      tpu.vector_store %arg10[%swap3A_109, %swap3A_110, %swap3A_111], %broadcast_in_dim3A_9 {strides = array<i32>} : memref<2x128x128xf32, #tpu.memory_space<vmem>>, vector<16xf32>,
      %swap3A_113 = arith.constant 0 : i32
      %swap3A_114 = arith.index_cast %swap3A_113 : i32 to index
      %swap3A_115 = arith.index_cast %scan3A_93 : i32 to index
      %swap3A_116 = arith.constant 64 : index
      %swap3A_117 = tpu.vector_load %arg10[%swap3A_114, %swap3A_115, %swap3A_116] {strides = array<i32>} : memref<2x128x128xf32, #tpu.memory_space<vmem>>, vector<16xf32>,
      tpu.vector_store %arg10[%swap3A_114, %swap3A_115, %swap3A_116], %broadcast_in_dim3A_9 {strides = array<i32>} : memref<2x128x128xf32, #tpu.memory_space<vmem>>, vector<16xf32>,
      %swap3A_118 = arith.constant 0 : i32
      %swap3A_119 = arith.index_cast %swap3A_118 : i32 to index
      %swap3A_120 = arith.index_cast %scan3A_93 : i32 to index
      %swap3A_121 = arith.constant 80 : index
      %swap3A_122 = tpu.vector_load %arg10[%swap3A_119, %swap3A_120, %swap3A_121] {strides = array<i32>} : memref<2x128x128xf32, #tpu.memory_space<vmem>>, vector<16xf32>,
      tpu.vector_store %arg10[%swap3A_119, %swap3A_120, %swap3A_121], %broadcast_in_dim3A_9 {strides = array<i32>} : memref<2x128x128xf32, #tpu.memory_space<vmem>>, vector<16xf32>,
      %swap3A_123 = arith.constant 0 : i32
      %swap3A_124 = arith.index_cast %swap3A_123 : i32 to index
      %swap3A_125 = arith.index_cast %scan3A_93 : i32 to index
      %swap3A_126 = arith.constant 96 : index
      %swap3A_127 = tpu.vector_load %arg10[%swap3A_124, %swap3A_125, %swap3A_126] {strides = array<i32>} : memref<2x128x128xf32, #tpu.memory_space<vmem>>, vector<16xf32>,
      tpu.vector_store %arg10[%swap3A_124, %swap3A_125, %swap3A_126], %broadcast_in_dim3A_9 {strides = array<i32>} : memref<2x128x128xf32, #tpu.memory_space<vmem>>, vector<16xf32>,
      %swap3A_128 = arith.constant 0 : i32
      %swap3A_129 = arith.index_cast %swap3A_128 : i32 to index
      %swap3A_130 = arith.index_cast %scan3A_93 : i32 to index
      %swap3A_131 = arith.constant 112 : index
      %swap3A_132 = tpu.vector_load %arg10[%swap3A_129, %swap3A_130, %swap3A_131] {strides = array<i32>} : memref<2x128x128xf32, #tpu.memory_space<vmem>>, vector<16xf32>,
      tpu.vector_store %arg10[%swap3A_129, %swap3A_130, %swap3A_131], %broadcast_in_dim3A_9 {strides = array<i32>} : memref<2x128x128xf32, #tpu.memory_space<vmem>>, vector<16xf32>,
    }
    %scan3A_14 = arith.constant 128 : i32
    %mul3A_15 = arith.constant 632 : i32
    %mul3A_16 = arith.muli %arg1, %mul3A_15 : i32
    %add3A_17 = arith.constant 0 : i32
    %add3A_18 = arith.addi %mul3A_16, %add3A_17 : i32
    %run_scoped3A = arith.constant 0 : i32
    "tpu.region"() ({
      %run_scoped3A_93 = tpu.sem_alloc : memref<!tpu.dma_semaphore, #tpu.memory_space<semaphore_mem>>
      %dma_start3A_94 = arith.constant 0 : i32
      %dma_start3A_95 = arith.constant 0 : i32
      %dma_start3A_96 = tpu.memref_slice %arg10[%run_scoped3A, %dma_start3A_94, %dma_start3A_95] : memref<2x128x128xf32, #tpu.memory_space<vmem>> -> memref<1x128x128xf32, #tpu.memory_space<vmem>>
      %dma_start3A_97 = tpu.memref_squeeze %dma_start3A_96 : memref<1x128x128xf32, #tpu.memory_space<vmem>> -> memref<128x128xf32, #tpu.memory_space<vmem>>
      %dma_start3A_98 = arith.constant 0 : i32
      %dma_start3A_99 = tpu.memref_slice %arg11[%add3A_18, %dma_start3A_98] : memref<10112x128xf32, #tpu.memory_space<vmem_shared>> -> memref<128x128xf32, #tpu.memory_space<vmem_shared>>
      %dma_start3A_100 = arith.constant 0 : i32
      %dma_start3A_101 = tpu.memref_slice %arg11[%add3A_18, %dma_start3A_100] : memref<10112x128xf32, #tpu.memory_space<vmem_shared>> -> memref<128x128xf32, #tpu.memory_space<vmem_shared>>
      %dma_start3A_102 = arith.constant 0 : i32
      %dma_start3A_103 = arith.constant 0 : i32
      %dma_start3A_104 = tpu.memref_slice %arg10[%run_scoped3A, %dma_start3A_102, %dma_start3A_103] : memref<2x128x128xf32, #tpu.memory_space<vmem>> -> memref<1x128x128xf32, #tpu.memory_space<vmem>>
      %dma_start3A_105 = tpu.memref_squeeze %dma_start3A_104 : memref<1x128x128xf32, #tpu.memory_space<vmem>> -> memref<128x128xf32, #tpu.memory_space<vmem>>
      tpu.enqueue_dma source(%dma_start3A_105 : memref<128x128xf32, #tpu.memory_space<vmem>>) target(%dma_start3A_101 : memref<128x128xf32, #tpu.memory_space<vmem_shared>>) target_semaphore(%run_scoped3A_93 : memref<!tpu.dma_semaphore, #tpu.memory_space<semaphore_mem>>)
      %dma_wait3A = arith.constant 0 : i32
      %dma_wait3A_106 = arith.constant 0 : i32
      %dma_wait3A_107 = tpu.memref_slice %arg10[%run_scoped3A, %dma_wait3A, %dma_wait3A_106] : memref<2x128x128xf32, #tpu.memory_space<vmem>> -> memref<1x128x128xf32, #tpu.memory_space<vmem>>
      %dma_wait3A_108 = tpu.memref_squeeze %dma_wait3A_107 : memref<1x128x128xf32, #tpu.memory_space<vmem>> -> memref<128x128xf32, #tpu.memory_space<vmem>>
      %dma_wait3A_109 = arith.constant 0 : i32
      %dma_wait3A_110 = tpu.memref_slice %arg11[%add3A_18, %dma_wait3A_109] : memref<10112x128xf32, #tpu.memory_space<vmem_shared>> -> memref<128x128xf32, #tpu.memory_space<vmem_shared>>
      %dma_wait3A_111 = arith.constant 0 : i32
      %dma_wait3A_112 = tpu.memref_slice %arg11[%add3A_18, %dma_wait3A_111] : memref<10112x128xf32, #tpu.memory_space<vmem_shared>> -> memref<128x128xf32, #tpu.memory_space<vmem_shared>>
      %dma_wait3A_113 = arith.constant 0 : i32
      %dma_wait3A_114 = arith.constant 0 : i32
      %dma_wait3A_115 = tpu.memref_slice %arg10[%run_scoped3A, %dma_wait3A_113, %dma_wait3A_114] : memref<2x128x128xf32, #tpu.memory_space<vmem>> -> memref<1x128x128xf32, #tpu.memory_space<vmem>>
      %dma_wait3A_116 = tpu.memref_squeeze %dma_wait3A_115 : memref<1x128x128xf32, #tpu.memory_space<vmem>> -> memref<128x128xf32, #tpu.memory_space<vmem>>
      tpu.wait_dma2 semaphore(%run_scoped3A_93 : memref<!tpu.dma_semaphore, #tpu.memory_space<semaphore_mem>>) src(%dma_wait3A_116 : memref<128x128xf32, #tpu.memory_space<vmem>>) dst(%dma_wait3A_112 : memref<128x128xf32, #tpu.memory_space<vmem_shared>>)
      tpu.yield
    }) : () -> ()
    %add3A_19 = arith.constant 128 : i32
    %add3A_20 = arith.addi %mul3A_16, %add3A_19 : i32
    %run_scoped3A_21 = arith.constant 0 : i32
    "tpu.region"() ({
      %run_scoped3A_93 = tpu.sem_alloc : memref<!tpu.dma_semaphore, #tpu.memory_space<semaphore_mem>>
      %dma_start3A_94 = arith.constant 0 : i32
      %dma_start3A_95 = arith.constant 0 : i32
      %dma_start3A_96 = tpu.memref_slice %arg10[%run_scoped3A_21, %dma_start3A_94, %dma_start3A_95] : memref<2x128x128xf32, #tpu.memory_space<vmem>> -> memref<1x128x128xf32, #tpu.memory_space<vmem>>
      %dma_start3A_97 = tpu.memref_squeeze %dma_start3A_96 : memref<1x128x128xf32, #tpu.memory_space<vmem>> -> memref<128x128xf32, #tpu.memory_space<vmem>>
      %dma_start3A_98 = arith.constant 0 : i32
      %dma_start3A_99 = tpu.memref_slice %arg11[%add3A_20, %dma_start3A_98] : memref<10112x128xf32, #tpu.memory_space<vmem_shared>> -> memref<128x128xf32, #tpu.memory_space<vmem_shared>>
      %dma_start3A_100 = arith.constant 0 : i32
      %dma_start3A_101 = tpu.memref_slice %arg11[%add3A_20, %dma_start3A_100] : memref<10112x128xf32, #tpu.memory_space<vmem_shared>> -> memref<128x128xf32, #tpu.memory_space<vmem_shared>>
      %dma_start3A_102 = arith.constant 0 : i32
      %dma_start3A_103 = arith.constant 0 : i32
      %dma_start3A_104 = tpu.memref_slice %arg10[%run_scoped3A_21, %dma_start3A_102, %dma_start3A_103] : memref<2x128x128xf32, #tpu.memory_space<vmem>> -> memref<1x128x128xf32, #tpu.memory_space<vmem>>
      %dma_start3A_105 = tpu.memref_squeeze %dma_start3A_104 : memref<1x128x128xf32, #tpu.memory_space<vmem>> -> memref<128x128xf32, #tpu.memory_space<vmem>>
      tpu.enqueue_dma source(%dma_start3A_105 : memref<128x128xf32, #tpu.memory_space<vmem>>) target(%dma_start3A_101 : memref<128x128xf32, #tpu.memory_space<vmem_shared>>) target_semaphore(%run_scoped3A_93 : memref<!tpu.dma_semaphore, #tpu.memory_space<semaphore_mem>>)
      %dma_wait3A = arith.constant 0 : i32
      %dma_wait3A_106 = arith.constant 0 : i32
      %dma_wait3A_107 = tpu.memref_slice %arg10[%run_scoped3A_21, %dma_wait3A, %dma_wait3A_106] : memref<2x128x128xf32, #tpu.memory_space<vmem>> -> memref<1x128x128xf32, #tpu.memory_space<vmem>>
      %dma_wait3A_108 = tpu.memref_squeeze %dma_wait3A_107 : memref<1x128x128xf32, #tpu.memory_space<vmem>> -> memref<128x128xf32, #tpu.memory_space<vmem>>
      %dma_wait3A_109 = arith.constant 0 : i32
      %dma_wait3A_110 = tpu.memref_slice %arg11[%add3A_20, %dma_wait3A_109] : memref<10112x128xf32, #tpu.memory_space<vmem_shared>> -> memref<128x128xf32, #tpu.memory_space<vmem_shared>>
      %dma_wait3A_111 = arith.constant 0 : i32
      %dma_wait3A_112 = tpu.memref_slice %arg11[%add3A_20, %dma_wait3A_111] : memref<10112x128xf32, #tpu.memory_space<vmem_shared>> -> memref<128x128xf32, #tpu.memory_space<vmem_shared>>
      %dma_wait3A_113 = arith.constant 0 : i32
      %dma_wait3A_114 = arith.constant 0 : i32
      %dma_wait3A_115 = tpu.memref_slice %arg10[%run_scoped3A_21, %dma_wait3A_113, %dma_wait3A_114] : memref<2x128x128xf32, #tpu.memory_space<vmem>> -> memref<1x128x128xf32, #tpu.memory_space<vmem>>
      %dma_wait3A_116 = tpu.memref_squeeze %dma_wait3A_115 : memref<1x128x128xf32, #tpu.memory_space<vmem>> -> memref<128x128xf32, #tpu.memory_space<vmem>>
      tpu.wait_dma2 semaphore(%run_scoped3A_93 : memref<!tpu.dma_semaphore, #tpu.memory_space<semaphore_mem>>) src(%dma_wait3A_116 : memref<128x128xf32, #tpu.memory_space<vmem>>) dst(%dma_wait3A_112 : memref<128x128xf32, #tpu.memory_space<vmem_shared>>)
      tpu.yield
    }) : () -> ()
    %add3A_22 = arith.constant 256 : i32
    %add3A_23 = arith.addi %mul3A_16, %add3A_22 : i32
    %run_scoped3A_24 = arith.constant 0 : i32
    "tpu.region"() ({
      %run_scoped3A_93 = tpu.sem_alloc : memref<!tpu.dma_semaphore, #tpu.memory_space<semaphore_mem>>
      %dma_start3A_94 = arith.constant 0 : i32
      %dma_start3A_95 = arith.constant 0 : i32
      %dma_start3A_96 = tpu.memref_slice %arg10[%run_scoped3A_24, %dma_start3A_94, %dma_start3A_95] : memref<2x128x128xf32, #tpu.memory_space<vmem>> -> memref<1x128x128xf32, #tpu.memory_space<vmem>>
      %dma_start3A_97 = tpu.memref_squeeze %dma_start3A_96 : memref<1x128x128xf32, #tpu.memory_space<vmem>> -> memref<128x128xf32, #tpu.memory_space<vmem>>
      %dma_start3A_98 = arith.constant 0 : i32
      %dma_start3A_99 = tpu.memref_slice %arg11[%add3A_23, %dma_start3A_98] : memref<10112x128xf32, #tpu.memory_space<vmem_shared>> -> memref<128x128xf32, #tpu.memory_space<vmem_shared>>
      %dma_start3A_100 = arith.constant 0 : i32
      %dma_start3A_101 = tpu.memref_slice %arg11[%add3A_23, %dma_start3A_100] : memref<10112x128xf32, #tpu.memory_space<vmem_shared>> -> memref<128x128xf32, #tpu.memory_space<vmem_shared>>
      %dma_start3A_102 = arith.constant 0 : i32
      %dma_start3A_103 = arith.constant 0 : i32
      %dma_start3A_104 = tpu.memref_slice %arg10[%run_scoped3A_24, %dma_start3A_102, %dma_start3A_103] : memref<2x128x128xf32, #tpu.memory_space<vmem>> -> memref<1x128x128xf32, #tpu.memory_space<vmem>>
      %dma_start3A_105 = tpu.memref_squeeze %dma_start3A_104 : memref<1x128x128xf32, #tpu.memory_space<vmem>> -> memref<128x128xf32, #tpu.memory_space<vmem>>
      tpu.enqueue_dma source(%dma_start3A_105 : memref<128x128xf32, #tpu.memory_space<vmem>>) target(%dma_start3A_101 : memref<128x128xf32, #tpu.memory_space<vmem_shared>>) target_semaphore(%run_scoped3A_93 : memref<!tpu.dma_semaphore, #tpu.memory_space<semaphore_mem>>)
      %dma_wait3A = arith.constant 0 : i32
      %dma_wait3A_106 = arith.constant 0 : i32
      %dma_wait3A_107 = tpu.memref_slice %arg10[%run_scoped3A_24, %dma_wait3A, %dma_wait3A_106] : memref<2x128x128xf32, #tpu.memory_space<vmem>> -> memref<1x128x128xf32, #tpu.memory_space<vmem>>
      %dma_wait3A_108 = tpu.memref_squeeze %dma_wait3A_107 : memref<1x128x128xf32, #tpu.memory_space<vmem>> -> memref<128x128xf32, #tpu.memory_space<vmem>>
      %dma_wait3A_109 = arith.constant 0 : i32
      %dma_wait3A_110 = tpu.memref_slice %arg11[%add3A_23, %dma_wait3A_109] : memref<10112x128xf32, #tpu.memory_space<vmem_shared>> -> memref<128x128xf32, #tpu.memory_space<vmem_shared>>
      %dma_wait3A_111 = arith.constant 0 : i32
      %dma_wait3A_112 = tpu.memref_slice %arg11[%add3A_23, %dma_wait3A_111] : memref<10112x128xf32, #tpu.memory_space<vmem_shared>> -> memref<128x128xf32, #tpu.memory_space<vmem_shared>>
      %dma_wait3A_113 = arith.constant 0 : i32
      %dma_wait3A_114 = arith.constant 0 : i32
      %dma_wait3A_115 = tpu.memref_slice %arg10[%run_scoped3A_24, %dma_wait3A_113, %dma_wait3A_114] : memref<2x128x128xf32, #tpu.memory_space<vmem>> -> memref<1x128x128xf32, #tpu.memory_space<vmem>>
      %dma_wait3A_116 = tpu.memref_squeeze %dma_wait3A_115 : memref<1x128x128xf32, #tpu.memory_space<vmem>> -> memref<128x128xf32, #tpu.memory_space<vmem>>
      tpu.wait_dma2 semaphore(%run_scoped3A_93 : memref<!tpu.dma_semaphore, #tpu.memory_space<semaphore_mem>>) src(%dma_wait3A_116 : memref<128x128xf32, #tpu.memory_space<vmem>>) dst(%dma_wait3A_112 : memref<128x128xf32, #tpu.memory_space<vmem_shared>>)
      tpu.yield
    }) : () -> ()
    %add3A_25 = arith.constant 384 : i32
    %add3A_26 = arith.addi %mul3A_16, %add3A_25 : i32
    %run_scoped3A_27 = arith.constant 0 : i32
    "tpu.region"() ({
      %run_scoped3A_93 = tpu.sem_alloc : memref<!tpu.dma_semaphore, #tpu.memory_space<semaphore_mem>>
      %dma_start3A_94 = arith.constant 0 : i32
      %dma_start3A_95 = arith.constant 0 : i32
      %dma_start3A_96 = tpu.memref_slice %arg10[%run_scoped3A_27, %dma_start3A_94, %dma_start3A_95] : memref<2x128x128xf32, #tpu.memory_space<vmem>> -> memref<1x128x128xf32, #tpu.memory_space<vmem>>
      %dma_start3A_97 = tpu.memref_squeeze %dma_start3A_96 : memref<1x128x128xf32, #tpu.memory_space<vmem>> -> memref<128x128xf32, #tpu.memory_space<vmem>>
      %dma_start3A_98 = arith.constant 0 : i32
      %dma_start3A_99 = tpu.memref_slice %arg11[%add3A_26, %dma_start3A_98] : memref<10112x128xf32, #tpu.memory_space<vmem_shared>> -> memref<128x128xf32, #tpu.memory_space<vmem_shared>>
      %dma_start3A_100 = arith.constant 0 : i32
      %dma_start3A_101 = tpu.memref_slice %arg11[%add3A_26, %dma_start3A_100] : memref<10112x128xf32, #tpu.memory_space<vmem_shared>> -> memref<128x128xf32, #tpu.memory_space<vmem_shared>>
      %dma_start3A_102 = arith.constant 0 : i32
      %dma_start3A_103 = arith.constant 0 : i32
      %dma_start3A_104 = tpu.memref_slice %arg10[%run_scoped3A_27, %dma_start3A_102, %dma_start3A_103] : memref<2x128x128xf32, #tpu.memory_space<vmem>> -> memref<1x128x128xf32, #tpu.memory_space<vmem>>
      %dma_start3A_105 = tpu.memref_squeeze %dma_start3A_104 : memref<1x128x128xf32, #tpu.memory_space<vmem>> -> memref<128x128xf32, #tpu.memory_space<vmem>>
      tpu.enqueue_dma source(%dma_start3A_105 : memref<128x128xf32, #tpu.memory_space<vmem>>) target(%dma_start3A_101 : memref<128x128xf32, #tpu.memory_space<vmem_shared>>) target_semaphore(%run_scoped3A_93 : memref<!tpu.dma_semaphore, #tpu.memory_space<semaphore_mem>>)
      %dma_wait3A = arith.constant 0 : i32
      %dma_wait3A_106 = arith.constant 0 : i32
      %dma_wait3A_107 = tpu.memref_slice %arg10[%run_scoped3A_27, %dma_wait3A, %dma_wait3A_106] : memref<2x128x128xf32, #tpu.memory_space<vmem>> -> memref<1x128x128xf32, #tpu.memory_space<vmem>>
      %dma_wait3A_108 = tpu.memref_squeeze %dma_wait3A_107 : memref<1x128x128xf32, #tpu.memory_space<vmem>> -> memref<128x128xf32, #tpu.memory_space<vmem>>
      %dma_wait3A_109 = arith.constant 0 : i32
      %dma_wait3A_110 = tpu.memref_slice %arg11[%add3A_26, %dma_wait3A_109] : memref<10112x128xf32, #tpu.memory_space<vmem_shared>> -> memref<128x128xf32, #tpu.memory_space<vmem_shared>>
      %dma_wait3A_111 = arith.constant 0 : i32
      %dma_wait3A_112 = tpu.memref_slice %arg11[%add3A_26, %dma_wait3A_111] : memref<10112x128xf32, #tpu.memory_space<vmem_shared>> -> memref<128x128xf32, #tpu.memory_space<vmem_shared>>
      %dma_wait3A_113 = arith.constant 0 : i32
      %dma_wait3A_114 = arith.constant 0 : i32
      %dma_wait3A_115 = tpu.memref_slice %arg10[%run_scoped3A_27, %dma_wait3A_113, %dma_wait3A_114] : memref<2x128x128xf32, #tpu.memory_space<vmem>> -> memref<1x128x128xf32, #tpu.memory_space<vmem>>
      %dma_wait3A_116 = tpu.memref_squeeze %dma_wait3A_115 : memref<1x128x128xf32, #tpu.memory_space<vmem>> -> memref<128x128xf32, #tpu.memory_space<vmem>>
      tpu.wait_dma2 semaphore(%run_scoped3A_93 : memref<!tpu.dma_semaphore, #tpu.memory_space<semaphore_mem>>) src(%dma_wait3A_116 : memref<128x128xf32, #tpu.memory_space<vmem>>) dst(%dma_wait3A_112 : memref<128x128xf32, #tpu.memory_space<vmem_shared>>)
      tpu.yield
    }) : () -> ()
    %add3A_28 = arith.constant 632 : i32
    %add3A_29 = arith.addi %mul3A_16, %add3A_28 : i32
    %sub3A = arith.constant 120 : i32
    %sub3A_30 = arith.subi %add3A_29, %sub3A : i32
    %run_scoped3A_31 = arith.constant 0 : i32
    "tpu.region"() ({
      %run_scoped3A_93 = tpu.sem_alloc : memref<!tpu.dma_semaphore, #tpu.memory_space<semaphore_mem>>
      %dma_start3A_94 = arith.constant 0 : i32
      %dma_start3A_95 = arith.constant 0 : i32
      %dma_start3A_96 = tpu.memref_slice %arg10[%run_scoped3A_31, %dma_start3A_94, %dma_start3A_95] : memref<2x128x128xf32, #tpu.memory_space<vmem>> -> memref<1x120x128xf32, #tpu.memory_space<vmem>>
      %dma_start3A_97 = tpu.memref_squeeze %dma_start3A_96 : memref<1x120x128xf32, #tpu.memory_space<vmem>> -> memref<120x128xf32, #tpu.memory_space<vmem>>
      %dma_start3A_98 = arith.constant 0 : i32
      %dma_start3A_99 = tpu.memref_slice %arg11[%sub3A_30, %dma_start3A_98] : memref<10112x128xf32, #tpu.memory_space<vmem_shared>> -> memref<120x128xf32, #tpu.memory_space<vmem_shared>>
      %dma_start3A_100 = arith.constant 0 : i32
      %dma_start3A_101 = tpu.memref_slice %arg11[%sub3A_30, %dma_start3A_100] : memref<10112x128xf32, #tpu.memory_space<vmem_shared>> -> memref<120x128xf32, #tpu.memory_space<vmem_shared>>
      %dma_start3A_102 = arith.constant 0 : i32
      %dma_start3A_103 = arith.constant 0 : i32
      %dma_start3A_104 = tpu.memref_slice %arg10[%run_scoped3A_31, %dma_start3A_102, %dma_start3A_103] : memref<2x128x128xf32, #tpu.memory_space<vmem>> -> memref<1x120x128xf32, #tpu.memory_space<vmem>>
      %dma_start3A_105 = tpu.memref_squeeze %dma_start3A_104 : memref<1x120x128xf32, #tpu.memory_space<vmem>> -> memref<120x128xf32, #tpu.memory_space<vmem>>
      tpu.enqueue_dma source(%dma_start3A_105 : memref<120x128xf32, #tpu.memory_space<vmem>>) target(%dma_start3A_101 : memref<120x128xf32, #tpu.memory_space<vmem_shared>>) target_semaphore(%run_scoped3A_93 : memref<!tpu.dma_semaphore, #tpu.memory_space<semaphore_mem>>)
      %dma_wait3A = arith.constant 0 : i32
      %dma_wait3A_106 = arith.constant 0 : i32
      %dma_wait3A_107 = tpu.memref_slice %arg10[%run_scoped3A_31, %dma_wait3A, %dma_wait3A_106] : memref<2x128x128xf32, #tpu.memory_space<vmem>> -> memref<1x120x128xf32, #tpu.memory_space<vmem>>
      %dma_wait3A_108 = tpu.memref_squeeze %dma_wait3A_107 : memref<1x120x128xf32, #tpu.memory_space<vmem>> -> memref<120x128xf32, #tpu.memory_space<vmem>>
      %dma_wait3A_109 = arith.constant 0 : i32
      %dma_wait3A_110 = tpu.memref_slice %arg11[%sub3A_30, %dma_wait3A_109] : memref<10112x128xf32, #tpu.memory_space<vmem_shared>> -> memref<120x128xf32, #tpu.memory_space<vmem_shared>>
      %dma_wait3A_111 = arith.constant 0 : i32
      %dma_wait3A_112 = tpu.memref_slice %arg11[%sub3A_30, %dma_wait3A_111] : memref<10112x128xf32, #tpu.memory_space<vmem_shared>> -> memref<120x128xf32, #tpu.memory_space<vmem_shared>>
      %dma_wait3A_113 = arith.constant 0 : i32
      %dma_wait3A_114 = arith.constant 0 : i32
      %dma_wait3A_115 = tpu.memref_slice %arg10[%run_scoped3A_31, %dma_wait3A_113, %dma_wait3A_114] : memref<2x128x128xf32, #tpu.memory_space<vmem>> -> memref<1x120x128xf32, #tpu.memory_space<vmem>>
      %dma_wait3A_116 = tpu.memref_squeeze %dma_wait3A_115 : memref<1x120x128xf32, #tpu.memory_space<vmem>> -> memref<120x128xf32, #tpu.memory_space<vmem>>
      tpu.wait_dma2 semaphore(%run_scoped3A_93 : memref<!tpu.dma_semaphore, #tpu.memory_space<semaphore_mem>>) src(%dma_wait3A_116 : memref<120x128xf32, #tpu.memory_space<vmem>>) dst(%dma_wait3A_112 : memref<120x128xf32, #tpu.memory_space<vmem_shared>>)
      tpu.yield
    }) : () -> ()
    %barrier3A = arith.constant 0 : index
    tpu.barrier barrier_id(%barrier3A)
    "tpu.region"() ({
      %run_scoped3A_93 = tpu.sem_alloc : memref<!tpu.dma_semaphore, #tpu.memory_space<semaphore_mem>>
      %dma_start3A_94 = arith.constant 0 : i32
      %dma_start3A_95 = arith.constant 0 : i32
      %dma_start3A_96 = tpu.memref_slice %arg3[%select_n3A_8, %dma_start3A_94, %dma_start3A_95] : memref<2676x1x128xi32, #tpu.memory_space<hbm>> -> memref<116x1x128xi32, #tpu.memory_space<hbm>>
      %dma_start3A_97 = arith.constant 0 : i32
      %dma_start3A_98 = arith.constant 0 : i32
      %dma_start3A_99 = tpu.memref_slice %arg3[%select_n3A_8, %dma_start3A_97, %dma_start3A_98] : memref<2676x1x128xi32, #tpu.memory_space<hbm>> -> memref<116x1x128xi32, #tpu.memory_space<hbm>>
      tpu.enqueue_dma source(%dma_start3A_99 : memref<116x1x128xi32, #tpu.memory_space<hbm>>) target(%arg7 : memref<116x1x128xi32, #tpu.memory_space<vmem>>) target_semaphore(%run_scoped3A_93 : memref<!tpu.dma_semaphore, #tpu.memory_space<semaphore_mem>>)
      %dma_wait3A = arith.constant 0 : i32
      %dma_wait3A_100 = arith.constant 0 : i32
      %dma_wait3A_101 = tpu.memref_slice %arg3[%select_n3A_8, %dma_wait3A, %dma_wait3A_100] : memref<2676x1x128xi32, #tpu.memory_space<hbm>> -> memref<116x1x128xi32, #tpu.memory_space<hbm>>
      %dma_wait3A_102 = arith.constant 0 : i32
      %dma_wait3A_103 = arith.constant 0 : i32
      %dma_wait3A_104 = tpu.memref_slice %arg3[%select_n3A_8, %dma_wait3A_102, %dma_wait3A_103] : memref<2676x1x128xi32, #tpu.memory_space<hbm>> -> memref<116x1x128xi32, #tpu.memory_space<hbm>>
      tpu.wait_dma2 semaphore(%run_scoped3A_93 : memref<!tpu.dma_semaphore, #tpu.memory_space<semaphore_mem>>) src(%dma_wait3A_104 : memref<116x1x128xi32, #tpu.memory_space<hbm>>) dst(%arg7 : memref<116x1x128xi32, #tpu.memory_space<vmem>>)
      tpu.yield
    }) : () -> ()
    %run_scoped3A_32 = arith.constant 0 : i32
    %run_scoped3A_33 = arith.constant 0 : i32
    "tpu.region"() ({
      %run_scoped3A_93 = tpu.sem_alloc : memref<!tpu.dma_semaphore, #tpu.memory_space<semaphore_mem>>
      %dma_start3A_94 = arith.constant 0 : i32
      %dma_start3A_95 = tpu.memref_slice %arg8[%run_scoped3A_33, %dma_start3A_94] : memref<2x128xi32, #tpu.memory_space<vmem>> -> memref<1x128xi32, #tpu.memory_space<vmem>>
      %dma_start3A_96 = tpu.memref_squeeze %dma_start3A_95 : memref<1x128xi32, #tpu.memory_space<vmem>> -> memref<128xi32, #tpu.memory_space<vmem>>
      %dma_start3A_97 = arith.constant 0 : i32
      %dma_start3A_98 = tpu.memref_slice %arg4[%select_n3A_8, %run_scoped3A_32, %dma_start3A_97] : memref<2676x1x128xi32, #tpu.memory_space<hbm>> -> memref<1x1x128xi32, #tpu.memory_space<hbm>>
      %dma_start3A_99 = tpu.memref_squeeze %dma_start3A_98 : memref<1x1x128xi32, #tpu.memory_space<hbm>> -> memref<128xi32, #tpu.memory_space<hbm>>
      %dma_start3A_100 = arith.constant 0 : i32
      %dma_start3A_101 = tpu.memref_slice %arg8[%run_scoped3A_33, %dma_start3A_100] : memref<2x128xi32, #tpu.memory_space<vmem>> -> memref<1x128xi32, #tpu.memory_space<vmem>>
      %dma_start3A_102 = tpu.memref_squeeze %dma_start3A_101 : memref<1x128xi32, #tpu.memory_space<vmem>> -> memref<128xi32, #tpu.memory_space<vmem>>
      %dma_start3A_103 = arith.constant 0 : i32
      %dma_start3A_104 = tpu.memref_slice %arg4[%select_n3A_8, %run_scoped3A_32, %dma_start3A_103] : memref<2676x1x128xi32, #tpu.memory_space<hbm>> -> memref<1x1x128xi32, #tpu.memory_space<hbm>>
      %dma_start3A_105 = tpu.memref_squeeze %dma_start3A_104 : memref<1x1x128xi32, #tpu.memory_space<hbm>> -> memref<128xi32, #tpu.memory_space<hbm>>
      tpu.enqueue_dma source(%dma_start3A_105 : memref<128xi32, #tpu.memory_space<hbm>>) target(%dma_start3A_102 : memref<128xi32, #tpu.memory_space<vmem>>) target_semaphore(%run_scoped3A_93 : memref<!tpu.dma_semaphore, #tpu.memory_space<semaphore_mem>>)
      %dma_wait3A = arith.constant 0 : i32
      %dma_wait3A_106 = tpu.memref_slice %arg8[%run_scoped3A_33, %dma_wait3A] : memref<2x128xi32, #tpu.memory_space<vmem>> -> memref<1x128xi32, #tpu.memory_space<vmem>>
      %dma_wait3A_107 = tpu.memref_squeeze %dma_wait3A_106 : memref<1x128xi32, #tpu.memory_space<vmem>> -> memref<128xi32, #tpu.memory_space<vmem>>
      %dma_wait3A_108 = arith.constant 0 : i32
      %dma_wait3A_109 = tpu.memref_slice %arg4[%select_n3A_8, %run_scoped3A_32, %dma_wait3A_108] : memref<2676x1x128xi32, #tpu.memory_space<hbm>> -> memref<1x1x128xi32, #tpu.memory_space<hbm>>
      %dma_wait3A_110 = tpu.memref_squeeze %dma_wait3A_109 : memref<1x1x128xi32, #tpu.memory_space<hbm>> -> memref<128xi32, #tpu.memory_space<hbm>>
      %dma_wait3A_111 = arith.constant 0 : i32
      %dma_wait3A_112 = tpu.memref_slice %arg8[%run_scoped3A_33, %dma_wait3A_111] : memref<2x128xi32, #tpu.memory_space<vmem>> -> memref<1x128xi32, #tpu.memory_space<vmem>>
      %dma_wait3A_113 = tpu.memref_squeeze %dma_wait3A_112 : memref<1x128xi32, #tpu.memory_space<vmem>> -> memref<128xi32, #tpu.memory_space<vmem>>
      %dma_wait3A_114 = arith.constant 0 : i32
      %dma_wait3A_115 = tpu.memref_slice %arg4[%select_n3A_8, %run_scoped3A_32, %dma_wait3A_114] : memref<2676x1x128xi32, #tpu.memory_space<hbm>> -> memref<1x1x128xi32, #tpu.memory_space<hbm>>
      %dma_wait3A_116 = tpu.memref_squeeze %dma_wait3A_115 : memref<1x1x128xi32, #tpu.memory_space<hbm>> -> memref<128xi32, #tpu.memory_space<hbm>>
      tpu.wait_dma2 semaphore(%run_scoped3A_93 : memref<!tpu.dma_semaphore, #tpu.memory_space<semaphore_mem>>) src(%dma_wait3A_116 : memref<128xi32, #tpu.memory_space<hbm>>) dst(%dma_wait3A_113 : memref<128xi32, #tpu.memory_space<vmem>>)
      tpu.yield
    }) : () -> ()
    %run_scoped3A_34 = arith.constant 0 : i32
    %run_scoped3A_35 = arith.constant 0 : i32
    "tpu.region"() ({
      %run_scoped3A_93 = tpu.sem_alloc : memref<!tpu.dma_semaphore, #tpu.memory_space<semaphore_mem>>
      %dma_start3A_94 = arith.constant 0 : i32
      %dma_start3A_95 = tpu.memref_slice %arg9[%run_scoped3A_35, %dma_start3A_94] : memref<2x128xf32, #tpu.memory_space<vmem>> -> memref<1x128xf32, #tpu.memory_space<vmem>>
      %dma_start3A_96 = tpu.memref_squeeze %dma_start3A_95 : memref<1x128xf32, #tpu.memory_space<vmem>> -> memref<128xf32, #tpu.memory_space<vmem>>
      %dma_start3A_97 = arith.constant 0 : i32
      %dma_start3A_98 = tpu.memref_slice %arg2[%select_n3A_8, %run_scoped3A_34, %dma_start3A_97] : memref<2676x1x128xf32, #tpu.memory_space<hbm>> -> memref<1x1x128xf32, #tpu.memory_space<hbm>>
      %dma_start3A_99 = tpu.memref_squeeze %dma_start3A_98 : memref<1x1x128xf32, #tpu.memory_space<hbm>> -> memref<128xf32, #tpu.memory_space<hbm>>
      %dma_start3A_100 = arith.constant 0 : i32
      %dma_start3A_101 = tpu.memref_slice %arg9[%run_scoped3A_35, %dma_start3A_100] : memref<2x128xf32, #tpu.memory_space<vmem>> -> memref<1x128xf32, #tpu.memory_space<vmem>>
      %dma_start3A_102 = tpu.memref_squeeze %dma_start3A_101 : memref<1x128xf32, #tpu.memory_space<vmem>> -> memref<128xf32, #tpu.memory_space<vmem>>
      %dma_start3A_103 = arith.constant 0 : i32
      %dma_start3A_104 = tpu.memref_slice %arg2[%select_n3A_8, %run_scoped3A_34, %dma_start3A_103] : memref<2676x1x128xf32, #tpu.memory_space<hbm>> -> memref<1x1x128xf32, #tpu.memory_space<hbm>>
      %dma_start3A_105 = tpu.memref_squeeze %dma_start3A_104 : memref<1x1x128xf32, #tpu.memory_space<hbm>> -> memref<128xf32, #tpu.memory_space<hbm>>
      tpu.enqueue_dma source(%dma_start3A_105 : memref<128xf32, #tpu.memory_space<hbm>>) target(%dma_start3A_102 : memref<128xf32, #tpu.memory_space<vmem>>) target_semaphore(%run_scoped3A_93 : memref<!tpu.dma_semaphore, #tpu.memory_space<semaphore_mem>>)
      %dma_wait3A = arith.constant 0 : i32
      %dma_wait3A_106 = tpu.memref_slice %arg9[%run_scoped3A_35, %dma_wait3A] : memref<2x128xf32, #tpu.memory_space<vmem>> -> memref<1x128xf32, #tpu.memory_space<vmem>>
      %dma_wait3A_107 = tpu.memref_squeeze %dma_wait3A_106 : memref<1x128xf32, #tpu.memory_space<vmem>> -> memref<128xf32, #tpu.memory_space<vmem>>
      %dma_wait3A_108 = arith.constant 0 : i32
      %dma_wait3A_109 = tpu.memref_slice %arg2[%select_n3A_8, %run_scoped3A_34, %dma_wait3A_108] : memref<2676x1x128xf32, #tpu.memory_space<hbm>> -> memref<1x1x128xf32, #tpu.memory_space<hbm>>
      %dma_wait3A_110 = tpu.memref_squeeze %dma_wait3A_109 : memref<1x1x128xf32, #tpu.memory_space<hbm>> -> memref<128xf32, #tpu.memory_space<hbm>>
      %dma_wait3A_111 = arith.constant 0 : i32
      %dma_wait3A_112 = tpu.memref_slice %arg9[%run_scoped3A_35, %dma_wait3A_111] : memref<2x128xf32, #tpu.memory_space<vmem>> -> memref<1x128xf32, #tpu.memory_space<vmem>>
      %dma_wait3A_113 = tpu.memref_squeeze %dma_wait3A_112 : memref<1x128xf32, #tpu.memory_space<vmem>> -> memref<128xf32, #tpu.memory_space<vmem>>
      %dma_wait3A_114 = arith.constant 0 : i32
      %dma_wait3A_115 = tpu.memref_slice %arg2[%select_n3A_8, %run_scoped3A_34, %dma_wait3A_114] : memref<2676x1x128xf32, #tpu.memory_space<hbm>> -> memref<1x1x128xf32, #tpu.memory_space<hbm>>
      %dma_wait3A_116 = tpu.memref_squeeze %dma_wait3A_115 : memref<1x1x128xf32, #tpu.memory_space<hbm>> -> memref<128xf32, #tpu.memory_space<hbm>>
      tpu.wait_dma2 semaphore(%run_scoped3A_93 : memref<!tpu.dma_semaphore, #tpu.memory_space<semaphore_mem>>) src(%dma_wait3A_116 : memref<128xf32, #tpu.memory_space<hbm>>) dst(%dma_wait3A_113 : memref<128xf32, #tpu.memory_space<vmem>>)
      tpu.yield
    }) : () -> ()
    %dma_start3A = arith.constant 0 : i32
    %dma_start3A_36 = arith.constant 0 : i32
    %dma_start3A_37 = arith.constant 0 : i32
    %dma_start3A_38 = arith.constant 0 : i32
    %dma_start3A_39 = tpu.memref_slice %arg10[%dma_start3A_36, %dma_start3A_37, %dma_start3A_38] : memref<2x128x128xf32, #tpu.memory_space<vmem>> -> memref<1x128x128xf32, #tpu.memory_space<vmem>>
    %dma_start3A_40 = tpu.memref_squeeze %dma_start3A_39 : memref<1x128x128xf32, #tpu.memory_space<vmem>> -> memref<128x128xf32, #tpu.memory_space<vmem>>
    %dma_start3A_41 = arith.constant 0 : i32
    %dma_start3A_42 = tpu.memref_slice %arg8[%dma_start3A, %dma_start3A_41] : memref<2x128xi32, #tpu.memory_space<vmem>> -> memref<1x128xi32, #tpu.memory_space<vmem>>
    %dma_start3A_43 = tpu.memref_squeeze %dma_start3A_42 : memref<1x128xi32, #tpu.memory_space<vmem>> -> memref<128xi32, #tpu.memory_space<vmem>>
    %dma_start3A_44 = arith.constant 0 : i32
    %dma_start3A_45 = arith.constant 0 : i32
    %dma_start3A_46 = tpu.memref_slice %arg5[%dma_start3A_44, %dma_start3A_45] : memref<10000x128xf32, #tpu.memory_space<hbm>> -> memref<10000x128xf32, #tpu.memory_space<hbm>>
    tpu.enqueue_indirect_dma source(%dma_start3A_46 : memref<10000x128xf32, #tpu.memory_space<hbm>>) target(%dma_start3A_40 : memref<128x128xf32, #tpu.memory_space<vmem>>) offsets(%dma_start3A_43 : memref<128xi32, #tpu.memory_space<vmem>>) semaphore(%arg12 : memref<!tpu.dma_semaphore, #tpu.memory_space<semaphore_mem>>)
    %add3A_47 = arith.constant 1 : i32
    %add3A_48 = arith.addi %select_n3A_8, %add3A_47 : i32
    %dma_start3A_49 = arith.constant 0 : i32
    %dma_start3A_50 = arith.constant 1 : i32
    %dma_start3A_51 = arith.constant 0 : i32
    %dma_start3A_52 = tpu.memref_slice %arg8[%dma_start3A_50, %dma_start3A_51] : memref<2x128xi32, #tpu.memory_space<vmem>> -> memref<1x128xi32, #tpu.memory_space<vmem>>
    %dma_start3A_53 = tpu.memref_squeeze %dma_start3A_52 : memref<1x128xi32, #tpu.memory_space<vmem>> -> memref<128xi32, #tpu.memory_space<vmem>>
    %dma_start3A_54 = arith.constant 0 : i32
    %dma_start3A_55 = tpu.memref_slice %arg4[%add3A_48, %dma_start3A_49, %dma_start3A_54] : memref<2676x1x128xi32, #tpu.memory_space<hbm>> -> memref<1x1x128xi32, #tpu.memory_space<hbm>>
    %dma_start3A_56 = tpu.memref_squeeze %dma_start3A_55 : memref<1x1x128xi32, #tpu.memory_space<hbm>> -> memref<128xi32, #tpu.memory_space<hbm>>
    %dma_start3A_57 = arith.constant 0 : i32
    %dma_start3A_58 = tpu.memref_slice %arg8[%dma_start3A_50, %dma_start3A_57] : memref<2x128xi32, #tpu.memory_space<vmem>> -> memref<1x128xi32, #tpu.memory_space<vmem>>
    %dma_start3A_59 = tpu.memref_squeeze %dma_start3A_58 : memref<1x128xi32, #tpu.memory_space<vmem>> -> memref<128xi32, #tpu.memory_space<vmem>>
    %dma_start3A_60 = arith.constant 0 : i32
    %dma_start3A_61 = tpu.memref_slice %arg4[%add3A_48, %dma_start3A_49, %dma_start3A_60] : memref<2676x1x128xi32, #tpu.memory_space<hbm>> -> memref<1x1x128xi32, #tpu.memory_space<hbm>>
    %dma_start3A_62 = tpu.memref_squeeze %dma_start3A_61 : memref<1x1x128xi32, #tpu.memory_space<hbm>> -> memref<128xi32, #tpu.memory_space<hbm>>
    tpu.enqueue_dma source(%dma_start3A_62 : memref<128xi32, #tpu.memory_space<hbm>>) target(%dma_start3A_59 : memref<128xi32, #tpu.memory_space<vmem>>) target_semaphore(%arg13 : memref<!tpu.dma_semaphore, #tpu.memory_space<semaphore_mem>>)
    %add3A_63 = arith.constant 1 : i32
    %add3A_64 = arith.addi %select_n3A_8, %add3A_63 : i32
    %dma_start3A_65 = arith.constant 0 : i32
    %dma_start3A_66 = arith.constant 1 : i32
    %dma_start3A_67 = arith.constant 0 : i32
    %dma_start3A_68 = tpu.memref_slice %arg9[%dma_start3A_66, %dma_start3A_67] : memref<2x128xf32, #tpu.memory_space<vmem>> -> memref<1x128xf32, #tpu.memory_space<vmem>>
    %dma_start3A_69 = tpu.memref_squeeze %dma_start3A_68 : memref<1x128xf32, #tpu.memory_space<vmem>> -> memref<128xf32, #tpu.memory_space<vmem>>
    %dma_start3A_70 = arith.constant 0 : i32
    %dma_start3A_71 = tpu.memref_slice %arg2[%add3A_64, %dma_start3A_65, %dma_start3A_70] : memref<2676x1x128xf32, #tpu.memory_space<hbm>> -> memref<1x1x128xf32, #tpu.memory_space<hbm>>
    %dma_start3A_72 = tpu.memref_squeeze %dma_start3A_71 : memref<1x1x128xf32, #tpu.memory_space<hbm>> -> memref<128xf32, #tpu.memory_space<hbm>>
    %dma_start3A_73 = arith.constant 0 : i32
    %dma_start3A_74 = tpu.memref_slice %arg9[%dma_start3A_66, %dma_start3A_73] : memref<2x128xf32, #tpu.memory_space<vmem>> -> memref<1x128xf32, #tpu.memory_space<vmem>>
    %dma_start3A_75 = tpu.memref_squeeze %dma_start3A_74 : memref<1x128xf32, #tpu.memory_space<vmem>> -> memref<128xf32, #tpu.memory_space<vmem>>
    %dma_start3A_76 = arith.constant 0 : i32
    %dma_start3A_77 = tpu.memref_slice %arg2[%add3A_64, %dma_start3A_65, %dma_start3A_76] : memref<2676x1x128xf32, #tpu.memory_space<hbm>> -> memref<1x1x128xf32, #tpu.memory_space<hbm>>
    %dma_start3A_78 = tpu.memref_squeeze %dma_start3A_77 : memref<1x1x128xf32, #tpu.memory_space<hbm>> -> memref<128xf32, #tpu.memory_space<hbm>>
    tpu.enqueue_dma source(%dma_start3A_78 : memref<128xf32, #tpu.memory_space<hbm>>) target(%dma_start3A_75 : memref<128xf32, #tpu.memory_space<vmem>>) target_semaphore(%arg13 : memref<!tpu.dma_semaphore, #tpu.memory_space<semaphore_mem>>)
    %while3A = arith.constant 0 : i32
    %while3A_79 = arith.constant 0 : i32
    %while3A_80 = arith.subi %select_n3A, %while3A_79 : i32
    %while3A_81 = arith.addi %while3A_79, %while3A_80 : i32
    %while3A_82 = arith.constant 1 : i32
    %while3A_83 = arith.divsi %while3A_80, %while3A_82 : i32
    %while3A_84 = arith.muli %while3A_83, %while3A_82 : i32
    %while3A_85 = arith.addi %while3A_79, %while3A_84 : i32
    %while3A_86 = arith.constant 1 : i32
    scf.for %while3A_93 = %while3A_79 to %while3A_85 step %while3A_86  : i32 {
      %and3A = arith.constant 1 : i32
      %and3A_94 = arith.andi %while3A_93, %and3A : i32
      %dma_wait3A = arith.constant 0 : i32
      %dma_wait3A_95 = arith.constant 0 : i32
      %dma_wait3A_96 = tpu.memref_slice %arg10[%and3A_94, %dma_wait3A, %dma_wait3A_95] : memref<2x128x128xf32, #tpu.memory_space<vmem>> -> memref<1x128x128xf32, #tpu.memory_space<vmem>>
      %dma_wait3A_97 = tpu.memref_squeeze %dma_wait3A_96 : memref<1x128x128xf32, #tpu.memory_space<vmem>> -> memref<128x128xf32, #tpu.memory_space<vmem>>
      %dma_wait3A_98 = arith.constant 0 : i32
      %dma_wait3A_99 = tpu.memref_slice %arg8[%and3A_94, %dma_wait3A_98] : memref<2x128xi32, #tpu.memory_space<vmem>> -> memref<1x128xi32, #tpu.memory_space<vmem>>
      %dma_wait3A_100 = tpu.memref_squeeze %dma_wait3A_99 : memref<1x128xi32, #tpu.memory_space<vmem>> -> memref<128xi32, #tpu.memory_space<vmem>>
      %dma_wait3A_101 = arith.constant 0 : i32
      %dma_wait3A_102 = arith.constant 0 : i32
      %dma_wait3A_103 = tpu.memref_slice %arg5[%dma_wait3A_101, %dma_wait3A_102] : memref<10000x128xf32, #tpu.memory_space<hbm>> -> memref<10000x128xf32, #tpu.memory_space<hbm>>
      tpu.wait_indirect_dma semaphore(%arg12 : memref<!tpu.dma_semaphore, #tpu.memory_space<semaphore_mem>>) src(%dma_wait3A_103 : memref<10000x128xf32, #tpu.memory_space<hbm>>) dst(%dma_wait3A_97 : memref<128x128xf32, #tpu.memory_space<vmem>>)
      %add3A_104 = arith.constant 1 : i32
      %add3A_105 = arith.addi %while3A_93, %add3A_104 : i32
      %lt3A = arith.cmpi slt, %add3A_105, %select_n3A : i32
      %convert_element_type3A = arith.extui %lt3A : i1 to i32
      %cond3A = arith.constant 0 : i32
      %cond3A_106 = arith.cmpi ne, %convert_element_type3A, %cond3A : i32
      scf.if %cond3A_106 {
        %add3A_141 = arith.addi %select_n3A_8, %while3A_93 : i32
        %add3A_142 = arith.constant 1 : i32
        %add3A_143 = arith.addi %add3A_141, %add3A_142 : i32
        %sub3A_144 = arith.constant 1 : i32
        %sub3A_145 = arith.subi %sub3A_144, %and3A_94 : i32
        %dma_wait3A_146 = arith.constant 0 : i32
        %dma_wait3A_147 = arith.constant 0 : i32
        %dma_wait3A_148 = tpu.memref_slice %arg8[%sub3A_145, %dma_wait3A_147] : memref<2x128xi32, #tpu.memory_space<vmem>> -> memref<1x128xi32, #tpu.memory_space<vmem>>
        %dma_wait3A_149 = tpu.memref_squeeze %dma_wait3A_148 : memref<1x128xi32, #tpu.memory_space<vmem>> -> memref<128xi32, #tpu.memory_space<vmem>>
        %dma_wait3A_150 = arith.constant 0 : i32
        %dma_wait3A_151 = tpu.memref_slice %arg4[%add3A_143, %dma_wait3A_146, %dma_wait3A_150] : memref<2676x1x128xi32, #tpu.memory_space<hbm>> -> memref<1x1x128xi32, #tpu.memory_space<hbm>>
        %dma_wait3A_152 = tpu.memref_squeeze %dma_wait3A_151 : memref<1x1x128xi32, #tpu.memory_space<hbm>> -> memref<128xi32, #tpu.memory_space<hbm>>
        %dma_wait3A_153 = arith.constant 0 : i32
        %dma_wait3A_154 = tpu.memref_slice %arg8[%sub3A_145, %dma_wait3A_153] : memref<2x128xi32, #tpu.memory_space<vmem>> -> memref<1x128xi32, #tpu.memory_space<vmem>>
        %dma_wait3A_155 = tpu.memref_squeeze %dma_wait3A_154 : memref<1x128xi32, #tpu.memory_space<vmem>> -> memref<128xi32, #tpu.memory_space<vmem>>
        %dma_wait3A_156 = arith.constant 0 : i32
        %dma_wait3A_157 = tpu.memref_slice %arg4[%add3A_143, %dma_wait3A_146, %dma_wait3A_156] : memref<2676x1x128xi32, #tpu.memory_space<hbm>> -> memref<1x1x128xi32, #tpu.memory_space<hbm>>
        %dma_wait3A_158 = tpu.memref_squeeze %dma_wait3A_157 : memref<1x1x128xi32, #tpu.memory_space<hbm>> -> memref<128xi32, #tpu.memory_space<hbm>>
        tpu.wait_dma2 semaphore(%arg13 : memref<!tpu.dma_semaphore, #tpu.memory_space<semaphore_mem>>) src(%dma_wait3A_158 : memref<128xi32, #tpu.memory_space<hbm>>) dst(%dma_wait3A_155 : memref<128xi32, #tpu.memory_space<vmem>>)
        %add3A_159 = arith.addi %select_n3A_8, %while3A_93 : i32
        %add3A_160 = arith.constant 1 : i32
        %add3A_161 = arith.addi %add3A_159, %add3A_160 : i32
        %sub3A_162 = arith.constant 1 : i32
        %sub3A_163 = arith.subi %sub3A_162, %and3A_94 : i32
        %dma_wait3A_164 = arith.constant 0 : i32
        %dma_wait3A_165 = arith.constant 0 : i32
        %dma_wait3A_166 = tpu.memref_slice %arg9[%sub3A_163, %dma_wait3A_165] : memref<2x128xf32, #tpu.memory_space<vmem>> -> memref<1x128xf32, #tpu.memory_space<vmem>>
        %dma_wait3A_167 = tpu.memref_squeeze %dma_wait3A_166 : memref<1x128xf32, #tpu.memory_space<vmem>> -> memref<128xf32, #tpu.memory_space<vmem>>
        %dma_wait3A_168 = arith.constant 0 : i32
        %dma_wait3A_169 = tpu.memref_slice %arg2[%add3A_161, %dma_wait3A_164, %dma_wait3A_168] : memref<2676x1x128xf32, #tpu.memory_space<hbm>> -> memref<1x1x128xf32, #tpu.memory_space<hbm>>
        %dma_wait3A_170 = tpu.memref_squeeze %dma_wait3A_169 : memref<1x1x128xf32, #tpu.memory_space<hbm>> -> memref<128xf32, #tpu.memory_space<hbm>>
        %dma_wait3A_171 = arith.constant 0 : i32
        %dma_wait3A_172 = tpu.memref_slice %arg9[%sub3A_163, %dma_wait3A_171] : memref<2x128xf32, #tpu.memory_space<vmem>> -> memref<1x128xf32, #tpu.memory_space<vmem>>
        %dma_wait3A_173 = tpu.memref_squeeze %dma_wait3A_172 : memref<1x128xf32, #tpu.memory_space<vmem>> -> memref<128xf32, #tpu.memory_space<vmem>>
        %dma_wait3A_174 = arith.constant 0 : i32
        %dma_wait3A_175 = tpu.memref_slice %arg2[%add3A_161, %dma_wait3A_164, %dma_wait3A_174] : memref<2676x1x128xf32, #tpu.memory_space<hbm>> -> memref<1x1x128xf32, #tpu.memory_space<hbm>>
        %dma_wait3A_176 = tpu.memref_squeeze %dma_wait3A_175 : memref<1x1x128xf32, #tpu.memory_space<hbm>> -> memref<128xf32, #tpu.memory_space<hbm>>
        tpu.wait_dma2 semaphore(%arg13 : memref<!tpu.dma_semaphore, #tpu.memory_space<semaphore_mem>>) src(%dma_wait3A_176 : memref<128xf32, #tpu.memory_space<hbm>>) dst(%dma_wait3A_173 : memref<128xf32, #tpu.memory_space<vmem>>)
        %sub3A_177 = arith.constant 1 : i32
        %sub3A_178 = arith.subi %sub3A_177, %and3A_94 : i32
        %sub3A_179 = arith.constant 1 : i32
        %sub3A_180 = arith.subi %sub3A_179, %and3A_94 : i32
        %dma_start3A_181 = arith.constant 0 : i32
        %dma_start3A_182 = arith.constant 0 : i32
        %dma_start3A_183 = tpu.memref_slice %arg10[%sub3A_180, %dma_start3A_181, %dma_start3A_182] : memref<2x128x128xf32, #tpu.memory_space<vmem>> -> memref<1x128x128xf32, #tpu.memory_space<vmem>>
        %dma_start3A_184 = tpu.memref_squeeze %dma_start3A_183 : memref<1x128x128xf32, #tpu.memory_space<vmem>> -> memref<128x128xf32, #tpu.memory_space<vmem>>
        %dma_start3A_185 = arith.constant 0 : i32
        %dma_start3A_186 = tpu.memref_slice %arg8[%sub3A_178, %dma_start3A_185] : memref<2x128xi32, #tpu.memory_space<vmem>> -> memref<1x128xi32, #tpu.memory_space<vmem>>
        %dma_start3A_187 = tpu.memref_squeeze %dma_start3A_186 : memref<1x128xi32, #tpu.memory_space<vmem>> -> memref<128xi32, #tpu.memory_space<vmem>>
        %dma_start3A_188 = arith.constant 0 : i32
        %dma_start3A_189 = arith.constant 0 : i32
        %dma_start3A_190 = tpu.memref_slice %arg5[%dma_start3A_188, %dma_start3A_189] : memref<10000x128xf32, #tpu.memory_space<hbm>> -> memref<10000x128xf32, #tpu.memory_space<hbm>>
        tpu.enqueue_indirect_dma source(%dma_start3A_190 : memref<10000x128xf32, #tpu.memory_space<hbm>>) target(%dma_start3A_184 : memref<128x128xf32, #tpu.memory_space<vmem>>) offsets(%dma_start3A_187 : memref<128xi32, #tpu.memory_space<vmem>>) semaphore(%arg12 : memref<!tpu.dma_semaphore, #tpu.memory_space<semaphore_mem>>)
      } else {
      }
      %scan3A_107 = arith.constant 0 : i32
      %scan3A_108 = arith.constant 0 : i32
      %scan3A_109 = arith.constant 128 : i32
      %scan3A_110 = arith.addi %scan3A_108, %scan3A_109 : i32
      %scan3A_111 = arith.constant 1 : i32
      scf.for %scan3A_141 = %scan3A_108 to %scan3A_110 step %scan3A_111  : i32 {
        %broadcast_in_dim3A_142 = vector.broadcast %scan3A_141 : i32 to vector<16xi32>
        %broadcast_in_dim3A_143 = vector.broadcast %and3A_94 : i32 to vector<16xi32>
        %gather3A = tpu.vector_load_idx %arg9[%broadcast_in_dim3A_143, %broadcast_in_dim3A_142] : memref<2x128xf32, #tpu.memory_space<vmem>>[vector<16xi32>, vector<16xi32>], vector<16xf32>,
        %get3A = arith.index_cast %and3A_94 : i32 to index
        %get3A_144 = arith.index_cast %scan3A_141 : i32 to index
        %get3A_145 = arith.constant 0 : index
        %get3A_146 = tpu.vector_load %arg10[%get3A, %get3A_144, %get3A_145] {strides = array<i32>} : memref<2x128x128xf32, #tpu.memory_space<vmem>>, vector<16xf32>,
        %mul3A_147 = arith.mulf %get3A_146, %gather3A : vector<16xf32>
        %swap3A = arith.index_cast %and3A_94 : i32 to index
        %swap3A_148 = arith.index_cast %scan3A_141 : i32 to index
        %swap3A_149 = arith.constant 0 : index
        %swap3A_150 = tpu.vector_load %arg10[%swap3A, %swap3A_148, %swap3A_149] {strides = array<i32>} : memref<2x128x128xf32, #tpu.memory_space<vmem>>, vector<16xf32>,
        tpu.vector_store %arg10[%swap3A, %swap3A_148, %swap3A_149], %mul3A_147 {strides = array<i32>} : memref<2x128x128xf32, #tpu.memory_space<vmem>>, vector<16xf32>,
        %get3A_151 = arith.index_cast %and3A_94 : i32 to index
        %get3A_152 = arith.index_cast %scan3A_141 : i32 to index
        %get3A_153 = arith.constant 16 : index
        %get3A_154 = tpu.vector_load %arg10[%get3A_151, %get3A_152, %get3A_153] {strides = array<i32>} : memref<2x128x128xf32, #tpu.memory_space<vmem>>, vector<16xf32>,
        %mul3A_155 = arith.mulf %get3A_154, %gather3A : vector<16xf32>
        %swap3A_156 = arith.index_cast %and3A_94 : i32 to index
        %swap3A_157 = arith.index_cast %scan3A_141 : i32 to index
        %swap3A_158 = arith.constant 16 : index
        %swap3A_159 = tpu.vector_load %arg10[%swap3A_156, %swap3A_157, %swap3A_158] {strides = array<i32>} : memref<2x128x128xf32, #tpu.memory_space<vmem>>, vector<16xf32>,
        tpu.vector_store %arg10[%swap3A_156, %swap3A_157, %swap3A_158], %mul3A_155 {strides = array<i32>} : memref<2x128x128xf32, #tpu.memory_space<vmem>>, vector<16xf32>,
        %get3A_160 = arith.index_cast %and3A_94 : i32 to index
        %get3A_161 = arith.index_cast %scan3A_141 : i32 to index
        %get3A_162 = arith.constant 32 : index
        %get3A_163 = tpu.vector_load %arg10[%get3A_160, %get3A_161, %get3A_162] {strides = array<i32>} : memref<2x128x128xf32, #tpu.memory_space<vmem>>, vector<16xf32>,
        %mul3A_164 = arith.mulf %get3A_163, %gather3A : vector<16xf32>
        %swap3A_165 = arith.index_cast %and3A_94 : i32 to index
        %swap3A_166 = arith.index_cast %scan3A_141 : i32 to index
        %swap3A_167 = arith.constant 32 : index
        %swap3A_168 = tpu.vector_load %arg10[%swap3A_165, %swap3A_166, %swap3A_167] {strides = array<i32>} : memref<2x128x128xf32, #tpu.memory_space<vmem>>, vector<16xf32>,
        tpu.vector_store %arg10[%swap3A_165, %swap3A_166, %swap3A_167], %mul3A_164 {strides = array<i32>} : memref<2x128x128xf32, #tpu.memory_space<vmem>>, vector<16xf32>,
        %get3A_169 = arith.index_cast %and3A_94 : i32 to index
        %get3A_170 = arith.index_cast %scan3A_141 : i32 to index
        %get3A_171 = arith.constant 48 : index
        %get3A_172 = tpu.vector_load %arg10[%get3A_169, %get3A_170, %get3A_171] {strides = array<i32>} : memref<2x128x128xf32, #tpu.memory_space<vmem>>, vector<16xf32>,
        %mul3A_173 = arith.mulf %get3A_172, %gather3A : vector<16xf32>
        %swap3A_174 = arith.index_cast %and3A_94 : i32 to index
        %swap3A_175 = arith.index_cast %scan3A_141 : i32 to index
        %swap3A_176 = arith.constant 48 : index
        %swap3A_177 = tpu.vector_load %arg10[%swap3A_174, %swap3A_175, %swap3A_176] {strides = array<i32>} : memref<2x128x128xf32, #tpu.memory_space<vmem>>, vector<16xf32>,
        tpu.vector_store %arg10[%swap3A_174, %swap3A_175, %swap3A_176], %mul3A_173 {strides = array<i32>} : memref<2x128x128xf32, #tpu.memory_space<vmem>>, vector<16xf32>,
        %get3A_178 = arith.index_cast %and3A_94 : i32 to index
        %get3A_179 = arith.index_cast %scan3A_141 : i32 to index
        %get3A_180 = arith.constant 64 : index
        %get3A_181 = tpu.vector_load %arg10[%get3A_178, %get3A_179, %get3A_180] {strides = array<i32>} : memref<2x128x128xf32, #tpu.memory_space<vmem>>, vector<16xf32>,
        %mul3A_182 = arith.mulf %get3A_181, %gather3A : vector<16xf32>
        %swap3A_183 = arith.index_cast %and3A_94 : i32 to index
        %swap3A_184 = arith.index_cast %scan3A_141 : i32 to index
        %swap3A_185 = arith.constant 64 : index
        %swap3A_186 = tpu.vector_load %arg10[%swap3A_183, %swap3A_184, %swap3A_185] {strides = array<i32>} : memref<2x128x128xf32, #tpu.memory_space<vmem>>, vector<16xf32>,
        tpu.vector_store %arg10[%swap3A_183, %swap3A_184, %swap3A_185], %mul3A_182 {strides = array<i32>} : memref<2x128x128xf32, #tpu.memory_space<vmem>>, vector<16xf32>,
        %get3A_187 = arith.index_cast %and3A_94 : i32 to index
        %get3A_188 = arith.index_cast %scan3A_141 : i32 to index
        %get3A_189 = arith.constant 80 : index
        %get3A_190 = tpu.vector_load %arg10[%get3A_187, %get3A_188, %get3A_189] {strides = array<i32>} : memref<2x128x128xf32, #tpu.memory_space<vmem>>, vector<16xf32>,
        %mul3A_191 = arith.mulf %get3A_190, %gather3A : vector<16xf32>
        %swap3A_192 = arith.index_cast %and3A_94 : i32 to index
        %swap3A_193 = arith.index_cast %scan3A_141 : i32 to index
        %swap3A_194 = arith.constant 80 : index
        %swap3A_195 = tpu.vector_load %arg10[%swap3A_192, %swap3A_193, %swap3A_194] {strides = array<i32>} : memref<2x128x128xf32, #tpu.memory_space<vmem>>, vector<16xf32>,
        tpu.vector_store %arg10[%swap3A_192, %swap3A_193, %swap3A_194], %mul3A_191 {strides = array<i32>} : memref<2x128x128xf32, #tpu.memory_space<vmem>>, vector<16xf32>,
        %get3A_196 = arith.index_cast %and3A_94 : i32 to index
        %get3A_197 = arith.index_cast %scan3A_141 : i32 to index
        %get3A_198 = arith.constant 96 : index
        %get3A_199 = tpu.vector_load %arg10[%get3A_196, %get3A_197, %get3A_198] {strides = array<i32>} : memref<2x128x128xf32, #tpu.memory_space<vmem>>, vector<16xf32>,
        %mul3A_200 = arith.mulf %get3A_199, %gather3A : vector<16xf32>
        %swap3A_201 = arith.index_cast %and3A_94 : i32 to index
        %swap3A_202 = arith.index_cast %scan3A_141 : i32 to index
        %swap3A_203 = arith.constant 96 : index
        %swap3A_204 = tpu.vector_load %arg10[%swap3A_201, %swap3A_202, %swap3A_203] {strides = array<i32>} : memref<2x128x128xf32, #tpu.memory_space<vmem>>, vector<16xf32>,
        tpu.vector_store %arg10[%swap3A_201, %swap3A_202, %swap3A_203], %mul3A_200 {strides = array<i32>} : memref<2x128x128xf32, #tpu.memory_space<vmem>>, vector<16xf32>,
        %get3A_205 = arith.index_cast %and3A_94 : i32 to index
        %get3A_206 = arith.index_cast %scan3A_141 : i32 to index
        %get3A_207 = arith.constant 112 : index
        %get3A_208 = tpu.vector_load %arg10[%get3A_205, %get3A_206, %get3A_207] {strides = array<i32>} : memref<2x128x128xf32, #tpu.memory_space<vmem>>, vector<16xf32>,
        %mul3A_209 = arith.mulf %get3A_208, %gather3A : vector<16xf32>
        %swap3A_210 = arith.index_cast %and3A_94 : i32 to index
        %swap3A_211 = arith.index_cast %scan3A_141 : i32 to index
        %swap3A_212 = arith.constant 112 : index
        %swap3A_213 = tpu.vector_load %arg10[%swap3A_210, %swap3A_211, %swap3A_212] {strides = array<i32>} : memref<2x128x128xf32, #tpu.memory_space<vmem>>, vector<16xf32>,
        tpu.vector_store %arg10[%swap3A_210, %swap3A_211, %swap3A_212], %mul3A_209 {strides = array<i32>} : memref<2x128x128xf32, #tpu.memory_space<vmem>>, vector<16xf32>,
      }
      %scan3A_112 = arith.constant 128 : i32
      %add3A_113 = arith.constant 2 : i32
      %add3A_114 = arith.addi %while3A_93, %add3A_113 : i32
      %lt3A_115 = arith.cmpi slt, %add3A_114, %select_n3A : i32
      %convert_element_type3A_116 = arith.extui %lt3A_115 : i1 to i32
      %cond3A_117 = arith.constant 0 : i32
      %cond3A_118 = arith.cmpi ne, %convert_element_type3A_116, %cond3A_117 : i32
      scf.if %cond3A_118 {
        %add3A_141 = arith.addi %select_n3A_8, %while3A_93 : i32
        %add3A_142 = arith.constant 2 : i32
        %add3A_143 = arith.addi %add3A_141, %add3A_142 : i32
        %dma_start3A_144 = arith.constant 0 : i32
        %dma_start3A_145 = arith.constant 0 : i32
        %dma_start3A_146 = tpu.memref_slice %arg8[%and3A_94, %dma_start3A_145] : memref<2x128xi32, #tpu.memory_space<vmem>> -> memref<1x128xi32, #tpu.memory_space<vmem>>
        %dma_start3A_147 = tpu.memref_squeeze %dma_start3A_146 : memref<1x128xi32, #tpu.memory_space<vmem>> -> memref<128xi32, #tpu.memory_space<vmem>>
        %dma_start3A_148 = arith.constant 0 : i32
        %dma_start3A_149 = tpu.memref_slice %arg4[%add3A_143, %dma_start3A_144, %dma_start3A_148] : memref<2676x1x128xi32, #tpu.memory_space<hbm>> -> memref<1x1x128xi32, #tpu.memory_space<hbm>>
        %dma_start3A_150 = tpu.memref_squeeze %dma_start3A_149 : memref<1x1x128xi32, #tpu.memory_space<hbm>> -> memref<128xi32, #tpu.memory_space<hbm>>
        %dma_start3A_151 = arith.constant 0 : i32
        %dma_start3A_152 = tpu.memref_slice %arg8[%and3A_94, %dma_start3A_151] : memref<2x128xi32, #tpu.memory_space<vmem>> -> memref<1x128xi32, #tpu.memory_space<vmem>>
        %dma_start3A_153 = tpu.memref_squeeze %dma_start3A_152 : memref<1x128xi32, #tpu.memory_space<vmem>> -> memref<128xi32, #tpu.memory_space<vmem>>
        %dma_start3A_154 = arith.constant 0 : i32
        %dma_start3A_155 = tpu.memref_slice %arg4[%add3A_143, %dma_start3A_144, %dma_start3A_154] : memref<2676x1x128xi32, #tpu.memory_space<hbm>> -> memref<1x1x128xi32, #tpu.memory_space<hbm>>
        %dma_start3A_156 = tpu.memref_squeeze %dma_start3A_155 : memref<1x1x128xi32, #tpu.memory_space<hbm>> -> memref<128xi32, #tpu.memory_space<hbm>>
        tpu.enqueue_dma source(%dma_start3A_156 : memref<128xi32, #tpu.memory_space<hbm>>) target(%dma_start3A_153 : memref<128xi32, #tpu.memory_space<vmem>>) target_semaphore(%arg13 : memref<!tpu.dma_semaphore, #tpu.memory_space<semaphore_mem>>)
        %add3A_157 = arith.addi %select_n3A_8, %while3A_93 : i32
        %add3A_158 = arith.constant 2 : i32
        %add3A_159 = arith.addi %add3A_157, %add3A_158 : i32
        %dma_start3A_160 = arith.constant 0 : i32
        %dma_start3A_161 = arith.constant 0 : i32
        %dma_start3A_162 = tpu.memref_slice %arg9[%and3A_94, %dma_start3A_161] : memref<2x128xf32, #tpu.memory_space<vmem>> -> memref<1x128xf32, #tpu.memory_space<vmem>>
        %dma_start3A_163 = tpu.memref_squeeze %dma_start3A_162 : memref<1x128xf32, #tpu.memory_space<vmem>> -> memref<128xf32, #tpu.memory_space<vmem>>
        %dma_start3A_164 = arith.constant 0 : i32
        %dma_start3A_165 = tpu.memref_slice %arg2[%add3A_159, %dma_start3A_160, %dma_start3A_164] : memref<2676x1x128xf32, #tpu.memory_space<hbm>> -> memref<1x1x128xf32, #tpu.memory_space<hbm>>
        %dma_start3A_166 = tpu.memref_squeeze %dma_start3A_165 : memref<1x1x128xf32, #tpu.memory_space<hbm>> -> memref<128xf32, #tpu.memory_space<hbm>>
        %dma_start3A_167 = arith.constant 0 : i32
        %dma_start3A_168 = tpu.memref_slice %arg9[%and3A_94, %dma_start3A_167] : memref<2x128xf32, #tpu.memory_space<vmem>> -> memref<1x128xf32, #tpu.memory_space<vmem>>
        %dma_start3A_169 = tpu.memref_squeeze %dma_start3A_168 : memref<1x128xf32, #tpu.memory_space<vmem>> -> memref<128xf32, #tpu.memory_space<vmem>>
        %dma_start3A_170 = arith.constant 0 : i32
        %dma_start3A_171 = tpu.memref_slice %arg2[%add3A_159, %dma_start3A_160, %dma_start3A_170] : memref<2676x1x128xf32, #tpu.memory_space<hbm>> -> memref<1x1x128xf32, #tpu.memory_space<hbm>>
        %dma_start3A_172 = tpu.memref_squeeze %dma_start3A_171 : memref<1x1x128xf32, #tpu.memory_space<hbm>> -> memref<128xf32, #tpu.memory_space<hbm>>
        tpu.enqueue_dma source(%dma_start3A_172 : memref<128xf32, #tpu.memory_space<hbm>>) target(%dma_start3A_169 : memref<128xf32, #tpu.memory_space<vmem>>) target_semaphore(%arg13 : memref<!tpu.dma_semaphore, #tpu.memory_space<semaphore_mem>>)
      } else {
      }
      %dma_start3A_119 = arith.constant 0 : i32
      %dma_start3A_120 = arith.constant 0 : i32
      %dma_start3A_121 = arith.constant 0 : i32
      %dma_start3A_122 = tpu.memref_slice %arg10[%and3A_94, %dma_start3A_120, %dma_start3A_121] : memref<2x128x128xf32, #tpu.memory_space<vmem>> -> memref<1x128x128xf32, #tpu.memory_space<vmem>>
      %dma_start3A_123 = tpu.memref_squeeze %dma_start3A_122 : memref<1x128x128xf32, #tpu.memory_space<vmem>> -> memref<128x128xf32, #tpu.memory_space<vmem>>
      %dma_start3A_124 = arith.constant 0 : i32
      %dma_start3A_125 = tpu.memref_slice %arg7[%while3A_93, %dma_start3A_119, %dma_start3A_124] : memref<116x1x128xi32, #tpu.memory_space<vmem>> -> memref<1x1x128xi32, #tpu.memory_space<vmem>>
      %dma_start3A_126 = tpu.memref_squeeze %dma_start3A_125 : memref<1x1x128xi32, #tpu.memory_space<vmem>> -> memref<128xi32, #tpu.memory_space<vmem>>
      %dma_start3A_127 = arith.constant 0 : i32
      %dma_start3A_128 = arith.constant 0 : i32
      %dma_start3A_129 = tpu.memref_slice %arg11[%dma_start3A_127, %dma_start3A_128] : memref<10112x128xf32, #tpu.memory_space<vmem_shared>> -> memref<10112x128xf32, #tpu.memory_space<vmem_shared>>
      tpu.enqueue_indirect_dma source(%dma_start3A_123 : memref<128x128xf32, #tpu.memory_space<vmem>>) target(%dma_start3A_129 : memref<10112x128xf32, #tpu.memory_space<vmem_shared>>) offsets(%dma_start3A_126 : memref<128xi32, #tpu.memory_space<vmem>>) semaphore(%arg14 : memref<!tpu.dma_semaphore, #tpu.memory_space<semaphore_mem>>) {add = true}
      %dma_wait3A_130 = arith.constant 0 : i32
      %dma_wait3A_131 = arith.constant 0 : i32
      %dma_wait3A_132 = arith.constant 0 : i32
      %dma_wait3A_133 = tpu.memref_slice %arg10[%and3A_94, %dma_wait3A_131, %dma_wait3A_132] : memref<2x128x128xf32, #tpu.memory_space<vmem>> -> memref<1x128x128xf32, #tpu.memory_space<vmem>>
      %dma_wait3A_134 = tpu.memref_squeeze %dma_wait3A_133 : memref<1x128x128xf32, #tpu.memory_space<vmem>> -> memref<128x128xf32, #tpu.memory_space<vmem>>
      %dma_wait3A_135 = arith.constant 0 : i32
      %dma_wait3A_136 = tpu.memref_slice %arg7[%while3A_93, %dma_wait3A_130, %dma_wait3A_135] : memref<116x1x128xi32, #tpu.memory_space<vmem>> -> memref<1x1x128xi32, #tpu.memory_space<vmem>>
      %dma_wait3A_137 = tpu.memref_squeeze %dma_wait3A_136 : memref<1x1x128xi32, #tpu.memory_space<vmem>> -> memref<128xi32, #tpu.memory_space<vmem>>
      %dma_wait3A_138 = arith.constant 0 : i32
      %dma_wait3A_139 = arith.constant 0 : i32
      %dma_wait3A_140 = tpu.memref_slice %arg11[%dma_wait3A_138, %dma_wait3A_139] : memref<10112x128xf32, #tpu.memory_space<vmem_shared>> -> memref<10112x128xf32, #tpu.memory_space<vmem_shared>>
      tpu.wait_indirect_dma semaphore(%arg14 : memref<!tpu.dma_semaphore, #tpu.memory_space<semaphore_mem>>) src(%dma_wait3A_134 : memref<128x128xf32, #tpu.memory_space<vmem>>) dst(%dma_wait3A_140 : memref<10112x128xf32, #tpu.memory_space<vmem_shared>>)
    }
    %while3A_87 = arith.constant 1 : i32
    scf.for %while3A_93 = %while3A_85 to %while3A_81 step %while3A_87  : i32 {
      %and3A = arith.constant 1 : i32
      %and3A_94 = arith.andi %while3A_93, %and3A : i32
      %dma_wait3A = arith.constant 0 : i32
      %dma_wait3A_95 = arith.constant 0 : i32
      %dma_wait3A_96 = tpu.memref_slice %arg10[%and3A_94, %dma_wait3A, %dma_wait3A_95] : memref<2x128x128xf32, #tpu.memory_space<vmem>> -> memref<1x128x128xf32, #tpu.memory_space<vmem>>
      %dma_wait3A_97 = tpu.memref_squeeze %dma_wait3A_96 : memref<1x128x128xf32, #tpu.memory_space<vmem>> -> memref<128x128xf32, #tpu.memory_space<vmem>>
      %dma_wait3A_98 = arith.constant 0 : i32
      %dma_wait3A_99 = tpu.memref_slice %arg8[%and3A_94, %dma_wait3A_98] : memref<2x128xi32, #tpu.memory_space<vmem>> -> memref<1x128xi32, #tpu.memory_space<vmem>>
      %dma_wait3A_100 = tpu.memref_squeeze %dma_wait3A_99 : memref<1x128xi32, #tpu.memory_space<vmem>> -> memref<128xi32, #tpu.memory_space<vmem>>
      %dma_wait3A_101 = arith.constant 0 : i32
      %dma_wait3A_102 = arith.constant 0 : i32
      %dma_wait3A_103 = tpu.memref_slice %arg5[%dma_wait3A_101, %dma_wait3A_102] : memref<10000x128xf32, #tpu.memory_space<hbm>> -> memref<10000x128xf32, #tpu.memory_space<hbm>>
      tpu.wait_indirect_dma semaphore(%arg12 : memref<!tpu.dma_semaphore, #tpu.memory_space<semaphore_mem>>) src(%dma_wait3A_103 : memref<10000x128xf32, #tpu.memory_space<hbm>>) dst(%dma_wait3A_97 : memref<128x128xf32, #tpu.memory_space<vmem>>)
      %add3A_104 = arith.constant 1 : i32
      %add3A_105 = arith.addi %while3A_93, %add3A_104 : i32
      %lt3A = arith.cmpi slt, %add3A_105, %select_n3A : i32
      %convert_element_type3A = arith.extui %lt3A : i1 to i32
      %cond3A = arith.constant 0 : i32
      %cond3A_106 = arith.cmpi ne, %convert_element_type3A, %cond3A : i32
      scf.if %cond3A_106 {
        %add3A_141 = arith.addi %select_n3A_8, %while3A_93 : i32
        %add3A_142 = arith.constant 1 : i32
        %add3A_143 = arith.addi %add3A_141, %add3A_142 : i32
        %sub3A_144 = arith.constant 1 : i32
        %sub3A_145 = arith.subi %sub3A_144, %and3A_94 : i32
        %dma_wait3A_146 = arith.constant 0 : i32
        %dma_wait3A_147 = arith.constant 0 : i32
        %dma_wait3A_148 = tpu.memref_slice %arg8[%sub3A_145, %dma_wait3A_147] : memref<2x128xi32, #tpu.memory_space<vmem>> -> memref<1x128xi32, #tpu.memory_space<vmem>>
        %dma_wait3A_149 = tpu.memref_squeeze %dma_wait3A_148 : memref<1x128xi32, #tpu.memory_space<vmem>> -> memref<128xi32, #tpu.memory_space<vmem>>
        %dma_wait3A_150 = arith.constant 0 : i32
        %dma_wait3A_151 = tpu.memref_slice %arg4[%add3A_143, %dma_wait3A_146, %dma_wait3A_150] : memref<2676x1x128xi32, #tpu.memory_space<hbm>> -> memref<1x1x128xi32, #tpu.memory_space<hbm>>
        %dma_wait3A_152 = tpu.memref_squeeze %dma_wait3A_151 : memref<1x1x128xi32, #tpu.memory_space<hbm>> -> memref<128xi32, #tpu.memory_space<hbm>>
        %dma_wait3A_153 = arith.constant 0 : i32
        %dma_wait3A_154 = tpu.memref_slice %arg8[%sub3A_145, %dma_wait3A_153] : memref<2x128xi32, #tpu.memory_space<vmem>> -> memref<1x128xi32, #tpu.memory_space<vmem>>
        %dma_wait3A_155 = tpu.memref_squeeze %dma_wait3A_154 : memref<1x128xi32, #tpu.memory_space<vmem>> -> memref<128xi32, #tpu.memory_space<vmem>>
        %dma_wait3A_156 = arith.constant 0 : i32
        %dma_wait3A_157 = tpu.memref_slice %arg4[%add3A_143, %dma_wait3A_146, %dma_wait3A_156] : memref<2676x1x128xi32, #tpu.memory_space<hbm>> -> memref<1x1x128xi32, #tpu.memory_space<hbm>>
        %dma_wait3A_158 = tpu.memref_squeeze %dma_wait3A_157 : memref<1x1x128xi32, #tpu.memory_space<hbm>> -> memref<128xi32, #tpu.memory_space<hbm>>
        tpu.wait_dma2 semaphore(%arg13 : memref<!tpu.dma_semaphore, #tpu.memory_space<semaphore_mem>>) src(%dma_wait3A_158 : memref<128xi32, #tpu.memory_space<hbm>>) dst(%dma_wait3A_155 : memref<128xi32, #tpu.memory_space<vmem>>)
        %add3A_159 = arith.addi %select_n3A_8, %while3A_93 : i32
        %add3A_160 = arith.constant 1 : i32
        %add3A_161 = arith.addi %add3A_159, %add3A_160 : i32
        %sub3A_162 = arith.constant 1 : i32
        %sub3A_163 = arith.subi %sub3A_162, %and3A_94 : i32
        %dma_wait3A_164 = arith.constant 0 : i32
        %dma_wait3A_165 = arith.constant 0 : i32
        %dma_wait3A_166 = tpu.memref_slice %arg9[%sub3A_163, %dma_wait3A_165] : memref<2x128xf32, #tpu.memory_space<vmem>> -> memref<1x128xf32, #tpu.memory_space<vmem>>
        %dma_wait3A_167 = tpu.memref_squeeze %dma_wait3A_166 : memref<1x128xf32, #tpu.memory_space<vmem>> -> memref<128xf32, #tpu.memory_space<vmem>>
        %dma_wait3A_168 = arith.constant 0 : i32
        %dma_wait3A_169 = tpu.memref_slice %arg2[%add3A_161, %dma_wait3A_164, %dma_wait3A_168] : memref<2676x1x128xf32, #tpu.memory_space<hbm>> -> memref<1x1x128xf32, #tpu.memory_space<hbm>>
        %dma_wait3A_170 = tpu.memref_squeeze %dma_wait3A_169 : memref<1x1x128xf32, #tpu.memory_space<hbm>> -> memref<128xf32, #tpu.memory_space<hbm>>
        %dma_wait3A_171 = arith.constant 0 : i32
        %dma_wait3A_172 = tpu.memref_slice %arg9[%sub3A_163, %dma_wait3A_171] : memref<2x128xf32, #tpu.memory_space<vmem>> -> memref<1x128xf32, #tpu.memory_space<vmem>>
        %dma_wait3A_173 = tpu.memref_squeeze %dma_wait3A_172 : memref<1x128xf32, #tpu.memory_space<vmem>> -> memref<128xf32, #tpu.memory_space<vmem>>
        %dma_wait3A_174 = arith.constant 0 : i32
        %dma_wait3A_175 = tpu.memref_slice %arg2[%add3A_161, %dma_wait3A_164, %dma_wait3A_174] : memref<2676x1x128xf32, #tpu.memory_space<hbm>> -> memref<1x1x128xf32, #tpu.memory_space<hbm>>
        %dma_wait3A_176 = tpu.memref_squeeze %dma_wait3A_175 : memref<1x1x128xf32, #tpu.memory_space<hbm>> -> memref<128xf32, #tpu.memory_space<hbm>>
        tpu.wait_dma2 semaphore(%arg13 : memref<!tpu.dma_semaphore, #tpu.memory_space<semaphore_mem>>) src(%dma_wait3A_176 : memref<128xf32, #tpu.memory_space<hbm>>) dst(%dma_wait3A_173 : memref<128xf32, #tpu.memory_space<vmem>>)
        %sub3A_177 = arith.constant 1 : i32
        %sub3A_178 = arith.subi %sub3A_177, %and3A_94 : i32
        %sub3A_179 = arith.constant 1 : i32
        %sub3A_180 = arith.subi %sub3A_179, %and3A_94 : i32
        %dma_start3A_181 = arith.constant 0 : i32
        %dma_start3A_182 = arith.constant 0 : i32
        %dma_start3A_183 = tpu.memref_slice %arg10[%sub3A_180, %dma_start3A_181, %dma_start3A_182] : memref<2x128x128xf32, #tpu.memory_space<vmem>> -> memref<1x128x128xf32, #tpu.memory_space<vmem>>
        %dma_start3A_184 = tpu.memref_squeeze %dma_start3A_183 : memref<1x128x128xf32, #tpu.memory_space<vmem>> -> memref<128x128xf32, #tpu.memory_space<vmem>>
        %dma_start3A_185 = arith.constant 0 : i32
        %dma_start3A_186 = tpu.memref_slice %arg8[%sub3A_178, %dma_start3A_185] : memref<2x128xi32, #tpu.memory_space<vmem>> -> memref<1x128xi32, #tpu.memory_space<vmem>>
        %dma_start3A_187 = tpu.memref_squeeze %dma_start3A_186 : memref<1x128xi32, #tpu.memory_space<vmem>> -> memref<128xi32, #tpu.memory_space<vmem>>
        %dma_start3A_188 = arith.constant 0 : i32
        %dma_start3A_189 = arith.constant 0 : i32
        %dma_start3A_190 = tpu.memref_slice %arg5[%dma_start3A_188, %dma_start3A_189] : memref<10000x128xf32, #tpu.memory_space<hbm>> -> memref<10000x128xf32, #tpu.memory_space<hbm>>
        tpu.enqueue_indirect_dma source(%dma_start3A_190 : memref<10000x128xf32, #tpu.memory_space<hbm>>) target(%dma_start3A_184 : memref<128x128xf32, #tpu.memory_space<vmem>>) offsets(%dma_start3A_187 : memref<128xi32, #tpu.memory_space<vmem>>) semaphore(%arg12 : memref<!tpu.dma_semaphore, #tpu.memory_space<semaphore_mem>>)
      } else {
      }
      %scan3A_107 = arith.constant 0 : i32
      %scan3A_108 = arith.constant 0 : i32
      %scan3A_109 = arith.constant 128 : i32
      %scan3A_110 = arith.addi %scan3A_108, %scan3A_109 : i32
      %scan3A_111 = arith.constant 1 : i32
      scf.for %scan3A_141 = %scan3A_108 to %scan3A_110 step %scan3A_111  : i32 {
        %broadcast_in_dim3A_142 = vector.broadcast %scan3A_141 : i32 to vector<16xi32>
        %broadcast_in_dim3A_143 = vector.broadcast %and3A_94 : i32 to vector<16xi32>
        %gather3A = tpu.vector_load_idx %arg9[%broadcast_in_dim3A_143, %broadcast_in_dim3A_142] : memref<2x128xf32, #tpu.memory_space<vmem>>[vector<16xi32>, vector<16xi32>], vector<16xf32>,
        %get3A = arith.index_cast %and3A_94 : i32 to index
        %get3A_144 = arith.index_cast %scan3A_141 : i32 to index
        %get3A_145 = arith.constant 0 : index
        %get3A_146 = tpu.vector_load %arg10[%get3A, %get3A_144, %get3A_145] {strides = array<i32>} : memref<2x128x128xf32, #tpu.memory_space<vmem>>, vector<16xf32>,
        %mul3A_147 = arith.mulf %get3A_146, %gather3A : vector<16xf32>
        %swap3A = arith.index_cast %and3A_94 : i32 to index
        %swap3A_148 = arith.index_cast %scan3A_141 : i32 to index
        %swap3A_149 = arith.constant 0 : index
        %swap3A_150 = tpu.vector_load %arg10[%swap3A, %swap3A_148, %swap3A_149] {strides = array<i32>} : memref<2x128x128xf32, #tpu.memory_space<vmem>>, vector<16xf32>,
        tpu.vector_store %arg10[%swap3A, %swap3A_148, %swap3A_149], %mul3A_147 {strides = array<i32>} : memref<2x128x128xf32, #tpu.memory_space<vmem>>, vector<16xf32>,
        %get3A_151 = arith.index_cast %and3A_94 : i32 to index
        %get3A_152 = arith.index_cast %scan3A_141 : i32 to index
        %get3A_153 = arith.constant 16 : index
        %get3A_154 = tpu.vector_load %arg10[%get3A_151, %get3A_152, %get3A_153] {strides = array<i32>} : memref<2x128x128xf32, #tpu.memory_space<vmem>>, vector<16xf32>,
        %mul3A_155 = arith.mulf %get3A_154, %gather3A : vector<16xf32>
        %swap3A_156 = arith.index_cast %and3A_94 : i32 to index
        %swap3A_157 = arith.index_cast %scan3A_141 : i32 to index
        %swap3A_158 = arith.constant 16 : index
        %swap3A_159 = tpu.vector_load %arg10[%swap3A_156, %swap3A_157, %swap3A_158] {strides = array<i32>} : memref<2x128x128xf32, #tpu.memory_space<vmem>>, vector<16xf32>,
        tpu.vector_store %arg10[%swap3A_156, %swap3A_157, %swap3A_158], %mul3A_155 {strides = array<i32>} : memref<2x128x128xf32, #tpu.memory_space<vmem>>, vector<16xf32>,
        %get3A_160 = arith.index_cast %and3A_94 : i32 to index
        %get3A_161 = arith.index_cast %scan3A_141 : i32 to index
        %get3A_162 = arith.constant 32 : index
        %get3A_163 = tpu.vector_load %arg10[%get3A_160, %get3A_161, %get3A_162] {strides = array<i32>} : memref<2x128x128xf32, #tpu.memory_space<vmem>>, vector<16xf32>,
        %mul3A_164 = arith.mulf %get3A_163, %gather3A : vector<16xf32>
        %swap3A_165 = arith.index_cast %and3A_94 : i32 to index
        %swap3A_166 = arith.index_cast %scan3A_141 : i32 to index
        %swap3A_167 = arith.constant 32 : index
        %swap3A_168 = tpu.vector_load %arg10[%swap3A_165, %swap3A_166, %swap3A_167] {strides = array<i32>} : memref<2x128x128xf32, #tpu.memory_space<vmem>>, vector<16xf32>,
        tpu.vector_store %arg10[%swap3A_165, %swap3A_166, %swap3A_167], %mul3A_164 {strides = array<i32>} : memref<2x128x128xf32, #tpu.memory_space<vmem>>, vector<16xf32>,
        %get3A_169 = arith.index_cast %and3A_94 : i32 to index
        %get3A_170 = arith.index_cast %scan3A_141 : i32 to index
        %get3A_171 = arith.constant 48 : index
        %get3A_172 = tpu.vector_load %arg10[%get3A_169, %get3A_170, %get3A_171] {strides = array<i32>} : memref<2x128x128xf32, #tpu.memory_space<vmem>>, vector<16xf32>,
        %mul3A_173 = arith.mulf %get3A_172, %gather3A : vector<16xf32>
        %swap3A_174 = arith.index_cast %and3A_94 : i32 to index
        %swap3A_175 = arith.index_cast %scan3A_141 : i32 to index
        %swap3A_176 = arith.constant 48 : index
        %swap3A_177 = tpu.vector_load %arg10[%swap3A_174, %swap3A_175, %swap3A_176] {strides = array<i32>} : memref<2x128x128xf32, #tpu.memory_space<vmem>>, vector<16xf32>,
        tpu.vector_store %arg10[%swap3A_174, %swap3A_175, %swap3A_176], %mul3A_173 {strides = array<i32>} : memref<2x128x128xf32, #tpu.memory_space<vmem>>, vector<16xf32>,
        %get3A_178 = arith.index_cast %and3A_94 : i32 to index
        %get3A_179 = arith.index_cast %scan3A_141 : i32 to index
        %get3A_180 = arith.constant 64 : index
        %get3A_181 = tpu.vector_load %arg10[%get3A_178, %get3A_179, %get3A_180] {strides = array<i32>} : memref<2x128x128xf32, #tpu.memory_space<vmem>>, vector<16xf32>,
        %mul3A_182 = arith.mulf %get3A_181, %gather3A : vector<16xf32>
        %swap3A_183 = arith.index_cast %and3A_94 : i32 to index
        %swap3A_184 = arith.index_cast %scan3A_141 : i32 to index
        %swap3A_185 = arith.constant 64 : index
        %swap3A_186 = tpu.vector_load %arg10[%swap3A_183, %swap3A_184, %swap3A_185] {strides = array<i32>} : memref<2x128x128xf32, #tpu.memory_space<vmem>>, vector<16xf32>,
        tpu.vector_store %arg10[%swap3A_183, %swap3A_184, %swap3A_185], %mul3A_182 {strides = array<i32>} : memref<2x128x128xf32, #tpu.memory_space<vmem>>, vector<16xf32>,
        %get3A_187 = arith.index_cast %and3A_94 : i32 to index
        %get3A_188 = arith.index_cast %scan3A_141 : i32 to index
        %get3A_189 = arith.constant 80 : index
        %get3A_190 = tpu.vector_load %arg10[%get3A_187, %get3A_188, %get3A_189] {strides = array<i32>} : memref<2x128x128xf32, #tpu.memory_space<vmem>>, vector<16xf32>,
        %mul3A_191 = arith.mulf %get3A_190, %gather3A : vector<16xf32>
        %swap3A_192 = arith.index_cast %and3A_94 : i32 to index
        %swap3A_193 = arith.index_cast %scan3A_141 : i32 to index
        %swap3A_194 = arith.constant 80 : index
        %swap3A_195 = tpu.vector_load %arg10[%swap3A_192, %swap3A_193, %swap3A_194] {strides = array<i32>} : memref<2x128x128xf32, #tpu.memory_space<vmem>>, vector<16xf32>,
        tpu.vector_store %arg10[%swap3A_192, %swap3A_193, %swap3A_194], %mul3A_191 {strides = array<i32>} : memref<2x128x128xf32, #tpu.memory_space<vmem>>, vector<16xf32>,
        %get3A_196 = arith.index_cast %and3A_94 : i32 to index
        %get3A_197 = arith.index_cast %scan3A_141 : i32 to index
        %get3A_198 = arith.constant 96 : index
        %get3A_199 = tpu.vector_load %arg10[%get3A_196, %get3A_197, %get3A_198] {strides = array<i32>} : memref<2x128x128xf32, #tpu.memory_space<vmem>>, vector<16xf32>,
        %mul3A_200 = arith.mulf %get3A_199, %gather3A : vector<16xf32>
        %swap3A_201 = arith.index_cast %and3A_94 : i32 to index
        %swap3A_202 = arith.index_cast %scan3A_141 : i32 to index
        %swap3A_203 = arith.constant 96 : index
        %swap3A_204 = tpu.vector_load %arg10[%swap3A_201, %swap3A_202, %swap3A_203] {strides = array<i32>} : memref<2x128x128xf32, #tpu.memory_space<vmem>>, vector<16xf32>,
        tpu.vector_store %arg10[%swap3A_201, %swap3A_202, %swap3A_203], %mul3A_200 {strides = array<i32>} : memref<2x128x128xf32, #tpu.memory_space<vmem>>, vector<16xf32>,
        %get3A_205 = arith.index_cast %and3A_94 : i32 to index
        %get3A_206 = arith.index_cast %scan3A_141 : i32 to index
        %get3A_207 = arith.constant 112 : index
        %get3A_208 = tpu.vector_load %arg10[%get3A_205, %get3A_206, %get3A_207] {strides = array<i32>} : memref<2x128x128xf32, #tpu.memory_space<vmem>>, vector<16xf32>,
        %mul3A_209 = arith.mulf %get3A_208, %gather3A : vector<16xf32>
        %swap3A_210 = arith.index_cast %and3A_94 : i32 to index
        %swap3A_211 = arith.index_cast %scan3A_141 : i32 to index
        %swap3A_212 = arith.constant 112 : index
        %swap3A_213 = tpu.vector_load %arg10[%swap3A_210, %swap3A_211, %swap3A_212] {strides = array<i32>} : memref<2x128x128xf32, #tpu.memory_space<vmem>>, vector<16xf32>,
        tpu.vector_store %arg10[%swap3A_210, %swap3A_211, %swap3A_212], %mul3A_209 {strides = array<i32>} : memref<2x128x128xf32, #tpu.memory_space<vmem>>, vector<16xf32>,
      }
      %scan3A_112 = arith.constant 128 : i32
      %add3A_113 = arith.constant 2 : i32
      %add3A_114 = arith.addi %while3A_93, %add3A_113 : i32
      %lt3A_115 = arith.cmpi slt, %add3A_114, %select_n3A : i32
      %convert_element_type3A_116 = arith.extui %lt3A_115 : i1 to i32
      %cond3A_117 = arith.constant 0 : i32
      %cond3A_118 = arith.cmpi ne, %convert_element_type3A_116, %cond3A_117 : i32
      scf.if %cond3A_118 {
        %add3A_141 = arith.addi %select_n3A_8, %while3A_93 : i32
        %add3A_142 = arith.constant 2 : i32
        %add3A_143 = arith.addi %add3A_141, %add3A_142 : i32
        %dma_start3A_144 = arith.constant 0 : i32
        %dma_start3A_145 = arith.constant 0 : i32
        %dma_start3A_146 = tpu.memref_slice %arg8[%and3A_94, %dma_start3A_145] : memref<2x128xi32, #tpu.memory_space<vmem>> -> memref<1x128xi32, #tpu.memory_space<vmem>>
        %dma_start3A_147 = tpu.memref_squeeze %dma_start3A_146 : memref<1x128xi32, #tpu.memory_space<vmem>> -> memref<128xi32, #tpu.memory_space<vmem>>
        %dma_start3A_148 = arith.constant 0 : i32
        %dma_start3A_149 = tpu.memref_slice %arg4[%add3A_143, %dma_start3A_144, %dma_start3A_148] : memref<2676x1x128xi32, #tpu.memory_space<hbm>> -> memref<1x1x128xi32, #tpu.memory_space<hbm>>
        %dma_start3A_150 = tpu.memref_squeeze %dma_start3A_149 : memref<1x1x128xi32, #tpu.memory_space<hbm>> -> memref<128xi32, #tpu.memory_space<hbm>>
        %dma_start3A_151 = arith.constant 0 : i32
        %dma_start3A_152 = tpu.memref_slice %arg8[%and3A_94, %dma_start3A_151] : memref<2x128xi32, #tpu.memory_space<vmem>> -> memref<1x128xi32, #tpu.memory_space<vmem>>
        %dma_start3A_153 = tpu.memref_squeeze %dma_start3A_152 : memref<1x128xi32, #tpu.memory_space<vmem>> -> memref<128xi32, #tpu.memory_space<vmem>>
        %dma_start3A_154 = arith.constant 0 : i32
        %dma_start3A_155 = tpu.memref_slice %arg4[%add3A_143, %dma_start3A_144, %dma_start3A_154] : memref<2676x1x128xi32, #tpu.memory_space<hbm>> -> memref<1x1x128xi32, #tpu.memory_space<hbm>>
        %dma_start3A_156 = tpu.memref_squeeze %dma_start3A_155 : memref<1x1x128xi32, #tpu.memory_space<hbm>> -> memref<128xi32, #tpu.memory_space<hbm>>
        tpu.enqueue_dma source(%dma_start3A_156 : memref<128xi32, #tpu.memory_space<hbm>>) target(%dma_start3A_153 : memref<128xi32, #tpu.memory_space<vmem>>) target_semaphore(%arg13 : memref<!tpu.dma_semaphore, #tpu.memory_space<semaphore_mem>>)
        %add3A_157 = arith.addi %select_n3A_8, %while3A_93 : i32
        %add3A_158 = arith.constant 2 : i32
        %add3A_159 = arith.addi %add3A_157, %add3A_158 : i32
        %dma_start3A_160 = arith.constant 0 : i32
        %dma_start3A_161 = arith.constant 0 : i32
        %dma_start3A_162 = tpu.memref_slice %arg9[%and3A_94, %dma_start3A_161] : memref<2x128xf32, #tpu.memory_space<vmem>> -> memref<1x128xf32, #tpu.memory_space<vmem>>
        %dma_start3A_163 = tpu.memref_squeeze %dma_start3A_162 : memref<1x128xf32, #tpu.memory_space<vmem>> -> memref<128xf32, #tpu.memory_space<vmem>>
        %dma_start3A_164 = arith.constant 0 : i32
        %dma_start3A_165 = tpu.memref_slice %arg2[%add3A_159, %dma_start3A_160, %dma_start3A_164] : memref<2676x1x128xf32, #tpu.memory_space<hbm>> -> memref<1x1x128xf32, #tpu.memory_space<hbm>>
        %dma_start3A_166 = tpu.memref_squeeze %dma_start3A_165 : memref<1x1x128xf32, #tpu.memory_space<hbm>> -> memref<128xf32, #tpu.memory_space<hbm>>
        %dma_start3A_167 = arith.constant 0 : i32
        %dma_start3A_168 = tpu.memref_slice %arg9[%and3A_94, %dma_start3A_167] : memref<2x128xf32, #tpu.memory_space<vmem>> -> memref<1x128xf32, #tpu.memory_space<vmem>>
        %dma_start3A_169 = tpu.memref_squeeze %dma_start3A_168 : memref<1x128xf32, #tpu.memory_space<vmem>> -> memref<128xf32, #tpu.memory_space<vmem>>
        %dma_start3A_170 = arith.constant 0 : i32
        %dma_start3A_171 = tpu.memref_slice %arg2[%add3A_159, %dma_start3A_160, %dma_start3A_170] : memref<2676x1x128xf32, #tpu.memory_space<hbm>> -> memref<1x1x128xf32, #tpu.memory_space<hbm>>
        %dma_start3A_172 = tpu.memref_squeeze %dma_start3A_171 : memref<1x1x128xf32, #tpu.memory_space<hbm>> -> memref<128xf32, #tpu.memory_space<hbm>>
        tpu.enqueue_dma source(%dma_start3A_172 : memref<128xf32, #tpu.memory_space<hbm>>) target(%dma_start3A_169 : memref<128xf32, #tpu.memory_space<vmem>>) target_semaphore(%arg13 : memref<!tpu.dma_semaphore, #tpu.memory_space<semaphore_mem>>)
      } else {
      }
      %dma_start3A_119 = arith.constant 0 : i32
      %dma_start3A_120 = arith.constant 0 : i32
      %dma_start3A_121 = arith.constant 0 : i32
      %dma_start3A_122 = tpu.memref_slice %arg10[%and3A_94, %dma_start3A_120, %dma_start3A_121] : memref<2x128x128xf32, #tpu.memory_space<vmem>> -> memref<1x128x128xf32, #tpu.memory_space<vmem>>
      %dma_start3A_123 = tpu.memref_squeeze %dma_start3A_122 : memref<1x128x128xf32, #tpu.memory_space<vmem>> -> memref<128x128xf32, #tpu.memory_space<vmem>>
      %dma_start3A_124 = arith.constant 0 : i32
      %dma_start3A_125 = tpu.memref_slice %arg7[%while3A_93, %dma_start3A_119, %dma_start3A_124] : memref<116x1x128xi32, #tpu.memory_space<vmem>> -> memref<1x1x128xi32, #tpu.memory_space<vmem>>
      %dma_start3A_126 = tpu.memref_squeeze %dma_start3A_125 : memref<1x1x128xi32, #tpu.memory_space<vmem>> -> memref<128xi32, #tpu.memory_space<vmem>>
      %dma_start3A_127 = arith.constant 0 : i32
      %dma_start3A_128 = arith.constant 0 : i32
      %dma_start3A_129 = tpu.memref_slice %arg11[%dma_start3A_127, %dma_start3A_128] : memref<10112x128xf32, #tpu.memory_space<vmem_shared>> -> memref<10112x128xf32, #tpu.memory_space<vmem_shared>>
      tpu.enqueue_indirect_dma source(%dma_start3A_123 : memref<128x128xf32, #tpu.memory_space<vmem>>) target(%dma_start3A_129 : memref<10112x128xf32, #tpu.memory_space<vmem_shared>>) offsets(%dma_start3A_126 : memref<128xi32, #tpu.memory_space<vmem>>) semaphore(%arg14 : memref<!tpu.dma_semaphore, #tpu.memory_space<semaphore_mem>>) {add = true}
      %dma_wait3A_130 = arith.constant 0 : i32
      %dma_wait3A_131 = arith.constant 0 : i32
      %dma_wait3A_132 = arith.constant 0 : i32
      %dma_wait3A_133 = tpu.memref_slice %arg10[%and3A_94, %dma_wait3A_131, %dma_wait3A_132] : memref<2x128x128xf32, #tpu.memory_space<vmem>> -> memref<1x128x128xf32, #tpu.memory_space<vmem>>
      %dma_wait3A_134 = tpu.memref_squeeze %dma_wait3A_133 : memref<1x128x128xf32, #tpu.memory_space<vmem>> -> memref<128x128xf32, #tpu.memory_space<vmem>>
      %dma_wait3A_135 = arith.constant 0 : i32
      %dma_wait3A_136 = tpu.memref_slice %arg7[%while3A_93, %dma_wait3A_130, %dma_wait3A_135] : memref<116x1x128xi32, #tpu.memory_space<vmem>> -> memref<1x1x128xi32, #tpu.memory_space<vmem>>
      %dma_wait3A_137 = tpu.memref_squeeze %dma_wait3A_136 : memref<1x1x128xi32, #tpu.memory_space<vmem>> -> memref<128xi32, #tpu.memory_space<vmem>>
      %dma_wait3A_138 = arith.constant 0 : i32
      %dma_wait3A_139 = arith.constant 0 : i32
      %dma_wait3A_140 = tpu.memref_slice %arg11[%dma_wait3A_138, %dma_wait3A_139] : memref<10112x128xf32, #tpu.memory_space<vmem_shared>> -> memref<10112x128xf32, #tpu.memory_space<vmem_shared>>
      tpu.wait_indirect_dma semaphore(%arg14 : memref<!tpu.dma_semaphore, #tpu.memory_space<semaphore_mem>>) src(%dma_wait3A_134 : memref<128x128xf32, #tpu.memory_space<vmem>>) dst(%dma_wait3A_140 : memref<10112x128xf32, #tpu.memory_space<vmem_shared>>)
    }
    %barrier3A_88 = arith.constant 0 : index
    tpu.barrier barrier_id(%barrier3A_88)
    %mul3A_89 = arith.constant 632 : i32
    %mul3A_90 = arith.muli %arg1, %mul3A_89 : i32
    %mul3A_91 = arith.constant 632 : i32
    %mul3A_92 = arith.muli %arg1, %mul3A_91 : i32
    "tpu.region"() ({
      %run_scoped3A_93 = tpu.sem_alloc : memref<!tpu.dma_semaphore, #tpu.memory_space<semaphore_mem>>
      %dma_start3A_94 = arith.constant 0 : i32
      %dma_start3A_95 = tpu.memref_slice %arg6[%arg0, %mul3A_92, %dma_start3A_94] : memref<2x10112x128xf32, #tpu.memory_space<hbm>> -> memref<1x632x128xf32, #tpu.memory_space<hbm>>
      %dma_start3A_96 = tpu.memref_squeeze %dma_start3A_95 : memref<1x632x128xf32, #tpu.memory_space<hbm>> -> memref<632x128xf32, #tpu.memory_space<hbm>>
      %dma_start3A_97 = arith.constant 0 : i32
      %dma_start3A_98 = tpu.memref_slice %arg11[%mul3A_90, %dma_start3A_97] : memref<10112x128xf32, #tpu.memory_space<vmem_shared>> -> memref<632x128xf32, #tpu.memory_space<vmem_shared>>
      tpu.enqueue_dma source(%dma_start3A_98 : memref<632x128xf32, #tpu.memory_space<vmem_shared>>) target(%dma_start3A_96 : memref<632x128xf32, #tpu.memory_space<hbm>>) target_semaphore(%run_scoped3A_93 : memref<!tpu.dma_semaphore, #tpu.memory_space<semaphore_mem>>)
      %dma_wait3A = arith.constant 0 : i32
      %dma_wait3A_99 = tpu.memref_slice %arg6[%arg0, %mul3A_92, %dma_wait3A] : memref<2x10112x128xf32, #tpu.memory_space<hbm>> -> memref<1x632x128xf32, #tpu.memory_space<hbm>>
      %dma_wait3A_100 = tpu.memref_squeeze %dma_wait3A_99 : memref<1x632x128xf32, #tpu.memory_space<hbm>> -> memref<632x128xf32, #tpu.memory_space<hbm>>
      %dma_wait3A_101 = arith.constant 0 : i32
      %dma_wait3A_102 = tpu.memref_slice %arg11[%mul3A_90, %dma_wait3A_101] : memref<10112x128xf32, #tpu.memory_space<vmem_shared>> -> memref<632x128xf32, #tpu.memory_space<vmem_shared>>
      tpu.wait_dma2 semaphore(%run_scoped3A_93 : memref<!tpu.dma_semaphore, #tpu.memory_space<semaphore_mem>>) src(%dma_wait3A_102 : memref<632x128xf32, #tpu.memory_space<vmem_shared>>) dst(%dma_wait3A_100 : memref<632x128xf32, #tpu.memory_space<hbm>>)
      tpu.yield
    }) : () -> ()
    return
  }
}

#map = affine_map<(d0, d1) -> (0)>
#map1 = affine_map<(d0, d1) -> (0, 0, 0)>
module attributes {stable_mosaic.version = 14 : i64} {
  func.func @j25(%arg0: i32, %arg1: i32, %arg2: memref<20224xf32, #tpu.memory_space<hbm>>, %arg3: memref<2676x1x128xf32, #tpu.memory_space<hbm>>, %arg4: memref<2676x1x128xf32, #tpu.memory_space<hbm>>, %arg5: memref<2676x1x128xi32, #tpu.memory_space<hbm>>, %arg6: memref<2676x1x128xf32, #tpu.memory_space<hbm>>, %arg7: memref<20224xf32, #tpu.memory_space<vmem>>, %arg8: memref<116x1x128xi32, #tpu.memory_space<vmem>>, %arg9: memref<116x1x128xf32, #tpu.memory_space<vmem>>, %arg10: memref<116x1x128xf32, #tpu.memory_space<vmem>>, %arg11: memref<128xf32, #tpu.memory_space<vmem>>) attributes {dimension_semantics = [#tpu.dimension_semantics<core_parallel>, #tpu.dimension_semantics<subcore_parallel>], iteration_bounds = array<i64: 2, 16>, scalar_prefetch = 0 : i64, scratch_operands = 5 : i64, tpu.core_type = #tpu.core_type<sc_vector_subcore>, window_params = [{transform_indices = #map}, {transform_indices = #map1}, {transform_indices = #map1}, {transform_indices = #map1}, {transform_indices = #map1}]} {
    %eq3A = arith.constant 0 : i32
    %eq3A_0 = arith.cmpi eq, %arg0, %eq3A : i32
    %jit3A = arith.constant 116 : i32
    %jit3A_1 = arith.constant 44 : i32
    %select_n3A = arith.select %eq3A_0, %jit3A, %jit3A_1 : i32
    %eq3A_2 = arith.constant 0 : i32
    %eq3A_3 = arith.cmpi eq, %arg0, %eq3A_2 : i32
    %mul3A = arith.constant 116 : i32
    %mul3A_4 = arith.muli %arg1, %mul3A : i32
    %mul3A_5 = arith.constant 44 : i32
    %mul3A_6 = arith.muli %arg1, %mul3A_5 : i32
    %add3A = arith.constant 1856 : i32
    %add3A_7 = arith.addi %add3A, %mul3A_6 : i32
    %select_n3A_8 = arith.select %eq3A_3, %mul3A_4, %add3A_7 : i32
    "tpu.region"() ({
      %run_scoped3A = tpu.sem_alloc : memref<!tpu.dma_semaphore, #tpu.memory_space<semaphore_mem>>
      tpu.enqueue_dma source(%arg2 : memref<20224xf32, #tpu.memory_space<hbm>>) target(%arg7 : memref<20224xf32, #tpu.memory_space<vmem>>) target_semaphore(%run_scoped3A : memref<!tpu.dma_semaphore, #tpu.memory_space<semaphore_mem>>)
      tpu.wait_dma2 semaphore(%run_scoped3A : memref<!tpu.dma_semaphore, #tpu.memory_space<semaphore_mem>>) src(%arg2 : memref<20224xf32, #tpu.memory_space<hbm>>) dst(%arg7 : memref<20224xf32, #tpu.memory_space<vmem>>)
      tpu.yield
    }) : () -> ()
    "tpu.region"() ({
      %run_scoped3A = tpu.sem_alloc : memref<!tpu.dma_semaphore, #tpu.memory_space<semaphore_mem>>
      %dma_start3A = arith.constant 0 : i32
      %dma_start3A_18 = arith.constant 0 : i32
      %dma_start3A_19 = tpu.memref_slice %arg5[%select_n3A_8, %dma_start3A, %dma_start3A_18] : memref<2676x1x128xi32, #tpu.memory_space<hbm>> -> memref<116x1x128xi32, #tpu.memory_space<hbm>>
      %dma_start3A_20 = arith.constant 0 : i32
      %dma_start3A_21 = arith.constant 0 : i32
      %dma_start3A_22 = tpu.memref_slice %arg5[%select_n3A_8, %dma_start3A_20, %dma_start3A_21] : memref<2676x1x128xi32, #tpu.memory_space<hbm>> -> memref<116x1x128xi32, #tpu.memory_space<hbm>>
      tpu.enqueue_dma source(%dma_start3A_22 : memref<116x1x128xi32, #tpu.memory_space<hbm>>) target(%arg8 : memref<116x1x128xi32, #tpu.memory_space<vmem>>) target_semaphore(%run_scoped3A : memref<!tpu.dma_semaphore, #tpu.memory_space<semaphore_mem>>)
      %dma_wait3A = arith.constant 0 : i32
      %dma_wait3A_23 = arith.constant 0 : i32
      %dma_wait3A_24 = tpu.memref_slice %arg5[%select_n3A_8, %dma_wait3A, %dma_wait3A_23] : memref<2676x1x128xi32, #tpu.memory_space<hbm>> -> memref<116x1x128xi32, #tpu.memory_space<hbm>>
      %dma_wait3A_25 = arith.constant 0 : i32
      %dma_wait3A_26 = arith.constant 0 : i32
      %dma_wait3A_27 = tpu.memref_slice %arg5[%select_n3A_8, %dma_wait3A_25, %dma_wait3A_26] : memref<2676x1x128xi32, #tpu.memory_space<hbm>> -> memref<116x1x128xi32, #tpu.memory_space<hbm>>
      tpu.wait_dma2 semaphore(%run_scoped3A : memref<!tpu.dma_semaphore, #tpu.memory_space<semaphore_mem>>) src(%dma_wait3A_27 : memref<116x1x128xi32, #tpu.memory_space<hbm>>) dst(%arg8 : memref<116x1x128xi32, #tpu.memory_space<vmem>>)
      tpu.yield
    }) : () -> ()
    "tpu.region"() ({
      %run_scoped3A = tpu.sem_alloc : memref<!tpu.dma_semaphore, #tpu.memory_space<semaphore_mem>>
      %dma_start3A = arith.constant 0 : i32
      %dma_start3A_18 = arith.constant 0 : i32
      %dma_start3A_19 = tpu.memref_slice %arg3[%select_n3A_8, %dma_start3A, %dma_start3A_18] : memref<2676x1x128xf32, #tpu.memory_space<hbm>> -> memref<116x1x128xf32, #tpu.memory_space<hbm>>
      %dma_start3A_20 = arith.constant 0 : i32
      %dma_start3A_21 = arith.constant 0 : i32
      %dma_start3A_22 = tpu.memref_slice %arg3[%select_n3A_8, %dma_start3A_20, %dma_start3A_21] : memref<2676x1x128xf32, #tpu.memory_space<hbm>> -> memref<116x1x128xf32, #tpu.memory_space<hbm>>
      tpu.enqueue_dma source(%dma_start3A_22 : memref<116x1x128xf32, #tpu.memory_space<hbm>>) target(%arg9 : memref<116x1x128xf32, #tpu.memory_space<vmem>>) target_semaphore(%run_scoped3A : memref<!tpu.dma_semaphore, #tpu.memory_space<semaphore_mem>>)
      %dma_wait3A = arith.constant 0 : i32
      %dma_wait3A_23 = arith.constant 0 : i32
      %dma_wait3A_24 = tpu.memref_slice %arg3[%select_n3A_8, %dma_wait3A, %dma_wait3A_23] : memref<2676x1x128xf32, #tpu.memory_space<hbm>> -> memref<116x1x128xf32, #tpu.memory_space<hbm>>
      %dma_wait3A_25 = arith.constant 0 : i32
      %dma_wait3A_26 = arith.constant 0 : i32
      %dma_wait3A_27 = tpu.memref_slice %arg3[%select_n3A_8, %dma_wait3A_25, %dma_wait3A_26] : memref<2676x1x128xf32, #tpu.memory_space<hbm>> -> memref<116x1x128xf32, #tpu.memory_space<hbm>>
      tpu.wait_dma2 semaphore(%run_scoped3A : memref<!tpu.dma_semaphore, #tpu.memory_space<semaphore_mem>>) src(%dma_wait3A_27 : memref<116x1x128xf32, #tpu.memory_space<hbm>>) dst(%arg9 : memref<116x1x128xf32, #tpu.memory_space<vmem>>)
      tpu.yield
    }) : () -> ()
    "tpu.region"() ({
      %run_scoped3A = tpu.sem_alloc : memref<!tpu.dma_semaphore, #tpu.memory_space<semaphore_mem>>
      %dma_start3A = arith.constant 0 : i32
      %dma_start3A_18 = arith.constant 0 : i32
      %dma_start3A_19 = tpu.memref_slice %arg4[%select_n3A_8, %dma_start3A, %dma_start3A_18] : memref<2676x1x128xf32, #tpu.memory_space<hbm>> -> memref<116x1x128xf32, #tpu.memory_space<hbm>>
      %dma_start3A_20 = arith.constant 0 : i32
      %dma_start3A_21 = arith.constant 0 : i32
      %dma_start3A_22 = tpu.memref_slice %arg4[%select_n3A_8, %dma_start3A_20, %dma_start3A_21] : memref<2676x1x128xf32, #tpu.memory_space<hbm>> -> memref<116x1x128xf32, #tpu.memory_space<hbm>>
      tpu.enqueue_dma source(%dma_start3A_22 : memref<116x1x128xf32, #tpu.memory_space<hbm>>) target(%arg10 : memref<116x1x128xf32, #tpu.memory_space<vmem>>) target_semaphore(%run_scoped3A : memref<!tpu.dma_semaphore, #tpu.memory_space<semaphore_mem>>)
      %dma_wait3A = arith.constant 0 : i32
      %dma_wait3A_23 = arith.constant 0 : i32
      %dma_wait3A_24 = tpu.memref_slice %arg4[%select_n3A_8, %dma_wait3A, %dma_wait3A_23] : memref<2676x1x128xf32, #tpu.memory_space<hbm>> -> memref<116x1x128xf32, #tpu.memory_space<hbm>>
      %dma_wait3A_25 = arith.constant 0 : i32
      %dma_wait3A_26 = arith.constant 0 : i32
      %dma_wait3A_27 = tpu.memref_slice %arg4[%select_n3A_8, %dma_wait3A_25, %dma_wait3A_26] : memref<2676x1x128xf32, #tpu.memory_space<hbm>> -> memref<116x1x128xf32, #tpu.memory_space<hbm>>
      tpu.wait_dma2 semaphore(%run_scoped3A : memref<!tpu.dma_semaphore, #tpu.memory_space<semaphore_mem>>) src(%dma_wait3A_27 : memref<116x1x128xf32, #tpu.memory_space<hbm>>) dst(%arg10 : memref<116x1x128xf32, #tpu.memory_space<vmem>>)
      tpu.yield
    }) : () -> ()
    %while3A = arith.constant 0 : i32
    %while3A_9 = arith.constant 0 : i32
    %while3A_10 = arith.subi %select_n3A, %while3A_9 : i32
    %while3A_11 = arith.addi %while3A_9, %while3A_10 : i32
    %while3A_12 = arith.constant 1 : i32
    %while3A_13 = arith.divsi %while3A_10, %while3A_12 : i32
    %while3A_14 = arith.muli %while3A_13, %while3A_12 : i32
    %while3A_15 = arith.addi %while3A_9, %while3A_14 : i32
    %while3A_16 = arith.constant 1 : i32
    scf.for %while3A_18 = %while3A_9 to %while3A_15 step %while3A_16  : i32 {
      %get3A = arith.constant 0 : i32
      %get3A_19 = arith.index_cast %while3A_18 : i32 to index
      %get3A_20 = arith.index_cast %get3A : i32 to index
      %get3A_21 = arith.constant 0 : index
      %get3A_22 = tpu.vector_load %arg8[%get3A_19, %get3A_20, %get3A_21] {strides = array<i32>} : memref<116x1x128xi32, #tpu.memory_space<vmem>>, vector<16xi32>,
      %get3A_23 = arith.constant 0 : i32
      %get3A_24 = arith.index_cast %while3A_18 : i32 to index
      %get3A_25 = arith.index_cast %get3A_23 : i32 to index
      %get3A_26 = arith.constant 0 : index
      %get3A_27 = tpu.vector_load %arg9[%get3A_24, %get3A_25, %get3A_26] {strides = array<i32>} : memref<116x1x128xf32, #tpu.memory_space<vmem>>, vector<16xf32>,
      %gather3A = tpu.vector_load_idx %arg7[%get3A_22] : memref<20224xf32, #tpu.memory_space<vmem>>[vector<16xi32>], vector<16xf32>,
      %mul3A_28 = arith.mulf %get3A_27, %gather3A : vector<16xf32>
      %get3A_29 = arith.constant 0 : i32
      %get3A_30 = arith.index_cast %while3A_18 : i32 to index
      %get3A_31 = arith.index_cast %get3A_29 : i32 to index
      %get3A_32 = arith.constant 0 : index
      %get3A_33 = tpu.vector_load %arg10[%get3A_30, %get3A_31, %get3A_32] {strides = array<i32>} : memref<116x1x128xf32, #tpu.memory_space<vmem>>, vector<16xf32>,
      %add3A_34 = arith.constant 10112 : i32
      %add3A_35 = vector.broadcast %add3A_34 : i32 to vector<16xi32>
      %add3A_36 = arith.addi %get3A_22, %add3A_35 : vector<16xi32>
      %gather3A_37 = tpu.vector_load_idx %arg7[%add3A_36] : memref<20224xf32, #tpu.memory_space<vmem>>[vector<16xi32>], vector<16xf32>,
      %mul3A_38 = arith.mulf %get3A_33, %gather3A_37 : vector<16xf32>
      %add3A_39 = arith.addf %mul3A_28, %mul3A_38 : vector<16xf32>
      %swap3A = arith.constant 0 : index
      %swap3A_40 = tpu.vector_load %arg11[%swap3A] {strides = array<i32>} : memref<128xf32, #tpu.memory_space<vmem>>, vector<16xf32>,
      tpu.vector_store %arg11[%swap3A], %add3A_39 {strides = array<i32>} : memref<128xf32, #tpu.memory_space<vmem>>, vector<16xf32>,
      %get3A_41 = arith.constant 0 : i32
      %get3A_42 = arith.index_cast %while3A_18 : i32 to index
      %get3A_43 = arith.index_cast %get3A_41 : i32 to index
      %get3A_44 = arith.constant 16 : index
      %get3A_45 = tpu.vector_load %arg8[%get3A_42, %get3A_43, %get3A_44] {strides = array<i32>} : memref<116x1x128xi32, #tpu.memory_space<vmem>>, vector<16xi32>,
      %get3A_46 = arith.constant 0 : i32
      %get3A_47 = arith.index_cast %while3A_18 : i32 to index
      %get3A_48 = arith.index_cast %get3A_46 : i32 to index
      %get3A_49 = arith.constant 16 : index
      %get3A_50 = tpu.vector_load %arg9[%get3A_47, %get3A_48, %get3A_49] {strides = array<i32>} : memref<116x1x128xf32, #tpu.memory_space<vmem>>, vector<16xf32>,
      %gather3A_51 = tpu.vector_load_idx %arg7[%get3A_45] : memref<20224xf32, #tpu.memory_space<vmem>>[vector<16xi32>], vector<16xf32>,
      %mul3A_52 = arith.mulf %get3A_50, %gather3A_51 : vector<16xf32>
      %get3A_53 = arith.constant 0 : i32
      %get3A_54 = arith.index_cast %while3A_18 : i32 to index
      %get3A_55 = arith.index_cast %get3A_53 : i32 to index
      %get3A_56 = arith.constant 16 : index
      %get3A_57 = tpu.vector_load %arg10[%get3A_54, %get3A_55, %get3A_56] {strides = array<i32>} : memref<116x1x128xf32, #tpu.memory_space<vmem>>, vector<16xf32>,
      %add3A_58 = arith.constant 10112 : i32
      %add3A_59 = vector.broadcast %add3A_58 : i32 to vector<16xi32>
      %add3A_60 = arith.addi %get3A_45, %add3A_59 : vector<16xi32>
      %gather3A_61 = tpu.vector_load_idx %arg7[%add3A_60] : memref<20224xf32, #tpu.memory_space<vmem>>[vector<16xi32>], vector<16xf32>,
      %mul3A_62 = arith.mulf %get3A_57, %gather3A_61 : vector<16xf32>
      %add3A_63 = arith.addf %mul3A_52, %mul3A_62 : vector<16xf32>
      %swap3A_64 = arith.constant 16 : index
      %swap3A_65 = tpu.vector_load %arg11[%swap3A_64] {strides = array<i32>} : memref<128xf32, #tpu.memory_space<vmem>>, vector<16xf32>,
      tpu.vector_store %arg11[%swap3A_64], %add3A_63 {strides = array<i32>} : memref<128xf32, #tpu.memory_space<vmem>>, vector<16xf32>,
      %get3A_66 = arith.constant 0 : i32
      %get3A_67 = arith.index_cast %while3A_18 : i32 to index
      %get3A_68 = arith.index_cast %get3A_66 : i32 to index
      %get3A_69 = arith.constant 32 : index
      %get3A_70 = tpu.vector_load %arg8[%get3A_67, %get3A_68, %get3A_69] {strides = array<i32>} : memref<116x1x128xi32, #tpu.memory_space<vmem>>, vector<16xi32>,
      %get3A_71 = arith.constant 0 : i32
      %get3A_72 = arith.index_cast %while3A_18 : i32 to index
      %get3A_73 = arith.index_cast %get3A_71 : i32 to index
      %get3A_74 = arith.constant 32 : index
      %get3A_75 = tpu.vector_load %arg9[%get3A_72, %get3A_73, %get3A_74] {strides = array<i32>} : memref<116x1x128xf32, #tpu.memory_space<vmem>>, vector<16xf32>,
      %gather3A_76 = tpu.vector_load_idx %arg7[%get3A_70] : memref<20224xf32, #tpu.memory_space<vmem>>[vector<16xi32>], vector<16xf32>,
      %mul3A_77 = arith.mulf %get3A_75, %gather3A_76 : vector<16xf32>
      %get3A_78 = arith.constant 0 : i32
      %get3A_79 = arith.index_cast %while3A_18 : i32 to index
      %get3A_80 = arith.index_cast %get3A_78 : i32 to index
      %get3A_81 = arith.constant 32 : index
      %get3A_82 = tpu.vector_load %arg10[%get3A_79, %get3A_80, %get3A_81] {strides = array<i32>} : memref<116x1x128xf32, #tpu.memory_space<vmem>>, vector<16xf32>,
      %add3A_83 = arith.constant 10112 : i32
      %add3A_84 = vector.broadcast %add3A_83 : i32 to vector<16xi32>
      %add3A_85 = arith.addi %get3A_70, %add3A_84 : vector<16xi32>
      %gather3A_86 = tpu.vector_load_idx %arg7[%add3A_85] : memref<20224xf32, #tpu.memory_space<vmem>>[vector<16xi32>], vector<16xf32>,
      %mul3A_87 = arith.mulf %get3A_82, %gather3A_86 : vector<16xf32>
      %add3A_88 = arith.addf %mul3A_77, %mul3A_87 : vector<16xf32>
      %swap3A_89 = arith.constant 32 : index
      %swap3A_90 = tpu.vector_load %arg11[%swap3A_89] {strides = array<i32>} : memref<128xf32, #tpu.memory_space<vmem>>, vector<16xf32>,
      tpu.vector_store %arg11[%swap3A_89], %add3A_88 {strides = array<i32>} : memref<128xf32, #tpu.memory_space<vmem>>, vector<16xf32>,
      %get3A_91 = arith.constant 0 : i32
      %get3A_92 = arith.index_cast %while3A_18 : i32 to index
      %get3A_93 = arith.index_cast %get3A_91 : i32 to index
      %get3A_94 = arith.constant 48 : index
      %get3A_95 = tpu.vector_load %arg8[%get3A_92, %get3A_93, %get3A_94] {strides = array<i32>} : memref<116x1x128xi32, #tpu.memory_space<vmem>>, vector<16xi32>,
      %get3A_96 = arith.constant 0 : i32
      %get3A_97 = arith.index_cast %while3A_18 : i32 to index
      %get3A_98 = arith.index_cast %get3A_96 : i32 to index
      %get3A_99 = arith.constant 48 : index
      %get3A_100 = tpu.vector_load %arg9[%get3A_97, %get3A_98, %get3A_99] {strides = array<i32>} : memref<116x1x128xf32, #tpu.memory_space<vmem>>, vector<16xf32>,
      %gather3A_101 = tpu.vector_load_idx %arg7[%get3A_95] : memref<20224xf32, #tpu.memory_space<vmem>>[vector<16xi32>], vector<16xf32>,
      %mul3A_102 = arith.mulf %get3A_100, %gather3A_101 : vector<16xf32>
      %get3A_103 = arith.constant 0 : i32
      %get3A_104 = arith.index_cast %while3A_18 : i32 to index
      %get3A_105 = arith.index_cast %get3A_103 : i32 to index
      %get3A_106 = arith.constant 48 : index
      %get3A_107 = tpu.vector_load %arg10[%get3A_104, %get3A_105, %get3A_106] {strides = array<i32>} : memref<116x1x128xf32, #tpu.memory_space<vmem>>, vector<16xf32>,
      %add3A_108 = arith.constant 10112 : i32
      %add3A_109 = vector.broadcast %add3A_108 : i32 to vector<16xi32>
      %add3A_110 = arith.addi %get3A_95, %add3A_109 : vector<16xi32>
      %gather3A_111 = tpu.vector_load_idx %arg7[%add3A_110] : memref<20224xf32, #tpu.memory_space<vmem>>[vector<16xi32>], vector<16xf32>,
      %mul3A_112 = arith.mulf %get3A_107, %gather3A_111 : vector<16xf32>
      %add3A_113 = arith.addf %mul3A_102, %mul3A_112 : vector<16xf32>
      %swap3A_114 = arith.constant 48 : index
      %swap3A_115 = tpu.vector_load %arg11[%swap3A_114] {strides = array<i32>} : memref<128xf32, #tpu.memory_space<vmem>>, vector<16xf32>,
      tpu.vector_store %arg11[%swap3A_114], %add3A_113 {strides = array<i32>} : memref<128xf32, #tpu.memory_space<vmem>>, vector<16xf32>,
      %get3A_116 = arith.constant 0 : i32
      %get3A_117 = arith.index_cast %while3A_18 : i32 to index
      %get3A_118 = arith.index_cast %get3A_116 : i32 to index
      %get3A_119 = arith.constant 64 : index
      %get3A_120 = tpu.vector_load %arg8[%get3A_117, %get3A_118, %get3A_119] {strides = array<i32>} : memref<116x1x128xi32, #tpu.memory_space<vmem>>, vector<16xi32>,
      %get3A_121 = arith.constant 0 : i32
      %get3A_122 = arith.index_cast %while3A_18 : i32 to index
      %get3A_123 = arith.index_cast %get3A_121 : i32 to index
      %get3A_124 = arith.constant 64 : index
      %get3A_125 = tpu.vector_load %arg9[%get3A_122, %get3A_123, %get3A_124] {strides = array<i32>} : memref<116x1x128xf32, #tpu.memory_space<vmem>>, vector<16xf32>,
      %gather3A_126 = tpu.vector_load_idx %arg7[%get3A_120] : memref<20224xf32, #tpu.memory_space<vmem>>[vector<16xi32>], vector<16xf32>,
      %mul3A_127 = arith.mulf %get3A_125, %gather3A_126 : vector<16xf32>
      %get3A_128 = arith.constant 0 : i32
      %get3A_129 = arith.index_cast %while3A_18 : i32 to index
      %get3A_130 = arith.index_cast %get3A_128 : i32 to index
      %get3A_131 = arith.constant 64 : index
      %get3A_132 = tpu.vector_load %arg10[%get3A_129, %get3A_130, %get3A_131] {strides = array<i32>} : memref<116x1x128xf32, #tpu.memory_space<vmem>>, vector<16xf32>,
      %add3A_133 = arith.constant 10112 : i32
      %add3A_134 = vector.broadcast %add3A_133 : i32 to vector<16xi32>
      %add3A_135 = arith.addi %get3A_120, %add3A_134 : vector<16xi32>
      %gather3A_136 = tpu.vector_load_idx %arg7[%add3A_135] : memref<20224xf32, #tpu.memory_space<vmem>>[vector<16xi32>], vector<16xf32>,
      %mul3A_137 = arith.mulf %get3A_132, %gather3A_136 : vector<16xf32>
      %add3A_138 = arith.addf %mul3A_127, %mul3A_137 : vector<16xf32>
      %swap3A_139 = arith.constant 64 : index
      %swap3A_140 = tpu.vector_load %arg11[%swap3A_139] {strides = array<i32>} : memref<128xf32, #tpu.memory_space<vmem>>, vector<16xf32>,
      tpu.vector_store %arg11[%swap3A_139], %add3A_138 {strides = array<i32>} : memref<128xf32, #tpu.memory_space<vmem>>, vector<16xf32>,
      %get3A_141 = arith.constant 0 : i32
      %get3A_142 = arith.index_cast %while3A_18 : i32 to index
      %get3A_143 = arith.index_cast %get3A_141 : i32 to index
      %get3A_144 = arith.constant 80 : index
      %get3A_145 = tpu.vector_load %arg8[%get3A_142, %get3A_143, %get3A_144] {strides = array<i32>} : memref<116x1x128xi32, #tpu.memory_space<vmem>>, vector<16xi32>,
      %get3A_146 = arith.constant 0 : i32
      %get3A_147 = arith.index_cast %while3A_18 : i32 to index
      %get3A_148 = arith.index_cast %get3A_146 : i32 to index
      %get3A_149 = arith.constant 80 : index
      %get3A_150 = tpu.vector_load %arg9[%get3A_147, %get3A_148, %get3A_149] {strides = array<i32>} : memref<116x1x128xf32, #tpu.memory_space<vmem>>, vector<16xf32>,
      %gather3A_151 = tpu.vector_load_idx %arg7[%get3A_145] : memref<20224xf32, #tpu.memory_space<vmem>>[vector<16xi32>], vector<16xf32>,
      %mul3A_152 = arith.mulf %get3A_150, %gather3A_151 : vector<16xf32>
      %get3A_153 = arith.constant 0 : i32
      %get3A_154 = arith.index_cast %while3A_18 : i32 to index
      %get3A_155 = arith.index_cast %get3A_153 : i32 to index
      %get3A_156 = arith.constant 80 : index
      %get3A_157 = tpu.vector_load %arg10[%get3A_154, %get3A_155, %get3A_156] {strides = array<i32>} : memref<116x1x128xf32, #tpu.memory_space<vmem>>, vector<16xf32>,
      %add3A_158 = arith.constant 10112 : i32
      %add3A_159 = vector.broadcast %add3A_158 : i32 to vector<16xi32>
      %add3A_160 = arith.addi %get3A_145, %add3A_159 : vector<16xi32>
      %gather3A_161 = tpu.vector_load_idx %arg7[%add3A_160] : memref<20224xf32, #tpu.memory_space<vmem>>[vector<16xi32>], vector<16xf32>,
      %mul3A_162 = arith.mulf %get3A_157, %gather3A_161 : vector<16xf32>
      %add3A_163 = arith.addf %mul3A_152, %mul3A_162 : vector<16xf32>
      %swap3A_164 = arith.constant 80 : index
      %swap3A_165 = tpu.vector_load %arg11[%swap3A_164] {strides = array<i32>} : memref<128xf32, #tpu.memory_space<vmem>>, vector<16xf32>,
      tpu.vector_store %arg11[%swap3A_164], %add3A_163 {strides = array<i32>} : memref<128xf32, #tpu.memory_space<vmem>>, vector<16xf32>,
      %get3A_166 = arith.constant 0 : i32
      %get3A_167 = arith.index_cast %while3A_18 : i32 to index
      %get3A_168 = arith.index_cast %get3A_166 : i32 to index
      %get3A_169 = arith.constant 96 : index
      %get3A_170 = tpu.vector_load %arg8[%get3A_167, %get3A_168, %get3A_169] {strides = array<i32>} : memref<116x1x128xi32, #tpu.memory_space<vmem>>, vector<16xi32>,
      %get3A_171 = arith.constant 0 : i32
      %get3A_172 = arith.index_cast %while3A_18 : i32 to index
      %get3A_173 = arith.index_cast %get3A_171 : i32 to index
      %get3A_174 = arith.constant 96 : index
      %get3A_175 = tpu.vector_load %arg9[%get3A_172, %get3A_173, %get3A_174] {strides = array<i32>} : memref<116x1x128xf32, #tpu.memory_space<vmem>>, vector<16xf32>,
      %gather3A_176 = tpu.vector_load_idx %arg7[%get3A_170] : memref<20224xf32, #tpu.memory_space<vmem>>[vector<16xi32>], vector<16xf32>,
      %mul3A_177 = arith.mulf %get3A_175, %gather3A_176 : vector<16xf32>
      %get3A_178 = arith.constant 0 : i32
      %get3A_179 = arith.index_cast %while3A_18 : i32 to index
      %get3A_180 = arith.index_cast %get3A_178 : i32 to index
      %get3A_181 = arith.constant 96 : index
      %get3A_182 = tpu.vector_load %arg10[%get3A_179, %get3A_180, %get3A_181] {strides = array<i32>} : memref<116x1x128xf32, #tpu.memory_space<vmem>>, vector<16xf32>,
      %add3A_183 = arith.constant 10112 : i32
      %add3A_184 = vector.broadcast %add3A_183 : i32 to vector<16xi32>
      %add3A_185 = arith.addi %get3A_170, %add3A_184 : vector<16xi32>
      %gather3A_186 = tpu.vector_load_idx %arg7[%add3A_185] : memref<20224xf32, #tpu.memory_space<vmem>>[vector<16xi32>], vector<16xf32>,
      %mul3A_187 = arith.mulf %get3A_182, %gather3A_186 : vector<16xf32>
      %add3A_188 = arith.addf %mul3A_177, %mul3A_187 : vector<16xf32>
      %swap3A_189 = arith.constant 96 : index
      %swap3A_190 = tpu.vector_load %arg11[%swap3A_189] {strides = array<i32>} : memref<128xf32, #tpu.memory_space<vmem>>, vector<16xf32>,
      tpu.vector_store %arg11[%swap3A_189], %add3A_188 {strides = array<i32>} : memref<128xf32, #tpu.memory_space<vmem>>, vector<16xf32>,
      %get3A_191 = arith.constant 0 : i32
      %get3A_192 = arith.index_cast %while3A_18 : i32 to index
      %get3A_193 = arith.index_cast %get3A_191 : i32 to index
      %get3A_194 = arith.constant 112 : index
      %get3A_195 = tpu.vector_load %arg8[%get3A_192, %get3A_193, %get3A_194] {strides = array<i32>} : memref<116x1x128xi32, #tpu.memory_space<vmem>>, vector<16xi32>,
      %get3A_196 = arith.constant 0 : i32
      %get3A_197 = arith.index_cast %while3A_18 : i32 to index
      %get3A_198 = arith.index_cast %get3A_196 : i32 to index
      %get3A_199 = arith.constant 112 : index
      %get3A_200 = tpu.vector_load %arg9[%get3A_197, %get3A_198, %get3A_199] {strides = array<i32>} : memref<116x1x128xf32, #tpu.memory_space<vmem>>, vector<16xf32>,
      %gather3A_201 = tpu.vector_load_idx %arg7[%get3A_195] : memref<20224xf32, #tpu.memory_space<vmem>>[vector<16xi32>], vector<16xf32>,
      %mul3A_202 = arith.mulf %get3A_200, %gather3A_201 : vector<16xf32>
      %get3A_203 = arith.constant 0 : i32
      %get3A_204 = arith.index_cast %while3A_18 : i32 to index
      %get3A_205 = arith.index_cast %get3A_203 : i32 to index
      %get3A_206 = arith.constant 112 : index
      %get3A_207 = tpu.vector_load %arg10[%get3A_204, %get3A_205, %get3A_206] {strides = array<i32>} : memref<116x1x128xf32, #tpu.memory_space<vmem>>, vector<16xf32>,
      %add3A_208 = arith.constant 10112 : i32
      %add3A_209 = vector.broadcast %add3A_208 : i32 to vector<16xi32>
      %add3A_210 = arith.addi %get3A_195, %add3A_209 : vector<16xi32>
      %gather3A_211 = tpu.vector_load_idx %arg7[%add3A_210] : memref<20224xf32, #tpu.memory_space<vmem>>[vector<16xi32>], vector<16xf32>,
      %mul3A_212 = arith.mulf %get3A_207, %gather3A_211 : vector<16xf32>
      %add3A_213 = arith.addf %mul3A_202, %mul3A_212 : vector<16xf32>
      %swap3A_214 = arith.constant 112 : index
      %swap3A_215 = tpu.vector_load %arg11[%swap3A_214] {strides = array<i32>} : memref<128xf32, #tpu.memory_space<vmem>>, vector<16xf32>,
      tpu.vector_store %arg11[%swap3A_214], %add3A_213 {strides = array<i32>} : memref<128xf32, #tpu.memory_space<vmem>>, vector<16xf32>,
      %add3A_216 = arith.addi %select_n3A_8, %while3A_18 : i32
      %run_scoped3A = arith.constant 0 : i32
      "tpu.region"() ({
        %run_scoped3A_217 = tpu.sem_alloc : memref<!tpu.dma_semaphore, #tpu.memory_space<semaphore_mem>>
        %dma_start3A = arith.constant 0 : i32
        %dma_start3A_218 = tpu.memref_slice %arg6[%add3A_216, %run_scoped3A, %dma_start3A] : memref<2676x1x128xf32, #tpu.memory_space<hbm>> -> memref<1x1x128xf32, #tpu.memory_space<hbm>>
        %dma_start3A_219 = tpu.memref_squeeze %dma_start3A_218 : memref<1x1x128xf32, #tpu.memory_space<hbm>> -> memref<128xf32, #tpu.memory_space<hbm>>
        %dma_start3A_220 = arith.constant 0 : i32
        %dma_start3A_221 = tpu.memref_slice %arg6[%add3A_216, %run_scoped3A, %dma_start3A_220] : memref<2676x1x128xf32, #tpu.memory_space<hbm>> -> memref<1x1x128xf32, #tpu.memory_space<hbm>>
        %dma_start3A_222 = tpu.memref_squeeze %dma_start3A_221 : memref<1x1x128xf32, #tpu.memory_space<hbm>> -> memref<128xf32, #tpu.memory_space<hbm>>
        tpu.enqueue_dma source(%arg11 : memref<128xf32, #tpu.memory_space<vmem>>) target(%dma_start3A_222 : memref<128xf32, #tpu.memory_space<hbm>>) target_semaphore(%run_scoped3A_217 : memref<!tpu.dma_semaphore, #tpu.memory_space<semaphore_mem>>)
        %dma_wait3A = arith.constant 0 : i32
        %dma_wait3A_223 = tpu.memref_slice %arg6[%add3A_216, %run_scoped3A, %dma_wait3A] : memref<2676x1x128xf32, #tpu.memory_space<hbm>> -> memref<1x1x128xf32, #tpu.memory_space<hbm>>
        %dma_wait3A_224 = tpu.memref_squeeze %dma_wait3A_223 : memref<1x1x128xf32, #tpu.memory_space<hbm>> -> memref<128xf32, #tpu.memory_space<hbm>>
        %dma_wait3A_225 = arith.constant 0 : i32
        %dma_wait3A_226 = tpu.memref_slice %arg6[%add3A_216, %run_scoped3A, %dma_wait3A_225] : memref<2676x1x128xf32, #tpu.memory_space<hbm>> -> memref<1x1x128xf32, #tpu.memory_space<hbm>>
        %dma_wait3A_227 = tpu.memref_squeeze %dma_wait3A_226 : memref<1x1x128xf32, #tpu.memory_space<hbm>> -> memref<128xf32, #tpu.memory_space<hbm>>
        tpu.wait_dma2 semaphore(%run_scoped3A_217 : memref<!tpu.dma_semaphore, #tpu.memory_space<semaphore_mem>>) src(%arg11 : memref<128xf32, #tpu.memory_space<vmem>>) dst(%dma_wait3A_227 : memref<128xf32, #tpu.memory_space<hbm>>)
        tpu.yield
      }) : () -> ()
    }
    %while3A_17 = arith.constant 1 : i32
    scf.for %while3A_18 = %while3A_15 to %while3A_11 step %while3A_17  : i32 {
      %get3A = arith.constant 0 : i32
      %get3A_19 = arith.index_cast %while3A_18 : i32 to index
      %get3A_20 = arith.index_cast %get3A : i32 to index
      %get3A_21 = arith.constant 0 : index
      %get3A_22 = tpu.vector_load %arg8[%get3A_19, %get3A_20, %get3A_21] {strides = array<i32>} : memref<116x1x128xi32, #tpu.memory_space<vmem>>, vector<16xi32>,
      %get3A_23 = arith.constant 0 : i32
      %get3A_24 = arith.index_cast %while3A_18 : i32 to index
      %get3A_25 = arith.index_cast %get3A_23 : i32 to index
      %get3A_26 = arith.constant 0 : index
      %get3A_27 = tpu.vector_load %arg9[%get3A_24, %get3A_25, %get3A_26] {strides = array<i32>} : memref<116x1x128xf32, #tpu.memory_space<vmem>>, vector<16xf32>,
      %gather3A = tpu.vector_load_idx %arg7[%get3A_22] : memref<20224xf32, #tpu.memory_space<vmem>>[vector<16xi32>], vector<16xf32>,
      %mul3A_28 = arith.mulf %get3A_27, %gather3A : vector<16xf32>
      %get3A_29 = arith.constant 0 : i32
      %get3A_30 = arith.index_cast %while3A_18 : i32 to index
      %get3A_31 = arith.index_cast %get3A_29 : i32 to index
      %get3A_32 = arith.constant 0 : index
      %get3A_33 = tpu.vector_load %arg10[%get3A_30, %get3A_31, %get3A_32] {strides = array<i32>} : memref<116x1x128xf32, #tpu.memory_space<vmem>>, vector<16xf32>,
      %add3A_34 = arith.constant 10112 : i32
      %add3A_35 = vector.broadcast %add3A_34 : i32 to vector<16xi32>
      %add3A_36 = arith.addi %get3A_22, %add3A_35 : vector<16xi32>
      %gather3A_37 = tpu.vector_load_idx %arg7[%add3A_36] : memref<20224xf32, #tpu.memory_space<vmem>>[vector<16xi32>], vector<16xf32>,
      %mul3A_38 = arith.mulf %get3A_33, %gather3A_37 : vector<16xf32>
      %add3A_39 = arith.addf %mul3A_28, %mul3A_38 : vector<16xf32>
      %swap3A = arith.constant 0 : index
      %swap3A_40 = tpu.vector_load %arg11[%swap3A] {strides = array<i32>} : memref<128xf32, #tpu.memory_space<vmem>>, vector<16xf32>,
      tpu.vector_store %arg11[%swap3A], %add3A_39 {strides = array<i32>} : memref<128xf32, #tpu.memory_space<vmem>>, vector<16xf32>,
      %get3A_41 = arith.constant 0 : i32
      %get3A_42 = arith.index_cast %while3A_18 : i32 to index
      %get3A_43 = arith.index_cast %get3A_41 : i32 to index
      %get3A_44 = arith.constant 16 : index
      %get3A_45 = tpu.vector_load %arg8[%get3A_42, %get3A_43, %get3A_44] {strides = array<i32>} : memref<116x1x128xi32, #tpu.memory_space<vmem>>, vector<16xi32>,
      %get3A_46 = arith.constant 0 : i32
      %get3A_47 = arith.index_cast %while3A_18 : i32 to index
      %get3A_48 = arith.index_cast %get3A_46 : i32 to index
      %get3A_49 = arith.constant 16 : index
      %get3A_50 = tpu.vector_load %arg9[%get3A_47, %get3A_48, %get3A_49] {strides = array<i32>} : memref<116x1x128xf32, #tpu.memory_space<vmem>>, vector<16xf32>,
      %gather3A_51 = tpu.vector_load_idx %arg7[%get3A_45] : memref<20224xf32, #tpu.memory_space<vmem>>[vector<16xi32>], vector<16xf32>,
      %mul3A_52 = arith.mulf %get3A_50, %gather3A_51 : vector<16xf32>
      %get3A_53 = arith.constant 0 : i32
      %get3A_54 = arith.index_cast %while3A_18 : i32 to index
      %get3A_55 = arith.index_cast %get3A_53 : i32 to index
      %get3A_56 = arith.constant 16 : index
      %get3A_57 = tpu.vector_load %arg10[%get3A_54, %get3A_55, %get3A_56] {strides = array<i32>} : memref<116x1x128xf32, #tpu.memory_space<vmem>>, vector<16xf32>,
      %add3A_58 = arith.constant 10112 : i32
      %add3A_59 = vector.broadcast %add3A_58 : i32 to vector<16xi32>
      %add3A_60 = arith.addi %get3A_45, %add3A_59 : vector<16xi32>
      %gather3A_61 = tpu.vector_load_idx %arg7[%add3A_60] : memref<20224xf32, #tpu.memory_space<vmem>>[vector<16xi32>], vector<16xf32>,
      %mul3A_62 = arith.mulf %get3A_57, %gather3A_61 : vector<16xf32>
      %add3A_63 = arith.addf %mul3A_52, %mul3A_62 : vector<16xf32>
      %swap3A_64 = arith.constant 16 : index
      %swap3A_65 = tpu.vector_load %arg11[%swap3A_64] {strides = array<i32>} : memref<128xf32, #tpu.memory_space<vmem>>, vector<16xf32>,
      tpu.vector_store %arg11[%swap3A_64], %add3A_63 {strides = array<i32>} : memref<128xf32, #tpu.memory_space<vmem>>, vector<16xf32>,
      %get3A_66 = arith.constant 0 : i32
      %get3A_67 = arith.index_cast %while3A_18 : i32 to index
      %get3A_68 = arith.index_cast %get3A_66 : i32 to index
      %get3A_69 = arith.constant 32 : index
      %get3A_70 = tpu.vector_load %arg8[%get3A_67, %get3A_68, %get3A_69] {strides = array<i32>} : memref<116x1x128xi32, #tpu.memory_space<vmem>>, vector<16xi32>,
      %get3A_71 = arith.constant 0 : i32
      %get3A_72 = arith.index_cast %while3A_18 : i32 to index
      %get3A_73 = arith.index_cast %get3A_71 : i32 to index
      %get3A_74 = arith.constant 32 : index
      %get3A_75 = tpu.vector_load %arg9[%get3A_72, %get3A_73, %get3A_74] {strides = array<i32>} : memref<116x1x128xf32, #tpu.memory_space<vmem>>, vector<16xf32>,
      %gather3A_76 = tpu.vector_load_idx %arg7[%get3A_70] : memref<20224xf32, #tpu.memory_space<vmem>>[vector<16xi32>], vector<16xf32>,
      %mul3A_77 = arith.mulf %get3A_75, %gather3A_76 : vector<16xf32>
      %get3A_78 = arith.constant 0 : i32
      %get3A_79 = arith.index_cast %while3A_18 : i32 to index
      %get3A_80 = arith.index_cast %get3A_78 : i32 to index
      %get3A_81 = arith.constant 32 : index
      %get3A_82 = tpu.vector_load %arg10[%get3A_79, %get3A_80, %get3A_81] {strides = array<i32>} : memref<116x1x128xf32, #tpu.memory_space<vmem>>, vector<16xf32>,
      %add3A_83 = arith.constant 10112 : i32
      %add3A_84 = vector.broadcast %add3A_83 : i32 to vector<16xi32>
      %add3A_85 = arith.addi %get3A_70, %add3A_84 : vector<16xi32>
      %gather3A_86 = tpu.vector_load_idx %arg7[%add3A_85] : memref<20224xf32, #tpu.memory_space<vmem>>[vector<16xi32>], vector<16xf32>,
      %mul3A_87 = arith.mulf %get3A_82, %gather3A_86 : vector<16xf32>
      %add3A_88 = arith.addf %mul3A_77, %mul3A_87 : vector<16xf32>
      %swap3A_89 = arith.constant 32 : index
      %swap3A_90 = tpu.vector_load %arg11[%swap3A_89] {strides = array<i32>} : memref<128xf32, #tpu.memory_space<vmem>>, vector<16xf32>,
      tpu.vector_store %arg11[%swap3A_89], %add3A_88 {strides = array<i32>} : memref<128xf32, #tpu.memory_space<vmem>>, vector<16xf32>,
      %get3A_91 = arith.constant 0 : i32
      %get3A_92 = arith.index_cast %while3A_18 : i32 to index
      %get3A_93 = arith.index_cast %get3A_91 : i32 to index
      %get3A_94 = arith.constant 48 : index
      %get3A_95 = tpu.vector_load %arg8[%get3A_92, %get3A_93, %get3A_94] {strides = array<i32>} : memref<116x1x128xi32, #tpu.memory_space<vmem>>, vector<16xi32>,
      %get3A_96 = arith.constant 0 : i32
      %get3A_97 = arith.index_cast %while3A_18 : i32 to index
      %get3A_98 = arith.index_cast %get3A_96 : i32 to index
      %get3A_99 = arith.constant 48 : index
      %get3A_100 = tpu.vector_load %arg9[%get3A_97, %get3A_98, %get3A_99] {strides = array<i32>} : memref<116x1x128xf32, #tpu.memory_space<vmem>>, vector<16xf32>,
      %gather3A_101 = tpu.vector_load_idx %arg7[%get3A_95] : memref<20224xf32, #tpu.memory_space<vmem>>[vector<16xi32>], vector<16xf32>,
      %mul3A_102 = arith.mulf %get3A_100, %gather3A_101 : vector<16xf32>
      %get3A_103 = arith.constant 0 : i32
      %get3A_104 = arith.index_cast %while3A_18 : i32 to index
      %get3A_105 = arith.index_cast %get3A_103 : i32 to index
      %get3A_106 = arith.constant 48 : index
      %get3A_107 = tpu.vector_load %arg10[%get3A_104, %get3A_105, %get3A_106] {strides = array<i32>} : memref<116x1x128xf32, #tpu.memory_space<vmem>>, vector<16xf32>,
      %add3A_108 = arith.constant 10112 : i32
      %add3A_109 = vector.broadcast %add3A_108 : i32 to vector<16xi32>
      %add3A_110 = arith.addi %get3A_95, %add3A_109 : vector<16xi32>
      %gather3A_111 = tpu.vector_load_idx %arg7[%add3A_110] : memref<20224xf32, #tpu.memory_space<vmem>>[vector<16xi32>], vector<16xf32>,
      %mul3A_112 = arith.mulf %get3A_107, %gather3A_111 : vector<16xf32>
      %add3A_113 = arith.addf %mul3A_102, %mul3A_112 : vector<16xf32>
      %swap3A_114 = arith.constant 48 : index
      %swap3A_115 = tpu.vector_load %arg11[%swap3A_114] {strides = array<i32>} : memref<128xf32, #tpu.memory_space<vmem>>, vector<16xf32>,
      tpu.vector_store %arg11[%swap3A_114], %add3A_113 {strides = array<i32>} : memref<128xf32, #tpu.memory_space<vmem>>, vector<16xf32>,
      %get3A_116 = arith.constant 0 : i32
      %get3A_117 = arith.index_cast %while3A_18 : i32 to index
      %get3A_118 = arith.index_cast %get3A_116 : i32 to index
      %get3A_119 = arith.constant 64 : index
      %get3A_120 = tpu.vector_load %arg8[%get3A_117, %get3A_118, %get3A_119] {strides = array<i32>} : memref<116x1x128xi32, #tpu.memory_space<vmem>>, vector<16xi32>,
      %get3A_121 = arith.constant 0 : i32
      %get3A_122 = arith.index_cast %while3A_18 : i32 to index
      %get3A_123 = arith.index_cast %get3A_121 : i32 to index
      %get3A_124 = arith.constant 64 : index
      %get3A_125 = tpu.vector_load %arg9[%get3A_122, %get3A_123, %get3A_124] {strides = array<i32>} : memref<116x1x128xf32, #tpu.memory_space<vmem>>, vector<16xf32>,
      %gather3A_126 = tpu.vector_load_idx %arg7[%get3A_120] : memref<20224xf32, #tpu.memory_space<vmem>>[vector<16xi32>], vector<16xf32>,
      %mul3A_127 = arith.mulf %get3A_125, %gather3A_126 : vector<16xf32>
      %get3A_128 = arith.constant 0 : i32
      %get3A_129 = arith.index_cast %while3A_18 : i32 to index
      %get3A_130 = arith.index_cast %get3A_128 : i32 to index
      %get3A_131 = arith.constant 64 : index
      %get3A_132 = tpu.vector_load %arg10[%get3A_129, %get3A_130, %get3A_131] {strides = array<i32>} : memref<116x1x128xf32, #tpu.memory_space<vmem>>, vector<16xf32>,
      %add3A_133 = arith.constant 10112 : i32
      %add3A_134 = vector.broadcast %add3A_133 : i32 to vector<16xi32>
      %add3A_135 = arith.addi %get3A_120, %add3A_134 : vector<16xi32>
      %gather3A_136 = tpu.vector_load_idx %arg7[%add3A_135] : memref<20224xf32, #tpu.memory_space<vmem>>[vector<16xi32>], vector<16xf32>,
      %mul3A_137 = arith.mulf %get3A_132, %gather3A_136 : vector<16xf32>
      %add3A_138 = arith.addf %mul3A_127, %mul3A_137 : vector<16xf32>
      %swap3A_139 = arith.constant 64 : index
      %swap3A_140 = tpu.vector_load %arg11[%swap3A_139] {strides = array<i32>} : memref<128xf32, #tpu.memory_space<vmem>>, vector<16xf32>,
      tpu.vector_store %arg11[%swap3A_139], %add3A_138 {strides = array<i32>} : memref<128xf32, #tpu.memory_space<vmem>>, vector<16xf32>,
      %get3A_141 = arith.constant 0 : i32
      %get3A_142 = arith.index_cast %while3A_18 : i32 to index
      %get3A_143 = arith.index_cast %get3A_141 : i32 to index
      %get3A_144 = arith.constant 80 : index
      %get3A_145 = tpu.vector_load %arg8[%get3A_142, %get3A_143, %get3A_144] {strides = array<i32>} : memref<116x1x128xi32, #tpu.memory_space<vmem>>, vector<16xi32>,
      %get3A_146 = arith.constant 0 : i32
      %get3A_147 = arith.index_cast %while3A_18 : i32 to index
      %get3A_148 = arith.index_cast %get3A_146 : i32 to index
      %get3A_149 = arith.constant 80 : index
      %get3A_150 = tpu.vector_load %arg9[%get3A_147, %get3A_148, %get3A_149] {strides = array<i32>} : memref<116x1x128xf32, #tpu.memory_space<vmem>>, vector<16xf32>,
      %gather3A_151 = tpu.vector_load_idx %arg7[%get3A_145] : memref<20224xf32, #tpu.memory_space<vmem>>[vector<16xi32>], vector<16xf32>,
      %mul3A_152 = arith.mulf %get3A_150, %gather3A_151 : vector<16xf32>
      %get3A_153 = arith.constant 0 : i32
      %get3A_154 = arith.index_cast %while3A_18 : i32 to index
      %get3A_155 = arith.index_cast %get3A_153 : i32 to index
      %get3A_156 = arith.constant 80 : index
      %get3A_157 = tpu.vector_load %arg10[%get3A_154, %get3A_155, %get3A_156] {strides = array<i32>} : memref<116x1x128xf32, #tpu.memory_space<vmem>>, vector<16xf32>,
      %add3A_158 = arith.constant 10112 : i32
      %add3A_159 = vector.broadcast %add3A_158 : i32 to vector<16xi32>
      %add3A_160 = arith.addi %get3A_145, %add3A_159 : vector<16xi32>
      %gather3A_161 = tpu.vector_load_idx %arg7[%add3A_160] : memref<20224xf32, #tpu.memory_space<vmem>>[vector<16xi32>], vector<16xf32>,
      %mul3A_162 = arith.mulf %get3A_157, %gather3A_161 : vector<16xf32>
      %add3A_163 = arith.addf %mul3A_152, %mul3A_162 : vector<16xf32>
      %swap3A_164 = arith.constant 80 : index
      %swap3A_165 = tpu.vector_load %arg11[%swap3A_164] {strides = array<i32>} : memref<128xf32, #tpu.memory_space<vmem>>, vector<16xf32>,
      tpu.vector_store %arg11[%swap3A_164], %add3A_163 {strides = array<i32>} : memref<128xf32, #tpu.memory_space<vmem>>, vector<16xf32>,
      %get3A_166 = arith.constant 0 : i32
      %get3A_167 = arith.index_cast %while3A_18 : i32 to index
      %get3A_168 = arith.index_cast %get3A_166 : i32 to index
      %get3A_169 = arith.constant 96 : index
      %get3A_170 = tpu.vector_load %arg8[%get3A_167, %get3A_168, %get3A_169] {strides = array<i32>} : memref<116x1x128xi32, #tpu.memory_space<vmem>>, vector<16xi32>,
      %get3A_171 = arith.constant 0 : i32
      %get3A_172 = arith.index_cast %while3A_18 : i32 to index
      %get3A_173 = arith.index_cast %get3A_171 : i32 to index
      %get3A_174 = arith.constant 96 : index
      %get3A_175 = tpu.vector_load %arg9[%get3A_172, %get3A_173, %get3A_174] {strides = array<i32>} : memref<116x1x128xf32, #tpu.memory_space<vmem>>, vector<16xf32>,
      %gather3A_176 = tpu.vector_load_idx %arg7[%get3A_170] : memref<20224xf32, #tpu.memory_space<vmem>>[vector<16xi32>], vector<16xf32>,
      %mul3A_177 = arith.mulf %get3A_175, %gather3A_176 : vector<16xf32>
      %get3A_178 = arith.constant 0 : i32
      %get3A_179 = arith.index_cast %while3A_18 : i32 to index
      %get3A_180 = arith.index_cast %get3A_178 : i32 to index
      %get3A_181 = arith.constant 96 : index
      %get3A_182 = tpu.vector_load %arg10[%get3A_179, %get3A_180, %get3A_181] {strides = array<i32>} : memref<116x1x128xf32, #tpu.memory_space<vmem>>, vector<16xf32>,
      %add3A_183 = arith.constant 10112 : i32
      %add3A_184 = vector.broadcast %add3A_183 : i32 to vector<16xi32>
      %add3A_185 = arith.addi %get3A_170, %add3A_184 : vector<16xi32>
      %gather3A_186 = tpu.vector_load_idx %arg7[%add3A_185] : memref<20224xf32, #tpu.memory_space<vmem>>[vector<16xi32>], vector<16xf32>,
      %mul3A_187 = arith.mulf %get3A_182, %gather3A_186 : vector<16xf32>
      %add3A_188 = arith.addf %mul3A_177, %mul3A_187 : vector<16xf32>
      %swap3A_189 = arith.constant 96 : index
      %swap3A_190 = tpu.vector_load %arg11[%swap3A_189] {strides = array<i32>} : memref<128xf32, #tpu.memory_space<vmem>>, vector<16xf32>,
      tpu.vector_store %arg11[%swap3A_189], %add3A_188 {strides = array<i32>} : memref<128xf32, #tpu.memory_space<vmem>>, vector<16xf32>,
      %get3A_191 = arith.constant 0 : i32
      %get3A_192 = arith.index_cast %while3A_18 : i32 to index
      %get3A_193 = arith.index_cast %get3A_191 : i32 to index
      %get3A_194 = arith.constant 112 : index
      %get3A_195 = tpu.vector_load %arg8[%get3A_192, %get3A_193, %get3A_194] {strides = array<i32>} : memref<116x1x128xi32, #tpu.memory_space<vmem>>, vector<16xi32>,
      %get3A_196 = arith.constant 0 : i32
      %get3A_197 = arith.index_cast %while3A_18 : i32 to index
      %get3A_198 = arith.index_cast %get3A_196 : i32 to index
      %get3A_199 = arith.constant 112 : index
      %get3A_200 = tpu.vector_load %arg9[%get3A_197, %get3A_198, %get3A_199] {strides = array<i32>} : memref<116x1x128xf32, #tpu.memory_space<vmem>>, vector<16xf32>,
      %gather3A_201 = tpu.vector_load_idx %arg7[%get3A_195] : memref<20224xf32, #tpu.memory_space<vmem>>[vector<16xi32>], vector<16xf32>,
      %mul3A_202 = arith.mulf %get3A_200, %gather3A_201 : vector<16xf32>
      %get3A_203 = arith.constant 0 : i32
      %get3A_204 = arith.index_cast %while3A_18 : i32 to index
      %get3A_205 = arith.index_cast %get3A_203 : i32 to index
      %get3A_206 = arith.constant 112 : index
      %get3A_207 = tpu.vector_load %arg10[%get3A_204, %get3A_205, %get3A_206] {strides = array<i32>} : memref<116x1x128xf32, #tpu.memory_space<vmem>>, vector<16xf32>,
      %add3A_208 = arith.constant 10112 : i32
      %add3A_209 = vector.broadcast %add3A_208 : i32 to vector<16xi32>
      %add3A_210 = arith.addi %get3A_195, %add3A_209 : vector<16xi32>
      %gather3A_211 = tpu.vector_load_idx %arg7[%add3A_210] : memref<20224xf32, #tpu.memory_space<vmem>>[vector<16xi32>], vector<16xf32>,
      %mul3A_212 = arith.mulf %get3A_207, %gather3A_211 : vector<16xf32>
      %add3A_213 = arith.addf %mul3A_202, %mul3A_212 : vector<16xf32>
      %swap3A_214 = arith.constant 112 : index
      %swap3A_215 = tpu.vector_load %arg11[%swap3A_214] {strides = array<i32>} : memref<128xf32, #tpu.memory_space<vmem>>, vector<16xf32>,
      tpu.vector_store %arg11[%swap3A_214], %add3A_213 {strides = array<i32>} : memref<128xf32, #tpu.memory_space<vmem>>, vector<16xf32>,
      %add3A_216 = arith.addi %select_n3A_8, %while3A_18 : i32
      %run_scoped3A = arith.constant 0 : i32
      "tpu.region"() ({
        %run_scoped3A_217 = tpu.sem_alloc : memref<!tpu.dma_semaphore, #tpu.memory_space<semaphore_mem>>
        %dma_start3A = arith.constant 0 : i32
        %dma_start3A_218 = tpu.memref_slice %arg6[%add3A_216, %run_scoped3A, %dma_start3A] : memref<2676x1x128xf32, #tpu.memory_space<hbm>> -> memref<1x1x128xf32, #tpu.memory_space<hbm>>
        %dma_start3A_219 = tpu.memref_squeeze %dma_start3A_218 : memref<1x1x128xf32, #tpu.memory_space<hbm>> -> memref<128xf32, #tpu.memory_space<hbm>>
        %dma_start3A_220 = arith.constant 0 : i32
        %dma_start3A_221 = tpu.memref_slice %arg6[%add3A_216, %run_scoped3A, %dma_start3A_220] : memref<2676x1x128xf32, #tpu.memory_space<hbm>> -> memref<1x1x128xf32, #tpu.memory_space<hbm>>
        %dma_start3A_222 = tpu.memref_squeeze %dma_start3A_221 : memref<1x1x128xf32, #tpu.memory_space<hbm>> -> memref<128xf32, #tpu.memory_space<hbm>>
        tpu.enqueue_dma source(%arg11 : memref<128xf32, #tpu.memory_space<vmem>>) target(%dma_start3A_222 : memref<128xf32, #tpu.memory_space<hbm>>) target_semaphore(%run_scoped3A_217 : memref<!tpu.dma_semaphore, #tpu.memory_space<semaphore_mem>>)
        %dma_wait3A = arith.constant 0 : i32
        %dma_wait3A_223 = tpu.memref_slice %arg6[%add3A_216, %run_scoped3A, %dma_wait3A] : memref<2676x1x128xf32, #tpu.memory_space<hbm>> -> memref<1x1x128xf32, #tpu.memory_space<hbm>>
        %dma_wait3A_224 = tpu.memref_squeeze %dma_wait3A_223 : memref<1x1x128xf32, #tpu.memory_space<hbm>> -> memref<128xf32, #tpu.memory_space<hbm>>
        %dma_wait3A_225 = arith.constant 0 : i32
        %dma_wait3A_226 = tpu.memref_slice %arg6[%add3A_216, %run_scoped3A, %dma_wait3A_225] : memref<2676x1x128xf32, #tpu.memory_space<hbm>> -> memref<1x1x128xf32, #tpu.memory_space<hbm>>
        %dma_wait3A_227 = tpu.memref_squeeze %dma_wait3A_226 : memref<1x1x128xf32, #tpu.memory_space<hbm>> -> memref<128xf32, #tpu.memory_space<hbm>>
        tpu.wait_dma2 semaphore(%run_scoped3A_217 : memref<!tpu.dma_semaphore, #tpu.memory_space<semaphore_mem>>) src(%arg11 : memref<128xf32, #tpu.memory_space<vmem>>) dst(%dma_wait3A_227 : memref<128xf32, #tpu.memory_space<hbm>>)
        tpu.yield
      }) : () -> ()
    }
    return
  }
}

module attributes {stable_mosaic.version = 14 : i64} {
  func.func @_j0_body(%arg0: memref<4x128xf32, #tpu.memory_space<vmem>>, %arg1: memref<128x10112xf32, #tpu.memory_space<vmem>>, %arg2: memref<4x10112xf32, #tpu.memory_space<vmem>>) attributes {dimension_semantics = [], scalar_prefetch = 0 : i64, scratch_operands = 0 : i64, tpu.core_type = #tpu.core_type<tc>} {
    %get3A = arith.constant 0 : index
    %get3A_0 = arith.constant 0 : index
    %get3A_1 = vector.load %arg0[%get3A, %get3A_0] : memref<4x128xf32, #tpu.memory_space<vmem>>, vector<4x128xf32>
    %get3A_2 = arith.constant 0 : index
    %get3A_3 = arith.constant 0 : index
    %get3A_4 = vector.load %arg1[%get3A_2, %get3A_3] : memref<128x10112xf32, #tpu.memory_space<vmem>>, vector<128x10112xf32>
    %dot_general3A = arith.constant dense<0.000000e+00> : vector<4x10112xf32>
    %dot_general3A_5 = tpu.matmul %get3A_1, %get3A_4, %dot_general3A {dimension_numbers = #tpu.dot_dimension_numbers<[1], [0], [0], [1], [0, 0, 1, 1], [], []>, transpose_lhs_hint = false} : vector<4x128xf32>, vector<128x10112xf32>, vector<4x10112xf32> -> vector<4x10112xf32>
    %swap3A = arith.constant 0 : index
    %swap3A_6 = arith.constant 0 : index
    %swap3A_7 = vector.load %arg2[%swap3A, %swap3A_6] : memref<4x10112xf32, #tpu.memory_space<vmem>>, vector<4x10112xf32>
    tpu.vector_store %arg2[%swap3A, %swap3A_6], %dot_general3A_5 {strides = array<i32>} : memref<4x10112xf32, #tpu.memory_space<vmem>>, vector<4x10112xf32>,
    return
  }
}

module attributes {stable_mosaic.version = 14 : i64} {
  func.func @_j2_body(%arg0: memref<2x20480xf32, #tpu.memory_space<vmem>>, %arg1: memref<20224xf32, #tpu.memory_space<vmem>>) attributes {dimension_semantics = [], scalar_prefetch = 0 : i64, scratch_operands = 0 : i64, tpu.core_type = #tpu.core_type<tc>} {
    %get3A = arith.constant 0 : index
    %get3A_0 = arith.constant 0 : index
    %get3A_1 = vector.load %arg0[%get3A, %get3A_0] : memref<2x20480xf32, #tpu.memory_space<vmem>>, vector<1x20224xf32>
    %get3A_2 = vector.shape_cast %get3A_1 : vector<1x20224xf32> to vector<20224xf32>
    %get3A_3 = arith.constant 1 : index
    %get3A_4 = arith.constant 0 : index
    %get3A_5 = vector.load %arg0[%get3A_3, %get3A_4] : memref<2x20480xf32, #tpu.memory_space<vmem>>, vector<1x20224xf32>
    %get3A_6 = vector.shape_cast %get3A_5 : vector<1x20224xf32> to vector<20224xf32>
    %add3A = arith.addf %get3A_2, %get3A_6 : vector<20224xf32>
    %div3A = arith.constant 5.000000e-01 : f32
    %div3A_7 = vector.broadcast %div3A : f32 to vector<20224xf32>
    %div3A_8 = arith.divf %div3A_7, %add3A : vector<20224xf32>
    %swap3A = arith.constant 0 : index
    %swap3A_9 = vector.load %arg1[%swap3A] : memref<20224xf32, #tpu.memory_space<vmem>>, vector<20224xf32>
    tpu.vector_store %arg1[%swap3A], %div3A_8 {strides = array<i32>} : memref<20224xf32, #tpu.memory_space<vmem>>, vector<20224xf32>,
    return
  }
}

module attributes {stable_mosaic.version = 14 : i64} {
  func.func @_j4_body(%arg0: memref<10112x128xf32, #tpu.memory_space<vmem>>, %arg1: memref<10112x128xf32, #tpu.memory_space<vmem>>, %arg2: memref<10000x128xf32, #tpu.memory_space<vmem>>) attributes {dimension_semantics = [], scalar_prefetch = 0 : i64, scratch_operands = 0 : i64, tpu.core_type = #tpu.core_type<tc>} {
    %get3A = arith.constant 0 : index
    %get3A_0 = arith.constant 0 : index
    %get3A_1 = vector.load %arg0[%get3A, %get3A_0] : memref<10112x128xf32, #tpu.memory_space<vmem>>, vector<10000x128xf32>
    %get3A_2 = arith.constant 0 : index
    %get3A_3 = arith.constant 0 : index
    %get3A_4 = vector.load %arg1[%get3A_2, %get3A_3] : memref<10112x128xf32, #tpu.memory_space<vmem>>, vector<10000x128xf32>
    %add3A = arith.addf %get3A_1, %get3A_4 : vector<10000x128xf32>
    %swap3A = arith.constant 0 : index
    %swap3A_5 = arith.constant 0 : index
    %swap3A_6 = vector.load %arg2[%swap3A, %swap3A_5] : memref<10000x128xf32, #tpu.memory_space<vmem>>, vector<10000x128xf32>
    tpu.vector_store %arg2[%swap3A, %swap3A_5], %add3A {strides = array<i32>} : memref<10000x128xf32, #tpu.memory_space<vmem>>, vector<10000x128xf32>,
    return
  }
}

</mosaic_0001>

<sc_bundles>
// kernel: kernel.11.cloned.1.call-start
scs
__scs_entry_jumppad:
0x0: {  	(pc) =	sbr.rel $0x88, $3  }
0x1: {  	(tag) =	ssettag $0x0;
	lr =	simm.s32 $0x1  }
0x2: {  	[smem:$0x3F9D] =	sst lr;
	_ =	strace $0xD0000000  }
0x3: {  	_ = 	snop  }
0x4: {  	_ = 	snop  }
0x5: {  	_ = 	snop  }
0x6: {  	_ = 	snop  }
0x7: {  	_ = 	snop  }
__scs_overlays_trampoline_lowered:
0x8: {  	[smem:$0x3FAC] =	sst s0  }
0x9: {  	[smem:$0x3FAD] =	sst s1  }
0xa: {  	[smem:$0x3FAE] =	sst s2  }
0xb: {  	[smem:$0x3FAF] =	sst s3  }
0xc: {  	[smem:$0x3FB0] =	sst s4  }
0xd: {  	[smem:$0x3FB1] =	sst s5  }
0xe: {  	[smem:$0x3FB2] =	sst s6  }
0xf: {  	[smem:$0x3FB3] =	sst s7  }
0x10: {  	[smem:$0x3FB4] =	sst s8  }
0x11: {  	[smem:$0x3FB5] =	sst s9;
	s0 =	simm.s32 @!p0 $0x0  }
0x12: {  	s1 =	sld [smem:$0x3F9B];
	s0 =	simm.s32 @p0 $0x1  }
0x13: {  	[smem:$0x3FB6] =	sst s0;
	s0 =	simm.s32 @!p1 $0x0  }
0x14: {  	s2 =	sld [smem:$0x3F9A];
	s0 =	simm.s32 @p1 $0x1  }
0x15: {  	[smem:$0x3FB7] =	sst s0;
	s0 =	simm.s32 @!p2 $0x0  }
0x16: {  	s3 =	sld [smem:$0x3FDB];
	s0 =	simm.s32 @p2 $0x1  }
0x17: {  	s4 =	simm.s32 $0x1BF5;
	[smem:$0x3FB9] =	sst s0  }
0x18: {  	s0 =	sld [smem:$0x3F9C];
	_ =	swait.ge [sflag:s4], $0x0  }
0x19: {  	s7 =	sld [smem:$0x3F9D]  }
0x1a: {  	s8 =	sadd.s32 $0xFFFFE003, lr  }
0x1b: {  	s9 =	sadd.s32 $0xFFFFFEF7, lr;
	s5 =	simm.s32 $0xFFFFFFFF;
	p2 =	slt.u32 s8, $0xFFFFF086  }
0x1c: {  	p1 =	slt.u32 s9, $0xF7A;
	s5 =	simm.s32 @!p2 $0x0  }
0x1d: {  	s5 =	simm.s32 @p1 $0x1;
	p0 =	seq.s32 s7, s2  }
0x1e: {  	s7 =	smul.u32 @!p0 $0xF7A, s2;
	p2 =	seq.s32 @!p0 s5, $0x0  }
0x1f: {  	s9 =	smul.u32 $0xF7A, s1;
	s8 =	simm.s32 @!p0 $0x1BF5;
	p2 =	por !p2, p0  }
0x20: {  	[sflag:s8] =	ssyncset.s32 @!p0 $0xFFFFF086;
	s6 =	sadd.s32 @!p0 s3, s7;
	s7 =	simm.s32 @!p0 $0x108  }
0x21: {  	s3 =	sadd.s32 s3, s9;
	s6 =	sadd.s32 @!p0 $0x88, s6;
	s7 =	simm.s32 @p2 $0x1082  }
0x22: {  	[simem:s7], [sflag:s8] =	dma.local @!p0 [hbm:s6], $0xF7A  }
0x23: {  	s9 =	sor.u32 $0xD0000000, s2;
	s6 =	simm.s32 $0x108;
	_ =	swait.ge @!p0 [sflag:s8], $0x0  }
0x24: {  	s3 =	sadd.s32 $0x88, s3;
	s6 =	simm.s32 @!p1 $0x1082;
	[sflag:s4] =	ssyncset.s32 $0xFFFFF086  }
0x25: {  	[simem:s6], [sflag:s4] =	dma.local [hbm:s3], $0xF7A  }
0x26: {  	[smem:$0x3F9D] =	sst s1;
	(tag) =	ssettag s2;
	_ =	strace s9  }
0x27: {  	s1 =	sld [smem:$0x3FAD]  }
0x28: {  	s2 =	sld [smem:$0x3FAE]  }
0x29: {  	s4 =	sld [smem:$0x3FB0]  }
0x2a: {  	p0 =	seq.s32 s5, $0x0;
	s5 =	sld [smem:$0x3FB1]  }
0x2b: {  	s6 =	sld [smem:$0x3FB2]  }
0x2c: {  	s7 =	sld [smem:$0x3FB3]  }
0x2d: {  	s3 =	simm.s32 $0x108;
	s8 =	sld [smem:$0x3FB4]  }
0x2e: {  	s3 =	simm.s32 @!p0 $0x1082;
	s9 =	sld [smem:$0x3FB5]  }
0x2f: {  	lr =	sadd.s32 s0, s3;
	s0 =	sld [smem:$0x3FAC]  }
0x30: {  	s3 =	sld [smem:$0x3FAF]  }
0x31: {  	[smem:$0x3FB8] =	sst s10  }
0x32: {  	s10 =	sld [smem:$0x3FB6];
	_ =	sdelay $0x3  }
0x33: {  	p0 =	seq.s32 s10, $0x1;
	s10 =	sld [smem:$0x3FB8];
	_ =	sdelay $0x3  }
0x34: {  	[smem:$0x3FB8] =	sst s10  }
0x35: {  	s10 =	sld [smem:$0x3FB7];
	_ =	sdelay $0x3  }
0x36: {  	p1 =	seq.s32 s10, $0x1;
	s10 =	sld [smem:$0x3FB8];
	_ =	sdelay $0x3  }
0x37: {  	[smem:$0x3FB8] =	sst s10  }
0x38: {  	s10 =	sld [smem:$0x3FB9]  }
0x39: {  	_ = 	snop;
	(pc) =	sbr.ind lr, $3  }
0x3a: {  	_ = 	snop  }
0x3b: {  	_ = 	snop  }
0x3c: {  	p2 =	seq.s32 s10, $0x1;
	s10 =	sld [smem:$0x3FB8]  }
0x3d: {  	_ =	shalt  }
0x3e: {  	_ =	shalt  }
0x3f: {  	_ =	shalt  }
0x40: {  	_ =	shalt  }
0x41: {  	_ =	shalt  }
0x42: {  	_ =	shalt  }
0x43: {  	_ =	shalt  }
0x44: {  	_ =	shalt  }
0x45: {  	_ =	shalt  }
0x46: {  	_ =	shalt  }
0x47: {  	_ =	shalt  }
0x48: {  	_ =	shalt  }
0x49: {  	_ =	shalt  }
0x4a: {  	_ =	shalt  }
0x4b: {  	_ =	shalt  }
0x4c: {  	_ =	shalt  }
0x4d: {  	_ =	shalt  }
0x4e: {  	_ =	shalt  }
0x4f: {  	_ =	shalt  }
0x50: {  	_ =	shalt  }
0x51: {  	_ =	shalt  }
0x52: {  	_ =	shalt  }
0x53: {  	_ =	shalt  }
0x54: {  	_ =	shalt  }
0x55: {  	_ =	shalt  }
0x56: {  	_ =	shalt  }
0x57: {  	_ =	shalt  }
0x58: {  	_ =	shalt  }
0x59: {  	_ =	shalt  }
0x5a: {  	_ =	shalt  }
0x5b: {  	_ =	shalt  }
0x5c: {  	_ =	shalt  }
0x5d: {  	_ =	shalt  }
0x5e: {  	_ =	shalt  }
0x5f: {  	_ =	shalt  }
0x60: {  	_ =	shalt  }
0x61: {  	_ =	shalt  }
0x62: {  	_ =	shalt  }
0x63: {  	_ =	shalt  }
0x64: {  	_ =	shalt  }
0x65: {  	_ =	shalt  }
0x66: {  	_ =	shalt  }
0x67: {  	_ =	shalt  }
0x68: {  	_ =	shalt  }
0x69: {  	_ =	shalt  }
0x6a: {  	_ =	shalt  }
0x6b: {  	_ =	shalt  }
0x6c: {  	_ =	shalt  }
0x6d: {  	_ =	shalt  }
0x6e: {  	_ =	shalt  }
0x6f: {  	_ =	shalt  }
0x70: {  	_ =	shalt  }
0x71: {  	_ =	shalt  }
0x72: {  	_ =	shalt  }
0x73: {  	_ =	shalt  }
0x74: {  	_ =	shalt  }
0x75: {  	_ =	shalt  }
0x76: {  	_ =	shalt  }
0x77: {  	_ =	shalt  }
0x78: {  	_ =	shalt  }
0x79: {  	_ =	shalt  }
0x7a: {  	_ =	shalt  }
0x7b: {  	_ =	shalt  }
0x7c: {  	_ =	shalt  }
0x7d: {  	_ =	shalt  }
0x7e: {  	_ =	shalt  }
0x7f: {  	_ =	shalt  }
0x80: {  	_ =	shalt  }
0x81: {  	_ =	shalt  }
0x82: {  	_ =	shalt  }
0x83: {  	_ =	shalt  }
0x84: {  	_ =	shalt  }
0x85: {  	_ =	shalt  }
0x86: {  	_ =	shalt  }
0x87: {  	_ =	shalt  }
.Lfunc_end0:
.L_simem_size_0:
called_computation.1_lowered:
.L_overlay_start_0:
0x88: {  	s2 =	sld [smem:$0x3FD9]  }
0x89: {  	s3 =	sld [smem:$0x3FFE];
	_ =	sdelay $0x1  }
0x8a: {  	s1 =	srdreg.scid  }
0x8b: {  	s0 =	sand.u32 $0x1, s1  }
0x8c: {  	s17 =	sshll.u32 s0, $0xA;
	s2 =	sadd.s32 s3, s2  }
0x8d: {  	s2 =	sadd.s32 s2, s17  }
0x8e: {  	[smem:$0x3FC4] =	sst s2  }
0x8f: {  	_ = 	snop  }
0x90: {  	s2 =	sld [smem:$0x3FD0];
	(tm) =	ssettm $0x1  }
0x91: {  	s18 =	sld [smem:$0x3FFB];
	_ =	sdelay $0x3  }
0x92: {  	_ =	strace s18  }
0x93: {  	s3 =	sld [smem:$0x3FFC];
	_ =	sdelay $0x3  }
0x94: {  	_ =	strace s3  }
0x95: {  	s3 =	sld [smem:$0x3FFD];
	_ =	sdelay $0x3  }
0x96: {  	_ =	strace s3  }
0x97: {  	_ =	strace $0x8FFFFFFF  }
0x98: {  	s19 =	sld [smem:$0x3FDB];
	_ =	sdelay $0x1  }
0x99: {  	s4 =	simm.s32 $_scs_section_size  }
0x9a: {  	s5 =	simm.s32 $_size__tile_overlayer_lowered;
	s6 =	simm.s32 $_tile_overlayer_lowered  }
0x9b: {  	s22 =	simm.s32 $0x1BFF;
	s21 =	sshll.u32 s6, $0x1;
	s3 =	sadd.s32 s4, s19  }
0x9c: {  	s7 =	simm.s32 $0x0;
	s20 =	sshll.u32 s5, $0x1;
	s5 =	sadd.s32 s21, s3  }
0x9d: {  	[timem:s7], [sflag:s22] =	dma.local [hbm:s5], s20  }
0x9e: {  	_ =	swait.ge [sflag:s22], s20  }
0x9f: {  	s4 =	ssub.s32 $0x0, s20;
	[sflag:s22] =	ssyncset.done $0x0  }
0xa0: {  	[sflag:s22] =	ssyncadd.s32 s4;
	_ =	sdelay $0x1  }
0xa1: {  	s23 =	simm.s32 $0x1B8B  }
0xa2: {  	_ =	swait.ge [sflag:s23], $0x1  }
0xa3: {  	[sflag:s23] =	ssyncset.done $0x0  }
0xa4: {  	s25 =	simm.s32 $0x1B8E;
	s24 =	sld [smem:$0x3FFE];
	[sflag:s23] =	ssyncadd.s32 $0xFFFFFFFF  }
0xa5: {  	s26 =	simm.s32 $execute0_lowered;
	[smem:$0x3FD2] =	sst s25  }
0xa6: {  	s5 =	sshll.u32 s26, $0x1;
	_ =	strace $0x80000049;
	[dreg:$0x1] =	wrdreg $0xFFFFFFFF  }
0xa7: {  	s28 =	simm.s32 $_size_execute0_lowered;
	s3 =	sadd.s32 s3, s5;
	[dreg:$0x0] =	wrdreg $0x0  }
0xa8: {  	s5 =	sshll.u32 s28, $0x1;
	[dreg:$0x2] =	wrdreg s3  }
0xa9: {  	[dreg:$0x3] =	wrdreg s5  }
0xaa: {  	[dreg:$0x4] =	wrdreg $0xC0  }
0xab: {  	_ =	task [dreg:s7], $0x5FFFF  }
0xac: {  	[dreg:$0x1] =	wrdreg $0xFFFFFFFF  }
0xad: {  	[dreg:$0x0] =	wrdreg $0x60  }
0xae: {  	[dreg:$0x2] =	wrdreg s24  }
0xaf: {  	[dreg:$0x3] =	wrdreg s2  }
0xb0: {  	[dreg:$0x4] =	wrdreg $0x9  }
0xb1: {  	_ =	task.clear_ibuf [dreg:s7], $0x5FFFF;
	_ =	strace $0x90000049  }
0xb2: {  	s29 =	simm.s32 $0x9;
	_ =	strace $0x8000004B  }
0xb3: {  	_ =	swait.ge [sflag:s29], $0x1  }
0xb4: {  	[sflag:s29] =	ssyncadd.s32 $0xFFFFFFFF  }
0xb5: {  	_ =	strace $0x9000004B  }
0xb6: {  	_ =	sfence  }
0xb7: {  	s30 =	sld [smem:$0x0];
	_ =	sdelay $0x2  }
0xb8: {  	s31 =	sshll.u32 s1, $0xD;
	s1 =	sshrl.u32 s1, $0x2  }
0xb9: {  	s3 =	sand.u32 $0x4000, s31;
	s1 =	sadd.s32 s1, s30  }
0xba: {  	s0 =	sor.u32 s3, s0;
	s1 =	sshll.u32 s1, $0x11  }
0xbb: {  	s0 =	sor.u32 s1, s0  }
0xbc: {  	s0 =	sadd.s32 $0x8F2B, s0  }
0xbd: {  	[sflag:s0] =	ssyncadd.remote.s32 $0x1  }
0xbe: {  	_ =	sfence.sel $0xFFFF  }
0xbf: {  	[dreg:$0x0] =	wrdreg $0xFFFFFFFF;
	(pc) =	sbr.abs _section_cstart, $3  }
0xc0: {  	[dreg:$0x1] =	wrdreg $0xFFFFFFFF  }
0xc1: {  	_ =	task.clear_ibuf [dreg:s7], $0x2FFFF;
	_ =	strace $0x9FFFFFFF  }
0xc2: {  	(tm) =	ssettm $0x7FFFFFFF  }
0xc3: {  	_ =	shalt  }
tec
execute0_lowered:
.L_overlay_start_1:
0x0: {  	(tag) =	ssettag $0x1  }
0x1: {  	s4 =	rddreg [dreg:$0x0]  }
0x2: {  	s5 =	rddreg [dreg:$0x1]  }
0x3: {  	s0 =	rddreg [dreg:$0x2]  }
0x4: {  	s1 =	stileid.u32;
	s3 =	srdreg.scid;
	s2 =	simm.s32 $0x0  }
0x5: {  	s10 =	simm.s32 $0x1;
	s11 =	simm.s32 $0x4F00;
	s12 =	simm.s32 $0x8900  }
0x6: {  	s13 =	simm.s32 $0xC300;
	s14 =	simm.s32 $0xFD00;
	s6 =	smul.u32 $0x2C, s1  }
0x7: {  	s15 =	simm.s32 $0x0;
	s3 =	sand.u32 $0x1, s3;
	s7 =	smul.u32 $0x74, s1  }
0x8: {  	[smem:$0x7FF] =	sst s2;
	p0 =	seq.s32 s3, $0x0;
	s6 =	sadd.s32 $0x740, s6  }
0x9: {  	_ =	strace $0x8000004A;
	s31 =	ssub.s32 $0x2, s3;
	s6 =	smov.u32 @p0 s7  }
0xa: {  	s3 =	sadd.s32 $0xBC00, s4;
	s8 =	sshrl.u32 s31, $0x1;
	s6 =	sshll.u32 s6, $0x4  }
0xb: {  	s8 =	ssub.s32 s31, s8;
	s9 =	sadd.s32 s6, s4;
	s4 =	simm.s32 $0x74  }
0xc: {  	s8 =	smax.u32 s8, $0x1;
	s5 =	sadd.s32 s5, s6;
	s4 =	simm.s32 @!p0 $0x2C  }
0xd: {  	s6 =	sadd.s32 $0xE400, s9;
	s7 =	sadd.s32 $0x18C00, s9;
	s9 =	sadd.s32 $0x23400, s9  }
.LBB2_1:
0xe: {  	[tilespmem:s2], [sflag:$0x1] =	stream.linear.gather [hbm4b:s3+s2], $0x4F00, $0x38;
	[tilespmem:$0xFD80] =	vst v63  }
0xf: {  	_ =	swait.ge [sflag:s10], $0x4F00  }
0x10: {  	[sflag:s10] =	ssyncset.done $0x0  }
0x11: {  	[sflag:s10] =	ssyncadd.s32 $0xFFFFB100  }
0x12: {  	[tilespmem:s11], [sflag:$0x1] =	stream.linear.gather [hbm4b:s5+s2], $0x3A00, $0x38;
	[tilespmem:$0xFD80] =	vst v63  }
0x13: {  	_ =	swait.ge [sflag:s10], $0x3A00  }
0x14: {  	[sflag:s10] =	ssyncset.done $0x0  }
0x15: {  	[sflag:s10] =	ssyncadd.s32 $0xFFFFC600  }
0x16: {  	[tilespmem:s12], [sflag:$0x1] =	stream.linear.gather [hbm4b:s6+s2], $0x3A00, $0x38;
	[tilespmem:$0xFD80] =	vst v63  }
0x17: {  	_ =	swait.ge [sflag:s10], $0x3A00  }
0x18: {  	[sflag:s10] =	ssyncset.done $0x0  }
0x19: {  	[sflag:s10] =	ssyncadd.s32 $0xFFFFC600  }
0x1a: {  	[tilespmem:s13], [sflag:$0x1] =	stream.linear.gather [hbm4b:s7+s2], $0x3A00, $0x38;
	[tilespmem:$0xFD80] =	vst v63  }
0x1b: {  	s16 =	simm.s32 $0x4F40;
	_ =	swait.ge [sflag:s10], $0x3A00  }
0x1c: {  	s17 =	simm.s32 $0x8940;
	s18 =	simm.s32 $0xC340;
	[sflag:s10] =	ssyncset.done $0x0  }
0x1d: {  	s19 =	smov.u32 s9;
	s20 =	smov.u32 s4;
	[sflag:s10] =	ssyncadd.s32 $0xFFFFC600  }
.LBB2_2:
0x1e: {  	v0 =	vld [tilespmem:s16+$0xFFFFFFC0];
	_ =	sdelay $0x4  }
0x1f: {  	v1 =	vadd.s32 $0x2780, v0;
	_ =	sdelay $0x1  }
0x20: {  	v2 =	vld [tilespmem:s17+$0xFFFFFFC0]  }
0x21: {  	v3 =	vld [tilespmem:s18+$0xFFFFFFC0]  }
0x22: {  	v0 =	vld.idx.msk [tilespmem:v0+s2+$0x0], $0xffff  }
0x23: {  	v1 =	vld.idx.msk [tilespmem:v1+s2+$0x0], $0xffff;
	_ =	sdelay $0x4  }
0x24: {  	v0 =	vmul.f32 v0, v2;
	v1 =	vmul.f32 v1, v3;
	_ =	sdelay $0x1  }
0x25: {  	v0 =	vadd.f32 v1, v0;
	_ =	sdelay $0x1  }
0x26: {  	[tilespmem:$0xFD00] =	vst v0  }
0x27: {  	v0 =	vld [tilespmem:s16+$0xFFFFFFD0];
	_ =	sdelay $0x4  }
0x28: {  	v43 =	vadd.s32 $0x2780, v0;
	_ =	sdelay $0x1  }
0x29: {  	v44 =	vld [tilespmem:s17+$0xFFFFFFD0]  }
0x2a: {  	v45 =	vld [tilespmem:s18+$0xFFFFFFD0]  }
0x2b: {  	v0 =	vld.idx.msk [tilespmem:v0+s2+$0x0], $0xffff  }
0x2c: {  	v1 =	vld.idx.msk [tilespmem:v43+s2+$0x0], $0xffff;
	_ =	sdelay $0x4  }
0x2d: {  	v0 =	vmul.f32 v0, v44;
	v1 =	vmul.f32 v1, v45;
	_ =	sdelay $0x1  }
0x2e: {  	v0 =	vadd.f32 v1, v0;
	_ =	sdelay $0x1  }
0x2f: {  	[tilespmem:$0xFD10] =	vst v0  }
0x30: {  	v0 =	vld [tilespmem:s16+$0xFFFFFFE0];
	_ =	sdelay $0x4  }
0x31: {  	v46 =	vadd.s32 $0x2780, v0;
	_ =	sdelay $0x1  }
0x32: {  	v47 =	vld [tilespmem:s17+$0xFFFFFFE0]  }
0x33: {  	v48 =	vld [tilespmem:s18+$0xFFFFFFE0]  }
0x34: {  	v0 =	vld.idx.msk [tilespmem:v0+s2+$0x0], $0xffff  }
0x35: {  	v1 =	vld.idx.msk [tilespmem:v46+s2+$0x0], $0xffff;
	_ =	sdelay $0x4  }
0x36: {  	v0 =	vmul.f32 v0, v47;
	v1 =	vmul.f32 v1, v48;
	_ =	sdelay $0x1  }
0x37: {  	v0 =	vadd.f32 v1, v0;
	_ =	sdelay $0x1  }
0x38: {  	[tilespmem:$0xFD20] =	vst v0  }
0x39: {  	v0 =	vld [tilespmem:s16+$0xFFFFFFF0];
	_ =	sdelay $0x4  }
0x3a: {  	v49 =	vadd.s32 $0x2780, v0;
	_ =	sdelay $0x1  }
0x3b: {  	v50 =	vld [tilespmem:s17+$0xFFFFFFF0]  }
0x3c: {  	v51 =	vld [tilespmem:s18+$0xFFFFFFF0]  }
0x3d: {  	v0 =	vld.idx.msk [tilespmem:v0+s2+$0x0], $0xffff  }
0x3e: {  	v1 =	vld.idx.msk [tilespmem:v49+s2+$0x0], $0xffff;
	_ =	sdelay $0x4  }
0x3f: {  	v0 =	vmul.f32 v0, v50;
	v1 =	vmul.f32 v1, v51;
	_ =	sdelay $0x1  }
0x40: {  	v0 =	vadd.f32 v1, v0;
	_ =	sdelay $0x1  }
0x41: {  	[tilespmem:$0xFD30] =	vst v0  }
0x42: {  	v0 =	vld [tilespmem:s16+$0x0];
	_ =	sdelay $0x4  }
0x43: {  	v52 =	vadd.s32 $0x2780, v0;
	_ =	sdelay $0x1  }
0x44: {  	v53 =	vld [tilespmem:s17+$0x0]  }
0x45: {  	v54 =	vld [tilespmem:s18+$0x0]  }
0x46: {  	v0 =	vld.idx.msk [tilespmem:v0+s2+$0x0], $0xffff  }
0x47: {  	v1 =	vld.idx.msk [tilespmem:v52+s2+$0x0], $0xffff;
	_ =	sdelay $0x4  }
0x48: {  	v0 =	vmul.f32 v0, v53;
	v1 =	vmul.f32 v1, v54;
	_ =	sdelay $0x1  }
0x49: {  	v0 =	vadd.f32 v1, v0;
	_ =	sdelay $0x1  }
0x4a: {  	[tilespmem:$0xFD40] =	vst v0  }
0x4b: {  	v0 =	vld [tilespmem:s16+$0x10];
	_ =	sdelay $0x4  }
0x4c: {  	v55 =	vadd.s32 $0x2780, v0;
	_ =	sdelay $0x1  }
0x4d: {  	v56 =	vld [tilespmem:s17+$0x10]  }
0x4e: {  	v57 =	vld [tilespmem:s18+$0x10]  }
0x4f: {  	v0 =	vld.idx.msk [tilespmem:v0+s2+$0x0], $0xffff  }
0x50: {  	v1 =	vld.idx.msk [tilespmem:v55+s2+$0x0], $0xffff;
	_ =	sdelay $0x4  }
0x51: {  	v0 =	vmul.f32 v0, v56;
	v1 =	vmul.f32 v1, v57;
	_ =	sdelay $0x1  }
0x52: {  	v0 =	vadd.f32 v1, v0;
	_ =	sdelay $0x1  }
0x53: {  	[tilespmem:$0xFD50] =	vst v0  }
0x54: {  	v0 =	vld [tilespmem:s16+$0x20];
	_ =	sdelay $0x4  }
0x55: {  	v58 =	vadd.s32 $0x2780, v0;
	_ =	sdelay $0x1  }
0x56: {  	v59 =	vld [tilespmem:s17+$0x20]  }
0x57: {  	v60 =	vld [tilespmem:s18+$0x20]  }
0x58: {  	v0 =	vld.idx.msk [tilespmem:v0+s2+$0x0], $0xffff  }
0x59: {  	v1 =	vld.idx.msk [tilespmem:v58+s2+$0x0], $0xffff;
	_ =	sdelay $0x4  }
0x5a: {  	v0 =	vmul.f32 v0, v59;
	v1 =	vmul.f32 v1, v60;
	_ =	sdelay $0x1  }
0x5b: {  	v0 =	vadd.f32 v1, v0;
	_ =	sdelay $0x1  }
0x5c: {  	[tilespmem:$0xFD60] =	vst v0  }
0x5d: {  	v0 =	vld [tilespmem:s16+$0x30];
	_ =	sdelay $0x4  }
0x5e: {  	v61 =	vadd.s32 $0x2780, v0;
	_ =	sdelay $0x1  }
0x5f: {  	v62 =	vld [tilespmem:s17+$0x30]  }
0x60: {  	v63 =	vld [tilespmem:s18+$0x30]  }
0x61: {  	v0 =	vld.idx.msk [tilespmem:v0+s2+$0x0], $0xffff  }
0x62: {  	v1 =	vld.idx.msk [tilespmem:v61+s2+$0x0], $0xffff;
	_ =	sdelay $0x4  }
0x63: {  	v0 =	vmul.f32 v0, v62;
	v1 =	vmul.f32 v1, v63;
	_ =	sdelay $0x1  }
0x64: {  	v0 =	vadd.f32 v1, v0  }
0x65: {  	p0 =	sne.s32 s20, $0x1  }
.Ltmp0:
0x66: {  	[tilespmem:$0xFD70] =	vst v0;
	(pc) =	sbr.rel @p0 .LBB2_2-.Ltmp0, $4  }
0x67: {  	[hbm4b:s19+s2] =	stream.linear.scatter [tilespmem:s14], [sflag:$0x1], $0x80, $0x38;
	[tilespmem:$0xFD80] =	vst v63  }
0x68: {  	s20 =	sadd.s32 $0xFFFFFFFF, s20;
	_ =	swait.ge [sflag:s10], $0x80  }
0x69: {  	s16 =	sadd.s32 $0x80, s16;
	s17 =	sadd.s32 $0x80, s17;
	[sflag:s10] =	ssyncset.done $0x0  }
0x6a: {  	s18 =	sadd.s32 $0x80, s18;
	s19 =	sadd.s32 $0x10, s19;
	[sflag:s10] =	ssyncadd.s32 $0xFFFFFF80  }
0x6b: {  	s15 =	sadd.s32 $0x1, s15  }
0x6c: {  	p0 =	sne.s32 s15, s8  }
.Ltmp1:
0x6d: {  	_ = 	snop;
	(pc) =	sbr.rel @p0 .LBB2_1-.Ltmp1, $1  }
0x6e: {  	_ =	sdelay $0x3  }
0x6f: {  	_ =	sfence.sel $0x180000  }
0x70: {  	[bflag:$0x0] =	sbarrier.arrive $0xFFFF  }
0x71: {  	p0 =	sne.s32 s1, $0x0;
	_ =	strace $0x9000004A  }
0x72: {  	s0 =	sadd.s32 @!p0 $0x100000, s0;
	[bflag:$0x2] =	sbarrier.arrive $0xFFFF  }
0x73: {  	[sflag:s0] =	ssyncadd.tile.s32 @!p0 $0x1;
	_ =	shalt  }
.Lfunc_end2:
_tile_overlayer_lowered:
.L_overlay_start_2:
0x74: {  	(tag) =	ssettag $0x2  }
0x75: {  	s0 =	rddreg [dreg:$0x0];
	s2 =	stileid.u32  }
0x76: {  	s1 =	rddreg [dreg:$0x1];
	p0 =	sne.s32 s2, $0x0  }
0x77: {  	s3 =	rddreg [dreg:$0x2];
	[bflag:$0x3] =	sbarrier.arrive $0xFFFF;
	s2 =	simm.s32 @!p0 $0x1C01  }
0x78: {  	[timem:s3], [sflag:s2] =	dma.local @!p0 [hbm:s0], s1  }
0x79: {  	s0 =	simm.s32 @!p0 $0x1  }
0x7a: {  	_ =	swait.ge @!p0 [sflag:s0], s1  }
0x7b: {  	s1 =	ssub.s32 @!p0 $0x0, s1;
	[sflag:s0] =	ssyncset.done @!p0 $0x0  }
0x7c: {  	[sflag:s0] =	ssyncadd.s32 @!p0 s1  }
0x7d: {  	[bflag:$0x3] =	sbarrier.arrive $0xFFFF  }
0x7e: {  	_ =	shalt  }

// kernel: kernel.14.cloned.1.call-start
scs
__scs_entry_jumppad:
0x0: {  	(pc) =	sbr.rel $0x88, $3  }
0x1: {  	(tag) =	ssettag $0x0;
	lr =	simm.s32 $0x1  }
0x2: {  	[smem:$0x3F9D] =	sst lr;
	_ =	strace $0xD0000000  }
0x3: {  	_ = 	snop  }
0x4: {  	_ = 	snop  }
0x5: {  	_ = 	snop  }
0x6: {  	_ = 	snop  }
0x7: {  	_ = 	snop  }
__scs_overlays_trampoline_lowered:
0x8: {  	[smem:$0x3FAC] =	sst s0  }
0x9: {  	[smem:$0x3FAD] =	sst s1  }
0xa: {  	[smem:$0x3FAE] =	sst s2  }
0xb: {  	[smem:$0x3FAF] =	sst s3  }
0xc: {  	[smem:$0x3FB0] =	sst s4  }
0xd: {  	[smem:$0x3FB1] =	sst s5  }
0xe: {  	[smem:$0x3FB2] =	sst s6  }
0xf: {  	[smem:$0x3FB3] =	sst s7  }
0x10: {  	[smem:$0x3FB4] =	sst s8  }
0x11: {  	[smem:$0x3FB5] =	sst s9;
	s0 =	simm.s32 @!p0 $0x0  }
0x12: {  	s1 =	sld [smem:$0x3F9B];
	s0 =	simm.s32 @p0 $0x1  }
0x13: {  	[smem:$0x3FB6] =	sst s0;
	s0 =	simm.s32 @!p1 $0x0  }
0x14: {  	s2 =	sld [smem:$0x3F9A];
	s0 =	simm.s32 @p1 $0x1  }
0x15: {  	[smem:$0x3FB7] =	sst s0;
	s0 =	simm.s32 @!p2 $0x0  }
0x16: {  	s3 =	sld [smem:$0x3FDB];
	s0 =	simm.s32 @p2 $0x1  }
0x17: {  	s4 =	simm.s32 $0x1BF5;
	[smem:$0x3FB9] =	sst s0  }
0x18: {  	s0 =	sld [smem:$0x3F9C];
	_ =	swait.ge [sflag:s4], $0x0  }
0x19: {  	s7 =	sld [smem:$0x3F9D]  }
0x1a: {  	s8 =	sadd.s32 $0xFFFFE003, lr  }
0x1b: {  	s9 =	sadd.s32 $0xFFFFFEF7, lr;
	s5 =	simm.s32 $0xFFFFFFFF;
	p2 =	slt.u32 s8, $0xFFFFF086  }
0x1c: {  	p1 =	slt.u32 s9, $0xF7A;
	s5 =	simm.s32 @!p2 $0x0  }
0x1d: {  	s5 =	simm.s32 @p1 $0x1;
	p0 =	seq.s32 s7, s2  }
0x1e: {  	s7 =	smul.u32 @!p0 $0xF7A, s2;
	p2 =	seq.s32 @!p0 s5, $0x0  }
0x1f: {  	s9 =	smul.u32 $0xF7A, s1;
	s8 =	simm.s32 @!p0 $0x1BF5;
	p2 =	por !p2, p0  }
0x20: {  	[sflag:s8] =	ssyncset.s32 @!p0 $0xFFFFF086;
	s6 =	sadd.s32 @!p0 s3, s7;
	s7 =	simm.s32 @!p0 $0x108  }
0x21: {  	s3 =	sadd.s32 s3, s9;
	s6 =	sadd.s32 @!p0 $0x88, s6;
	s7 =	simm.s32 @p2 $0x1082  }
0x22: {  	[simem:s7], [sflag:s8] =	dma.local @!p0 [hbm:s6], $0xF7A  }
0x23: {  	s9 =	sor.u32 $0xD0000000, s2;
	s6 =	simm.s32 $0x108;
	_ =	swait.ge @!p0 [sflag:s8], $0x0  }
0x24: {  	s3 =	sadd.s32 $0x88, s3;
	s6 =	simm.s32 @!p1 $0x1082;
	[sflag:s4] =	ssyncset.s32 $0xFFFFF086  }
0x25: {  	[simem:s6], [sflag:s4] =	dma.local [hbm:s3], $0xF7A  }
0x26: {  	[smem:$0x3F9D] =	sst s1;
	(tag) =	ssettag s2;
	_ =	strace s9  }
0x27: {  	s1 =	sld [smem:$0x3FAD]  }
0x28: {  	s2 =	sld [smem:$0x3FAE]  }
0x29: {  	s4 =	sld [smem:$0x3FB0]  }
0x2a: {  	p0 =	seq.s32 s5, $0x0;
	s5 =	sld [smem:$0x3FB1]  }
0x2b: {  	s6 =	sld [smem:$0x3FB2]  }
0x2c: {  	s7 =	sld [smem:$0x3FB3]  }
0x2d: {  	s3 =	simm.s32 $0x108;
	s8 =	sld [smem:$0x3FB4]  }
0x2e: {  	s3 =	simm.s32 @!p0 $0x1082;
	s9 =	sld [smem:$0x3FB5]  }
0x2f: {  	lr =	sadd.s32 s0, s3;
	s0 =	sld [smem:$0x3FAC]  }
0x30: {  	s3 =	sld [smem:$0x3FAF]  }
0x31: {  	[smem:$0x3FB8] =	sst s10  }
0x32: {  	s10 =	sld [smem:$0x3FB6];
	_ =	sdelay $0x3  }
0x33: {  	p0 =	seq.s32 s10, $0x1;
	s10 =	sld [smem:$0x3FB8];
	_ =	sdelay $0x3  }
0x34: {  	[smem:$0x3FB8] =	sst s10  }
0x35: {  	s10 =	sld [smem:$0x3FB7];
	_ =	sdelay $0x3  }
0x36: {  	p1 =	seq.s32 s10, $0x1;
	s10 =	sld [smem:$0x3FB8];
	_ =	sdelay $0x3  }
0x37: {  	[smem:$0x3FB8] =	sst s10  }
0x38: {  	s10 =	sld [smem:$0x3FB9]  }
0x39: {  	_ = 	snop;
	(pc) =	sbr.ind lr, $3  }
0x3a: {  	_ = 	snop  }
0x3b: {  	_ = 	snop  }
0x3c: {  	p2 =	seq.s32 s10, $0x1;
	s10 =	sld [smem:$0x3FB8]  }
0x3d: {  	_ =	shalt  }
0x3e: {  	_ =	shalt  }
0x3f: {  	_ =	shalt  }
0x40: {  	_ =	shalt  }
0x41: {  	_ =	shalt  }
0x42: {  	_ =	shalt  }
0x43: {  	_ =	shalt  }
0x44: {  	_ =	shalt  }
0x45: {  	_ =	shalt  }
0x46: {  	_ =	shalt  }
0x47: {  	_ =	shalt  }
0x48: {  	_ =	shalt  }
0x49: {  	_ =	shalt  }
0x4a: {  	_ =	shalt  }
0x4b: {  	_ =	shalt  }
0x4c: {  	_ =	shalt  }
0x4d: {  	_ =	shalt  }
0x4e: {  	_ =	shalt  }
0x4f: {  	_ =	shalt  }
0x50: {  	_ =	shalt  }
0x51: {  	_ =	shalt  }
0x52: {  	_ =	shalt  }
0x53: {  	_ =	shalt  }
0x54: {  	_ =	shalt  }
0x55: {  	_ =	shalt  }
0x56: {  	_ =	shalt  }
0x57: {  	_ =	shalt  }
0x58: {  	_ =	shalt  }
0x59: {  	_ =	shalt  }
0x5a: {  	_ =	shalt  }
0x5b: {  	_ =	shalt  }
0x5c: {  	_ =	shalt  }
0x5d: {  	_ =	shalt  }
0x5e: {  	_ =	shalt  }
0x5f: {  	_ =	shalt  }
0x60: {  	_ =	shalt  }
0x61: {  	_ =	shalt  }
0x62: {  	_ =	shalt  }
0x63: {  	_ =	shalt  }
0x64: {  	_ =	shalt  }
0x65: {  	_ =	shalt  }
0x66: {  	_ =	shalt  }
0x67: {  	_ =	shalt  }
0x68: {  	_ =	shalt  }
0x69: {  	_ =	shalt  }
0x6a: {  	_ =	shalt  }
0x6b: {  	_ =	shalt  }
0x6c: {  	_ =	shalt  }
0x6d: {  	_ =	shalt  }
0x6e: {  	_ =	shalt  }
0x6f: {  	_ =	shalt  }
0x70: {  	_ =	shalt  }
0x71: {  	_ =	shalt  }
0x72: {  	_ =	shalt  }
0x73: {  	_ =	shalt  }
0x74: {  	_ =	shalt  }
0x75: {  	_ =	shalt  }
0x76: {  	_ =	shalt  }
0x77: {  	_ =	shalt  }
0x78: {  	_ =	shalt  }
0x79: {  	_ =	shalt  }
0x7a: {  	_ =	shalt  }
0x7b: {  	_ =	shalt  }
0x7c: {  	_ =	shalt  }
0x7d: {  	_ =	shalt  }
0x7e: {  	_ =	shalt  }
0x7f: {  	_ =	shalt  }
0x80: {  	_ =	shalt  }
0x81: {  	_ =	shalt  }
0x82: {  	_ =	shalt  }
0x83: {  	_ =	shalt  }
0x84: {  	_ =	shalt  }
0x85: {  	_ =	shalt  }
0x86: {  	_ =	shalt  }
0x87: {  	_ =	shalt  }
.Lfunc_end0:
.L_simem_size_0:
called_computation.2_lowered:
.L_overlay_start_0:
0x88: {  	s2 =	sld [smem:$0x3FD9]  }
0x89: {  	s3 =	sld [smem:$0x3FFE];
	_ =	sdelay $0x1  }
0x8a: {  	s1 =	srdreg.scid  }
0x8b: {  	s0 =	sand.u32 $0x1, s1  }
0x8c: {  	s17 =	sshll.u32 s0, $0xA;
	s2 =	sadd.s32 s3, s2  }
0x8d: {  	s2 =	sadd.s32 s2, s17  }
0x8e: {  	[smem:$0x3FC4] =	sst s2  }
0x8f: {  	_ = 	snop  }
0x90: {  	s2 =	sld [smem:$0x3FC9]  }
0x91: {  	s18 =	sld [smem:$0x3FD0];
	(tm) =	ssettm $0x1  }
0x92: {  	s4 =	sld [smem:$0x3FFB];
	_ =	sdelay $0x3  }
0x93: {  	_ =	strace s4  }
0x94: {  	s4 =	sld [smem:$0x3FFC];
	_ =	sdelay $0x3  }
0x95: {  	_ =	strace s4  }
0x96: {  	s4 =	sld [smem:$0x3FFD];
	_ =	sdelay $0x3  }
0x97: {  	_ =	strace s4  }
0x98: {  	_ =	strace $0x8FFFFFFF  }
0x99: {  	s19 =	sld [smem:$0x3FDB];
	_ =	sdelay $0x1  }
0x9a: {  	s5 =	simm.s32 $_scs_section_size  }
0x9b: {  	s6 =	simm.s32 $_size__tile_overlayer_lowered;
	s7 =	simm.s32 $_tile_overlayer_lowered  }
0x9c: {  	s22 =	simm.s32 $0x1BFF;
	s21 =	sshll.u32 s7, $0x1;
	s4 =	sadd.s32 s5, s19  }
0x9d: {  	s8 =	simm.s32 $0x0;
	s20 =	sshll.u32 s6, $0x1;
	s6 =	sadd.s32 s21, s4  }
0x9e: {  	[timem:s8], [sflag:s22] =	dma.local [hbm:s6], s20  }
0x9f: {  	_ =	swait.ge [sflag:s22], s20  }
0xa0: {  	s5 =	ssub.s32 $0x0, s20;
	[sflag:s22] =	ssyncset.done $0x0  }
0xa1: {  	[sflag:s22] =	ssyncadd.s32 s5;
	_ =	sdelay $0x1  }
0xa2: {  	s23 =	simm.s32 $0x1B8B  }
0xa3: {  	_ =	swait.ge [sflag:s23], $0x1  }
0xa4: {  	[sflag:s23] =	ssyncset.done $0x0  }
0xa5: {  	s25 =	simm.s32 $0x1B8E;
	s24 =	sld [smem:$0x3FFE];
	[sflag:s23] =	ssyncadd.s32 $0xFFFFFFFF  }
0xa6: {  	s26 =	simm.s32 $execute0_lowered;
	[smem:$0x3FD2] =	sst s25  }
0xa7: {  	s6 =	sshll.u32 s26, $0x1;
	_ =	strace $0x8000004C;
	[dreg:$0x1] =	wrdreg $0xFFFFFFFF  }
0xa8: {  	s28 =	simm.s32 $_size_execute0_lowered;
	s4 =	sadd.s32 s4, s6;
	[dreg:$0x0] =	wrdreg $0x0  }
0xa9: {  	s6 =	sshll.u32 s28, $0x1;
	[dreg:$0x2] =	wrdreg s4  }
0xaa: {  	[dreg:$0x3] =	wrdreg s6  }
0xab: {  	[dreg:$0x4] =	wrdreg $0xC0  }
0xac: {  	_ =	task [dreg:s8], $0x5FFFF  }
0xad: {  	[dreg:$0x1] =	wrdreg $0xFFFFFFFF  }
0xae: {  	[dreg:$0x0] =	wrdreg $0x60  }
0xaf: {  	[dreg:$0x2] =	wrdreg s24  }
0xb0: {  	[dreg:$0x3] =	wrdreg s18  }
0xb1: {  	[dreg:$0x4] =	wrdreg s2  }
0xb2: {  	[dreg:$0x5] =	wrdreg $0xBC000  }
0xb3: {  	[dreg:$0x6] =	wrdreg $0x9  }
0xb4: {  	_ =	task.clear_ibuf [dreg:s8], $0x7FFFF;
	_ =	strace $0x9000004C  }
0xb5: {  	s29 =	simm.s32 $0x9;
	_ =	strace $0x8000004E  }
0xb6: {  	_ =	swait.ge [sflag:s29], $0x1  }
0xb7: {  	[sflag:s29] =	ssyncadd.s32 $0xFFFFFFFF  }
0xb8: {  	_ =	strace $0x9000004E  }
0xb9: {  	_ =	sfence  }
0xba: {  	s30 =	sld [smem:$0x0];
	_ =	sdelay $0x2  }
0xbb: {  	s31 =	sshll.u32 s1, $0xD;
	s1 =	sshrl.u32 s1, $0x2  }
0xbc: {  	s3 =	sand.u32 $0x4000, s31;
	s1 =	sadd.s32 s1, s30  }
0xbd: {  	s0 =	sor.u32 s3, s0;
	s1 =	sshll.u32 s1, $0x11  }
0xbe: {  	s0 =	sor.u32 s1, s0  }
0xbf: {  	s0 =	sadd.s32 $0x8F2B, s0  }
0xc0: {  	[sflag:s0] =	ssyncadd.remote.s32 $0x1  }
0xc1: {  	_ =	sfence.sel $0xFFFF  }
0xc2: {  	[dreg:$0x0] =	wrdreg $0xFFFFFFFF;
	(pc) =	sbr.abs _section_cstart, $3  }
0xc3: {  	[dreg:$0x1] =	wrdreg $0xFFFFFFFF  }
0xc4: {  	_ =	task.clear_ibuf [dreg:s8], $0x2FFFF;
	_ =	strace $0x9FFFFFFF  }
0xc5: {  	(tm) =	ssettm $0x7FFFFFFF  }
tec
execute0_lowered:
.L_overlay_start_1:
0x0: {  	(tag) =	ssettag $0x1  }
0x1: {  	s0 =	rddreg [dreg:$0x0]  }
0x2: {  	s1 =	rddreg [dreg:$0x1]  }
0x3: {  	s2 =	rddreg [dreg:$0x2];
	s12 =	stileid.u32  }
0x4: {  	s4 =	srdreg.scid;
	s8 =	smul.u32 $0x13C00, s12  }
0x5: {  	s3 =	rddreg [dreg:$0x3];
	s10 =	smul.u32 $0x4F000, s12  }
0x6: {  	s30 =	simm.s32 $0x1;
	s31 =	simm.s32 $0x3;
	s21 =	smul.u32 $0x2C, s12  }
0x7: {  	s7 =	sand.u32 $0x1, s4;
	s4 =	simm.s32 $0x0;
	s12 =	smul.u32 $0x74, s12  }
0x8: {  	s5 =	sadd.s32 $0x23400, s0;
	s6 =	smul.u32 $0x13C000, s7;
	[smem:$0x7FF] =	sst s4  }
0x9: {  	s9 =	ssub.s32 $0x2, s7;
	p0 =	seq.s32 s7, $0x0;
	s7 =	simm.s32 $0x74  }
0xa: {  	_ =	strace $0x8000004D;
	s20 =	sshrl.u32 s9, $0x1;
	s22 =	sshrl.u32 s10, $0x2  }
0xb: {  	s7 =	simm.s32 @!p0 $0x2C;
	s11 =	ssub.s32 s9, s20;
	s9 =	sadd.s32 s22, s3  }
0xc: {  	s8 =	sadd.s32 s8, s6;
	s6 =	sadd.s32 $0x1400, s0;
	s23 =	sadd.s32 $0x4000, s9  }
0xd: {  	s19 =	sadd.s32 $0xFFFFFFFE, s7;
	s24 =	sadd.s32 $0x8000, s9;
	[dreg:$0x5] =	wrdreg s23  }
0xe: {  	s22 =	simm.s32 $0x3C00;
	s25 =	sadd.s32 $0xC000, s9;
	[dreg:$0x6] =	wrdreg s24  }
0xf: {  	s8 =	sshrl.u32 s8, $0x3;
	s26 =	sadd.s32 $0x10000, s9;
	[dreg:$0x7] =	wrdreg s25  }
0x10: {  	s0 =	sadd.s32 s8, s0;
	s8 =	sadd.s32 $0x740, s21;
	[dreg:$0x8] =	wrdreg s26  }
0x11: {  	s21 =	smax.u32 s11, $0x1;
	s23 =	simm.s32 $0x4;
	s8 =	smov.u32 @p0 s12  }
0x12: {  	s24 =	simm.s32 $0x3A00;
	s25 =	simm.s32 $0x3B00;
	s28 =	sshll.u32 s8, $0x4  }
0x13: {  	s26 =	simm.s32 $0x80;
	s20 =	sadd.s32 $0x2DC00, s0;
	s1 =	sadd.s32 s1, s28  }
0x14: {  	s15 =	sadd.s32 s6, s28;
	s29 =	sor.u32 $0x10, s28;
	s16 =	sadd.s32 s5, s28  }
0x15: {  	v0 =	vimm.f32 $0.0e+00;
	[dreg:$0x9] =	wrdreg s1;
	s17 =	sadd.s32 s6, s29;
	s18 =	sadd.s32 s5, s29  }
.LBB2_1:
0x16: {  	s0 =	simm.s32 $0x0;
	s1 =	simm.s32 $0x200  }
.LBB2_2:
0x17: {  	p0 =	sne.s32 s1, $0xFE00;
	[tilespmem:s0+$0x3C70] =	vst v0  }
0x18: {  	[tilespmem:s0+$0x3C00] =	vst v0  }
0x19: {  	[tilespmem:s0+$0x3C10] =	vst v0  }
.Ltmp0:
0x1a: {  	[tilespmem:s0+$0x3C20] =	vst v0;
	(pc) =	sbr.rel @p0 .LBB2_2-.Ltmp0, $4  }
0x1b: {  	[tilespmem:s0+$0x3C30] =	vst v0  }
0x1c: {  	[tilespmem:s0+$0x3C40] =	vst v0  }
0x1d: {  	[tilespmem:s0+$0x3C50] =	vst v0  }
0x1e: {  	[tilespmem:s0+$0x3C60] =	vst v0;
	s0 =	sshra.s32 s1, $0x2;
	s1 =	sadd.s32 $0x200, s1  }
0x1f: {  	[tilespmem:s0+$0x3C70] =	vst v0  }
0x20: {  	[tilespmem:s0+$0x3C00] =	vst v0  }
0x21: {  	[tilespmem:s0+$0x3C10] =	vst v0  }
0x22: {  	[tilespmem:s0+$0x3C20] =	vst v0  }
0x23: {  	[tilespmem:s0+$0x3C30] =	vst v0  }
0x24: {  	[tilespmem:s0+$0x3C40] =	vst v0  }
0x25: {  	[tilespmem:s0+$0x3C50] =	vst v0  }
0x26: {  	[tilespmem:s0+$0x3C60] =	vst v0  }
0x27: {  	[spmem:s9] =	stream.linear.scatter [tilespmem:s22], [sflag:$0x4], $0x4000, $0x38;
	[tilespmem:$0x1F800] =	vst v63  }
0x28: {  	_ =	swait.ge [sflag:s23], $0x4000  }
0x29: {  	[sflag:s23] =	ssyncset.done $0x0  }
0x2a: {  	s11 =	rddreg [dreg:$0x5];
	[sflag:s23] =	ssyncadd.s32 $0xFFFFC000  }
0x2b: {  	[spmem:s11] =	stream.linear.scatter [tilespmem:s22], [sflag:$0x4], $0x4000, $0x38;
	[tilespmem:$0x1F800] =	vst v63  }
0x2c: {  	_ =	swait.ge [sflag:s23], $0x4000  }
0x2d: {  	[sflag:s23] =	ssyncset.done $0x0  }
0x2e: {  	s12 =	rddreg [dreg:$0x6];
	[sflag:s23] =	ssyncadd.s32 $0xFFFFC000  }
0x2f: {  	[spmem:s12] =	stream.linear.scatter [tilespmem:s22], [sflag:$0x4], $0x4000, $0x38;
	[tilespmem:$0x1F800] =	vst v63  }
0x30: {  	_ =	swait.ge [sflag:s23], $0x4000  }
0x31: {  	[sflag:s23] =	ssyncset.done $0x0  }
0x32: {  	s13 =	rddreg [dreg:$0x7];
	[sflag:s23] =	ssyncadd.s32 $0xFFFFC000  }
0x33: {  	[spmem:s13] =	stream.linear.scatter [tilespmem:s22], [sflag:$0x4], $0x4000, $0x38;
	[tilespmem:$0x1F800] =	vst v63  }
0x34: {  	_ =	swait.ge [sflag:s23], $0x4000  }
0x35: {  	[sflag:s23] =	ssyncset.done $0x0  }
0x36: {  	s14 =	rddreg [dreg:$0x8];
	[sflag:s23] =	ssyncadd.s32 $0xFFFFC000  }
0x37: {  	[spmem:s14] =	stream.linear.scatter [tilespmem:s22], [sflag:$0x4], $0x3C00, $0x38;
	[tilespmem:$0x1F800] =	vst v63  }
0x38: {  	_ =	swait.ge [sflag:s23], $0x3C00  }
0x39: {  	[sflag:s23] =	ssyncset.done $0x0  }
0x3a: {  	[sflag:s23] =	ssyncadd.s32 $0xFFFFC400  }
0x3b: {  	[bflag:$0x0] =	sbarrier.arrive $0xFFFF  }
0x3c: {  	s0 =	simm.s32 $0x0;
	s1 =	rddreg [dreg:$0x9]  }
0x3d: {  	[tilespmem:s0], [sflag:$0x4] =	stream.linear.gather [hbm4b:s1+s0], $0x3A00, $0x38;
	[tilespmem:$0x1F800] =	vst v63  }
0x3e: {  	_ =	swait.ge [sflag:s23], $0x3A00  }
0x3f: {  	[sflag:s23] =	ssyncset.done $0x0  }
0x40: {  	[sflag:s23] =	ssyncadd.s32 $0xFFFFC600  }
0x41: {  	[tilespmem:s24], [sflag:$0x4] =	stream.linear.gather [hbm4b:s15+s0], $0x80, $0x38;
	[tilespmem:$0x1F800] =	vst v63  }
0x42: {  	_ =	swait.ge [sflag:s23], $0x80  }
0x43: {  	[sflag:s23] =	ssyncset.done $0x0  }
0x44: {  	[sflag:s23] =	ssyncadd.s32 $0xFFFFFF80  }
0x45: {  	[tilespmem:s25], [sflag:$0x4] =	stream.linear.gather [hbm4b:s16+s0], $0x80, $0x38;
	[tilespmem:$0x1F800] =	vst v63  }
0x46: {  	_ =	swait.ge [sflag:s23], $0x80  }
0x47: {  	[sflag:s23] =	ssyncset.done $0x0  }
0x48: {  	[sflag:s23] =	ssyncadd.s32 $0xFFFFFF80  }
0x49: {  	[tilespmem:s22], [sflag:$0x1] =	stream.indirect.gather [hbm4b:s2+s26], $0x80, s24, s26, $0xb8;
	[tilespmem:$0x1F800] =	vst v63  }
0x4a: {  	s28 =	simm.s32 $0x3A80  }
0x4b: {  	[tilespmem:s28], [sflag:$0x2] =	stream.linear.gather [hbm4b:s17+s0], $0x80, $0x38;
	[tilespmem:$0x1F800] =	vst v63  }
0x4c: {  	s29 =	simm.s32 $0x3B80;
	p0 =	por $0x0, $0x0;
	s1 =	simm.s32 $0x0  }
0x4d: {  	[tilespmem:s29], [sflag:$0x2] =	stream.linear.gather [hbm4b:s18+s0], $0x80, $0x38;
	[tilespmem:$0x1F800] =	vst v63  }
.LBB2_4:
0x4e: {  	_ =	swait.ge [sflag:s30], $0x4000;
	s28 =	sadd.s32 $0x1, s1  }
0x4f: {  	[sflag:s30] =	ssyncset.done $0x0;
	p1 =	sge.u32 s28, s7  }
0x50: {  	[sflag:s30] =	ssyncadd.s32 $0xFFFFC000;
	s10 =	simm.s32 @!p1 $0x2  }
0x51: {  	s11 =	simm.s32 $0x1;
	s29 =	sand.u32 $0x1, s1;
	_ =	swait.ge @!p1 [sflag:s10], $0x80  }
0x52: {  	v2 =	vmov s0;
	s11 =	simm.s32 @!p0 $0x0;
	s12 =	sshll.u32 s29, $0x7;
	[sflag:s10] =	ssyncset.done @!p1 $0x0  }
0x53: {  	v2 =	vand.u32 $0x7F, v2;
	s11 =	sshll.u32 s11, $0xE;
	s13 =	sxor.u32 @!p1 $0x1, s29;
	v1 =	vmov s12;
	[sflag:s10] =	ssyncadd.s32 @!p1 $0xFFFFFF80  }
0x54: {  	s12 =	sor.u32 $0x3C40, s11;
	s11 =	sshll.u32 @!p1 s13, $0x7;
	v2 =	vadd.s32 v1, v2;
	_ =	swait.ge @!p1 [sflag:s10], $0x80  }
0x55: {  	s13 =	sshll.u32 @!p1 s13, $0xE;
	s11 =	sor.u32 @!p1 $0x3A00, s11;
	v2 =	vbroadcast v2, $0x0;
	[sflag:s10] =	ssyncset.done @!p1 $0x0  }
0x56: {  	[sflag:s10] =	ssyncadd.s32 @!p1 $0xFFFFFF80;
	s10 =	sor.u32 @!p1 $0x3C00, s13;
	s13 =	simm.s32 @!p1 $0x80  }
0x57: {  	[tilespmem:s10], [sflag:$0x1] =	stream.indirect.gather @!p1 [hbm4b:s2+s13], $0x80, s11, s13, $0xb8;
	[tilespmem:$0x1F800] =	vst v63  }
0x58: {  	v6 =	vld [tilespmem:s12+$0x30]  }
0x59: {  	v9 =	vld [tilespmem:s12+$0x10]  }
0x5a: {  	v7 =	vld [tilespmem:s12+$0xFFFFFFC0]  }
0x5b: {  	v3 =	vld.idx.msk [tilespmem:v2+s25+$0x0], $0xffff  }
0x5c: {  	v12 =	vld [tilespmem:s12+$0xFFFFFFE0]  }
0x5d: {  	v2 =	vld [tilespmem:s12+$0xFFFFFFF0]  }
0x5e: {  	v4 =	vld [tilespmem:s12+$0x20]  }
0x5f: {  	v5 =	vld [tilespmem:s12+$0xFFFFFFD0]  }
0x60: {  	v10 =	vmul.f32 v6, v3;
	v6 =	vld [tilespmem:s12+$0x0]  }
0x61: {  	s14 =	simm.s32 $0x1;
	s13 =	sshll.u32 s29, $0xE;
	v8 =	vmul.f32 v7, v3  }
0x62: {  	v11 =	vmov s14;
	s11 =	smov.u32 s12;
	s10 =	sor.u32 $0x3C00, s13;
	s13 =	simm.s32 $0x2;
	v7 =	vmul.f32 v12, v3;
	v9 =	vmul.f32 v9, v3  }
.LBB2_5:
0x63: {  	p1 =	sne.s32 s13, $0x7F  }
0x64: {  	v11 =	vand.u32 $0x7F, v11;
	v5 =	vmul.f32 v5, v3;
	v4 =	vmul.f32 v4, v3;
	[tilespmem:s12+$0x30] =	vst v10;
	s11 =	sadd.s32 $0x80, s11;
	s14 =	smov.u32 s13;
	s13 =	sadd.s32 $0x1, s13  }
0x65: {  	v10 =	vadd.s32 v1, v11;
	[tilespmem:s12+$0xFFFFFFC0] =	vst v8;
	v8 =	vmul.f32 v2, v3;
	v3 =	vmul.f32 v6, v3  }
0x66: {  	v6 =	vbroadcast v10, $0x0;
	[tilespmem:s12+$0x10] =	vst v9  }
0x67: {  	[tilespmem:s12+$0xFFFFFFE0] =	vst v7  }
0x68: {  	v2 =	vld [tilespmem:s11+$0xFFFFFFF0];
	[tilespmem:s12+$0xFFFFFFF0] =	vst v8  }
0x69: {  	v7 =	vld [tilespmem:s11+$0x30];
	[tilespmem:s12+$0x0] =	vst v3  }
0x6a: {  	v9 =	vld [tilespmem:s11+$0x10];
	[tilespmem:s12+$0x20] =	vst v4  }
0x6b: {  	v8 =	vld [tilespmem:s11+$0xFFFFFFC0];
	[tilespmem:s12+$0xFFFFFFD0] =	vst v5;
	s12 =	smov.u32 s11  }
0x6c: {  	v3 =	vld.idx.msk [tilespmem:v6+s25+$0x0], $0xffff  }
0x6d: {  	v12 =	vld [tilespmem:s11+$0xFFFFFFE0]  }
0x6e: {  	v4 =	vld [tilespmem:s11+$0x20]  }
.Ltmp1:
0x6f: {  	v5 =	vld [tilespmem:s11+$0xFFFFFFD0];
	(pc) =	sbr.rel @p1 .LBB2_5-.Ltmp1, $3  }
0x70: {  	v6 =	vld [tilespmem:s11+$0x0];
	_ =	sdelay $0x1  }
0x71: {  	v8 =	vmul.f32 v8, v3;
	v10 =	vmul.f32 v7, v3  }
0x72: {  	v11 =	vmov s14;
	v9 =	vmul.f32 v9, v3;
	v7 =	vmul.f32 v12, v3  }
0x73: {  	[tilespmem:s12+$0x30] =	vst v10;
	v58 =	vand.u32 $0x7F, v11  }
0x74: {  	[tilespmem:s12+$0xFFFFFFC0] =	vst v8;
	v1 =	vadd.s32 v1, v58  }
0x75: {  	v2 =	vmul.f32 v2, v3;
	[tilespmem:s12+$0x10] =	vst v9;
	v1 =	vbroadcast v1, $0x0  }
0x76: {  	s11 =	sadd.s32 $0x80, s11;
	[tilespmem:s12+$0xFFFFFFE0] =	vst v7;
	v6 =	vmul.f32 v6, v3  }
0x77: {  	v4 =	vmul.f32 v4, v3;
	v3 =	vmul.f32 v5, v3;
	v7 =	vld [tilespmem:s11+$0xFFFFFFF0];
	[tilespmem:s12+$0xFFFFFFF0] =	vst v2  }
0x78: {  	v2 =	vld [tilespmem:s11+$0x30];
	[tilespmem:s12+$0x0] =	vst v6  }
0x79: {  	v60 =	vld [tilespmem:s11+$0xFFFFFFC0];
	[tilespmem:s12+$0xFFFFFFD0] =	vst v3  }
0x7a: {  	v59 =	vld [tilespmem:s11+$0x10];
	[tilespmem:s12+$0x20] =	vst v4  }
0x7b: {  	v1 =	vld.idx.msk [tilespmem:v1+s25+$0x0], $0xffff;
	_ =	sdelay $0x2  }
0x7c: {  	v6 =	vld [tilespmem:s11+$0x0]  }
0x7d: {  	v3 =	vld [tilespmem:s11+$0xFFFFFFE0]  }
0x7e: {  	v2 =	vmul.f32 v2, v1  }
0x7f: {  	v61 =	vld [tilespmem:s11+$0x20];
	v4 =	vmul.f32 v60, v1  }
0x80: {  	v62 =	vld [tilespmem:s11+$0xFFFFFFD0];
	v5 =	vmul.f32 v59, v1;
	[tilespmem:s11+$0x30] =	vst v2  }
0x81: {  	v63 =	vmul.f32 v6, v1;
	[tilespmem:s11+$0xFFFFFFC0] =	vst v4  }
0x82: {  	p1 =	sge.u32 s1, s19;
	v2 =	vmul.f32 v3, v1;
	[tilespmem:s11+$0x10] =	vst v5  }
0x83: {  	s12 =	sadd.s32 @!p1 s8, s1;
	v3 =	vmul.f32 v7, v1;
	[tilespmem:s11+$0x0] =	vst v63  }
0x84: {  	s12 =	sshll.u32 @!p1 s12, $0x4;
	[tilespmem:s11+$0xFFFFFFE0] =	vst v2;
	v2 =	vmul.f32 v61, v1  }
0x85: {  	s12 =	sand.u32 @!p1 $0x1FFFFFF0, s12;
	[tilespmem:s11+$0xFFFFFFF0] =	vst v3;
	v1 =	vmul.f32 v62, v1  }
0x86: {  	s13 =	sshll.u32 @!p1 s29, $0x7;
	s12 =	sadd.s32 @!p1 $0x20, s12;
	[tilespmem:s11+$0x20] =	vst v2  }
0x87: {  	s29 =	simm.s32 @!p1 $0x0;
	s14 =	sadd.s32 @!p1 s6, s12;
	[tilespmem:s11+$0xFFFFFFD0] =	vst v1;
	s11 =	sor.u32 @!p1 $0x3A00, s13  }
0x88: {  	[tilespmem:s11], [sflag:$0x2] =	stream.linear.gather @!p1 [hbm4b:s14+s29], $0x80, $0x38;
	[tilespmem:$0x1F800] =	vst v63  }
0x89: {  	s12 =	sadd.s32 @!p1 s5, s12;
	s11 =	sor.u32 @!p1 $0x3B00, s13  }
0x8a: {  	[tilespmem:s11], [sflag:$0x2] =	stream.linear.gather @!p1 [hbm4b:s12+s29], $0x80, $0x38;
	[tilespmem:$0x1F800] =	vst v63  }
0x8b: {  	s29 =	sshll.u32 s1, $0x9;
	p1 =	sne.s32 s28, s7  }
.Ltmp2:
0x8c: {  	s1 =	sshra.s32 s29, $0x2;
	(pc) =	sbr.rel @p1 .LBB2_4-.Ltmp2, $4  }
0x8d: {  	[spmem:s3] =	stream.indirect.scatter.add.f32 [tilespmem:s10], [sflag:$0x3], $0x80, s1, s26, $0xb8;
	[tilespmem:$0x1F800] =	vst v63  }
0x8e: {  	_ =	swait.ge [sflag:s31], $0x4000  }
0x8f: {  	[sflag:s31] =	ssyncset.done $0x0  }
0x90: {  	p0 =	por !p0, !p0;
	s1 =	smov.u32 s28;
	[sflag:s31] =	ssyncadd.s32 $0xFFFFC000  }
0x91: {  	s0 =	stileid.u32;
	s4 =	sadd.s32 $0x1, s4  }
0x92: {  	[bflag:$0x0] =	sbarrier.arrive $0xFFFF;
	s0 =	sshll.u32 s0, $0x6;
	p0 =	sne.s32 s4, s21  }
.Ltmp3:
0x93: {  	s1 =	sshrl.u32 s9, $0x3;
	s0 =	sor.u32 $0x1C04, s0;
	(pc) =	sbr.rel @p0 .LBB2_1-.Ltmp3, $4  }
0x94: {  	[hbm:s20], [sflag:s0] =	dma.local [spmem:s1], $0x2780  }
0x95: {  	_ =	swait.ge [sflag:s23], $0x2780  }
0x96: {  	[sflag:s23] =	ssyncset.done $0x0  }
0x97: {  	[sflag:s23] =	ssyncadd.s32 $0xFFFFD880  }
0x98: {  	_ =	sfence.sel $0x180000  }
0x99: {  	[bflag:$0x0] =	sbarrier.arrive $0xFFFF  }
0x9a: {  	_ =	strace $0x9000004D  }
0x9b: {  	s0 =	stileid.u32;
	[bflag:$0x2] =	sbarrier.arrive $0xFFFF  }
0x9c: {  	p0 =	sne.s32 s0, $0x0;
	s0 =	rddreg [dreg:$0x4]  }
0x9d: {  	s0 =	sadd.s32 @!p0 $0x100000, s0  }
0x9e: {  	[sflag:s0] =	ssyncadd.tile.s32 @!p0 $0x1;
	_ =	shalt  }
.Lfunc_end2:
_tile_overlayer_lowered:
.L_overlay_start_2:
0x9f: {  	(tag) =	ssettag $0x2  }
0xa0: {  	s0 =	rddreg [dreg:$0x0];
	s2 =	stileid.u32  }
0xa1: {  	s1 =	rddreg [dreg:$0x1];
	p0 =	sne.s32 s2, $0x0  }
0xa2: {  	s3 =	rddreg [dreg:$0x2];
	[bflag:$0x3] =	sbarrier.arrive $0xFFFF;
	s2 =	simm.s32 @!p0 $0x1C04  }
0xa3: {  	[timem:s3], [sflag:s2] =	dma.local @!p0 [hbm:s0], s1  }
0xa4: {  	s0 =	simm.s32 @!p0 $0x4  }
0xa5: {  	_ =	swait.ge @!p0 [sflag:s0], s1  }
0xa6: {  	s1 =	ssub.s32 @!p0 $0x0, s1;
	[sflag:s0] =	ssyncset.done @!p0 $0x0  }
0xa7: {  	[sflag:s0] =	ssyncadd.s32 @!p0 s1  }
0xa8: {  	[bflag:$0x3] =	sbarrier.arrive $0xFFFF  }
0xa9: {  	_ =	shalt  }

// kernel: kernel.8.cloned.1.call-start
scs
__scs_entry_jumppad:
0x0: {  	(pc) =	sbr.rel $0x88, $3  }
0x1: {  	(tag) =	ssettag $0x0;
	lr =	simm.s32 $0x1  }
0x2: {  	[smem:$0x3F9D] =	sst lr;
	_ =	strace $0xD0000000  }
0x3: {  	_ = 	snop  }
0x4: {  	_ = 	snop  }
0x5: {  	_ = 	snop  }
0x6: {  	_ = 	snop  }
0x7: {  	_ = 	snop  }
__scs_overlays_trampoline_lowered:
0x8: {  	[smem:$0x3FAC] =	sst s0  }
0x9: {  	[smem:$0x3FAD] =	sst s1  }
0xa: {  	[smem:$0x3FAE] =	sst s2  }
0xb: {  	[smem:$0x3FAF] =	sst s3  }
0xc: {  	[smem:$0x3FB0] =	sst s4  }
0xd: {  	[smem:$0x3FB1] =	sst s5  }
0xe: {  	[smem:$0x3FB2] =	sst s6  }
0xf: {  	[smem:$0x3FB3] =	sst s7  }
0x10: {  	[smem:$0x3FB4] =	sst s8  }
0x11: {  	[smem:$0x3FB5] =	sst s9;
	s0 =	simm.s32 @!p0 $0x0  }
0x12: {  	s1 =	sld [smem:$0x3F9B];
	s0 =	simm.s32 @p0 $0x1  }
0x13: {  	[smem:$0x3FB6] =	sst s0;
	s0 =	simm.s32 @!p1 $0x0  }
0x14: {  	s2 =	sld [smem:$0x3F9A];
	s0 =	simm.s32 @p1 $0x1  }
0x15: {  	[smem:$0x3FB7] =	sst s0;
	s0 =	simm.s32 @!p2 $0x0  }
0x16: {  	s3 =	sld [smem:$0x3FDB];
	s0 =	simm.s32 @p2 $0x1  }
0x17: {  	s4 =	simm.s32 $0x1BF5;
	[smem:$0x3FB9] =	sst s0  }
0x18: {  	s0 =	sld [smem:$0x3F9C];
	_ =	swait.ge [sflag:s4], $0x0  }
0x19: {  	s7 =	sld [smem:$0x3F9D]  }
0x1a: {  	s8 =	sadd.s32 $0xFFFFE003, lr  }
0x1b: {  	s9 =	sadd.s32 $0xFFFFFEF7, lr;
	s5 =	simm.s32 $0xFFFFFFFF;
	p2 =	slt.u32 s8, $0xFFFFF086  }
0x1c: {  	p1 =	slt.u32 s9, $0xF7A;
	s5 =	simm.s32 @!p2 $0x0  }
0x1d: {  	s5 =	simm.s32 @p1 $0x1;
	p0 =	seq.s32 s7, s2  }
0x1e: {  	s7 =	smul.u32 @!p0 $0xF7A, s2;
	p2 =	seq.s32 @!p0 s5, $0x0  }
0x1f: {  	s9 =	smul.u32 $0xF7A, s1;
	s8 =	simm.s32 @!p0 $0x1BF5;
	p2 =	por !p2, p0  }
0x20: {  	[sflag:s8] =	ssyncset.s32 @!p0 $0xFFFFF086;
	s6 =	sadd.s32 @!p0 s3, s7;
	s7 =	simm.s32 @!p0 $0x108  }
0x21: {  	s3 =	sadd.s32 s3, s9;
	s6 =	sadd.s32 @!p0 $0x88, s6;
	s7 =	simm.s32 @p2 $0x1082  }
0x22: {  	[simem:s7], [sflag:s8] =	dma.local @!p0 [hbm:s6], $0xF7A  }
0x23: {  	s9 =	sor.u32 $0xD0000000, s2;
	s6 =	simm.s32 $0x108;
	_ =	swait.ge @!p0 [sflag:s8], $0x0  }
0x24: {  	s3 =	sadd.s32 $0x88, s3;
	s6 =	simm.s32 @!p1 $0x1082;
	[sflag:s4] =	ssyncset.s32 $0xFFFFF086  }
0x25: {  	[simem:s6], [sflag:s4] =	dma.local [hbm:s3], $0xF7A  }
0x26: {  	[smem:$0x3F9D] =	sst s1;
	(tag) =	ssettag s2;
	_ =	strace s9  }
0x27: {  	s1 =	sld [smem:$0x3FAD]  }
0x28: {  	s2 =	sld [smem:$0x3FAE]  }
0x29: {  	s4 =	sld [smem:$0x3FB0]  }
0x2a: {  	p0 =	seq.s32 s5, $0x0;
	s5 =	sld [smem:$0x3FB1]  }
0x2b: {  	s6 =	sld [smem:$0x3FB2]  }
0x2c: {  	s7 =	sld [smem:$0x3FB3]  }
0x2d: {  	s3 =	simm.s32 $0x108;
	s8 =	sld [smem:$0x3FB4]  }
0x2e: {  	s3 =	simm.s32 @!p0 $0x1082;
	s9 =	sld [smem:$0x3FB5]  }
0x2f: {  	lr =	sadd.s32 s0, s3;
	s0 =	sld [smem:$0x3FAC]  }
0x30: {  	s3 =	sld [smem:$0x3FAF]  }
0x31: {  	[smem:$0x3FB8] =	sst s10  }
0x32: {  	s10 =	sld [smem:$0x3FB6];
	_ =	sdelay $0x3  }
0x33: {  	p0 =	seq.s32 s10, $0x1;
	s10 =	sld [smem:$0x3FB8];
	_ =	sdelay $0x3  }
0x34: {  	[smem:$0x3FB8] =	sst s10  }
0x35: {  	s10 =	sld [smem:$0x3FB7];
	_ =	sdelay $0x3  }
0x36: {  	p1 =	seq.s32 s10, $0x1;
	s10 =	sld [smem:$0x3FB8];
	_ =	sdelay $0x3  }
0x37: {  	[smem:$0x3FB8] =	sst s10  }
0x38: {  	s10 =	sld [smem:$0x3FB9]  }
0x39: {  	_ = 	snop;
	(pc) =	sbr.ind lr, $3  }
0x3a: {  	_ = 	snop  }
0x3b: {  	_ = 	snop  }
0x3c: {  	p2 =	seq.s32 s10, $0x1;
	s10 =	sld [smem:$0x3FB8]  }
0x3d: {  	_ =	shalt  }
0x3e: {  	_ =	shalt  }
0x3f: {  	_ =	shalt  }
0x40: {  	_ =	shalt  }
0x41: {  	_ =	shalt  }
0x42: {  	_ =	shalt  }
0x43: {  	_ =	shalt  }
0x44: {  	_ =	shalt  }
0x45: {  	_ =	shalt  }
0x46: {  	_ =	shalt  }
0x47: {  	_ =	shalt  }
0x48: {  	_ =	shalt  }
0x49: {  	_ =	shalt  }
0x4a: {  	_ =	shalt  }
0x4b: {  	_ =	shalt  }
0x4c: {  	_ =	shalt  }
0x4d: {  	_ =	shalt  }
0x4e: {  	_ =	shalt  }
0x4f: {  	_ =	shalt  }
0x50: {  	_ =	shalt  }
0x51: {  	_ =	shalt  }
0x52: {  	_ =	shalt  }
0x53: {  	_ =	shalt  }
0x54: {  	_ =	shalt  }
0x55: {  	_ =	shalt  }
0x56: {  	_ =	shalt  }
0x57: {  	_ =	shalt  }
0x58: {  	_ =	shalt  }
0x59: {  	_ =	shalt  }
0x5a: {  	_ =	shalt  }
0x5b: {  	_ =	shalt  }
0x5c: {  	_ =	shalt  }
0x5d: {  	_ =	shalt  }
0x5e: {  	_ =	shalt  }
0x5f: {  	_ =	shalt  }
0x60: {  	_ =	shalt  }
0x61: {  	_ =	shalt  }
0x62: {  	_ =	shalt  }
0x63: {  	_ =	shalt  }
0x64: {  	_ =	shalt  }
0x65: {  	_ =	shalt  }
0x66: {  	_ =	shalt  }
0x67: {  	_ =	shalt  }
0x68: {  	_ =	shalt  }
0x69: {  	_ =	shalt  }
0x6a: {  	_ =	shalt  }
0x6b: {  	_ =	shalt  }
0x6c: {  	_ =	shalt  }
0x6d: {  	_ =	shalt  }
0x6e: {  	_ =	shalt  }
0x6f: {  	_ =	shalt  }
0x70: {  	_ =	shalt  }
0x71: {  	_ =	shalt  }
0x72: {  	_ =	shalt  }
0x73: {  	_ =	shalt  }
0x74: {  	_ =	shalt  }
0x75: {  	_ =	shalt  }
0x76: {  	_ =	shalt  }
0x77: {  	_ =	shalt  }
0x78: {  	_ =	shalt  }
0x79: {  	_ =	shalt  }
0x7a: {  	_ =	shalt  }
0x7b: {  	_ =	shalt  }
0x7c: {  	_ =	shalt  }
0x7d: {  	_ =	shalt  }
0x7e: {  	_ =	shalt  }
0x7f: {  	_ =	shalt  }
0x80: {  	_ =	shalt  }
0x81: {  	_ =	shalt  }
0x82: {  	_ =	shalt  }
0x83: {  	_ =	shalt  }
0x84: {  	_ =	shalt  }
0x85: {  	_ =	shalt  }
0x86: {  	_ =	shalt  }
0x87: {  	_ =	shalt  }
.Lfunc_end0:
.L_simem_size_0:
called_computation_lowered:
.L_overlay_start_0:
0x88: {  	s2 =	sld [smem:$0x3FD9]  }
0x89: {  	s3 =	sld [smem:$0x3FFE];
	_ =	sdelay $0x1  }
0x8a: {  	s1 =	srdreg.scid  }
0x8b: {  	s0 =	sand.u32 $0x1, s1  }
0x8c: {  	s17 =	sshll.u32 s0, $0xA;
	s2 =	sadd.s32 s3, s2  }
0x8d: {  	s2 =	sadd.s32 s2, s17  }
0x8e: {  	[smem:$0x3FC4] =	sst s2  }
0x8f: {  	_ = 	snop  }
0x90: {  	s2 =	sld [smem:$0x3FD0];
	(tm) =	ssettm $0x1  }
0x91: {  	s18 =	sld [smem:$0x3FFB];
	_ =	sdelay $0x3  }
0x92: {  	_ =	strace s18  }
0x93: {  	s3 =	sld [smem:$0x3FFC];
	_ =	sdelay $0x3  }
0x94: {  	_ =	strace s3  }
0x95: {  	s3 =	sld [smem:$0x3FFD];
	_ =	sdelay $0x3  }
0x96: {  	_ =	strace s3  }
0x97: {  	_ =	strace $0x8FFFFFFF  }
0x98: {  	s19 =	sld [smem:$0x3FDB];
	_ =	sdelay $0x1  }
0x99: {  	s4 =	simm.s32 $_scs_section_size  }
0x9a: {  	s5 =	simm.s32 $_size__tile_overlayer_lowered;
	s6 =	simm.s32 $_tile_overlayer_lowered  }
0x9b: {  	s22 =	simm.s32 $0x1BFF;
	s21 =	sshll.u32 s6, $0x1;
	s3 =	sadd.s32 s4, s19  }
0x9c: {  	s7 =	simm.s32 $0x0;
	s20 =	sshll.u32 s5, $0x1;
	s5 =	sadd.s32 s21, s3  }
0x9d: {  	[timem:s7], [sflag:s22] =	dma.local [hbm:s5], s20  }
0x9e: {  	_ =	swait.ge [sflag:s22], s20  }
0x9f: {  	s4 =	ssub.s32 $0x0, s20;
	[sflag:s22] =	ssyncset.done $0x0  }
0xa0: {  	[sflag:s22] =	ssyncadd.s32 s4;
	_ =	sdelay $0x1  }
0xa1: {  	s23 =	simm.s32 $0x1B8B  }
0xa2: {  	_ =	swait.ge [sflag:s23], $0x1  }
0xa3: {  	[sflag:s23] =	ssyncset.done $0x0  }
0xa4: {  	s25 =	simm.s32 $0x1B8E;
	s24 =	sld [smem:$0x3FFE];
	[sflag:s23] =	ssyncadd.s32 $0xFFFFFFFF  }
0xa5: {  	s26 =	simm.s32 $execute0_lowered;
	[smem:$0x3FD2] =	sst s25  }
0xa6: {  	s5 =	sshll.u32 s26, $0x1;
	_ =	strace $0x80000046;
	[dreg:$0x1] =	wrdreg $0xFFFFFFFF  }
0xa7: {  	s28 =	simm.s32 $_size_execute0_lowered;
	s3 =	sadd.s32 s3, s5;
	[dreg:$0x0] =	wrdreg $0x0  }
0xa8: {  	s5 =	sshll.u32 s28, $0x1;
	[dreg:$0x2] =	wrdreg s3  }
0xa9: {  	[dreg:$0x3] =	wrdreg s5  }
0xaa: {  	[dreg:$0x4] =	wrdreg $0xC0  }
0xab: {  	_ =	task [dreg:s7], $0x5FFFF  }
0xac: {  	[dreg:$0x1] =	wrdreg $0xFFFFFFFF  }
0xad: {  	[dreg:$0x0] =	wrdreg $0x60  }
0xae: {  	[dreg:$0x2] =	wrdreg s24  }
0xaf: {  	[dreg:$0x3] =	wrdreg s2  }
0xb0: {  	[dreg:$0x4] =	wrdreg $0x114000  }
0xb1: {  	[dreg:$0x5] =	wrdreg $0x9  }
0xb2: {  	_ =	task.clear_ibuf [dreg:s7], $0x6FFFF;
	_ =	strace $0x90000046  }
0xb3: {  	s29 =	simm.s32 $0x9;
	_ =	strace $0x80000048  }
0xb4: {  	_ =	swait.ge [sflag:s29], $0x1  }
0xb5: {  	[sflag:s29] =	ssyncadd.s32 $0xFFFFFFFF  }
0xb6: {  	_ =	strace $0x90000048  }
0xb7: {  	_ =	sfence  }
0xb8: {  	s30 =	sld [smem:$0x0];
	_ =	sdelay $0x2  }
0xb9: {  	s31 =	sshll.u32 s1, $0xD;
	s1 =	sshrl.u32 s1, $0x2  }
0xba: {  	s3 =	sand.u32 $0x4000, s31;
	s1 =	sadd.s32 s1, s30  }
0xbb: {  	s0 =	sor.u32 s3, s0;
	s1 =	sshll.u32 s1, $0x11  }
0xbc: {  	s0 =	sor.u32 s1, s0  }
0xbd: {  	s0 =	sadd.s32 $0x8F2B, s0  }
0xbe: {  	[sflag:s0] =	ssyncadd.remote.s32 $0x1  }
0xbf: {  	_ =	sfence.sel $0xFFFF  }
0xc0: {  	[dreg:$0x0] =	wrdreg $0xFFFFFFFF;
	(pc) =	sbr.abs _section_cstart, $3  }
0xc1: {  	[dreg:$0x1] =	wrdreg $0xFFFFFFFF  }
0xc2: {  	_ =	task.clear_ibuf [dreg:s7], $0x2FFFF;
	_ =	strace $0x9FFFFFFF  }
0xc3: {  	(tm) =	ssettm $0x7FFFFFFF  }
tec
execute0_lowered:
.L_overlay_start_1:
0x0: {  	(tag) =	ssettag $0x1  }
0x1: {  	s0 =	rddreg [dreg:$0x0]  }
0x2: {  	s1 =	rddreg [dreg:$0x1];
	s3 =	srdreg.scid  }
0x3: {  	s8 =	stileid.u32;
	s2 =	rddreg [dreg:$0x2];
	s22 =	simm.s32 $0x11200  }
0x4: {  	s23 =	simm.s32 $0x1;
	s28 =	simm.s32 $0x11300;
	s5 =	smul.u32 $0x500, s8  }
0x5: {  	s29 =	simm.s32 $0x11380;
	s30 =	simm.s32 $0x11280;
	s7 =	smul.u32 $0x2C, s8  }
0x6: {  	s31 =	simm.s32 $0x0;
	s4 =	sand.u32 $0x1, s3;
	s8 =	smul.u32 $0x74, s8  }
0x7: {  	s3 =	simm.s32 $0x0;
	s9 =	sadd.s32 $0xBC00, s0;
	s6 =	smul.u32 $0x5000, s4  }
0x8: {  	[smem:$0x7FF] =	sst s3;
	p0 =	seq.s32 s4, $0x0;
	s25 =	ssub.s32 $0x2, s4  }
0x9: {  	s4 =	simm.s32 $0x74;
	_ =	strace $0x80000047;
	s7 =	sadd.s32 $0x740, s7  }
0xa: {  	[dreg:$0x4] =	wrdreg s9;
	s26 =	sshrl.u32 s25, $0x1;
	s4 =	simm.s32 @!p0 $0x2C  }
0xb: {  	s6 =	sadd.s32 s5, s6;
	s7 =	smov.u32 @p0 s8;
	s19 =	ssub.s32 s25, s26  }
0xc: {  	s26 =	simm.s32 $0x80;
	s6 =	sshrl.u32 s6, $0x3;
	s16 =	sshll.u32 s7, $0x4  }
0xd: {  	s19 =	smax.u32 s19, $0x1;
	s18 =	sadd.s32 s6, s0;
	s6 =	sadd.s32 s5, s2  }
0xe: {  	s0 =	sadd.s32 s16, s0;
	s16 =	sadd.s32 s1, s16;
	s7 =	sadd.s32 $0x80, s6  }
0xf: {  	s8 =	sadd.s32 $0x100, s6;
	s9 =	sadd.s32 $0x180, s6;
	s10 =	sadd.s32 $0x200, s6  }
0x10: {  	s11 =	sadd.s32 $0x280, s6;
	s12 =	sadd.s32 $0x300, s6;
	s13 =	sadd.s32 $0x380, s6  }
0x11: {  	s14 =	sadd.s32 $0x400, s6;
	s15 =	sadd.s32 $0x480, s6;
	s17 =	sadd.s32 $0x1400, s0  }
0x12: {  	v0 =	vimm.f32 $0.0e+00;
	s18 =	sadd.s32 $0xD000, s18;
	s25 =	sadd.s32 $0x18C00, s0;
	s24 =	sadd.s32 $0xE400, s0  }
.LBB2_1:
0x13: {  	[tilespmem:$0x11200] =	vst v0  }
0x14: {  	[tilespmem:$0x11210] =	vst v0  }
0x15: {  	[tilespmem:$0x11220] =	vst v0  }
0x16: {  	[tilespmem:$0x11230] =	vst v0  }
0x17: {  	[tilespmem:$0x11240] =	vst v0  }
0x18: {  	[tilespmem:$0x11250] =	vst v0  }
0x19: {  	[tilespmem:$0x11260] =	vst v0  }
0x1a: {  	[tilespmem:$0x11270] =	vst v0  }
0x1b: {  	[spmem:s6] =	stream.linear.scatter [tilespmem:s22], [sflag:$0x1], $0x80, $0x38;
	[tilespmem:$0x11900] =	vst v63  }
0x1c: {  	_ =	swait.ge [sflag:s23], $0x80  }
0x1d: {  	[sflag:s23] =	ssyncset.done $0x0  }
0x1e: {  	[sflag:s23] =	ssyncadd.s32 $0xFFFFFF80  }
0x1f: {  	[spmem:s7] =	stream.linear.scatter [tilespmem:s22], [sflag:$0x1], $0x80, $0x38;
	[tilespmem:$0x11900] =	vst v63  }
0x20: {  	_ =	swait.ge [sflag:s23], $0x80  }
0x21: {  	[sflag:s23] =	ssyncset.done $0x0  }
0x22: {  	[sflag:s23] =	ssyncadd.s32 $0xFFFFFF80  }
0x23: {  	[spmem:s8] =	stream.linear.scatter [tilespmem:s22], [sflag:$0x1], $0x80, $0x38;
	[tilespmem:$0x11900] =	vst v63  }
0x24: {  	_ =	swait.ge [sflag:s23], $0x80  }
0x25: {  	[sflag:s23] =	ssyncset.done $0x0  }
0x26: {  	[sflag:s23] =	ssyncadd.s32 $0xFFFFFF80  }
0x27: {  	[spmem:s9] =	stream.linear.scatter [tilespmem:s22], [sflag:$0x1], $0x80, $0x38;
	[tilespmem:$0x11900] =	vst v63  }
0x28: {  	_ =	swait.ge [sflag:s23], $0x80  }
0x29: {  	[sflag:s23] =	ssyncset.done $0x0  }
0x2a: {  	[sflag:s23] =	ssyncadd.s32 $0xFFFFFF80  }
0x2b: {  	[spmem:s10] =	stream.linear.scatter [tilespmem:s22], [sflag:$0x1], $0x80, $0x38;
	[tilespmem:$0x11900] =	vst v63  }
0x2c: {  	_ =	swait.ge [sflag:s23], $0x80  }
0x2d: {  	[sflag:s23] =	ssyncset.done $0x0  }
0x2e: {  	[sflag:s23] =	ssyncadd.s32 $0xFFFFFF80  }
0x2f: {  	[spmem:s11] =	stream.linear.scatter [tilespmem:s22], [sflag:$0x1], $0x80, $0x38;
	[tilespmem:$0x11900] =	vst v63  }
0x30: {  	_ =	swait.ge [sflag:s23], $0x80  }
0x31: {  	[sflag:s23] =	ssyncset.done $0x0  }
0x32: {  	[sflag:s23] =	ssyncadd.s32 $0xFFFFFF80  }
0x33: {  	[spmem:s12] =	stream.linear.scatter [tilespmem:s22], [sflag:$0x1], $0x80, $0x38;
	[tilespmem:$0x11900] =	vst v63  }
0x34: {  	_ =	swait.ge [sflag:s23], $0x80  }
0x35: {  	[sflag:s23] =	ssyncset.done $0x0  }
0x36: {  	[sflag:s23] =	ssyncadd.s32 $0xFFFFFF80  }
0x37: {  	[spmem:s13] =	stream.linear.scatter [tilespmem:s22], [sflag:$0x1], $0x80, $0x38;
	[tilespmem:$0x11900] =	vst v63  }
0x38: {  	_ =	swait.ge [sflag:s23], $0x80  }
0x39: {  	[sflag:s23] =	ssyncset.done $0x0  }
0x3a: {  	[sflag:s23] =	ssyncadd.s32 $0xFFFFFF80  }
0x3b: {  	[spmem:s14] =	stream.linear.scatter [tilespmem:s22], [sflag:$0x1], $0x80, $0x38;
	[tilespmem:$0x11900] =	vst v63  }
0x3c: {  	_ =	swait.ge [sflag:s23], $0x80  }
0x3d: {  	[sflag:s23] =	ssyncset.done $0x0  }
0x3e: {  	[sflag:s23] =	ssyncadd.s32 $0xFFFFFF80  }
0x3f: {  	[spmem:s15] =	stream.linear.scatter [tilespmem:s22], [sflag:$0x1], $0x80, $0x38;
	[tilespmem:$0x11900] =	vst v63  }
0x40: {  	_ =	swait.ge [sflag:s23], $0x80  }
0x41: {  	[sflag:s23] =	ssyncset.done $0x0  }
0x42: {  	s0 =	rddreg [dreg:$0x4];
	[sflag:s23] =	ssyncadd.s32 $0xFFFFFF80  }
0x43: {  	[tilespmem:s3], [sflag:$0x1] =	stream.linear.gather [hbm4b:s0+s3], $0x9E00, $0x38;
	[tilespmem:$0x11900] =	vst v63  }
0x44: {  	_ =	swait.ge [sflag:s23], $0x9E00  }
0x45: {  	[sflag:s23] =	ssyncset.done $0x0  }
0x46: {  	s20 =	simm.s32 $0x9E00;
	[sflag:s23] =	ssyncadd.s32 $0xFFFF6200  }
0x47: {  	[tilespmem:s20], [sflag:$0x1] =	stream.linear.gather [hbm4b:s16+s3], $0x3A00, $0x38;
	[tilespmem:$0x11900] =	vst v63  }
0x48: {  	_ =	swait.ge [sflag:s23], $0x3A00  }
0x49: {  	[sflag:s23] =	ssyncset.done $0x0  }
0x4a: {  	s21 =	simm.s32 $0xD800;
	[sflag:s23] =	ssyncadd.s32 $0xFFFFC600  }
0x4b: {  	[tilespmem:s21], [sflag:$0x1] =	stream.linear.gather [hbm4b:s17+s3], $0x3A00, $0x38;
	[tilespmem:$0x11900] =	vst v63  }
0x4c: {  	_ =	swait.ge [sflag:s23], $0x3A00  }
0x4d: {  	s1 =	simm.s32 $0x9E40;
	[sflag:s23] =	ssyncset.done $0x0  }
0x4e: {  	s5 =	smov.u32 s4;
	s0 =	simm.s32 $0xD840;
	[sflag:s23] =	ssyncadd.s32 $0xFFFFC600  }
0x4f: {  	s20 =	smov.u32 s25;
	s21 =	smov.u32 s24;
	[bflag:$0x0] =	sbarrier.arrive $0xFFFF  }
.LBB2_2:
0x50: {  	v1 =	vld [tilespmem:s0+$0xFFFFFFC0]  }
0x51: {  	v2 =	vld [tilespmem:s1+$0xFFFFFFC0];
	_ =	sdelay $0x3  }
0x52: {  	v3 =	vadd.s32 $0x4F00, v1  }
0x53: {  	v4 =	vadd.s32 $0x2780, v2  }
0x54: {  	v1 =	vadd.s32 $0x7680, v1;
	_ =	sdelay $0x1  }
0x55: {  	v5 =	vld.idx.msk [tilespmem:v2+s3+$0x0], $0xffff  }
0x56: {  	v3 =	vld.idx.msk [tilespmem:v3+s3+$0x0], $0xffff  }
0x57: {  	v6 =	vld.idx.msk [tilespmem:v4+s3+$0x0], $0xffff  }
0x58: {  	v1 =	vld.idx.msk [tilespmem:v1+s3+$0x0], $0xffff;
	_ =	sdelay $0x3  }
0x59: {  	v3 =	vadd.f32 v3, v5  }
0x5a: {  	v1 =	vadd.f32 v1, v6  }
0x5b: {  	v5 =	vmul.f32 $2.000000030e-01, v3  }
0x5c: {  	vm0 =	vge.f32 v3, $0.0e+00;
	v6 =	vmul.f32 $2.000000030e-01, v1  }
0x5d: {  	vm13 =	vge.f32 v1, $0.0e+00;
	v3 =	vsel vm0, v3, v5  }
0x5e: {  	v1 =	vsel vm13, v1, v6;
	v3 =	vmul.f32 $1.442695020e+00, v3  }
0x5f: {  	v1 =	vmul.f32 $1.442695020e+00, v1  }
0x60: {  	(erf) = vpow2.f32 v3  }
0x61: {  	(erf) = vpow2.f32 v1;
	_ =	sdelay $0x6  }
0x62: {  	[tilespmem:$0x11300] =	vst v2  }
0x63: {  	[tilespmem:$0x11380] =	vst v4;
	v1 =	vpop (erf)  }
0x64: {  	v3 =	vpop (erf);
	[tilespmem:$0x11200] =	vst v1  }
0x65: {  	[tilespmem:$0x11280] =	vst v3  }
0x66: {  	v1 =	vld [tilespmem:s0+$0xFFFFFFD0]  }
0x67: {  	v2 =	vld [tilespmem:s1+$0xFFFFFFD0];
	_ =	sdelay $0x3  }
0x68: {  	v3 =	vadd.s32 $0x4F00, v1  }
0x69: {  	v43 =	vadd.s32 $0x2780, v2  }
0x6a: {  	v1 =	vadd.s32 $0x7680, v1;
	_ =	sdelay $0x1  }
0x6b: {  	v44 =	vld.idx.msk [tilespmem:v2+s3+$0x0], $0xffff  }
0x6c: {  	v3 =	vld.idx.msk [tilespmem:v3+s3+$0x0], $0xffff  }
0x6d: {  	v45 =	vld.idx.msk [tilespmem:v43+s3+$0x0], $0xffff  }
0x6e: {  	v1 =	vld.idx.msk [tilespmem:v1+s3+$0x0], $0xffff;
	_ =	sdelay $0x3  }
0x6f: {  	v3 =	vadd.f32 v3, v44  }
0x70: {  	v1 =	vadd.f32 v1, v45  }
0x71: {  	v5 =	vmul.f32 $2.000000030e-01, v3  }
0x72: {  	vm14 =	vge.f32 v3, $0.0e+00;
	v6 =	vmul.f32 $2.000000030e-01, v1  }
0x73: {  	vm15 =	vge.f32 v1, $0.0e+00;
	v3 =	vsel vm14, v3, v5  }
0x74: {  	v1 =	vsel vm15, v1, v6;
	v3 =	vmul.f32 $1.442695020e+00, v3  }
0x75: {  	v1 =	vmul.f32 $1.442695020e+00, v1  }
0x76: {  	(erf) = vpow2.f32 v3  }
0x77: {  	(erf) = vpow2.f32 v1;
	_ =	sdelay $0x6  }
0x78: {  	[tilespmem:$0x11310] =	vst v2  }
0x79: {  	[tilespmem:$0x11390] =	vst v43;
	v1 =	vpop (erf)  }
0x7a: {  	v3 =	vpop (erf);
	[tilespmem:$0x11210] =	vst v1  }
0x7b: {  	[tilespmem:$0x11290] =	vst v3  }
0x7c: {  	v1 =	vld [tilespmem:s0+$0xFFFFFFE0]  }
0x7d: {  	v2 =	vld [tilespmem:s1+$0xFFFFFFE0];
	_ =	sdelay $0x3  }
0x7e: {  	v3 =	vadd.s32 $0x4F00, v1  }
0x7f: {  	v46 =	vadd.s32 $0x2780, v2  }
0x80: {  	v1 =	vadd.s32 $0x7680, v1;
	_ =	sdelay $0x1  }
0x81: {  	v47 =	vld.idx.msk [tilespmem:v2+s3+$0x0], $0xffff  }
0x82: {  	v3 =	vld.idx.msk [tilespmem:v3+s3+$0x0], $0xffff  }
0x83: {  	v48 =	vld.idx.msk [tilespmem:v46+s3+$0x0], $0xffff  }
0x84: {  	v1 =	vld.idx.msk [tilespmem:v1+s3+$0x0], $0xffff;
	_ =	sdelay $0x3  }
0x85: {  	v3 =	vadd.f32 v3, v47  }
0x86: {  	v1 =	vadd.f32 v1, v48  }
0x87: {  	v5 =	vmul.f32 $2.000000030e-01, v3  }
0x88: {  	vm4 =	vge.f32 v3, $0.0e+00;
	v6 =	vmul.f32 $2.000000030e-01, v1  }
0x89: {  	vm5 =	vge.f32 v1, $0.0e+00;
	v3 =	vsel vm4, v3, v5  }
0x8a: {  	v1 =	vsel vm5, v1, v6;
	v3 =	vmul.f32 $1.442695020e+00, v3  }
0x8b: {  	v1 =	vmul.f32 $1.442695020e+00, v1  }
0x8c: {  	(erf) = vpow2.f32 v3  }
0x8d: {  	(erf) = vpow2.f32 v1;
	_ =	sdelay $0x6  }
0x8e: {  	[tilespmem:$0x11320] =	vst v2  }
0x8f: {  	[tilespmem:$0x113A0] =	vst v46;
	v1 =	vpop (erf)  }
0x90: {  	v3 =	vpop (erf);
	[tilespmem:$0x11220] =	vst v1  }
0x91: {  	[tilespmem:$0x112A0] =	vst v3  }
0x92: {  	v1 =	vld [tilespmem:s0+$0xFFFFFFF0]  }
0x93: {  	v2 =	vld [tilespmem:s1+$0xFFFFFFF0];
	_ =	sdelay $0x3  }
0x94: {  	v3 =	vadd.s32 $0x4F00, v1  }
0x95: {  	v49 =	vadd.s32 $0x2780, v2  }
0x96: {  	v1 =	vadd.s32 $0x7680, v1;
	_ =	sdelay $0x1  }
0x97: {  	v50 =	vld.idx.msk [tilespmem:v2+s3+$0x0], $0xffff  }
0x98: {  	v3 =	vld.idx.msk [tilespmem:v3+s3+$0x0], $0xffff  }
0x99: {  	v51 =	vld.idx.msk [tilespmem:v49+s3+$0x0], $0xffff  }
0x9a: {  	v1 =	vld.idx.msk [tilespmem:v1+s3+$0x0], $0xffff;
	_ =	sdelay $0x3  }
0x9b: {  	v3 =	vadd.f32 v3, v50  }
0x9c: {  	v1 =	vadd.f32 v1, v51  }
0x9d: {  	v5 =	vmul.f32 $2.000000030e-01, v3  }
0x9e: {  	vm6 =	vge.f32 v3, $0.0e+00;
	v6 =	vmul.f32 $2.000000030e-01, v1  }
0x9f: {  	vm7 =	vge.f32 v1, $0.0e+00;
	v3 =	vsel vm6, v3, v5  }
0xa0: {  	v1 =	vsel vm7, v1, v6;
	v3 =	vmul.f32 $1.442695020e+00, v3  }
0xa1: {  	v1 =	vmul.f32 $1.442695020e+00, v1  }
0xa2: {  	(erf) = vpow2.f32 v3  }
0xa3: {  	(erf) = vpow2.f32 v1;
	_ =	sdelay $0x6  }
0xa4: {  	[tilespmem:$0x11330] =	vst v2  }
0xa5: {  	[tilespmem:$0x113B0] =	vst v49;
	v1 =	vpop (erf)  }
0xa6: {  	v3 =	vpop (erf);
	[tilespmem:$0x11230] =	vst v1  }
0xa7: {  	[tilespmem:$0x112B0] =	vst v3  }
0xa8: {  	v1 =	vld [tilespmem:s0+$0x0]  }
0xa9: {  	v2 =	vld [tilespmem:s1+$0x0];
	_ =	sdelay $0x3  }
0xaa: {  	v3 =	vadd.s32 $0x4F00, v1  }
0xab: {  	v52 =	vadd.s32 $0x2780, v2  }
0xac: {  	v1 =	vadd.s32 $0x7680, v1;
	_ =	sdelay $0x1  }
0xad: {  	v53 =	vld.idx.msk [tilespmem:v2+s3+$0x0], $0xffff  }
0xae: {  	v3 =	vld.idx.msk [tilespmem:v3+s3+$0x0], $0xffff  }
0xaf: {  	v54 =	vld.idx.msk [tilespmem:v52+s3+$0x0], $0xffff  }
0xb0: {  	v1 =	vld.idx.msk [tilespmem:v1+s3+$0x0], $0xffff;
	_ =	sdelay $0x3  }
0xb1: {  	v3 =	vadd.f32 v3, v53  }
0xb2: {  	v1 =	vadd.f32 v1, v54  }
0xb3: {  	v5 =	vmul.f32 $2.000000030e-01, v3  }
0xb4: {  	vm8 =	vge.f32 v3, $0.0e+00;
	v6 =	vmul.f32 $2.000000030e-01, v1  }
0xb5: {  	vm9 =	vge.f32 v1, $0.0e+00;
	v3 =	vsel vm8, v3, v5  }
0xb6: {  	v1 =	vsel vm9, v1, v6;
	v3 =	vmul.f32 $1.442695020e+00, v3  }
0xb7: {  	v1 =	vmul.f32 $1.442695020e+00, v1  }
0xb8: {  	(erf) = vpow2.f32 v3  }
0xb9: {  	(erf) = vpow2.f32 v1;
	_ =	sdelay $0x6  }
0xba: {  	[tilespmem:$0x11340] =	vst v2  }
0xbb: {  	[tilespmem:$0x113C0] =	vst v52;
	v1 =	vpop (erf)  }
0xbc: {  	v3 =	vpop (erf);
	[tilespmem:$0x11240] =	vst v1  }
0xbd: {  	[tilespmem:$0x112C0] =	vst v3  }
0xbe: {  	v1 =	vld [tilespmem:s0+$0x10]  }
0xbf: {  	v2 =	vld [tilespmem:s1+$0x10];
	_ =	sdelay $0x3  }
0xc0: {  	v3 =	vadd.s32 $0x4F00, v1  }
0xc1: {  	v55 =	vadd.s32 $0x2780, v2  }
0xc2: {  	v1 =	vadd.s32 $0x7680, v1;
	_ =	sdelay $0x1  }
0xc3: {  	v56 =	vld.idx.msk [tilespmem:v2+s3+$0x0], $0xffff  }
0xc4: {  	v3 =	vld.idx.msk [tilespmem:v3+s3+$0x0], $0xffff  }
0xc5: {  	v57 =	vld.idx.msk [tilespmem:v55+s3+$0x0], $0xffff  }
0xc6: {  	v1 =	vld.idx.msk [tilespmem:v1+s3+$0x0], $0xffff;
	_ =	sdelay $0x3  }
0xc7: {  	v3 =	vadd.f32 v3, v56  }
0xc8: {  	v1 =	vadd.f32 v1, v57  }
0xc9: {  	v5 =	vmul.f32 $2.000000030e-01, v3  }
0xca: {  	vm10 =	vge.f32 v3, $0.0e+00;
	v6 =	vmul.f32 $2.000000030e-01, v1  }
0xcb: {  	vm11 =	vge.f32 v1, $0.0e+00;
	v3 =	vsel vm10, v3, v5  }
0xcc: {  	v1 =	vsel vm11, v1, v6;
	v3 =	vmul.f32 $1.442695020e+00, v3  }
0xcd: {  	v1 =	vmul.f32 $1.442695020e+00, v1  }
0xce: {  	(erf) = vpow2.f32 v3  }
0xcf: {  	(erf) = vpow2.f32 v1;
	_ =	sdelay $0x6  }
0xd0: {  	[tilespmem:$0x11350] =	vst v2  }
0xd1: {  	[tilespmem:$0x113D0] =	vst v55;
	v1 =	vpop (erf)  }
0xd2: {  	v3 =	vpop (erf);
	[tilespmem:$0x11250] =	vst v1  }
0xd3: {  	[tilespmem:$0x112D0] =	vst v3  }
0xd4: {  	v1 =	vld [tilespmem:s0+$0x20]  }
0xd5: {  	v2 =	vld [tilespmem:s1+$0x20];
	_ =	sdelay $0x3  }
0xd6: {  	v3 =	vadd.s32 $0x4F00, v1  }
0xd7: {  	v58 =	vadd.s32 $0x2780, v2  }
0xd8: {  	v1 =	vadd.s32 $0x7680, v1;
	_ =	sdelay $0x1  }
0xd9: {  	v59 =	vld.idx.msk [tilespmem:v2+s3+$0x0], $0xffff  }
0xda: {  	v3 =	vld.idx.msk [tilespmem:v3+s3+$0x0], $0xffff  }
0xdb: {  	v60 =	vld.idx.msk [tilespmem:v58+s3+$0x0], $0xffff  }
0xdc: {  	v1 =	vld.idx.msk [tilespmem:v1+s3+$0x0], $0xffff;
	_ =	sdelay $0x3  }
0xdd: {  	v3 =	vadd.f32 v3, v59  }
0xde: {  	v1 =	vadd.f32 v1, v60  }
0xdf: {  	v5 =	vmul.f32 $2.000000030e-01, v3  }
0xe0: {  	vm12 =	vge.f32 v3, $0.0e+00;
	v6 =	vmul.f32 $2.000000030e-01, v1  }
0xe1: {  	vm13 =	vge.f32 v1, $0.0e+00;
	v3 =	vsel vm12, v3, v5  }
0xe2: {  	v1 =	vsel vm13, v1, v6;
	v3 =	vmul.f32 $1.442695020e+00, v3  }
0xe3: {  	v1 =	vmul.f32 $1.442695020e+00, v1  }
0xe4: {  	(erf) = vpow2.f32 v3  }
0xe5: {  	(erf) = vpow2.f32 v1;
	_ =	sdelay $0x6  }
0xe6: {  	[tilespmem:$0x11360] =	vst v2  }
0xe7: {  	[tilespmem:$0x113E0] =	vst v58;
	v1 =	vpop (erf)  }
0xe8: {  	v3 =	vpop (erf);
	[tilespmem:$0x11260] =	vst v1  }
0xe9: {  	[tilespmem:$0x112E0] =	vst v3  }
0xea: {  	v1 =	vld [tilespmem:s0+$0x30]  }
0xeb: {  	v2 =	vld [tilespmem:s1+$0x30];
	_ =	sdelay $0x3  }
0xec: {  	v3 =	vadd.s32 $0x4F00, v1  }
0xed: {  	v61 =	vadd.s32 $0x2780, v2  }
0xee: {  	v1 =	vadd.s32 $0x7680, v1;
	_ =	sdelay $0x1  }
0xef: {  	v62 =	vld.idx.msk [tilespmem:v2+s3+$0x0], $0xffff  }
0xf0: {  	v3 =	vld.idx.msk [tilespmem:v3+s3+$0x0], $0xffff  }
0xf1: {  	v63 =	vld.idx.msk [tilespmem:v61+s3+$0x0], $0xffff  }
0xf2: {  	v1 =	vld.idx.msk [tilespmem:v1+s3+$0x0], $0xffff;
	_ =	sdelay $0x3  }
0xf3: {  	v3 =	vadd.f32 v3, v62  }
0xf4: {  	v1 =	vadd.f32 v1, v63  }
0xf5: {  	v5 =	vmul.f32 $2.000000030e-01, v3  }
0xf6: {  	vm14 =	vge.f32 v3, $0.0e+00;
	v6 =	vmul.f32 $2.000000030e-01, v1  }
0xf7: {  	vm15 =	vge.f32 v1, $0.0e+00;
	v3 =	vsel vm14, v3, v5  }
0xf8: {  	v1 =	vsel vm15, v1, v6;
	v3 =	vmul.f32 $1.442695020e+00, v3  }
0xf9: {  	v1 =	vmul.f32 $1.442695020e+00, v1  }
0xfa: {  	(erf) = vpow2.f32 v3  }
0xfb: {  	(erf) = vpow2.f32 v1;
	_ =	sdelay $0x6  }
0xfc: {  	[tilespmem:$0x11370] =	vst v2  }
0xfd: {  	[tilespmem:$0x113F0] =	vst v61;
	v1 =	vpop (erf)  }
0xfe: {  	v3 =	vpop (erf);
	[tilespmem:$0x11270] =	vst v1  }
0xff: {  	[tilespmem:$0x112F0] =	vst v3  }
0x100: {  	[spmem:s2] =	stream.indirect.scatter.add.f32 [tilespmem:s22], [sflag:$0x1], $0x1, s28, s26, $0xb8;
	[tilespmem:$0x11900] =	vst v63  }
0x101: {  	_ =	swait.ge [sflag:s23], $0x80  }
0x102: {  	[sflag:s23] =	ssyncset.done $0x0  }
0x103: {  	[sflag:s23] =	ssyncadd.s32 $0xFFFFFF80  }
0x104: {  	[spmem:s2] =	stream.indirect.scatter.add.f32 [tilespmem:s30], [sflag:$0x1], $0x1, s29, s26, $0xb8;
	[tilespmem:$0x11900] =	vst v63  }
0x105: {  	_ =	swait.ge [sflag:s23], $0x80  }
0x106: {  	[sflag:s23] =	ssyncset.done $0x0  }
0x107: {  	[sflag:s23] =	ssyncadd.s32 $0xFFFFFF80  }
0x108: {  	[hbm4b:s21+s3] =	stream.linear.scatter [tilespmem:s22], [sflag:$0x1], $0x80, $0x38;
	[tilespmem:$0x11900] =	vst v63  }
0x109: {  	_ =	swait.ge [sflag:s23], $0x80  }
0x10a: {  	p0 =	sne.s32 s5, $0x1;
	[sflag:s23] =	ssyncset.done $0x0  }
.Ltmp0:
0x10b: {  	[sflag:s23] =	ssyncadd.s32 $0xFFFFFF80;
	(pc) =	sbr.rel @p0 .LBB2_2-.Ltmp0, $4  }
0x10c: {  	[hbm4b:s20+s3] =	stream.linear.scatter [tilespmem:s30], [sflag:$0x1], $0x80, $0x38;
	[tilespmem:$0x11900] =	vst v63  }
0x10d: {  	s5 =	sadd.s32 $0xFFFFFFFF, s5;
	_ =	swait.ge [sflag:s23], $0x80  }
0x10e: {  	s1 =	sadd.s32 $0x80, s1;
	s0 =	sadd.s32 $0x80, s0;
	[sflag:s23] =	ssyncset.done $0x0  }
0x10f: {  	s21 =	sadd.s32 $0x10, s21;
	s20 =	sadd.s32 $0x10, s20;
	[sflag:s23] =	ssyncadd.s32 $0xFFFFFF80  }
0x110: {  	s0 =	stileid.u32;
	s31 =	sadd.s32 $0x1, s31  }
0x111: {  	[bflag:$0x0] =	sbarrier.arrive $0xFFFF;
	s0 =	sshll.u32 s0, $0x6;
	p0 =	sne.s32 s31, s19  }
.Ltmp1:
0x112: {  	s1 =	sshrl.u32 s6, $0x3;
	s0 =	sor.u32 $0x1C01, s0;
	(pc) =	sbr.rel @p0 .LBB2_1-.Ltmp1, $4  }
0x113: {  	[hbm:s18], [sflag:s0] =	dma.local [spmem:s1], $0xA0  }
0x114: {  	_ =	swait.ge [sflag:s23], $0xA0  }
0x115: {  	[sflag:s23] =	ssyncset.done $0x0  }
0x116: {  	[sflag:s23] =	ssyncadd.s32 $0xFFFFFF60  }
0x117: {  	_ =	sfence.sel $0x180000  }
0x118: {  	[bflag:$0x0] =	sbarrier.arrive $0xFFFF  }
0x119: {  	_ =	strace $0x90000047  }
0x11a: {  	s0 =	stileid.u32;
	[bflag:$0x2] =	sbarrier.arrive $0xFFFF  }
0x11b: {  	p0 =	sne.s32 s0, $0x0;
	s0 =	rddreg [dreg:$0x3]  }
0x11c: {  	s0 =	sadd.s32 @!p0 $0x100000, s0  }
0x11d: {  	[sflag:s0] =	ssyncadd.tile.s32 @!p0 $0x1;
	_ =	shalt  }
.Lfunc_end2:
_tile_overlayer_lowered:
.L_overlay_start_2:
0x11e: {  	(tag) =	ssettag $0x2  }
0x11f: {  	s0 =	rddreg [dreg:$0x0];
	s2 =	stileid.u32  }
0x120: {  	s1 =	rddreg [dreg:$0x1];
	p0 =	sne.s32 s2, $0x0  }
0x121: {  	s3 =	rddreg [dreg:$0x2];
	[bflag:$0x3] =	sbarrier.arrive $0xFFFF;
	s2 =	simm.s32 @!p0 $0x1C01  }
0x122: {  	[timem:s3], [sflag:s2] =	dma.local @!p0 [hbm:s0], s1  }
0x123: {  	s0 =	simm.s32 @!p0 $0x1  }
0x124: {  	_ =	swait.ge @!p0 [sflag:s0], s1  }
0x125: {  	s1 =	ssub.s32 @!p0 $0x0, s1;
	[sflag:s0] =	ssyncset.done @!p0 $0x0  }
0x126: {  	[sflag:s0] =	ssyncadd.s32 @!p0 s1  }
0x127: {  	[bflag:$0x3] =	sbarrier.arrive $0xFFFF  }
0x128: {  	_ =	shalt  }

</sc_bundles>
